<compile_context>
chip_gen: v7x
topology: tpu7x:2x2x1
jax: 0.10.2.dev20260603
libtpu: 0.0.44.dev20260713+nightly
codegen_flags: <defaults>
</compile_context>

<pallas_src>
import functools

import jax
import jax.numpy as jnp
from jax import lax
from jax.experimental import pallas as pl
from jax.experimental.pallas import tpu as pltpu
from jax.experimental.pallas import tpu_sc as plsc

_EMB = 64
_MAXLEN = 200
_NC = 2
_NS = 16
_NW = _NC * _NS
_RPG = 128
_NBUF = 8
_PREFETCH = 4
_LANES = 16


def _build_sc_call(total_rows):
    n_g = total_rows // (_NW * _RPG)
    n_outer = n_g // _NBUF
    assert n_g % _NBUF == 0
    mesh = plsc.VectorSubcoreMesh(core_axis_name="c", subcore_axis_name="s")

    scratch = [pltpu.VMEM((n_g, _RPG), jnp.int32),
               pltpu.VMEM((_MAXLEN + _RPG, _EMB), jnp.float32)]
    scratch += [pltpu.VMEM((_RPG, _EMB), jnp.float32) for _ in range(_NBUF)]
    scratch += [pltpu.SemaphoreType.DMA for _ in range(2 * _NBUF)]

    @functools.partial(
        pl.kernel,
        out_type=jax.ShapeDtypeStruct((total_rows, _EMB), jnp.float32),
        mesh=mesh,
        scratch_types=scratch,
        compiler_params=pltpu.CompilerParams(use_tc_tiling_on_sc=False),
    )
    def k(x_hbm, table_hbm, pe_hbm, out_hbm, idx_v, pe_v, *rest):
        bufs = rest[:_NBUF]
        gsem = rest[_NBUF:2 * _NBUF]
        ssem = rest[2 * _NBUF:]
        wid = lax.axis_index("s") * _NC + lax.axis_index("c")
        base_g = wid * n_g

        pltpu.sync_copy(x_hbm.at[pl.ds(base_g, n_g)], idx_v)
        pltpu.sync_copy(pe_hbm, pe_v.at[pl.ds(0, _MAXLEN)])
        pltpu.sync_copy(pe_hbm.at[pl.ds(0, _RPG)],
                        pe_v.at[pl.ds(_MAXLEN, _RPG)])

        def fire_gather(g, j):
            for q in range(_RPG // _LANES):
                iv = idx_v[g, pl.ds(q * _LANES, _LANES)]
                pltpu.async_copy(
                    table_hbm.at[iv],
                    bufs[j].at[pl.ds(q * _LANES, _LANES)], gsem[j])

        def wait_gather(j):
            pltpu.make_async_copy(
                table_hbm.at[idx_v.at[0]], bufs[j], gsem[j]).wait()

        def fire_scatter(g, j):
            row0 = (base_g + g) * _RPG
            pltpu.async_copy(bufs[j], out_hbm.at[pl.ds(row0, _RPG)], ssem[j])

        def wait_scatter(j):
            pltpu.make_async_copy(
                bufs[j], out_hbm.at[pl.ds(base_g * _RPG, _RPG)], ssem[j]).wait()

        def add_pos(g, j):
            phase = lax.rem(g * _RPG, _MAXLEN)
            buf = bufs[j]

            def body(r, carry):
                pr = phase + r
                for s2 in range(_EMB // _LANES):
                    sl = pl.ds(_LANES * s2, _LANES)
                    buf[r, sl] = buf[r, sl] + pe_v[pr, sl]
                return carry

            lax.fori_loop(0, _RPG, body, 0, unroll=4)

        for j in range(_PREFETCH):
            fire_gather(j, j)

        def outer(i, carry):
            for j in range(_NBUF):
                g = i * _NBUF + j
                jn = (j + _PREFETCH) % _NBUF
                if j < _PREFETCH:
                    @pl.when(i > 0)
                    def _():
                        wait_scatter(jn)
                    fire_gather(g + _PREFETCH, jn)
                else:
                    wait_scatter(jn)

                    @pl.when(i < n_outer - 1)
                    def _():
                        fire_gather(g + _PREFETCH, jn)
                wait_gather(j)
                add_pos(g, j)
                fire_scatter(g, j)
            return carry

        lax.fori_loop(0, n_outer, outer, 0)

        for j in range(_PREFETCH, _NBUF):
            wait_scatter(j)

    return k


_TOTAL = 4096 * 200
_SC_CALL = _build_sc_call(_TOTAL)


@jax.jit
def kernel(x, table, pos_emb):
    batch, seq = x.shape
    xr = x.reshape(_TOTAL // _RPG, _RPG).astype(jnp.int32)
    out = _SC_CALL(xr, table, pos_emb)
    return out.reshape(batch, seq, _EMB)

# --- scband reference (transcript-rebuilt; emitter-appended) ---
"""Pipeline reference for scband-pos-encoding-82094004896509 (READ-ONLY COPY).

The authoritative reference and input builder live on the scoring server;
editing this copy changes nothing except your own understanding.
"""

import jax, jax.numpy as jnp
import numpy as np

VOCAB = 1000000
EMB = 64
MAXLEN = 200
BATCH = 4096
SEQ = 200


def _sinusoidal_pos_table():
    # PE[i, j] = sin(i / 10000^(2j/d)) if j even else cos(i / 10000^(2j/d))
    i = np.arange(MAXLEN, dtype=np.float64)[:, None]
    j = np.arange(EMB, dtype=np.float64)[None, :]
    ang = i / np.power(10000.0, 2.0 * j / EMB)
    pe = np.where((np.arange(EMB)[None, :] % 2) == 0, np.sin(ang), np.cos(ang))
    return jnp.asarray(pe.astype(np.float32))


def setup_inputs(seed: int = 0) -> dict:
    key = jax.random.key(seed)
    k1, k2 = jax.random.split(key)
    x = jax.random.randint(k1, (BATCH, SEQ), 0, VOCAB)
    table = jax.random.normal(k2, (VOCAB, EMB), dtype=jnp.float32)
    # padding_idx=0 -> row 0 is zero
    table = table.at[0].set(0.0)
    pos_emb = _sinusoidal_pos_table()
    return {"x": x, "table": table, "pos_emb": pos_emb}


def reference(x, table, pos_emb):
    batch, seq = x.shape
    pos = jnp.arange(seq)
    pe = jnp.take(pos_emb, pos, axis=0)  # (seq, emb)
    # token embedding gather; mask enforces padding_idx=0 semantics
    emb = jnp.take(table, x, axis=0)
    emb = emb * (x != 0)[..., None].astype(table.dtype)
    out = pe[None, :, :] + emb
    # dropout is identity in eval / deterministic reference
    return out

if __name__ == "__main__":
    import jax
    _d = setup_inputs()
    print(jax.jit(kernel)(*tuple(_d.values())))

</pallas_src>

<mosaic_0001>
#map = affine_map<(d0, d1) -> (0, 0)>
module attributes {stable_mosaic.version = 14 : i64} {
  func.func @k(%arg0: i32, %arg1: i32, %arg2: memref<6400x128xi32, #tpu.memory_space<hbm>>, %arg3: memref<1000000x64xf32, #tpu.memory_space<hbm>>, %arg4: memref<200x64xf32, #tpu.memory_space<hbm>>, %arg5: memref<819200x64xf32, #tpu.memory_space<hbm>>, %arg6: memref<200x128xi32, #tpu.memory_space<vmem>>, %arg7: memref<328x64xf32, #tpu.memory_space<vmem>>, %arg8: memref<128x64xf32, #tpu.memory_space<vmem>>, %arg9: memref<128x64xf32, #tpu.memory_space<vmem>>, %arg10: memref<128x64xf32, #tpu.memory_space<vmem>>, %arg11: memref<128x64xf32, #tpu.memory_space<vmem>>, %arg12: memref<128x64xf32, #tpu.memory_space<vmem>>, %arg13: memref<128x64xf32, #tpu.memory_space<vmem>>, %arg14: memref<128x64xf32, #tpu.memory_space<vmem>>, %arg15: memref<128x64xf32, #tpu.memory_space<vmem>>, %arg16: memref<!tpu.dma_semaphore, #tpu.memory_space<semaphore_mem>>, %arg17: memref<!tpu.dma_semaphore, #tpu.memory_space<semaphore_mem>>, %arg18: memref<!tpu.dma_semaphore, #tpu.memory_space<semaphore_mem>>, %arg19: memref<!tpu.dma_semaphore, #tpu.memory_space<semaphore_mem>>, %arg20: memref<!tpu.dma_semaphore, #tpu.memory_space<semaphore_mem>>, %arg21: memref<!tpu.dma_semaphore, #tpu.memory_space<semaphore_mem>>, %arg22: memref<!tpu.dma_semaphore, #tpu.memory_space<semaphore_mem>>, %arg23: memref<!tpu.dma_semaphore, #tpu.memory_space<semaphore_mem>>, %arg24: memref<!tpu.dma_semaphore, #tpu.memory_space<semaphore_mem>>, %arg25: memref<!tpu.dma_semaphore, #tpu.memory_space<semaphore_mem>>, %arg26: memref<!tpu.dma_semaphore, #tpu.memory_space<semaphore_mem>>, %arg27: memref<!tpu.dma_semaphore, #tpu.memory_space<semaphore_mem>>, %arg28: memref<!tpu.dma_semaphore, #tpu.memory_space<semaphore_mem>>, %arg29: memref<!tpu.dma_semaphore, #tpu.memory_space<semaphore_mem>>, %arg30: memref<!tpu.dma_semaphore, #tpu.memory_space<semaphore_mem>>, %arg31: memref<!tpu.dma_semaphore, #tpu.memory_space<semaphore_mem>>) attributes {dimension_semantics = [#tpu.dimension_semantics<core_parallel>, #tpu.dimension_semantics<subcore_parallel>], iteration_bounds = array<i64: 2, 16>, scalar_prefetch = 0 : i64, scratch_operands = 26 : i64, tpu.core_type = #tpu.core_type<sc_vector_subcore>, window_params = [{transform_indices = #map}, {transform_indices = #map}, {transform_indices = #map}, {transform_indices = #map}]} {
    %mul3A = arith.constant 2 : i32
    %mul3A_0 = arith.muli %arg1, %mul3A : i32
    %add3A = arith.addi %mul3A_0, %arg0 : i32
    %mul3A_1 = arith.constant 200 : i32
    %mul3A_2 = arith.muli %add3A, %mul3A_1 : i32
    "tpu.region"() ({
      %run_scoped3A = tpu.sem_alloc : memref<!tpu.dma_semaphore, #tpu.memory_space<semaphore_mem>>
      %dma_start3A_381 = arith.constant 0 : i32
      %dma_start3A_382 = tpu.memref_slice %arg2[%mul3A_2, %dma_start3A_381] : memref<6400x128xi32, #tpu.memory_space<hbm>> -> memref<200x128xi32, #tpu.memory_space<hbm>>
      %dma_start3A_383 = arith.constant 0 : i32
      %dma_start3A_384 = tpu.memref_slice %arg2[%mul3A_2, %dma_start3A_383] : memref<6400x128xi32, #tpu.memory_space<hbm>> -> memref<200x128xi32, #tpu.memory_space<hbm>>
      tpu.enqueue_dma source(%dma_start3A_384 : memref<200x128xi32, #tpu.memory_space<hbm>>) target(%arg6 : memref<200x128xi32, #tpu.memory_space<vmem>>) target_semaphore(%run_scoped3A : memref<!tpu.dma_semaphore, #tpu.memory_space<semaphore_mem>>)
      %dma_wait3A_385 = arith.constant 0 : i32
      %dma_wait3A_386 = tpu.memref_slice %arg2[%mul3A_2, %dma_wait3A_385] : memref<6400x128xi32, #tpu.memory_space<hbm>> -> memref<200x128xi32, #tpu.memory_space<hbm>>
      %dma_wait3A_387 = arith.constant 0 : i32
      %dma_wait3A_388 = tpu.memref_slice %arg2[%mul3A_2, %dma_wait3A_387] : memref<6400x128xi32, #tpu.memory_space<hbm>> -> memref<200x128xi32, #tpu.memory_space<hbm>>
      tpu.wait_dma2 semaphore(%run_scoped3A : memref<!tpu.dma_semaphore, #tpu.memory_space<semaphore_mem>>) src(%dma_wait3A_388 : memref<200x128xi32, #tpu.memory_space<hbm>>) dst(%arg6 : memref<200x128xi32, #tpu.memory_space<vmem>>)
      tpu.yield
    }) : () -> ()
    "tpu.region"() ({
      %run_scoped3A = tpu.sem_alloc : memref<!tpu.dma_semaphore, #tpu.memory_space<semaphore_mem>>
      %dma_start3A_381 = arith.constant 0 : i32
      %dma_start3A_382 = arith.constant 0 : i32
      %dma_start3A_383 = tpu.memref_slice %arg7[%dma_start3A_381, %dma_start3A_382] : memref<328x64xf32, #tpu.memory_space<vmem>> -> memref<200x64xf32, #tpu.memory_space<vmem>>
      %dma_start3A_384 = arith.constant 0 : i32
      %dma_start3A_385 = arith.constant 0 : i32
      %dma_start3A_386 = tpu.memref_slice %arg7[%dma_start3A_384, %dma_start3A_385] : memref<328x64xf32, #tpu.memory_space<vmem>> -> memref<200x64xf32, #tpu.memory_space<vmem>>
      tpu.enqueue_dma source(%arg4 : memref<200x64xf32, #tpu.memory_space<hbm>>) target(%dma_start3A_386 : memref<200x64xf32, #tpu.memory_space<vmem>>) target_semaphore(%run_scoped3A : memref<!tpu.dma_semaphore, #tpu.memory_space<semaphore_mem>>)
      %dma_wait3A_387 = arith.constant 0 : i32
      %dma_wait3A_388 = arith.constant 0 : i32
      %dma_wait3A_389 = tpu.memref_slice %arg7[%dma_wait3A_387, %dma_wait3A_388] : memref<328x64xf32, #tpu.memory_space<vmem>> -> memref<200x64xf32, #tpu.memory_space<vmem>>
      %dma_wait3A_390 = arith.constant 0 : i32
      %dma_wait3A_391 = arith.constant 0 : i32
      %dma_wait3A_392 = tpu.memref_slice %arg7[%dma_wait3A_390, %dma_wait3A_391] : memref<328x64xf32, #tpu.memory_space<vmem>> -> memref<200x64xf32, #tpu.memory_space<vmem>>
      tpu.wait_dma2 semaphore(%run_scoped3A : memref<!tpu.dma_semaphore, #tpu.memory_space<semaphore_mem>>) src(%arg4 : memref<200x64xf32, #tpu.memory_space<hbm>>) dst(%dma_wait3A_392 : memref<200x64xf32, #tpu.memory_space<vmem>>)
      tpu.yield
    }) : () -> ()
    "tpu.region"() ({
      %run_scoped3A = tpu.sem_alloc : memref<!tpu.dma_semaphore, #tpu.memory_space<semaphore_mem>>
      %dma_start3A_381 = arith.constant 200 : i32
      %dma_start3A_382 = arith.constant 0 : i32
      %dma_start3A_383 = tpu.memref_slice %arg7[%dma_start3A_381, %dma_start3A_382] : memref<328x64xf32, #tpu.memory_space<vmem>> -> memref<128x64xf32, #tpu.memory_space<vmem>>
      %dma_start3A_384 = arith.constant 0 : i32
      %dma_start3A_385 = arith.constant 0 : i32
      %dma_start3A_386 = tpu.memref_slice %arg4[%dma_start3A_384, %dma_start3A_385] : memref<200x64xf32, #tpu.memory_space<hbm>> -> memref<128x64xf32, #tpu.memory_space<hbm>>
      %dma_start3A_387 = arith.constant 200 : i32
      %dma_start3A_388 = arith.constant 0 : i32
      %dma_start3A_389 = tpu.memref_slice %arg7[%dma_start3A_387, %dma_start3A_388] : memref<328x64xf32, #tpu.memory_space<vmem>> -> memref<128x64xf32, #tpu.memory_space<vmem>>
      %dma_start3A_390 = arith.constant 0 : i32
      %dma_start3A_391 = arith.constant 0 : i32
      %dma_start3A_392 = tpu.memref_slice %arg4[%dma_start3A_390, %dma_start3A_391] : memref<200x64xf32, #tpu.memory_space<hbm>> -> memref<128x64xf32, #tpu.memory_space<hbm>>
      tpu.enqueue_dma source(%dma_start3A_392 : memref<128x64xf32, #tpu.memory_space<hbm>>) target(%dma_start3A_389 : memref<128x64xf32, #tpu.memory_space<vmem>>) target_semaphore(%run_scoped3A : memref<!tpu.dma_semaphore, #tpu.memory_space<semaphore_mem>>)
      %dma_wait3A_393 = arith.constant 200 : i32
      %dma_wait3A_394 = arith.constant 0 : i32
      %dma_wait3A_395 = tpu.memref_slice %arg7[%dma_wait3A_393, %dma_wait3A_394] : memref<328x64xf32, #tpu.memory_space<vmem>> -> memref<128x64xf32, #tpu.memory_space<vmem>>
      %dma_wait3A_396 = arith.constant 0 : i32
      %dma_wait3A_397 = arith.constant 0 : i32
      %dma_wait3A_398 = tpu.memref_slice %arg4[%dma_wait3A_396, %dma_wait3A_397] : memref<200x64xf32, #tpu.memory_space<hbm>> -> memref<128x64xf32, #tpu.memory_space<hbm>>
      %dma_wait3A_399 = arith.constant 200 : i32
      %dma_wait3A_400 = arith.constant 0 : i32
      %dma_wait3A_401 = tpu.memref_slice %arg7[%dma_wait3A_399, %dma_wait3A_400] : memref<328x64xf32, #tpu.memory_space<vmem>> -> memref<128x64xf32, #tpu.memory_space<vmem>>
      %dma_wait3A_402 = arith.constant 0 : i32
      %dma_wait3A_403 = arith.constant 0 : i32
      %dma_wait3A_404 = tpu.memref_slice %arg4[%dma_wait3A_402, %dma_wait3A_403] : memref<200x64xf32, #tpu.memory_space<hbm>> -> memref<128x64xf32, #tpu.memory_space<hbm>>
      tpu.wait_dma2 semaphore(%run_scoped3A : memref<!tpu.dma_semaphore, #tpu.memory_space<semaphore_mem>>) src(%dma_wait3A_404 : memref<128x64xf32, #tpu.memory_space<hbm>>) dst(%dma_wait3A_401 : memref<128x64xf32, #tpu.memory_space<vmem>>)
      tpu.yield
    }) : () -> ()
    %get3A = arith.constant 0 : i32
    %get3A_3 = arith.index_cast %get3A : i32 to index
    %get3A_4 = arith.constant 0 : index
    %get3A_5 = tpu.vector_load %arg6[%get3A_3, %get3A_4] {strides = array<i32>} : memref<200x128xi32, #tpu.memory_space<vmem>>, vector<1x16xi32>,
    %get3A_6 = vector.shape_cast %get3A_5 : vector<1x16xi32> to vector<16xi32>
    %dma_start3A = arith.constant 0 : i32
    %dma_start3A_7 = arith.constant 0 : i32
    %dma_start3A_8 = tpu.memref_slice %arg8[%dma_start3A, %dma_start3A_7] : memref<128x64xf32, #tpu.memory_space<vmem>> -> memref<16x64xf32, #tpu.memory_space<vmem>>
    %dma_start3A_9 = arith.constant 0 : i32
    %dma_start3A_10 = arith.constant 0 : i32
    %dma_start3A_11 = tpu.memref_slice %arg3[%dma_start3A_9, %dma_start3A_10] : memref<1000000x64xf32, #tpu.memory_space<hbm>> -> memref<1000000x64xf32, #tpu.memory_space<hbm>>
    tpu.enqueue_indirect_dma source(%dma_start3A_11 : memref<1000000x64xf32, #tpu.memory_space<hbm>>) target(%dma_start3A_8 : memref<16x64xf32, #tpu.memory_space<vmem>>) offsets(%get3A_6 : vector<16xi32>) semaphore(%arg16 : memref<!tpu.dma_semaphore, #tpu.memory_space<semaphore_mem>>)
    %get3A_12 = arith.constant 0 : i32
    %get3A_13 = arith.index_cast %get3A_12 : i32 to index
    %get3A_14 = arith.constant 16 : index
    %get3A_15 = tpu.vector_load %arg6[%get3A_13, %get3A_14] {strides = array<i32>} : memref<200x128xi32, #tpu.memory_space<vmem>>, vector<1x16xi32>,
    %get3A_16 = vector.shape_cast %get3A_15 : vector<1x16xi32> to vector<16xi32>
    %dma_start3A_17 = arith.constant 16 : i32
    %dma_start3A_18 = arith.constant 0 : i32
    %dma_start3A_19 = tpu.memref_slice %arg8[%dma_start3A_17, %dma_start3A_18] : memref<128x64xf32, #tpu.memory_space<vmem>> -> memref<16x64xf32, #tpu.memory_space<vmem>>
    %dma_start3A_20 = arith.constant 0 : i32
    %dma_start3A_21 = arith.constant 0 : i32
    %dma_start3A_22 = tpu.memref_slice %arg3[%dma_start3A_20, %dma_start3A_21] : memref<1000000x64xf32, #tpu.memory_space<hbm>> -> memref<1000000x64xf32, #tpu.memory_space<hbm>>
    tpu.enqueue_indirect_dma source(%dma_start3A_22 : memref<1000000x64xf32, #tpu.memory_space<hbm>>) target(%dma_start3A_19 : memref<16x64xf32, #tpu.memory_space<vmem>>) offsets(%get3A_16 : vector<16xi32>) semaphore(%arg16 : memref<!tpu.dma_semaphore, #tpu.memory_space<semaphore_mem>>)
    %get3A_23 = arith.constant 0 : i32
    %get3A_24 = arith.index_cast %get3A_23 : i32 to index
    %get3A_25 = arith.constant 32 : index
    %get3A_26 = tpu.vector_load %arg6[%get3A_24, %get3A_25] {strides = array<i32>} : memref<200x128xi32, #tpu.memory_space<vmem>>, vector<1x16xi32>,
    %get3A_27 = vector.shape_cast %get3A_26 : vector<1x16xi32> to vector<16xi32>
    %dma_start3A_28 = arith.constant 32 : i32
    %dma_start3A_29 = arith.constant 0 : i32
    %dma_start3A_30 = tpu.memref_slice %arg8[%dma_start3A_28, %dma_start3A_29] : memref<128x64xf32, #tpu.memory_space<vmem>> -> memref<16x64xf32, #tpu.memory_space<vmem>>
    %dma_start3A_31 = arith.constant 0 : i32
    %dma_start3A_32 = arith.constant 0 : i32
    %dma_start3A_33 = tpu.memref_slice %arg3[%dma_start3A_31, %dma_start3A_32] : memref<1000000x64xf32, #tpu.memory_space<hbm>> -> memref<1000000x64xf32, #tpu.memory_space<hbm>>
    tpu.enqueue_indirect_dma source(%dma_start3A_33 : memref<1000000x64xf32, #tpu.memory_space<hbm>>) target(%dma_start3A_30 : memref<16x64xf32, #tpu.memory_space<vmem>>) offsets(%get3A_27 : vector<16xi32>) semaphore(%arg16 : memref<!tpu.dma_semaphore, #tpu.memory_space<semaphore_mem>>)
    %get3A_34 = arith.constant 0 : i32
    %get3A_35 = arith.index_cast %get3A_34 : i32 to index
    %get3A_36 = arith.constant 48 : index
    %get3A_37 = tpu.vector_load %arg6[%get3A_35, %get3A_36] {strides = array<i32>} : memref<200x128xi32, #tpu.memory_space<vmem>>, vector<1x16xi32>,
    %get3A_38 = vector.shape_cast %get3A_37 : vector<1x16xi32> to vector<16xi32>
    %dma_start3A_39 = arith.constant 48 : i32
    %dma_start3A_40 = arith.constant 0 : i32
    %dma_start3A_41 = tpu.memref_slice %arg8[%dma_start3A_39, %dma_start3A_40] : memref<128x64xf32, #tpu.memory_space<vmem>> -> memref<16x64xf32, #tpu.memory_space<vmem>>
    %dma_start3A_42 = arith.constant 0 : i32
    %dma_start3A_43 = arith.constant 0 : i32
    %dma_start3A_44 = tpu.memref_slice %arg3[%dma_start3A_42, %dma_start3A_43] : memref<1000000x64xf32, #tpu.memory_space<hbm>> -> memref<1000000x64xf32, #tpu.memory_space<hbm>>
    tpu.enqueue_indirect_dma source(%dma_start3A_44 : memref<1000000x64xf32, #tpu.memory_space<hbm>>) target(%dma_start3A_41 : memref<16x64xf32, #tpu.memory_space<vmem>>) offsets(%get3A_38 : vector<16xi32>) semaphore(%arg16 : memref<!tpu.dma_semaphore, #tpu.memory_space<semaphore_mem>>)
    %get3A_45 = arith.constant 0 : i32
    %get3A_46 = arith.index_cast %get3A_45 : i32 to index
    %get3A_47 = arith.constant 64 : index
    %get3A_48 = tpu.vector_load %arg6[%get3A_46, %get3A_47] {strides = array<i32>} : memref<200x128xi32, #tpu.memory_space<vmem>>, vector<1x16xi32>,
    %get3A_49 = vector.shape_cast %get3A_48 : vector<1x16xi32> to vector<16xi32>
    %dma_start3A_50 = arith.constant 64 : i32
    %dma_start3A_51 = arith.constant 0 : i32
    %dma_start3A_52 = tpu.memref_slice %arg8[%dma_start3A_50, %dma_start3A_51] : memref<128x64xf32, #tpu.memory_space<vmem>> -> memref<16x64xf32, #tpu.memory_space<vmem>>
    %dma_start3A_53 = arith.constant 0 : i32
    %dma_start3A_54 = arith.constant 0 : i32
    %dma_start3A_55 = tpu.memref_slice %arg3[%dma_start3A_53, %dma_start3A_54] : memref<1000000x64xf32, #tpu.memory_space<hbm>> -> memref<1000000x64xf32, #tpu.memory_space<hbm>>
    tpu.enqueue_indirect_dma source(%dma_start3A_55 : memref<1000000x64xf32, #tpu.memory_space<hbm>>) target(%dma_start3A_52 : memref<16x64xf32, #tpu.memory_space<vmem>>) offsets(%get3A_49 : vector<16xi32>) semaphore(%arg16 : memref<!tpu.dma_semaphore, #tpu.memory_space<semaphore_mem>>)
    %get3A_56 = arith.constant 0 : i32
    %get3A_57 = arith.index_cast %get3A_56 : i32 to index
    %get3A_58 = arith.constant 80 : index
    %get3A_59 = tpu.vector_load %arg6[%get3A_57, %get3A_58] {strides = array<i32>} : memref<200x128xi32, #tpu.memory_space<vmem>>, vector<1x16xi32>,
    %get3A_60 = vector.shape_cast %get3A_59 : vector<1x16xi32> to vector<16xi32>
    %dma_start3A_61 = arith.constant 80 : i32
    %dma_start3A_62 = arith.constant 0 : i32
    %dma_start3A_63 = tpu.memref_slice %arg8[%dma_start3A_61, %dma_start3A_62] : memref<128x64xf32, #tpu.memory_space<vmem>> -> memref<16x64xf32, #tpu.memory_space<vmem>>
    %dma_start3A_64 = arith.constant 0 : i32
    %dma_start3A_65 = arith.constant 0 : i32
    %dma_start3A_66 = tpu.memref_slice %arg3[%dma_start3A_64, %dma_start3A_65] : memref<1000000x64xf32, #tpu.memory_space<hbm>> -> memref<1000000x64xf32, #tpu.memory_space<hbm>>
    tpu.enqueue_indirect_dma source(%dma_start3A_66 : memref<1000000x64xf32, #tpu.memory_space<hbm>>) target(%dma_start3A_63 : memref<16x64xf32, #tpu.memory_space<vmem>>) offsets(%get3A_60 : vector<16xi32>) semaphore(%arg16 : memref<!tpu.dma_semaphore, #tpu.memory_space<semaphore_mem>>)
    %get3A_67 = arith.constant 0 : i32
    %get3A_68 = arith.index_cast %get3A_67 : i32 to index
    %get3A_69 = arith.constant 96 : index
    %get3A_70 = tpu.vector_load %arg6[%get3A_68, %get3A_69] {strides = array<i32>} : memref<200x128xi32, #tpu.memory_space<vmem>>, vector<1x16xi32>,
    %get3A_71 = vector.shape_cast %get3A_70 : vector<1x16xi32> to vector<16xi32>
    %dma_start3A_72 = arith.constant 96 : i32
    %dma_start3A_73 = arith.constant 0 : i32
    %dma_start3A_74 = tpu.memref_slice %arg8[%dma_start3A_72, %dma_start3A_73] : memref<128x64xf32, #tpu.memory_space<vmem>> -> memref<16x64xf32, #tpu.memory_space<vmem>>
    %dma_start3A_75 = arith.constant 0 : i32
    %dma_start3A_76 = arith.constant 0 : i32
    %dma_start3A_77 = tpu.memref_slice %arg3[%dma_start3A_75, %dma_start3A_76] : memref<1000000x64xf32, #tpu.memory_space<hbm>> -> memref<1000000x64xf32, #tpu.memory_space<hbm>>
    tpu.enqueue_indirect_dma source(%dma_start3A_77 : memref<1000000x64xf32, #tpu.memory_space<hbm>>) target(%dma_start3A_74 : memref<16x64xf32, #tpu.memory_space<vmem>>) offsets(%get3A_71 : vector<16xi32>) semaphore(%arg16 : memref<!tpu.dma_semaphore, #tpu.memory_space<semaphore_mem>>)
    %get3A_78 = arith.constant 0 : i32
    %get3A_79 = arith.index_cast %get3A_78 : i32 to index
    %get3A_80 = arith.constant 112 : index
    %get3A_81 = tpu.vector_load %arg6[%get3A_79, %get3A_80] {strides = array<i32>} : memref<200x128xi32, #tpu.memory_space<vmem>>, vector<1x16xi32>,
    %get3A_82 = vector.shape_cast %get3A_81 : vector<1x16xi32> to vector<16xi32>
    %dma_start3A_83 = arith.constant 112 : i32
    %dma_start3A_84 = arith.constant 0 : i32
    %dma_start3A_85 = tpu.memref_slice %arg8[%dma_start3A_83, %dma_start3A_84] : memref<128x64xf32, #tpu.memory_space<vmem>> -> memref<16x64xf32, #tpu.memory_space<vmem>>
    %dma_start3A_86 = arith.constant 0 : i32
    %dma_start3A_87 = arith.constant 0 : i32
    %dma_start3A_88 = tpu.memref_slice %arg3[%dma_start3A_86, %dma_start3A_87] : memref<1000000x64xf32, #tpu.memory_space<hbm>> -> memref<1000000x64xf32, #tpu.memory_space<hbm>>
    tpu.enqueue_indirect_dma source(%dma_start3A_88 : memref<1000000x64xf32, #tpu.memory_space<hbm>>) target(%dma_start3A_85 : memref<16x64xf32, #tpu.memory_space<vmem>>) offsets(%get3A_82 : vector<16xi32>) semaphore(%arg16 : memref<!tpu.dma_semaphore, #tpu.memory_space<semaphore_mem>>)
    %get3A_89 = arith.constant 1 : i32
    %get3A_90 = arith.index_cast %get3A_89 : i32 to index
    %get3A_91 = arith.constant 0 : index
    %get3A_92 = tpu.vector_load %arg6[%get3A_90, %get3A_91] {strides = array<i32>} : memref<200x128xi32, #tpu.memory_space<vmem>>, vector<1x16xi32>,
    %get3A_93 = vector.shape_cast %get3A_92 : vector<1x16xi32> to vector<16xi32>
    %dma_start3A_94 = arith.constant 0 : i32
    %dma_start3A_95 = arith.constant 0 : i32
    %dma_start3A_96 = tpu.memref_slice %arg9[%dma_start3A_94, %dma_start3A_95] : memref<128x64xf32, #tpu.memory_space<vmem>> -> memref<16x64xf32, #tpu.memory_space<vmem>>
    %dma_start3A_97 = arith.constant 0 : i32
    %dma_start3A_98 = arith.constant 0 : i32
    %dma_start3A_99 = tpu.memref_slice %arg3[%dma_start3A_97, %dma_start3A_98] : memref<1000000x64xf32, #tpu.memory_space<hbm>> -> memref<1000000x64xf32, #tpu.memory_space<hbm>>
    tpu.enqueue_indirect_dma source(%dma_start3A_99 : memref<1000000x64xf32, #tpu.memory_space<hbm>>) target(%dma_start3A_96 : memref<16x64xf32, #tpu.memory_space<vmem>>) offsets(%get3A_93 : vector<16xi32>) semaphore(%arg17 : memref<!tpu.dma_semaphore, #tpu.memory_space<semaphore_mem>>)
    %get3A_100 = arith.constant 1 : i32
    %get3A_101 = arith.index_cast %get3A_100 : i32 to index
    %get3A_102 = arith.constant 16 : index
    %get3A_103 = tpu.vector_load %arg6[%get3A_101, %get3A_102] {strides = array<i32>} : memref<200x128xi32, #tpu.memory_space<vmem>>, vector<1x16xi32>,
    %get3A_104 = vector.shape_cast %get3A_103 : vector<1x16xi32> to vector<16xi32>
    %dma_start3A_105 = arith.constant 16 : i32
    %dma_start3A_106 = arith.constant 0 : i32
    %dma_start3A_107 = tpu.memref_slice %arg9[%dma_start3A_105, %dma_start3A_106] : memref<128x64xf32, #tpu.memory_space<vmem>> -> memref<16x64xf32, #tpu.memory_space<vmem>>
    %dma_start3A_108 = arith.constant 0 : i32
    %dma_start3A_109 = arith.constant 0 : i32
    %dma_start3A_110 = tpu.memref_slice %arg3[%dma_start3A_108, %dma_start3A_109] : memref<1000000x64xf32, #tpu.memory_space<hbm>> -> memref<1000000x64xf32, #tpu.memory_space<hbm>>
    tpu.enqueue_indirect_dma source(%dma_start3A_110 : memref<1000000x64xf32, #tpu.memory_space<hbm>>) target(%dma_start3A_107 : memref<16x64xf32, #tpu.memory_space<vmem>>) offsets(%get3A_104 : vector<16xi32>) semaphore(%arg17 : memref<!tpu.dma_semaphore, #tpu.memory_space<semaphore_mem>>)
    %get3A_111 = arith.constant 1 : i32
    %get3A_112 = arith.index_cast %get3A_111 : i32 to index
    %get3A_113 = arith.constant 32 : index
    %get3A_114 = tpu.vector_load %arg6[%get3A_112, %get3A_113] {strides = array<i32>} : memref<200x128xi32, #tpu.memory_space<vmem>>, vector<1x16xi32>,
    %get3A_115 = vector.shape_cast %get3A_114 : vector<1x16xi32> to vector<16xi32>
    %dma_start3A_116 = arith.constant 32 : i32
    %dma_start3A_117 = arith.constant 0 : i32
    %dma_start3A_118 = tpu.memref_slice %arg9[%dma_start3A_116, %dma_start3A_117] : memref<128x64xf32, #tpu.memory_space<vmem>> -> memref<16x64xf32, #tpu.memory_space<vmem>>
    %dma_start3A_119 = arith.constant 0 : i32
    %dma_start3A_120 = arith.constant 0 : i32
    %dma_start3A_121 = tpu.memref_slice %arg3[%dma_start3A_119, %dma_start3A_120] : memref<1000000x64xf32, #tpu.memory_space<hbm>> -> memref<1000000x64xf32, #tpu.memory_space<hbm>>
    tpu.enqueue_indirect_dma source(%dma_start3A_121 : memref<1000000x64xf32, #tpu.memory_space<hbm>>) target(%dma_start3A_118 : memref<16x64xf32, #tpu.memory_space<vmem>>) offsets(%get3A_115 : vector<16xi32>) semaphore(%arg17 : memref<!tpu.dma_semaphore, #tpu.memory_space<semaphore_mem>>)
    %get3A_122 = arith.constant 1 : i32
    %get3A_123 = arith.index_cast %get3A_122 : i32 to index
    %get3A_124 = arith.constant 48 : index
    %get3A_125 = tpu.vector_load %arg6[%get3A_123, %get3A_124] {strides = array<i32>} : memref<200x128xi32, #tpu.memory_space<vmem>>, vector<1x16xi32>,
    %get3A_126 = vector.shape_cast %get3A_125 : vector<1x16xi32> to vector<16xi32>
    %dma_start3A_127 = arith.constant 48 : i32
    %dma_start3A_128 = arith.constant 0 : i32
    %dma_start3A_129 = tpu.memref_slice %arg9[%dma_start3A_127, %dma_start3A_128] : memref<128x64xf32, #tpu.memory_space<vmem>> -> memref<16x64xf32, #tpu.memory_space<vmem>>
    %dma_start3A_130 = arith.constant 0 : i32
    %dma_start3A_131 = arith.constant 0 : i32
    %dma_start3A_132 = tpu.memref_slice %arg3[%dma_start3A_130, %dma_start3A_131] : memref<1000000x64xf32, #tpu.memory_space<hbm>> -> memref<1000000x64xf32, #tpu.memory_space<hbm>>
    tpu.enqueue_indirect_dma source(%dma_start3A_132 : memref<1000000x64xf32, #tpu.memory_space<hbm>>) target(%dma_start3A_129 : memref<16x64xf32, #tpu.memory_space<vmem>>) offsets(%get3A_126 : vector<16xi32>) semaphore(%arg17 : memref<!tpu.dma_semaphore, #tpu.memory_space<semaphore_mem>>)
    %get3A_133 = arith.constant 1 : i32
    %get3A_134 = arith.index_cast %get3A_133 : i32 to index
    %get3A_135 = arith.constant 64 : index
    %get3A_136 = tpu.vector_load %arg6[%get3A_134, %get3A_135] {strides = array<i32>} : memref<200x128xi32, #tpu.memory_space<vmem>>, vector<1x16xi32>,
    %get3A_137 = vector.shape_cast %get3A_136 : vector<1x16xi32> to vector<16xi32>
    %dma_start3A_138 = arith.constant 64 : i32
    %dma_start3A_139 = arith.constant 0 : i32
    %dma_start3A_140 = tpu.memref_slice %arg9[%dma_start3A_138, %dma_start3A_139] : memref<128x64xf32, #tpu.memory_space<vmem>> -> memref<16x64xf32, #tpu.memory_space<vmem>>
    %dma_start3A_141 = arith.constant 0 : i32
    %dma_start3A_142 = arith.constant 0 : i32
    %dma_start3A_143 = tpu.memref_slice %arg3[%dma_start3A_141, %dma_start3A_142] : memref<1000000x64xf32, #tpu.memory_space<hbm>> -> memref<1000000x64xf32, #tpu.memory_space<hbm>>
    tpu.enqueue_indirect_dma source(%dma_start3A_143 : memref<1000000x64xf32, #tpu.memory_space<hbm>>) target(%dma_start3A_140 : memref<16x64xf32, #tpu.memory_space<vmem>>) offsets(%get3A_137 : vector<16xi32>) semaphore(%arg17 : memref<!tpu.dma_semaphore, #tpu.memory_space<semaphore_mem>>)
    %get3A_144 = arith.constant 1 : i32
    %get3A_145 = arith.index_cast %get3A_144 : i32 to index
    %get3A_146 = arith.constant 80 : index
    %get3A_147 = tpu.vector_load %arg6[%get3A_145, %get3A_146] {strides = array<i32>} : memref<200x128xi32, #tpu.memory_space<vmem>>, vector<1x16xi32>,
    %get3A_148 = vector.shape_cast %get3A_147 : vector<1x16xi32> to vector<16xi32>
    %dma_start3A_149 = arith.constant 80 : i32
    %dma_start3A_150 = arith.constant 0 : i32
    %dma_start3A_151 = tpu.memref_slice %arg9[%dma_start3A_149, %dma_start3A_150] : memref<128x64xf32, #tpu.memory_space<vmem>> -> memref<16x64xf32, #tpu.memory_space<vmem>>
    %dma_start3A_152 = arith.constant 0 : i32
    %dma_start3A_153 = arith.constant 0 : i32
    %dma_start3A_154 = tpu.memref_slice %arg3[%dma_start3A_152, %dma_start3A_153] : memref<1000000x64xf32, #tpu.memory_space<hbm>> -> memref<1000000x64xf32, #tpu.memory_space<hbm>>
    tpu.enqueue_indirect_dma source(%dma_start3A_154 : memref<1000000x64xf32, #tpu.memory_space<hbm>>) target(%dma_start3A_151 : memref<16x64xf32, #tpu.memory_space<vmem>>) offsets(%get3A_148 : vector<16xi32>) semaphore(%arg17 : memref<!tpu.dma_semaphore, #tpu.memory_space<semaphore_mem>>)
    %get3A_155 = arith.constant 1 : i32
    %get3A_156 = arith.index_cast %get3A_155 : i32 to index
    %get3A_157 = arith.constant 96 : index
    %get3A_158 = tpu.vector_load %arg6[%get3A_156, %get3A_157] {strides = array<i32>} : memref<200x128xi32, #tpu.memory_space<vmem>>, vector<1x16xi32>,
    %get3A_159 = vector.shape_cast %get3A_158 : vector<1x16xi32> to vector<16xi32>
    %dma_start3A_160 = arith.constant 96 : i32
    %dma_start3A_161 = arith.constant 0 : i32
    %dma_start3A_162 = tpu.memref_slice %arg9[%dma_start3A_160, %dma_start3A_161] : memref<128x64xf32, #tpu.memory_space<vmem>> -> memref<16x64xf32, #tpu.memory_space<vmem>>
    %dma_start3A_163 = arith.constant 0 : i32
    %dma_start3A_164 = arith.constant 0 : i32
    %dma_start3A_165 = tpu.memref_slice %arg3[%dma_start3A_163, %dma_start3A_164] : memref<1000000x64xf32, #tpu.memory_space<hbm>> -> memref<1000000x64xf32, #tpu.memory_space<hbm>>
    tpu.enqueue_indirect_dma source(%dma_start3A_165 : memref<1000000x64xf32, #tpu.memory_space<hbm>>) target(%dma_start3A_162 : memref<16x64xf32, #tpu.memory_space<vmem>>) offsets(%get3A_159 : vector<16xi32>) semaphore(%arg17 : memref<!tpu.dma_semaphore, #tpu.memory_space<semaphore_mem>>)
    %get3A_166 = arith.constant 1 : i32
    %get3A_167 = arith.index_cast %get3A_166 : i32 to index
    %get3A_168 = arith.constant 112 : index
    %get3A_169 = tpu.vector_load %arg6[%get3A_167, %get3A_168] {strides = array<i32>} : memref<200x128xi32, #tpu.memory_space<vmem>>, vector<1x16xi32>,
    %get3A_170 = vector.shape_cast %get3A_169 : vector<1x16xi32> to vector<16xi32>
    %dma_start3A_171 = arith.constant 112 : i32
    %dma_start3A_172 = arith.constant 0 : i32
    %dma_start3A_173 = tpu.memref_slice %arg9[%dma_start3A_171, %dma_start3A_172] : memref<128x64xf32, #tpu.memory_space<vmem>> -> memref<16x64xf32, #tpu.memory_space<vmem>>
    %dma_start3A_174 = arith.constant 0 : i32
    %dma_start3A_175 = arith.constant 0 : i32
    %dma_start3A_176 = tpu.memref_slice %arg3[%dma_start3A_174, %dma_start3A_175] : memref<1000000x64xf32, #tpu.memory_space<hbm>> -> memref<1000000x64xf32, #tpu.memory_space<hbm>>
    tpu.enqueue_indirect_dma source(%dma_start3A_176 : memref<1000000x64xf32, #tpu.memory_space<hbm>>) target(%dma_start3A_173 : memref<16x64xf32, #tpu.memory_space<vmem>>) offsets(%get3A_170 : vector<16xi32>) semaphore(%arg17 : memref<!tpu.dma_semaphore, #tpu.memory_space<semaphore_mem>>)
    %get3A_177 = arith.constant 2 : i32
    %get3A_178 = arith.index_cast %get3A_177 : i32 to index
    %get3A_179 = arith.constant 0 : index
    %get3A_180 = tpu.vector_load %arg6[%get3A_178, %get3A_179] {strides = array<i32>} : memref<200x128xi32, #tpu.memory_space<vmem>>, vector<1x16xi32>,
    %get3A_181 = vector.shape_cast %get3A_180 : vector<1x16xi32> to vector<16xi32>
    %dma_start3A_182 = arith.constant 0 : i32
    %dma_start3A_183 = arith.constant 0 : i32
    %dma_start3A_184 = tpu.memref_slice %arg10[%dma_start3A_182, %dma_start3A_183] : memref<128x64xf32, #tpu.memory_space<vmem>> -> memref<16x64xf32, #tpu.memory_space<vmem>>
    %dma_start3A_185 = arith.constant 0 : i32
    %dma_start3A_186 = arith.constant 0 : i32
    %dma_start3A_187 = tpu.memref_slice %arg3[%dma_start3A_185, %dma_start3A_186] : memref<1000000x64xf32, #tpu.memory_space<hbm>> -> memref<1000000x64xf32, #tpu.memory_space<hbm>>
    tpu.enqueue_indirect_dma source(%dma_start3A_187 : memref<1000000x64xf32, #tpu.memory_space<hbm>>) target(%dma_start3A_184 : memref<16x64xf32, #tpu.memory_space<vmem>>) offsets(%get3A_181 : vector<16xi32>) semaphore(%arg18 : memref<!tpu.dma_semaphore, #tpu.memory_space<semaphore_mem>>)
    %get3A_188 = arith.constant 2 : i32
    %get3A_189 = arith.index_cast %get3A_188 : i32 to index
    %get3A_190 = arith.constant 16 : index
    %get3A_191 = tpu.vector_load %arg6[%get3A_189, %get3A_190] {strides = array<i32>} : memref<200x128xi32, #tpu.memory_space<vmem>>, vector<1x16xi32>,
    %get3A_192 = vector.shape_cast %get3A_191 : vector<1x16xi32> to vector<16xi32>
    %dma_start3A_193 = arith.constant 16 : i32
    %dma_start3A_194 = arith.constant 0 : i32
    %dma_start3A_195 = tpu.memref_slice %arg10[%dma_start3A_193, %dma_start3A_194] : memref<128x64xf32, #tpu.memory_space<vmem>> -> memref<16x64xf32, #tpu.memory_space<vmem>>
    %dma_start3A_196 = arith.constant 0 : i32
    %dma_start3A_197 = arith.constant 0 : i32
    %dma_start3A_198 = tpu.memref_slice %arg3[%dma_start3A_196, %dma_start3A_197] : memref<1000000x64xf32, #tpu.memory_space<hbm>> -> memref<1000000x64xf32, #tpu.memory_space<hbm>>
    tpu.enqueue_indirect_dma source(%dma_start3A_198 : memref<1000000x64xf32, #tpu.memory_space<hbm>>) target(%dma_start3A_195 : memref<16x64xf32, #tpu.memory_space<vmem>>) offsets(%get3A_192 : vector<16xi32>) semaphore(%arg18 : memref<!tpu.dma_semaphore, #tpu.memory_space<semaphore_mem>>)
    %get3A_199 = arith.constant 2 : i32
    %get3A_200 = arith.index_cast %get3A_199 : i32 to index
    %get3A_201 = arith.constant 32 : index
    %get3A_202 = tpu.vector_load %arg6[%get3A_200, %get3A_201] {strides = array<i32>} : memref<200x128xi32, #tpu.memory_space<vmem>>, vector<1x16xi32>,
    %get3A_203 = vector.shape_cast %get3A_202 : vector<1x16xi32> to vector<16xi32>
    %dma_start3A_204 = arith.constant 32 : i32
    %dma_start3A_205 = arith.constant 0 : i32
    %dma_start3A_206 = tpu.memref_slice %arg10[%dma_start3A_204, %dma_start3A_205] : memref<128x64xf32, #tpu.memory_space<vmem>> -> memref<16x64xf32, #tpu.memory_space<vmem>>
    %dma_start3A_207 = arith.constant 0 : i32
    %dma_start3A_208 = arith.constant 0 : i32
    %dma_start3A_209 = tpu.memref_slice %arg3[%dma_start3A_207, %dma_start3A_208] : memref<1000000x64xf32, #tpu.memory_space<hbm>> -> memref<1000000x64xf32, #tpu.memory_space<hbm>>
    tpu.enqueue_indirect_dma source(%dma_start3A_209 : memref<1000000x64xf32, #tpu.memory_space<hbm>>) target(%dma_start3A_206 : memref<16x64xf32, #tpu.memory_space<vmem>>) offsets(%get3A_203 : vector<16xi32>) semaphore(%arg18 : memref<!tpu.dma_semaphore, #tpu.memory_space<semaphore_mem>>)
    %get3A_210 = arith.constant 2 : i32
    %get3A_211 = arith.index_cast %get3A_210 : i32 to index
    %get3A_212 = arith.constant 48 : index
    %get3A_213 = tpu.vector_load %arg6[%get3A_211, %get3A_212] {strides = array<i32>} : memref<200x128xi32, #tpu.memory_space<vmem>>, vector<1x16xi32>,
    %get3A_214 = vector.shape_cast %get3A_213 : vector<1x16xi32> to vector<16xi32>
    %dma_start3A_215 = arith.constant 48 : i32
    %dma_start3A_216 = arith.constant 0 : i32
    %dma_start3A_217 = tpu.memref_slice %arg10[%dma_start3A_215, %dma_start3A_216] : memref<128x64xf32, #tpu.memory_space<vmem>> -> memref<16x64xf32, #tpu.memory_space<vmem>>
    %dma_start3A_218 = arith.constant 0 : i32
    %dma_start3A_219 = arith.constant 0 : i32
    %dma_start3A_220 = tpu.memref_slice %arg3[%dma_start3A_218, %dma_start3A_219] : memref<1000000x64xf32, #tpu.memory_space<hbm>> -> memref<1000000x64xf32, #tpu.memory_space<hbm>>
    tpu.enqueue_indirect_dma source(%dma_start3A_220 : memref<1000000x64xf32, #tpu.memory_space<hbm>>) target(%dma_start3A_217 : memref<16x64xf32, #tpu.memory_space<vmem>>) offsets(%get3A_214 : vector<16xi32>) semaphore(%arg18 : memref<!tpu.dma_semaphore, #tpu.memory_space<semaphore_mem>>)
    %get3A_221 = arith.constant 2 : i32
    %get3A_222 = arith.index_cast %get3A_221 : i32 to index
    %get3A_223 = arith.constant 64 : index
    %get3A_224 = tpu.vector_load %arg6[%get3A_222, %get3A_223] {strides = array<i32>} : memref<200x128xi32, #tpu.memory_space<vmem>>, vector<1x16xi32>,
    %get3A_225 = vector.shape_cast %get3A_224 : vector<1x16xi32> to vector<16xi32>
    %dma_start3A_226 = arith.constant 64 : i32
    %dma_start3A_227 = arith.constant 0 : i32
    %dma_start3A_228 = tpu.memref_slice %arg10[%dma_start3A_226, %dma_start3A_227] : memref<128x64xf32, #tpu.memory_space<vmem>> -> memref<16x64xf32, #tpu.memory_space<vmem>>
    %dma_start3A_229 = arith.constant 0 : i32
    %dma_start3A_230 = arith.constant 0 : i32
    %dma_start3A_231 = tpu.memref_slice %arg3[%dma_start3A_229, %dma_start3A_230] : memref<1000000x64xf32, #tpu.memory_space<hbm>> -> memref<1000000x64xf32, #tpu.memory_space<hbm>>
    tpu.enqueue_indirect_dma source(%dma_start3A_231 : memref<1000000x64xf32, #tpu.memory_space<hbm>>) target(%dma_start3A_228 : memref<16x64xf32, #tpu.memory_space<vmem>>) offsets(%get3A_225 : vector<16xi32>) semaphore(%arg18 : memref<!tpu.dma_semaphore, #tpu.memory_space<semaphore_mem>>)
    %get3A_232 = arith.constant 2 : i32
    %get3A_233 = arith.index_cast %get3A_232 : i32 to index
    %get3A_234 = arith.constant 80 : index
    %get3A_235 = tpu.vector_load %arg6[%get3A_233, %get3A_234] {strides = array<i32>} : memref<200x128xi32, #tpu.memory_space<vmem>>, vector<1x16xi32>,
    %get3A_236 = vector.shape_cast %get3A_235 : vector<1x16xi32> to vector<16xi32>
    %dma_start3A_237 = arith.constant 80 : i32
    %dma_start3A_238 = arith.constant 0 : i32
    %dma_start3A_239 = tpu.memref_slice %arg10[%dma_start3A_237, %dma_start3A_238] : memref<128x64xf32, #tpu.memory_space<vmem>> -> memref<16x64xf32, #tpu.memory_space<vmem>>
    %dma_start3A_240 = arith.constant 0 : i32
    %dma_start3A_241 = arith.constant 0 : i32
    %dma_start3A_242 = tpu.memref_slice %arg3[%dma_start3A_240, %dma_start3A_241] : memref<1000000x64xf32, #tpu.memory_space<hbm>> -> memref<1000000x64xf32, #tpu.memory_space<hbm>>
    tpu.enqueue_indirect_dma source(%dma_start3A_242 : memref<1000000x64xf32, #tpu.memory_space<hbm>>) target(%dma_start3A_239 : memref<16x64xf32, #tpu.memory_space<vmem>>) offsets(%get3A_236 : vector<16xi32>) semaphore(%arg18 : memref<!tpu.dma_semaphore, #tpu.memory_space<semaphore_mem>>)
    %get3A_243 = arith.constant 2 : i32
    %get3A_244 = arith.index_cast %get3A_243 : i32 to index
    %get3A_245 = arith.constant 96 : index
    %get3A_246 = tpu.vector_load %arg6[%get3A_244, %get3A_245] {strides = array<i32>} : memref<200x128xi32, #tpu.memory_space<vmem>>, vector<1x16xi32>,
    %get3A_247 = vector.shape_cast %get3A_246 : vector<1x16xi32> to vector<16xi32>
    %dma_start3A_248 = arith.constant 96 : i32
    %dma_start3A_249 = arith.constant 0 : i32
    %dma_start3A_250 = tpu.memref_slice %arg10[%dma_start3A_248, %dma_start3A_249] : memref<128x64xf32, #tpu.memory_space<vmem>> -> memref<16x64xf32, #tpu.memory_space<vmem>>
    %dma_start3A_251 = arith.constant 0 : i32
    %dma_start3A_252 = arith.constant 0 : i32
    %dma_start3A_253 = tpu.memref_slice %arg3[%dma_start3A_251, %dma_start3A_252] : memref<1000000x64xf32, #tpu.memory_space<hbm>> -> memref<1000000x64xf32, #tpu.memory_space<hbm>>
    tpu.enqueue_indirect_dma source(%dma_start3A_253 : memref<1000000x64xf32, #tpu.memory_space<hbm>>) target(%dma_start3A_250 : memref<16x64xf32, #tpu.memory_space<vmem>>) offsets(%get3A_247 : vector<16xi32>) semaphore(%arg18 : memref<!tpu.dma_semaphore, #tpu.memory_space<semaphore_mem>>)
    %get3A_254 = arith.constant 2 : i32
    %get3A_255 = arith.index_cast %get3A_254 : i32 to index
    %get3A_256 = arith.constant 112 : index
    %get3A_257 = tpu.vector_load %arg6[%get3A_255, %get3A_256] {strides = array<i32>} : memref<200x128xi32, #tpu.memory_space<vmem>>, vector<1x16xi32>,
    %get3A_258 = vector.shape_cast %get3A_257 : vector<1x16xi32> to vector<16xi32>
    %dma_start3A_259 = arith.constant 112 : i32
    %dma_start3A_260 = arith.constant 0 : i32
    %dma_start3A_261 = tpu.memref_slice %arg10[%dma_start3A_259, %dma_start3A_260] : memref<128x64xf32, #tpu.memory_space<vmem>> -> memref<16x64xf32, #tpu.memory_space<vmem>>
    %dma_start3A_262 = arith.constant 0 : i32
    %dma_start3A_263 = arith.constant 0 : i32
    %dma_start3A_264 = tpu.memref_slice %arg3[%dma_start3A_262, %dma_start3A_263] : memref<1000000x64xf32, #tpu.memory_space<hbm>> -> memref<1000000x64xf32, #tpu.memory_space<hbm>>
    tpu.enqueue_indirect_dma source(%dma_start3A_264 : memref<1000000x64xf32, #tpu.memory_space<hbm>>) target(%dma_start3A_261 : memref<16x64xf32, #tpu.memory_space<vmem>>) offsets(%get3A_258 : vector<16xi32>) semaphore(%arg18 : memref<!tpu.dma_semaphore, #tpu.memory_space<semaphore_mem>>)
    %get3A_265 = arith.constant 3 : i32
    %get3A_266 = arith.index_cast %get3A_265 : i32 to index
    %get3A_267 = arith.constant 0 : index
    %get3A_268 = tpu.vector_load %arg6[%get3A_266, %get3A_267] {strides = array<i32>} : memref<200x128xi32, #tpu.memory_space<vmem>>, vector<1x16xi32>,
    %get3A_269 = vector.shape_cast %get3A_268 : vector<1x16xi32> to vector<16xi32>
    %dma_start3A_270 = arith.constant 0 : i32
    %dma_start3A_271 = arith.constant 0 : i32
    %dma_start3A_272 = tpu.memref_slice %arg11[%dma_start3A_270, %dma_start3A_271] : memref<128x64xf32, #tpu.memory_space<vmem>> -> memref<16x64xf32, #tpu.memory_space<vmem>>
    %dma_start3A_273 = arith.constant 0 : i32
    %dma_start3A_274 = arith.constant 0 : i32
    %dma_start3A_275 = tpu.memref_slice %arg3[%dma_start3A_273, %dma_start3A_274] : memref<1000000x64xf32, #tpu.memory_space<hbm>> -> memref<1000000x64xf32, #tpu.memory_space<hbm>>
    tpu.enqueue_indirect_dma source(%dma_start3A_275 : memref<1000000x64xf32, #tpu.memory_space<hbm>>) target(%dma_start3A_272 : memref<16x64xf32, #tpu.memory_space<vmem>>) offsets(%get3A_269 : vector<16xi32>) semaphore(%arg19 : memref<!tpu.dma_semaphore, #tpu.memory_space<semaphore_mem>>)
    %get3A_276 = arith.constant 3 : i32
    %get3A_277 = arith.index_cast %get3A_276 : i32 to index
    %get3A_278 = arith.constant 16 : index
    %get3A_279 = tpu.vector_load %arg6[%get3A_277, %get3A_278] {strides = array<i32>} : memref<200x128xi32, #tpu.memory_space<vmem>>, vector<1x16xi32>,
    %get3A_280 = vector.shape_cast %get3A_279 : vector<1x16xi32> to vector<16xi32>
    %dma_start3A_281 = arith.constant 16 : i32
    %dma_start3A_282 = arith.constant 0 : i32
    %dma_start3A_283 = tpu.memref_slice %arg11[%dma_start3A_281, %dma_start3A_282] : memref<128x64xf32, #tpu.memory_space<vmem>> -> memref<16x64xf32, #tpu.memory_space<vmem>>
    %dma_start3A_284 = arith.constant 0 : i32
    %dma_start3A_285 = arith.constant 0 : i32
    %dma_start3A_286 = tpu.memref_slice %arg3[%dma_start3A_284, %dma_start3A_285] : memref<1000000x64xf32, #tpu.memory_space<hbm>> -> memref<1000000x64xf32, #tpu.memory_space<hbm>>
    tpu.enqueue_indirect_dma source(%dma_start3A_286 : memref<1000000x64xf32, #tpu.memory_space<hbm>>) target(%dma_start3A_283 : memref<16x64xf32, #tpu.memory_space<vmem>>) offsets(%get3A_280 : vector<16xi32>) semaphore(%arg19 : memref<!tpu.dma_semaphore, #tpu.memory_space<semaphore_mem>>)
    %get3A_287 = arith.constant 3 : i32
    %get3A_288 = arith.index_cast %get3A_287 : i32 to index
    %get3A_289 = arith.constant 32 : index
    %get3A_290 = tpu.vector_load %arg6[%get3A_288, %get3A_289] {strides = array<i32>} : memref<200x128xi32, #tpu.memory_space<vmem>>, vector<1x16xi32>,
    %get3A_291 = vector.shape_cast %get3A_290 : vector<1x16xi32> to vector<16xi32>
    %dma_start3A_292 = arith.constant 32 : i32
    %dma_start3A_293 = arith.constant 0 : i32
    %dma_start3A_294 = tpu.memref_slice %arg11[%dma_start3A_292, %dma_start3A_293] : memref<128x64xf32, #tpu.memory_space<vmem>> -> memref<16x64xf32, #tpu.memory_space<vmem>>
    %dma_start3A_295 = arith.constant 0 : i32
    %dma_start3A_296 = arith.constant 0 : i32
    %dma_start3A_297 = tpu.memref_slice %arg3[%dma_start3A_295, %dma_start3A_296] : memref<1000000x64xf32, #tpu.memory_space<hbm>> -> memref<1000000x64xf32, #tpu.memory_space<hbm>>
    tpu.enqueue_indirect_dma source(%dma_start3A_297 : memref<1000000x64xf32, #tpu.memory_space<hbm>>) target(%dma_start3A_294 : memref<16x64xf32, #tpu.memory_space<vmem>>) offsets(%get3A_291 : vector<16xi32>) semaphore(%arg19 : memref<!tpu.dma_semaphore, #tpu.memory_space<semaphore_mem>>)
    %get3A_298 = arith.constant 3 : i32
    %get3A_299 = arith.index_cast %get3A_298 : i32 to index
    %get3A_300 = arith.constant 48 : index
    %get3A_301 = tpu.vector_load %arg6[%get3A_299, %get3A_300] {strides = array<i32>} : memref<200x128xi32, #tpu.memory_space<vmem>>, vector<1x16xi32>,
    %get3A_302 = vector.shape_cast %get3A_301 : vector<1x16xi32> to vector<16xi32>
    %dma_start3A_303 = arith.constant 48 : i32
    %dma_start3A_304 = arith.constant 0 : i32
    %dma_start3A_305 = tpu.memref_slice %arg11[%dma_start3A_303, %dma_start3A_304] : memref<128x64xf32, #tpu.memory_space<vmem>> -> memref<16x64xf32, #tpu.memory_space<vmem>>
    %dma_start3A_306 = arith.constant 0 : i32
    %dma_start3A_307 = arith.constant 0 : i32
    %dma_start3A_308 = tpu.memref_slice %arg3[%dma_start3A_306, %dma_start3A_307] : memref<1000000x64xf32, #tpu.memory_space<hbm>> -> memref<1000000x64xf32, #tpu.memory_space<hbm>>
    tpu.enqueue_indirect_dma source(%dma_start3A_308 : memref<1000000x64xf32, #tpu.memory_space<hbm>>) target(%dma_start3A_305 : memref<16x64xf32, #tpu.memory_space<vmem>>) offsets(%get3A_302 : vector<16xi32>) semaphore(%arg19 : memref<!tpu.dma_semaphore, #tpu.memory_space<semaphore_mem>>)
    %get3A_309 = arith.constant 3 : i32
    %get3A_310 = arith.index_cast %get3A_309 : i32 to index
    %get3A_311 = arith.constant 64 : index
    %get3A_312 = tpu.vector_load %arg6[%get3A_310, %get3A_311] {strides = array<i32>} : memref<200x128xi32, #tpu.memory_space<vmem>>, vector<1x16xi32>,
    %get3A_313 = vector.shape_cast %get3A_312 : vector<1x16xi32> to vector<16xi32>
    %dma_start3A_314 = arith.constant 64 : i32
    %dma_start3A_315 = arith.constant 0 : i32
    %dma_start3A_316 = tpu.memref_slice %arg11[%dma_start3A_314, %dma_start3A_315] : memref<128x64xf32, #tpu.memory_space<vmem>> -> memref<16x64xf32, #tpu.memory_space<vmem>>
    %dma_start3A_317 = arith.constant 0 : i32
    %dma_start3A_318 = arith.constant 0 : i32
    %dma_start3A_319 = tpu.memref_slice %arg3[%dma_start3A_317, %dma_start3A_318] : memref<1000000x64xf32, #tpu.memory_space<hbm>> -> memref<1000000x64xf32, #tpu.memory_space<hbm>>
    tpu.enqueue_indirect_dma source(%dma_start3A_319 : memref<1000000x64xf32, #tpu.memory_space<hbm>>) target(%dma_start3A_316 : memref<16x64xf32, #tpu.memory_space<vmem>>) offsets(%get3A_313 : vector<16xi32>) semaphore(%arg19 : memref<!tpu.dma_semaphore, #tpu.memory_space<semaphore_mem>>)
    %get3A_320 = arith.constant 3 : i32
    %get3A_321 = arith.index_cast %get3A_320 : i32 to index
    %get3A_322 = arith.constant 80 : index
    %get3A_323 = tpu.vector_load %arg6[%get3A_321, %get3A_322] {strides = array<i32>} : memref<200x128xi32, #tpu.memory_space<vmem>>, vector<1x16xi32>,
    %get3A_324 = vector.shape_cast %get3A_323 : vector<1x16xi32> to vector<16xi32>
    %dma_start3A_325 = arith.constant 80 : i32
    %dma_start3A_326 = arith.constant 0 : i32
    %dma_start3A_327 = tpu.memref_slice %arg11[%dma_start3A_325, %dma_start3A_326] : memref<128x64xf32, #tpu.memory_space<vmem>> -> memref<16x64xf32, #tpu.memory_space<vmem>>
    %dma_start3A_328 = arith.constant 0 : i32
    %dma_start3A_329 = arith.constant 0 : i32
    %dma_start3A_330 = tpu.memref_slice %arg3[%dma_start3A_328, %dma_start3A_329] : memref<1000000x64xf32, #tpu.memory_space<hbm>> -> memref<1000000x64xf32, #tpu.memory_space<hbm>>
    tpu.enqueue_indirect_dma source(%dma_start3A_330 : memref<1000000x64xf32, #tpu.memory_space<hbm>>) target(%dma_start3A_327 : memref<16x64xf32, #tpu.memory_space<vmem>>) offsets(%get3A_324 : vector<16xi32>) semaphore(%arg19 : memref<!tpu.dma_semaphore, #tpu.memory_space<semaphore_mem>>)
    %get3A_331 = arith.constant 3 : i32
    %get3A_332 = arith.index_cast %get3A_331 : i32 to index
    %get3A_333 = arith.constant 96 : index
    %get3A_334 = tpu.vector_load %arg6[%get3A_332, %get3A_333] {strides = array<i32>} : memref<200x128xi32, #tpu.memory_space<vmem>>, vector<1x16xi32>,
    %get3A_335 = vector.shape_cast %get3A_334 : vector<1x16xi32> to vector<16xi32>
    %dma_start3A_336 = arith.constant 96 : i32
    %dma_start3A_337 = arith.constant 0 : i32
    %dma_start3A_338 = tpu.memref_slice %arg11[%dma_start3A_336, %dma_start3A_337] : memref<128x64xf32, #tpu.memory_space<vmem>> -> memref<16x64xf32, #tpu.memory_space<vmem>>
    %dma_start3A_339 = arith.constant 0 : i32
    %dma_start3A_340 = arith.constant 0 : i32
    %dma_start3A_341 = tpu.memref_slice %arg3[%dma_start3A_339, %dma_start3A_340] : memref<1000000x64xf32, #tpu.memory_space<hbm>> -> memref<1000000x64xf32, #tpu.memory_space<hbm>>
    tpu.enqueue_indirect_dma source(%dma_start3A_341 : memref<1000000x64xf32, #tpu.memory_space<hbm>>) target(%dma_start3A_338 : memref<16x64xf32, #tpu.memory_space<vmem>>) offsets(%get3A_335 : vector<16xi32>) semaphore(%arg19 : memref<!tpu.dma_semaphore, #tpu.memory_space<semaphore_mem>>)
    %get3A_342 = arith.constant 3 : i32
    %get3A_343 = arith.index_cast %get3A_342 : i32 to index
    %get3A_344 = arith.constant 112 : index
    %get3A_345 = tpu.vector_load %arg6[%get3A_343, %get3A_344] {strides = array<i32>} : memref<200x128xi32, #tpu.memory_space<vmem>>, vector<1x16xi32>,
    %get3A_346 = vector.shape_cast %get3A_345 : vector<1x16xi32> to vector<16xi32>
    %dma_start3A_347 = arith.constant 112 : i32
    %dma_start3A_348 = arith.constant 0 : i32
    %dma_start3A_349 = tpu.memref_slice %arg11[%dma_start3A_347, %dma_start3A_348] : memref<128x64xf32, #tpu.memory_space<vmem>> -> memref<16x64xf32, #tpu.memory_space<vmem>>
    %dma_start3A_350 = arith.constant 0 : i32
    %dma_start3A_351 = arith.constant 0 : i32
    %dma_start3A_352 = tpu.memref_slice %arg3[%dma_start3A_350, %dma_start3A_351] : memref<1000000x64xf32, #tpu.memory_space<hbm>> -> memref<1000000x64xf32, #tpu.memory_space<hbm>>
    tpu.enqueue_indirect_dma source(%dma_start3A_352 : memref<1000000x64xf32, #tpu.memory_space<hbm>>) target(%dma_start3A_349 : memref<16x64xf32, #tpu.memory_space<vmem>>) offsets(%get3A_346 : vector<16xi32>) semaphore(%arg19 : memref<!tpu.dma_semaphore, #tpu.memory_space<semaphore_mem>>)
    %scan3A = arith.constant 0 : i32
    %scan3A_353 = arith.constant 0 : i32
    %scan3A_354 = arith.constant 25 : i32
    %scan3A_355 = arith.addi %scan3A_353, %scan3A_354 : i32
    %scan3A_356 = arith.constant 1 : i32
    scf.for %scan3A_381 = %scan3A_353 to %scan3A_355 step %scan3A_356  : i32 {
      %mul3A_382 = arith.constant 8 : i32
      %mul3A_383 = arith.muli %scan3A_381, %mul3A_382 : i32
      %add3A_384 = arith.constant 0 : i32
      %add3A_385 = arith.addi %mul3A_383, %add3A_384 : i32
      %gt3A = arith.constant 0 : i32
      %gt3A_386 = arith.cmpi sgt, %scan3A_381, %gt3A : i32
      %convert_element_type3A = arith.extui %gt3A_386 : i1 to i32
      %cond3A = arith.constant 0 : i32
      %cond3A_387 = arith.cmpi ne, %convert_element_type3A, %cond3A : i32
      scf.if %cond3A_387 {
        %mul3A_993 = arith.constant 128 : i32
        %mul3A_994 = arith.muli %mul3A_2, %mul3A_993 : i32
        %dma_wait3A_995 = arith.constant 0 : i32
        %dma_wait3A_996 = tpu.memref_slice %arg5[%mul3A_994, %dma_wait3A_995] : memref<819200x64xf32, #tpu.memory_space<hbm>> -> memref<128x64xf32, #tpu.memory_space<hbm>>
        %dma_wait3A_997 = arith.constant 0 : i32
        %dma_wait3A_998 = tpu.memref_slice %arg5[%mul3A_994, %dma_wait3A_997] : memref<819200x64xf32, #tpu.memory_space<hbm>> -> memref<128x64xf32, #tpu.memory_space<hbm>>
        tpu.wait_dma2 semaphore(%arg28 : memref<!tpu.dma_semaphore, #tpu.memory_space<semaphore_mem>>) src(%arg12 : memref<128x64xf32, #tpu.memory_space<vmem>>) dst(%dma_wait3A_998 : memref<128x64xf32, #tpu.memory_space<hbm>>)
      } else {
      }
      %add3A_388 = arith.constant 4 : i32
      %add3A_389 = arith.addi %add3A_385, %add3A_388 : i32
      %get3A_390 = arith.index_cast %add3A_389 : i32 to index
      %get3A_391 = arith.constant 0 : index
      %get3A_392 = tpu.vector_load %arg6[%get3A_390, %get3A_391] {strides = array<i32>} : memref<200x128xi32, #tpu.memory_space<vmem>>, vector<1x16xi32>,
      %get3A_393 = vector.shape_cast %get3A_392 : vector<1x16xi32> to vector<16xi32>
      %dma_start3A_394 = arith.constant 0 : i32
      %dma_start3A_395 = arith.constant 0 : i32
      %dma_start3A_396 = tpu.memref_slice %arg12[%dma_start3A_394, %dma_start3A_395] : memref<128x64xf32, #tpu.memory_space<vmem>> -> memref<16x64xf32, #tpu.memory_space<vmem>>
      %dma_start3A_397 = arith.constant 0 : i32
      %dma_start3A_398 = arith.constant 0 : i32
      %dma_start3A_399 = tpu.memref_slice %arg3[%dma_start3A_397, %dma_start3A_398] : memref<1000000x64xf32, #tpu.memory_space<hbm>> -> memref<1000000x64xf32, #tpu.memory_space<hbm>>
      tpu.enqueue_indirect_dma source(%dma_start3A_399 : memref<1000000x64xf32, #tpu.memory_space<hbm>>) target(%dma_start3A_396 : memref<16x64xf32, #tpu.memory_space<vmem>>) offsets(%get3A_393 : vector<16xi32>) semaphore(%arg20 : memref<!tpu.dma_semaphore, #tpu.memory_space<semaphore_mem>>)
      %get3A_400 = arith.index_cast %add3A_389 : i32 to index
      %get3A_401 = arith.constant 16 : index
      %get3A_402 = tpu.vector_load %arg6[%get3A_400, %get3A_401] {strides = array<i32>} : memref<200x128xi32, #tpu.memory_space<vmem>>, vector<1x16xi32>,
      %get3A_403 = vector.shape_cast %get3A_402 : vector<1x16xi32> to vector<16xi32>
      %dma_start3A_404 = arith.constant 16 : i32
      %dma_start3A_405 = arith.constant 0 : i32
      %dma_start3A_406 = tpu.memref_slice %arg12[%dma_start3A_404, %dma_start3A_405] : memref<128x64xf32, #tpu.memory_space<vmem>> -> memref<16x64xf32, #tpu.memory_space<vmem>>
      %dma_start3A_407 = arith.constant 0 : i32
      %dma_start3A_408 = arith.constant 0 : i32
      %dma_start3A_409 = tpu.memref_slice %arg3[%dma_start3A_407, %dma_start3A_408] : memref<1000000x64xf32, #tpu.memory_space<hbm>> -> memref<1000000x64xf32, #tpu.memory_space<hbm>>
      tpu.enqueue_indirect_dma source(%dma_start3A_409 : memref<1000000x64xf32, #tpu.memory_space<hbm>>) target(%dma_start3A_406 : memref<16x64xf32, #tpu.memory_space<vmem>>) offsets(%get3A_403 : vector<16xi32>) semaphore(%arg20 : memref<!tpu.dma_semaphore, #tpu.memory_space<semaphore_mem>>)
      %get3A_410 = arith.index_cast %add3A_389 : i32 to index
      %get3A_411 = arith.constant 32 : index
      %get3A_412 = tpu.vector_load %arg6[%get3A_410, %get3A_411] {strides = array<i32>} : memref<200x128xi32, #tpu.memory_space<vmem>>, vector<1x16xi32>,
      %get3A_413 = vector.shape_cast %get3A_412 : vector<1x16xi32> to vector<16xi32>
      %dma_start3A_414 = arith.constant 32 : i32
      %dma_start3A_415 = arith.constant 0 : i32
      %dma_start3A_416 = tpu.memref_slice %arg12[%dma_start3A_414, %dma_start3A_415] : memref<128x64xf32, #tpu.memory_space<vmem>> -> memref<16x64xf32, #tpu.memory_space<vmem>>
      %dma_start3A_417 = arith.constant 0 : i32
      %dma_start3A_418 = arith.constant 0 : i32
      %dma_start3A_419 = tpu.memref_slice %arg3[%dma_start3A_417, %dma_start3A_418] : memref<1000000x64xf32, #tpu.memory_space<hbm>> -> memref<1000000x64xf32, #tpu.memory_space<hbm>>
      tpu.enqueue_indirect_dma source(%dma_start3A_419 : memref<1000000x64xf32, #tpu.memory_space<hbm>>) target(%dma_start3A_416 : memref<16x64xf32, #tpu.memory_space<vmem>>) offsets(%get3A_413 : vector<16xi32>) semaphore(%arg20 : memref<!tpu.dma_semaphore, #tpu.memory_space<semaphore_mem>>)
      %get3A_420 = arith.index_cast %add3A_389 : i32 to index
      %get3A_421 = arith.constant 48 : index
      %get3A_422 = tpu.vector_load %arg6[%get3A_420, %get3A_421] {strides = array<i32>} : memref<200x128xi32, #tpu.memory_space<vmem>>, vector<1x16xi32>,
      %get3A_423 = vector.shape_cast %get3A_422 : vector<1x16xi32> to vector<16xi32>
      %dma_start3A_424 = arith.constant 48 : i32
      %dma_start3A_425 = arith.constant 0 : i32
      %dma_start3A_426 = tpu.memref_slice %arg12[%dma_start3A_424, %dma_start3A_425] : memref<128x64xf32, #tpu.memory_space<vmem>> -> memref<16x64xf32, #tpu.memory_space<vmem>>
      %dma_start3A_427 = arith.constant 0 : i32
      %dma_start3A_428 = arith.constant 0 : i32
      %dma_start3A_429 = tpu.memref_slice %arg3[%dma_start3A_427, %dma_start3A_428] : memref<1000000x64xf32, #tpu.memory_space<hbm>> -> memref<1000000x64xf32, #tpu.memory_space<hbm>>
      tpu.enqueue_indirect_dma source(%dma_start3A_429 : memref<1000000x64xf32, #tpu.memory_space<hbm>>) target(%dma_start3A_426 : memref<16x64xf32, #tpu.memory_space<vmem>>) offsets(%get3A_423 : vector<16xi32>) semaphore(%arg20 : memref<!tpu.dma_semaphore, #tpu.memory_space<semaphore_mem>>)
      %get3A_430 = arith.index_cast %add3A_389 : i32 to index
      %get3A_431 = arith.constant 64 : index
      %get3A_432 = tpu.vector_load %arg6[%get3A_430, %get3A_431] {strides = array<i32>} : memref<200x128xi32, #tpu.memory_space<vmem>>, vector<1x16xi32>,
      %get3A_433 = vector.shape_cast %get3A_432 : vector<1x16xi32> to vector<16xi32>
      %dma_start3A_434 = arith.constant 64 : i32
      %dma_start3A_435 = arith.constant 0 : i32
      %dma_start3A_436 = tpu.memref_slice %arg12[%dma_start3A_434, %dma_start3A_435] : memref<128x64xf32, #tpu.memory_space<vmem>> -> memref<16x64xf32, #tpu.memory_space<vmem>>
      %dma_start3A_437 = arith.constant 0 : i32
      %dma_start3A_438 = arith.constant 0 : i32
      %dma_start3A_439 = tpu.memref_slice %arg3[%dma_start3A_437, %dma_start3A_438] : memref<1000000x64xf32, #tpu.memory_space<hbm>> -> memref<1000000x64xf32, #tpu.memory_space<hbm>>
      tpu.enqueue_indirect_dma source(%dma_start3A_439 : memref<1000000x64xf32, #tpu.memory_space<hbm>>) target(%dma_start3A_436 : memref<16x64xf32, #tpu.memory_space<vmem>>) offsets(%get3A_433 : vector<16xi32>) semaphore(%arg20 : memref<!tpu.dma_semaphore, #tpu.memory_space<semaphore_mem>>)
      %get3A_440 = arith.index_cast %add3A_389 : i32 to index
      %get3A_441 = arith.constant 80 : index
      %get3A_442 = tpu.vector_load %arg6[%get3A_440, %get3A_441] {strides = array<i32>} : memref<200x128xi32, #tpu.memory_space<vmem>>, vector<1x16xi32>,
      %get3A_443 = vector.shape_cast %get3A_442 : vector<1x16xi32> to vector<16xi32>
      %dma_start3A_444 = arith.constant 80 : i32
      %dma_start3A_445 = arith.constant 0 : i32
      %dma_start3A_446 = tpu.memref_slice %arg12[%dma_start3A_444, %dma_start3A_445] : memref<128x64xf32, #tpu.memory_space<vmem>> -> memref<16x64xf32, #tpu.memory_space<vmem>>
      %dma_start3A_447 = arith.constant 0 : i32
      %dma_start3A_448 = arith.constant 0 : i32
      %dma_start3A_449 = tpu.memref_slice %arg3[%dma_start3A_447, %dma_start3A_448] : memref<1000000x64xf32, #tpu.memory_space<hbm>> -> memref<1000000x64xf32, #tpu.memory_space<hbm>>
      tpu.enqueue_indirect_dma source(%dma_start3A_449 : memref<1000000x64xf32, #tpu.memory_space<hbm>>) target(%dma_start3A_446 : memref<16x64xf32, #tpu.memory_space<vmem>>) offsets(%get3A_443 : vector<16xi32>) semaphore(%arg20 : memref<!tpu.dma_semaphore, #tpu.memory_space<semaphore_mem>>)
      %get3A_450 = arith.index_cast %add3A_389 : i32 to index
      %get3A_451 = arith.constant 96 : index
      %get3A_452 = tpu.vector_load %arg6[%get3A_450, %get3A_451] {strides = array<i32>} : memref<200x128xi32, #tpu.memory_space<vmem>>, vector<1x16xi32>,
      %get3A_453 = vector.shape_cast %get3A_452 : vector<1x16xi32> to vector<16xi32>
      %dma_start3A_454 = arith.constant 96 : i32
      %dma_start3A_455 = arith.constant 0 : i32
      %dma_start3A_456 = tpu.memref_slice %arg12[%dma_start3A_454, %dma_start3A_455] : memref<128x64xf32, #tpu.memory_space<vmem>> -> memref<16x64xf32, #tpu.memory_space<vmem>>
      %dma_start3A_457 = arith.constant 0 : i32
      %dma_start3A_458 = arith.constant 0 : i32
      %dma_start3A_459 = tpu.memref_slice %arg3[%dma_start3A_457, %dma_start3A_458] : memref<1000000x64xf32, #tpu.memory_space<hbm>> -> memref<1000000x64xf32, #tpu.memory_space<hbm>>
      tpu.enqueue_indirect_dma source(%dma_start3A_459 : memref<1000000x64xf32, #tpu.memory_space<hbm>>) target(%dma_start3A_456 : memref<16x64xf32, #tpu.memory_space<vmem>>) offsets(%get3A_453 : vector<16xi32>) semaphore(%arg20 : memref<!tpu.dma_semaphore, #tpu.memory_space<semaphore_mem>>)
      %get3A_460 = arith.index_cast %add3A_389 : i32 to index
      %get3A_461 = arith.constant 112 : index
      %get3A_462 = tpu.vector_load %arg6[%get3A_460, %get3A_461] {strides = array<i32>} : memref<200x128xi32, #tpu.memory_space<vmem>>, vector<1x16xi32>,
      %get3A_463 = vector.shape_cast %get3A_462 : vector<1x16xi32> to vector<16xi32>
      %dma_start3A_464 = arith.constant 112 : i32
      %dma_start3A_465 = arith.constant 0 : i32
      %dma_start3A_466 = tpu.memref_slice %arg12[%dma_start3A_464, %dma_start3A_465] : memref<128x64xf32, #tpu.memory_space<vmem>> -> memref<16x64xf32, #tpu.memory_space<vmem>>
      %dma_start3A_467 = arith.constant 0 : i32
      %dma_start3A_468 = arith.constant 0 : i32
      %dma_start3A_469 = tpu.memref_slice %arg3[%dma_start3A_467, %dma_start3A_468] : memref<1000000x64xf32, #tpu.memory_space<hbm>> -> memref<1000000x64xf32, #tpu.memory_space<hbm>>
      tpu.enqueue_indirect_dma source(%dma_start3A_469 : memref<1000000x64xf32, #tpu.memory_space<hbm>>) target(%dma_start3A_466 : memref<16x64xf32, #tpu.memory_space<vmem>>) offsets(%get3A_463 : vector<16xi32>) semaphore(%arg20 : memref<!tpu.dma_semaphore, #tpu.memory_space<semaphore_mem>>)
      %dma_wait3A_470 = arith.constant 0 : i32
      %dma_wait3A_471 = arith.constant 0 : i32
      %dma_wait3A_472 = tpu.memref_slice %arg6[%dma_wait3A_470, %dma_wait3A_471] : memref<200x128xi32, #tpu.memory_space<vmem>> -> memref<1x128xi32, #tpu.memory_space<vmem>>
      %dma_wait3A_473 = tpu.memref_squeeze %dma_wait3A_472 : memref<1x128xi32, #tpu.memory_space<vmem>> -> memref<128xi32, #tpu.memory_space<vmem>>
      %dma_wait3A_474 = arith.constant 0 : i32
      %dma_wait3A_475 = arith.constant 0 : i32
      %dma_wait3A_476 = tpu.memref_slice %arg3[%dma_wait3A_474, %dma_wait3A_475] : memref<1000000x64xf32, #tpu.memory_space<hbm>> -> memref<1000000x64xf32, #tpu.memory_space<hbm>>
      tpu.wait_indirect_dma semaphore(%arg16 : memref<!tpu.dma_semaphore, #tpu.memory_space<semaphore_mem>>) src(%dma_wait3A_476 : memref<1000000x64xf32, #tpu.memory_space<hbm>>) dst(%arg8 : memref<128x64xf32, #tpu.memory_space<vmem>>)
      %mul3A_477 = arith.constant 128 : i32
      %mul3A_478 = arith.muli %add3A_385, %mul3A_477 : i32
      %rem3A = arith.constant 200 : i32
      %rem3A_479 = arith.remsi %mul3A_478, %rem3A : i32
      %scan3A_480 = arith.constant 0 : i32
      %scan3A_481 = arith.constant 0 : i32
      %scan3A_482 = arith.constant 128 : i32
      %scan3A_483 = arith.addi %scan3A_481, %scan3A_482 : i32
      %scan3A_484 = arith.constant 4 : i32
      scf.for %scan3A_993 = %scan3A_481 to %scan3A_483 step %scan3A_484  : i32 {
        %add3A_994 = arith.addi %rem3A_479, %scan3A_993 : i32
        %get3A_995 = arith.index_cast %scan3A_993 : i32 to index
        %get3A_996 = arith.constant 0 : index
        %get3A_997 = tpu.vector_load %arg8[%get3A_995, %get3A_996] {strides = array<i32>} : memref<128x64xf32, #tpu.memory_space<vmem>>, vector<1x16xf32>,
        %get3A_998 = vector.shape_cast %get3A_997 : vector<1x16xf32> to vector<16xf32>
        %get3A_999 = arith.index_cast %add3A_994 : i32 to index
        %get3A_1000 = arith.constant 0 : index
        %get3A_1001 = tpu.vector_load %arg7[%get3A_999, %get3A_1000] {strides = array<i32>} : memref<328x64xf32, #tpu.memory_space<vmem>>, vector<1x16xf32>,
        %get3A_1002 = vector.shape_cast %get3A_1001 : vector<1x16xf32> to vector<16xf32>
        %add3A_1003 = arith.addf %get3A_998, %get3A_1002 : vector<16xf32>
        %swap3A = arith.index_cast %scan3A_993 : i32 to index
        %swap3A_1004 = arith.constant 0 : index
        %swap3A_1005 = tpu.vector_load %arg8[%swap3A, %swap3A_1004] {strides = array<i32>} : memref<128x64xf32, #tpu.memory_space<vmem>>, vector<1x16xf32>,
        %swap3A_1006 = vector.shape_cast %swap3A_1005 : vector<1x16xf32> to vector<16xf32>
        %swap3A_1007 = vector.shape_cast %add3A_1003 : vector<16xf32> to vector<1x16xf32>
        tpu.vector_store %arg8[%swap3A, %swap3A_1004], %swap3A_1007 {strides = array<i32>} : memref<128x64xf32, #tpu.memory_space<vmem>>, vector<1x16xf32>,
        %get3A_1008 = arith.index_cast %scan3A_993 : i32 to index
        %get3A_1009 = arith.constant 16 : index
        %get3A_1010 = tpu.vector_load %arg8[%get3A_1008, %get3A_1009] {strides = array<i32>} : memref<128x64xf32, #tpu.memory_space<vmem>>, vector<1x16xf32>,
        %get3A_1011 = vector.shape_cast %get3A_1010 : vector<1x16xf32> to vector<16xf32>
        %get3A_1012 = arith.index_cast %add3A_994 : i32 to index
        %get3A_1013 = arith.constant 16 : index
        %get3A_1014 = tpu.vector_load %arg7[%get3A_1012, %get3A_1013] {strides = array<i32>} : memref<328x64xf32, #tpu.memory_space<vmem>>, vector<1x16xf32>,
        %get3A_1015 = vector.shape_cast %get3A_1014 : vector<1x16xf32> to vector<16xf32>
        %add3A_1016 = arith.addf %get3A_1011, %get3A_1015 : vector<16xf32>
        %swap3A_1017 = arith.index_cast %scan3A_993 : i32 to index
        %swap3A_1018 = arith.constant 16 : index
        %swap3A_1019 = tpu.vector_load %arg8[%swap3A_1017, %swap3A_1018] {strides = array<i32>} : memref<128x64xf32, #tpu.memory_space<vmem>>, vector<1x16xf32>,
        %swap3A_1020 = vector.shape_cast %swap3A_1019 : vector<1x16xf32> to vector<16xf32>
        %swap3A_1021 = vector.shape_cast %add3A_1016 : vector<16xf32> to vector<1x16xf32>
        tpu.vector_store %arg8[%swap3A_1017, %swap3A_1018], %swap3A_1021 {strides = array<i32>} : memref<128x64xf32, #tpu.memory_space<vmem>>, vector<1x16xf32>,
        %get3A_1022 = arith.index_cast %scan3A_993 : i32 to index
        %get3A_1023 = arith.constant 32 : index
        %get3A_1024 = tpu.vector_load %arg8[%get3A_1022, %get3A_1023] {strides = array<i32>} : memref<128x64xf32, #tpu.memory_space<vmem>>, vector<1x16xf32>,
        %get3A_1025 = vector.shape_cast %get3A_1024 : vector<1x16xf32> to vector<16xf32>
        %get3A_1026 = arith.index_cast %add3A_994 : i32 to index
        %get3A_1027 = arith.constant 32 : index
        %get3A_1028 = tpu.vector_load %arg7[%get3A_1026, %get3A_1027] {strides = array<i32>} : memref<328x64xf32, #tpu.memory_space<vmem>>, vector<1x16xf32>,
        %get3A_1029 = vector.shape_cast %get3A_1028 : vector<1x16xf32> to vector<16xf32>
        %add3A_1030 = arith.addf %get3A_1025, %get3A_1029 : vector<16xf32>
        %swap3A_1031 = arith.index_cast %scan3A_993 : i32 to index
        %swap3A_1032 = arith.constant 32 : index
        %swap3A_1033 = tpu.vector_load %arg8[%swap3A_1031, %swap3A_1032] {strides = array<i32>} : memref<128x64xf32, #tpu.memory_space<vmem>>, vector<1x16xf32>,
        %swap3A_1034 = vector.shape_cast %swap3A_1033 : vector<1x16xf32> to vector<16xf32>
        %swap3A_1035 = vector.shape_cast %add3A_1030 : vector<16xf32> to vector<1x16xf32>
        tpu.vector_store %arg8[%swap3A_1031, %swap3A_1032], %swap3A_1035 {strides = array<i32>} : memref<128x64xf32, #tpu.memory_space<vmem>>, vector<1x16xf32>,
        %get3A_1036 = arith.index_cast %scan3A_993 : i32 to index
        %get3A_1037 = arith.constant 48 : index
        %get3A_1038 = tpu.vector_load %arg8[%get3A_1036, %get3A_1037] {strides = array<i32>} : memref<128x64xf32, #tpu.memory_space<vmem>>, vector<1x16xf32>,
        %get3A_1039 = vector.shape_cast %get3A_1038 : vector<1x16xf32> to vector<16xf32>
        %get3A_1040 = arith.index_cast %add3A_994 : i32 to index
        %get3A_1041 = arith.constant 48 : index
        %get3A_1042 = tpu.vector_load %arg7[%get3A_1040, %get3A_1041] {strides = array<i32>} : memref<328x64xf32, #tpu.memory_space<vmem>>, vector<1x16xf32>,
        %get3A_1043 = vector.shape_cast %get3A_1042 : vector<1x16xf32> to vector<16xf32>
        %add3A_1044 = arith.addf %get3A_1039, %get3A_1043 : vector<16xf32>
        %swap3A_1045 = arith.index_cast %scan3A_993 : i32 to index
        %swap3A_1046 = arith.constant 48 : index
        %swap3A_1047 = tpu.vector_load %arg8[%swap3A_1045, %swap3A_1046] {strides = array<i32>} : memref<128x64xf32, #tpu.memory_space<vmem>>, vector<1x16xf32>,
        %swap3A_1048 = vector.shape_cast %swap3A_1047 : vector<1x16xf32> to vector<16xf32>
        %swap3A_1049 = vector.shape_cast %add3A_1044 : vector<16xf32> to vector<1x16xf32>
        tpu.vector_store %arg8[%swap3A_1045, %swap3A_1046], %swap3A_1049 {strides = array<i32>} : memref<128x64xf32, #tpu.memory_space<vmem>>, vector<1x16xf32>,
        %scan3A_1050 = arith.constant 1 : i32
        %scan3A_1051 = arith.addi %scan3A_993, %scan3A_1050 : i32
        %add3A_1052 = arith.addi %rem3A_479, %scan3A_1051 : i32
        %get3A_1053 = arith.index_cast %scan3A_1051 : i32 to index
        %get3A_1054 = arith.constant 0 : index
        %get3A_1055 = tpu.vector_load %arg8[%get3A_1053, %get3A_1054] {strides = array<i32>} : memref<128x64xf32, #tpu.memory_space<vmem>>, vector<1x16xf32>,
        %get3A_1056 = vector.shape_cast %get3A_1055 : vector<1x16xf32> to vector<16xf32>
        %get3A_1057 = arith.index_cast %add3A_1052 : i32 to index
        %get3A_1058 = arith.constant 0 : index
        %get3A_1059 = tpu.vector_load %arg7[%get3A_1057, %get3A_1058] {strides = array<i32>} : memref<328x64xf32, #tpu.memory_space<vmem>>, vector<1x16xf32>,
        %get3A_1060 = vector.shape_cast %get3A_1059 : vector<1x16xf32> to vector<16xf32>
        %add3A_1061 = arith.addf %get3A_1056, %get3A_1060 : vector<16xf32>
        %swap3A_1062 = arith.index_cast %scan3A_1051 : i32 to index
        %swap3A_1063 = arith.constant 0 : index
        %swap3A_1064 = tpu.vector_load %arg8[%swap3A_1062, %swap3A_1063] {strides = array<i32>} : memref<128x64xf32, #tpu.memory_space<vmem>>, vector<1x16xf32>,
        %swap3A_1065 = vector.shape_cast %swap3A_1064 : vector<1x16xf32> to vector<16xf32>
        %swap3A_1066 = vector.shape_cast %add3A_1061 : vector<16xf32> to vector<1x16xf32>
        tpu.vector_store %arg8[%swap3A_1062, %swap3A_1063], %swap3A_1066 {strides = array<i32>} : memref<128x64xf32, #tpu.memory_space<vmem>>, vector<1x16xf32>,
        %get3A_1067 = arith.index_cast %scan3A_1051 : i32 to index
        %get3A_1068 = arith.constant 16 : index
        %get3A_1069 = tpu.vector_load %arg8[%get3A_1067, %get3A_1068] {strides = array<i32>} : memref<128x64xf32, #tpu.memory_space<vmem>>, vector<1x16xf32>,
        %get3A_1070 = vector.shape_cast %get3A_1069 : vector<1x16xf32> to vector<16xf32>
        %get3A_1071 = arith.index_cast %add3A_1052 : i32 to index
        %get3A_1072 = arith.constant 16 : index
        %get3A_1073 = tpu.vector_load %arg7[%get3A_1071, %get3A_1072] {strides = array<i32>} : memref<328x64xf32, #tpu.memory_space<vmem>>, vector<1x16xf32>,
        %get3A_1074 = vector.shape_cast %get3A_1073 : vector<1x16xf32> to vector<16xf32>
        %add3A_1075 = arith.addf %get3A_1070, %get3A_1074 : vector<16xf32>
        %swap3A_1076 = arith.index_cast %scan3A_1051 : i32 to index
        %swap3A_1077 = arith.constant 16 : index
        %swap3A_1078 = tpu.vector_load %arg8[%swap3A_1076, %swap3A_1077] {strides = array<i32>} : memref<128x64xf32, #tpu.memory_space<vmem>>, vector<1x16xf32>,
        %swap3A_1079 = vector.shape_cast %swap3A_1078 : vector<1x16xf32> to vector<16xf32>
        %swap3A_1080 = vector.shape_cast %add3A_1075 : vector<16xf32> to vector<1x16xf32>
        tpu.vector_store %arg8[%swap3A_1076, %swap3A_1077], %swap3A_1080 {strides = array<i32>} : memref<128x64xf32, #tpu.memory_space<vmem>>, vector<1x16xf32>,
        %get3A_1081 = arith.index_cast %scan3A_1051 : i32 to index
        %get3A_1082 = arith.constant 32 : index
        %get3A_1083 = tpu.vector_load %arg8[%get3A_1081, %get3A_1082] {strides = array<i32>} : memref<128x64xf32, #tpu.memory_space<vmem>>, vector<1x16xf32>,
        %get3A_1084 = vector.shape_cast %get3A_1083 : vector<1x16xf32> to vector<16xf32>
        %get3A_1085 = arith.index_cast %add3A_1052 : i32 to index
        %get3A_1086 = arith.constant 32 : index
        %get3A_1087 = tpu.vector_load %arg7[%get3A_1085, %get3A_1086] {strides = array<i32>} : memref<328x64xf32, #tpu.memory_space<vmem>>, vector<1x16xf32>,
        %get3A_1088 = vector.shape_cast %get3A_1087 : vector<1x16xf32> to vector<16xf32>
        %add3A_1089 = arith.addf %get3A_1084, %get3A_1088 : vector<16xf32>
        %swap3A_1090 = arith.index_cast %scan3A_1051 : i32 to index
        %swap3A_1091 = arith.constant 32 : index
        %swap3A_1092 = tpu.vector_load %arg8[%swap3A_1090, %swap3A_1091] {strides = array<i32>} : memref<128x64xf32, #tpu.memory_space<vmem>>, vector<1x16xf32>,
        %swap3A_1093 = vector.shape_cast %swap3A_1092 : vector<1x16xf32> to vector<16xf32>
        %swap3A_1094 = vector.shape_cast %add3A_1089 : vector<16xf32> to vector<1x16xf32>
        tpu.vector_store %arg8[%swap3A_1090, %swap3A_1091], %swap3A_1094 {strides = array<i32>} : memref<128x64xf32, #tpu.memory_space<vmem>>, vector<1x16xf32>,
        %get3A_1095 = arith.index_cast %scan3A_1051 : i32 to index
        %get3A_1096 = arith.constant 48 : index
        %get3A_1097 = tpu.vector_load %arg8[%get3A_1095, %get3A_1096] {strides = array<i32>} : memref<128x64xf32, #tpu.memory_space<vmem>>, vector<1x16xf32>,
        %get3A_1098 = vector.shape_cast %get3A_1097 : vector<1x16xf32> to vector<16xf32>
        %get3A_1099 = arith.index_cast %add3A_1052 : i32 to index
        %get3A_1100 = arith.constant 48 : index
        %get3A_1101 = tpu.vector_load %arg7[%get3A_1099, %get3A_1100] {strides = array<i32>} : memref<328x64xf32, #tpu.memory_space<vmem>>, vector<1x16xf32>,
        %get3A_1102 = vector.shape_cast %get3A_1101 : vector<1x16xf32> to vector<16xf32>
        %add3A_1103 = arith.addf %get3A_1098, %get3A_1102 : vector<16xf32>
        %swap3A_1104 = arith.index_cast %scan3A_1051 : i32 to index
        %swap3A_1105 = arith.constant 48 : index
        %swap3A_1106 = tpu.vector_load %arg8[%swap3A_1104, %swap3A_1105] {strides = array<i32>} : memref<128x64xf32, #tpu.memory_space<vmem>>, vector<1x16xf32>,
        %swap3A_1107 = vector.shape_cast %swap3A_1106 : vector<1x16xf32> to vector<16xf32>
        %swap3A_1108 = vector.shape_cast %add3A_1103 : vector<16xf32> to vector<1x16xf32>
        tpu.vector_store %arg8[%swap3A_1104, %swap3A_1105], %swap3A_1108 {strides = array<i32>} : memref<128x64xf32, #tpu.memory_space<vmem>>, vector<1x16xf32>,
        %scan3A_1109 = arith.constant 2 : i32
        %scan3A_1110 = arith.addi %scan3A_993, %scan3A_1109 : i32
        %add3A_1111 = arith.addi %rem3A_479, %scan3A_1110 : i32
        %get3A_1112 = arith.index_cast %scan3A_1110 : i32 to index
        %get3A_1113 = arith.constant 0 : index
        %get3A_1114 = tpu.vector_load %arg8[%get3A_1112, %get3A_1113] {strides = array<i32>} : memref<128x64xf32, #tpu.memory_space<vmem>>, vector<1x16xf32>,
        %get3A_1115 = vector.shape_cast %get3A_1114 : vector<1x16xf32> to vector<16xf32>
        %get3A_1116 = arith.index_cast %add3A_1111 : i32 to index
        %get3A_1117 = arith.constant 0 : index
        %get3A_1118 = tpu.vector_load %arg7[%get3A_1116, %get3A_1117] {strides = array<i32>} : memref<328x64xf32, #tpu.memory_space<vmem>>, vector<1x16xf32>,
        %get3A_1119 = vector.shape_cast %get3A_1118 : vector<1x16xf32> to vector<16xf32>
        %add3A_1120 = arith.addf %get3A_1115, %get3A_1119 : vector<16xf32>
        %swap3A_1121 = arith.index_cast %scan3A_1110 : i32 to index
        %swap3A_1122 = arith.constant 0 : index
        %swap3A_1123 = tpu.vector_load %arg8[%swap3A_1121, %swap3A_1122] {strides = array<i32>} : memref<128x64xf32, #tpu.memory_space<vmem>>, vector<1x16xf32>,
        %swap3A_1124 = vector.shape_cast %swap3A_1123 : vector<1x16xf32> to vector<16xf32>
        %swap3A_1125 = vector.shape_cast %add3A_1120 : vector<16xf32> to vector<1x16xf32>
        tpu.vector_store %arg8[%swap3A_1121, %swap3A_1122], %swap3A_1125 {strides = array<i32>} : memref<128x64xf32, #tpu.memory_space<vmem>>, vector<1x16xf32>,
        %get3A_1126 = arith.index_cast %scan3A_1110 : i32 to index
        %get3A_1127 = arith.constant 16 : index
        %get3A_1128 = tpu.vector_load %arg8[%get3A_1126, %get3A_1127] {strides = array<i32>} : memref<128x64xf32, #tpu.memory_space<vmem>>, vector<1x16xf32>,
        %get3A_1129 = vector.shape_cast %get3A_1128 : vector<1x16xf32> to vector<16xf32>
        %get3A_1130 = arith.index_cast %add3A_1111 : i32 to index
        %get3A_1131 = arith.constant 16 : index
        %get3A_1132 = tpu.vector_load %arg7[%get3A_1130, %get3A_1131] {strides = array<i32>} : memref<328x64xf32, #tpu.memory_space<vmem>>, vector<1x16xf32>,
        %get3A_1133 = vector.shape_cast %get3A_1132 : vector<1x16xf32> to vector<16xf32>
        %add3A_1134 = arith.addf %get3A_1129, %get3A_1133 : vector<16xf32>
        %swap3A_1135 = arith.index_cast %scan3A_1110 : i32 to index
        %swap3A_1136 = arith.constant 16 : index
        %swap3A_1137 = tpu.vector_load %arg8[%swap3A_1135, %swap3A_1136] {strides = array<i32>} : memref<128x64xf32, #tpu.memory_space<vmem>>, vector<1x16xf32>,
        %swap3A_1138 = vector.shape_cast %swap3A_1137 : vector<1x16xf32> to vector<16xf32>
        %swap3A_1139 = vector.shape_cast %add3A_1134 : vector<16xf32> to vector<1x16xf32>
        tpu.vector_store %arg8[%swap3A_1135, %swap3A_1136], %swap3A_1139 {strides = array<i32>} : memref<128x64xf32, #tpu.memory_space<vmem>>, vector<1x16xf32>,
        %get3A_1140 = arith.index_cast %scan3A_1110 : i32 to index
        %get3A_1141 = arith.constant 32 : index
        %get3A_1142 = tpu.vector_load %arg8[%get3A_1140, %get3A_1141] {strides = array<i32>} : memref<128x64xf32, #tpu.memory_space<vmem>>, vector<1x16xf32>,
        %get3A_1143 = vector.shape_cast %get3A_1142 : vector<1x16xf32> to vector<16xf32>
        %get3A_1144 = arith.index_cast %add3A_1111 : i32 to index
        %get3A_1145 = arith.constant 32 : index
        %get3A_1146 = tpu.vector_load %arg7[%get3A_1144, %get3A_1145] {strides = array<i32>} : memref<328x64xf32, #tpu.memory_space<vmem>>, vector<1x16xf32>,
        %get3A_1147 = vector.shape_cast %get3A_1146 : vector<1x16xf32> to vector<16xf32>
        %add3A_1148 = arith.addf %get3A_1143, %get3A_1147 : vector<16xf32>
        %swap3A_1149 = arith.index_cast %scan3A_1110 : i32 to index
        %swap3A_1150 = arith.constant 32 : index
        %swap3A_1151 = tpu.vector_load %arg8[%swap3A_1149, %swap3A_1150] {strides = array<i32>} : memref<128x64xf32, #tpu.memory_space<vmem>>, vector<1x16xf32>,
        %swap3A_1152 = vector.shape_cast %swap3A_1151 : vector<1x16xf32> to vector<16xf32>
        %swap3A_1153 = vector.shape_cast %add3A_1148 : vector<16xf32> to vector<1x16xf32>
        tpu.vector_store %arg8[%swap3A_1149, %swap3A_1150], %swap3A_1153 {strides = array<i32>} : memref<128x64xf32, #tpu.memory_space<vmem>>, vector<1x16xf32>,
        %get3A_1154 = arith.index_cast %scan3A_1110 : i32 to index
        %get3A_1155 = arith.constant 48 : index
        %get3A_1156 = tpu.vector_load %arg8[%get3A_1154, %get3A_1155] {strides = array<i32>} : memref<128x64xf32, #tpu.memory_space<vmem>>, vector<1x16xf32>,
        %get3A_1157 = vector.shape_cast %get3A_1156 : vector<1x16xf32> to vector<16xf32>
        %get3A_1158 = arith.index_cast %add3A_1111 : i32 to index
        %get3A_1159 = arith.constant 48 : index
        %get3A_1160 = tpu.vector_load %arg7[%get3A_1158, %get3A_1159] {strides = array<i32>} : memref<328x64xf32, #tpu.memory_space<vmem>>, vector<1x16xf32>,
        %get3A_1161 = vector.shape_cast %get3A_1160 : vector<1x16xf32> to vector<16xf32>
        %add3A_1162 = arith.addf %get3A_1157, %get3A_1161 : vector<16xf32>
        %swap3A_1163 = arith.index_cast %scan3A_1110 : i32 to index
        %swap3A_1164 = arith.constant 48 : index
        %swap3A_1165 = tpu.vector_load %arg8[%swap3A_1163, %swap3A_1164] {strides = array<i32>} : memref<128x64xf32, #tpu.memory_space<vmem>>, vector<1x16xf32>,
        %swap3A_1166 = vector.shape_cast %swap3A_1165 : vector<1x16xf32> to vector<16xf32>
        %swap3A_1167 = vector.shape_cast %add3A_1162 : vector<16xf32> to vector<1x16xf32>
        tpu.vector_store %arg8[%swap3A_1163, %swap3A_1164], %swap3A_1167 {strides = array<i32>} : memref<128x64xf32, #tpu.memory_space<vmem>>, vector<1x16xf32>,
        %scan3A_1168 = arith.constant 3 : i32
        %scan3A_1169 = arith.addi %scan3A_993, %scan3A_1168 : i32
        %add3A_1170 = arith.addi %rem3A_479, %scan3A_1169 : i32
        %get3A_1171 = arith.index_cast %scan3A_1169 : i32 to index
        %get3A_1172 = arith.constant 0 : index
        %get3A_1173 = tpu.vector_load %arg8[%get3A_1171, %get3A_1172] {strides = array<i32>} : memref<128x64xf32, #tpu.memory_space<vmem>>, vector<1x16xf32>,
        %get3A_1174 = vector.shape_cast %get3A_1173 : vector<1x16xf32> to vector<16xf32>
        %get3A_1175 = arith.index_cast %add3A_1170 : i32 to index
        %get3A_1176 = arith.constant 0 : index
        %get3A_1177 = tpu.vector_load %arg7[%get3A_1175, %get3A_1176] {strides = array<i32>} : memref<328x64xf32, #tpu.memory_space<vmem>>, vector<1x16xf32>,
        %get3A_1178 = vector.shape_cast %get3A_1177 : vector<1x16xf32> to vector<16xf32>
        %add3A_1179 = arith.addf %get3A_1174, %get3A_1178 : vector<16xf32>
        %swap3A_1180 = arith.index_cast %scan3A_1169 : i32 to index
        %swap3A_1181 = arith.constant 0 : index
        %swap3A_1182 = tpu.vector_load %arg8[%swap3A_1180, %swap3A_1181] {strides = array<i32>} : memref<128x64xf32, #tpu.memory_space<vmem>>, vector<1x16xf32>,
        %swap3A_1183 = vector.shape_cast %swap3A_1182 : vector<1x16xf32> to vector<16xf32>
        %swap3A_1184 = vector.shape_cast %add3A_1179 : vector<16xf32> to vector<1x16xf32>
        tpu.vector_store %arg8[%swap3A_1180, %swap3A_1181], %swap3A_1184 {strides = array<i32>} : memref<128x64xf32, #tpu.memory_space<vmem>>, vector<1x16xf32>,
        %get3A_1185 = arith.index_cast %scan3A_1169 : i32 to index
        %get3A_1186 = arith.constant 16 : index
        %get3A_1187 = tpu.vector_load %arg8[%get3A_1185, %get3A_1186] {strides = array<i32>} : memref<128x64xf32, #tpu.memory_space<vmem>>, vector<1x16xf32>,
        %get3A_1188 = vector.shape_cast %get3A_1187 : vector<1x16xf32> to vector<16xf32>
        %get3A_1189 = arith.index_cast %add3A_1170 : i32 to index
        %get3A_1190 = arith.constant 16 : index
        %get3A_1191 = tpu.vector_load %arg7[%get3A_1189, %get3A_1190] {strides = array<i32>} : memref<328x64xf32, #tpu.memory_space<vmem>>, vector<1x16xf32>,
        %get3A_1192 = vector.shape_cast %get3A_1191 : vector<1x16xf32> to vector<16xf32>
        %add3A_1193 = arith.addf %get3A_1188, %get3A_1192 : vector<16xf32>
        %swap3A_1194 = arith.index_cast %scan3A_1169 : i32 to index
        %swap3A_1195 = arith.constant 16 : index
        %swap3A_1196 = tpu.vector_load %arg8[%swap3A_1194, %swap3A_1195] {strides = array<i32>} : memref<128x64xf32, #tpu.memory_space<vmem>>, vector<1x16xf32>,
        %swap3A_1197 = vector.shape_cast %swap3A_1196 : vector<1x16xf32> to vector<16xf32>
        %swap3A_1198 = vector.shape_cast %add3A_1193 : vector<16xf32> to vector<1x16xf32>
        tpu.vector_store %arg8[%swap3A_1194, %swap3A_1195], %swap3A_1198 {strides = array<i32>} : memref<128x64xf32, #tpu.memory_space<vmem>>, vector<1x16xf32>,
        %get3A_1199 = arith.index_cast %scan3A_1169 : i32 to index
        %get3A_1200 = arith.constant 32 : index
        %get3A_1201 = tpu.vector_load %arg8[%get3A_1199, %get3A_1200] {strides = array<i32>} : memref<128x64xf32, #tpu.memory_space<vmem>>, vector<1x16xf32>,
        %get3A_1202 = vector.shape_cast %get3A_1201 : vector<1x16xf32> to vector<16xf32>
        %get3A_1203 = arith.index_cast %add3A_1170 : i32 to index
        %get3A_1204 = arith.constant 32 : index
        %get3A_1205 = tpu.vector_load %arg7[%get3A_1203, %get3A_1204] {strides = array<i32>} : memref<328x64xf32, #tpu.memory_space<vmem>>, vector<1x16xf32>,
        %get3A_1206 = vector.shape_cast %get3A_1205 : vector<1x16xf32> to vector<16xf32>
        %add3A_1207 = arith.addf %get3A_1202, %get3A_1206 : vector<16xf32>
        %swap3A_1208 = arith.index_cast %scan3A_1169 : i32 to index
        %swap3A_1209 = arith.constant 32 : index
        %swap3A_1210 = tpu.vector_load %arg8[%swap3A_1208, %swap3A_1209] {strides = array<i32>} : memref<128x64xf32, #tpu.memory_space<vmem>>, vector<1x16xf32>,
        %swap3A_1211 = vector.shape_cast %swap3A_1210 : vector<1x16xf32> to vector<16xf32>
        %swap3A_1212 = vector.shape_cast %add3A_1207 : vector<16xf32> to vector<1x16xf32>
        tpu.vector_store %arg8[%swap3A_1208, %swap3A_1209], %swap3A_1212 {strides = array<i32>} : memref<128x64xf32, #tpu.memory_space<vmem>>, vector<1x16xf32>,
        %get3A_1213 = arith.index_cast %scan3A_1169 : i32 to index
        %get3A_1214 = arith.constant 48 : index
        %get3A_1215 = tpu.vector_load %arg8[%get3A_1213, %get3A_1214] {strides = array<i32>} : memref<128x64xf32, #tpu.memory_space<vmem>>, vector<1x16xf32>,
        %get3A_1216 = vector.shape_cast %get3A_1215 : vector<1x16xf32> to vector<16xf32>
        %get3A_1217 = arith.index_cast %add3A_1170 : i32 to index
        %get3A_1218 = arith.constant 48 : index
        %get3A_1219 = tpu.vector_load %arg7[%get3A_1217, %get3A_1218] {strides = array<i32>} : memref<328x64xf32, #tpu.memory_space<vmem>>, vector<1x16xf32>,
        %get3A_1220 = vector.shape_cast %get3A_1219 : vector<1x16xf32> to vector<16xf32>
        %add3A_1221 = arith.addf %get3A_1216, %get3A_1220 : vector<16xf32>
        %swap3A_1222 = arith.index_cast %scan3A_1169 : i32 to index
        %swap3A_1223 = arith.constant 48 : index
        %swap3A_1224 = tpu.vector_load %arg8[%swap3A_1222, %swap3A_1223] {strides = array<i32>} : memref<128x64xf32, #tpu.memory_space<vmem>>, vector<1x16xf32>,
        %swap3A_1225 = vector.shape_cast %swap3A_1224 : vector<1x16xf32> to vector<16xf32>
        %swap3A_1226 = vector.shape_cast %add3A_1221 : vector<16xf32> to vector<1x16xf32>
        tpu.vector_store %arg8[%swap3A_1222, %swap3A_1223], %swap3A_1226 {strides = array<i32>} : memref<128x64xf32, #tpu.memory_space<vmem>>, vector<1x16xf32>,
      }
      %scan3A_485 = arith.constant 128 : i32
      %add3A_486 = arith.addi %mul3A_2, %add3A_385 : i32
      %mul3A_487 = arith.constant 128 : i32
      %mul3A_488 = arith.muli %add3A_486, %mul3A_487 : i32
      %dma_start3A_489 = arith.constant 0 : i32
      %dma_start3A_490 = tpu.memref_slice %arg5[%mul3A_488, %dma_start3A_489] : memref<819200x64xf32, #tpu.memory_space<hbm>> -> memref<128x64xf32, #tpu.memory_space<hbm>>
      %dma_start3A_491 = arith.constant 0 : i32
      %dma_start3A_492 = tpu.memref_slice %arg5[%mul3A_488, %dma_start3A_491] : memref<819200x64xf32, #tpu.memory_space<hbm>> -> memref<128x64xf32, #tpu.memory_space<hbm>>
      tpu.enqueue_dma source(%arg8 : memref<128x64xf32, #tpu.memory_space<vmem>>) target(%dma_start3A_492 : memref<128x64xf32, #tpu.memory_space<hbm>>) target_semaphore(%arg24 : memref<!tpu.dma_semaphore, #tpu.memory_space<semaphore_mem>>)
      %mul3A_493 = arith.constant 8 : i32
      %mul3A_494 = arith.muli %scan3A_381, %mul3A_493 : i32
      %add3A_495 = arith.constant 1 : i32
      %add3A_496 = arith.addi %mul3A_494, %add3A_495 : i32
      %gt3A_497 = arith.constant 0 : i32
      %gt3A_498 = arith.cmpi sgt, %scan3A_381, %gt3A_497 : i32
      %convert_element_type3A_499 = arith.extui %gt3A_498 : i1 to i32
      %cond3A_500 = arith.constant 0 : i32
      %cond3A_501 = arith.cmpi ne, %convert_element_type3A_499, %cond3A_500 : i32
      scf.if %cond3A_501 {
        %mul3A_993 = arith.constant 128 : i32
        %mul3A_994 = arith.muli %mul3A_2, %mul3A_993 : i32
        %dma_wait3A_995 = arith.constant 0 : i32
        %dma_wait3A_996 = tpu.memref_slice %arg5[%mul3A_994, %dma_wait3A_995] : memref<819200x64xf32, #tpu.memory_space<hbm>> -> memref<128x64xf32, #tpu.memory_space<hbm>>
        %dma_wait3A_997 = arith.constant 0 : i32
        %dma_wait3A_998 = tpu.memref_slice %arg5[%mul3A_994, %dma_wait3A_997] : memref<819200x64xf32, #tpu.memory_space<hbm>> -> memref<128x64xf32, #tpu.memory_space<hbm>>
        tpu.wait_dma2 semaphore(%arg29 : memref<!tpu.dma_semaphore, #tpu.memory_space<semaphore_mem>>) src(%arg13 : memref<128x64xf32, #tpu.memory_space<vmem>>) dst(%dma_wait3A_998 : memref<128x64xf32, #tpu.memory_space<hbm>>)
      } else {
      }
      %add3A_502 = arith.constant 4 : i32
      %add3A_503 = arith.addi %add3A_496, %add3A_502 : i32
      %get3A_504 = arith.index_cast %add3A_503 : i32 to index
      %get3A_505 = arith.constant 0 : index
      %get3A_506 = tpu.vector_load %arg6[%get3A_504, %get3A_505] {strides = array<i32>} : memref<200x128xi32, #tpu.memory_space<vmem>>, vector<1x16xi32>,
      %get3A_507 = vector.shape_cast %get3A_506 : vector<1x16xi32> to vector<16xi32>
      %dma_start3A_508 = arith.constant 0 : i32
      %dma_start3A_509 = arith.constant 0 : i32
      %dma_start3A_510 = tpu.memref_slice %arg13[%dma_start3A_508, %dma_start3A_509] : memref<128x64xf32, #tpu.memory_space<vmem>> -> memref<16x64xf32, #tpu.memory_space<vmem>>
      %dma_start3A_511 = arith.constant 0 : i32
      %dma_start3A_512 = arith.constant 0 : i32
      %dma_start3A_513 = tpu.memref_slice %arg3[%dma_start3A_511, %dma_start3A_512] : memref<1000000x64xf32, #tpu.memory_space<hbm>> -> memref<1000000x64xf32, #tpu.memory_space<hbm>>
      tpu.enqueue_indirect_dma source(%dma_start3A_513 : memref<1000000x64xf32, #tpu.memory_space<hbm>>) target(%dma_start3A_510 : memref<16x64xf32, #tpu.memory_space<vmem>>) offsets(%get3A_507 : vector<16xi32>) semaphore(%arg21 : memref<!tpu.dma_semaphore, #tpu.memory_space<semaphore_mem>>)
      %get3A_514 = arith.index_cast %add3A_503 : i32 to index
      %get3A_515 = arith.constant 16 : index
      %get3A_516 = tpu.vector_load %arg6[%get3A_514, %get3A_515] {strides = array<i32>} : memref<200x128xi32, #tpu.memory_space<vmem>>, vector<1x16xi32>,
      %get3A_517 = vector.shape_cast %get3A_516 : vector<1x16xi32> to vector<16xi32>
      %dma_start3A_518 = arith.constant 16 : i32
      %dma_start3A_519 = arith.constant 0 : i32
      %dma_start3A_520 = tpu.memref_slice %arg13[%dma_start3A_518, %dma_start3A_519] : memref<128x64xf32, #tpu.memory_space<vmem>> -> memref<16x64xf32, #tpu.memory_space<vmem>>
      %dma_start3A_521 = arith.constant 0 : i32
      %dma_start3A_522 = arith.constant 0 : i32
      %dma_start3A_523 = tpu.memref_slice %arg3[%dma_start3A_521, %dma_start3A_522] : memref<1000000x64xf32, #tpu.memory_space<hbm>> -> memref<1000000x64xf32, #tpu.memory_space<hbm>>
      tpu.enqueue_indirect_dma source(%dma_start3A_523 : memref<1000000x64xf32, #tpu.memory_space<hbm>>) target(%dma_start3A_520 : memref<16x64xf32, #tpu.memory_space<vmem>>) offsets(%get3A_517 : vector<16xi32>) semaphore(%arg21 : memref<!tpu.dma_semaphore, #tpu.memory_space<semaphore_mem>>)
      %get3A_524 = arith.index_cast %add3A_503 : i32 to index
      %get3A_525 = arith.constant 32 : index
      %get3A_526 = tpu.vector_load %arg6[%get3A_524, %get3A_525] {strides = array<i32>} : memref<200x128xi32, #tpu.memory_space<vmem>>, vector<1x16xi32>,
      %get3A_527 = vector.shape_cast %get3A_526 : vector<1x16xi32> to vector<16xi32>
      %dma_start3A_528 = arith.constant 32 : i32
      %dma_start3A_529 = arith.constant 0 : i32
      %dma_start3A_530 = tpu.memref_slice %arg13[%dma_start3A_528, %dma_start3A_529] : memref<128x64xf32, #tpu.memory_space<vmem>> -> memref<16x64xf32, #tpu.memory_space<vmem>>
      %dma_start3A_531 = arith.constant 0 : i32
      %dma_start3A_532 = arith.constant 0 : i32
      %dma_start3A_533 = tpu.memref_slice %arg3[%dma_start3A_531, %dma_start3A_532] : memref<1000000x64xf32, #tpu.memory_space<hbm>> -> memref<1000000x64xf32, #tpu.memory_space<hbm>>
      tpu.enqueue_indirect_dma source(%dma_start3A_533 : memref<1000000x64xf32, #tpu.memory_space<hbm>>) target(%dma_start3A_530 : memref<16x64xf32, #tpu.memory_space<vmem>>) offsets(%get3A_527 : vector<16xi32>) semaphore(%arg21 : memref<!tpu.dma_semaphore, #tpu.memory_space<semaphore_mem>>)
      %get3A_534 = arith.index_cast %add3A_503 : i32 to index
      %get3A_535 = arith.constant 48 : index
      %get3A_536 = tpu.vector_load %arg6[%get3A_534, %get3A_535] {strides = array<i32>} : memref<200x128xi32, #tpu.memory_space<vmem>>, vector<1x16xi32>,
      %get3A_537 = vector.shape_cast %get3A_536 : vector<1x16xi32> to vector<16xi32>
      %dma_start3A_538 = arith.constant 48 : i32
      %dma_start3A_539 = arith.constant 0 : i32
      %dma_start3A_540 = tpu.memref_slice %arg13[%dma_start3A_538, %dma_start3A_539] : memref<128x64xf32, #tpu.memory_space<vmem>> -> memref<16x64xf32, #tpu.memory_space<vmem>>
      %dma_start3A_541 = arith.constant 0 : i32
      %dma_start3A_542 = arith.constant 0 : i32
      %dma_start3A_543 = tpu.memref_slice %arg3[%dma_start3A_541, %dma_start3A_542] : memref<1000000x64xf32, #tpu.memory_space<hbm>> -> memref<1000000x64xf32, #tpu.memory_space<hbm>>
      tpu.enqueue_indirect_dma source(%dma_start3A_543 : memref<1000000x64xf32, #tpu.memory_space<hbm>>) target(%dma_start3A_540 : memref<16x64xf32, #tpu.memory_space<vmem>>) offsets(%get3A_537 : vector<16xi32>) semaphore(%arg21 : memref<!tpu.dma_semaphore, #tpu.memory_space<semaphore_mem>>)
      %get3A_544 = arith.index_cast %add3A_503 : i32 to index
      %get3A_545 = arith.constant 64 : index
      %get3A_546 = tpu.vector_load %arg6[%get3A_544, %get3A_545] {strides = array<i32>} : memref<200x128xi32, #tpu.memory_space<vmem>>, vector<1x16xi32>,
      %get3A_547 = vector.shape_cast %get3A_546 : vector<1x16xi32> to vector<16xi32>
      %dma_start3A_548 = arith.constant 64 : i32
      %dma_start3A_549 = arith.constant 0 : i32
      %dma_start3A_550 = tpu.memref_slice %arg13[%dma_start3A_548, %dma_start3A_549] : memref<128x64xf32, #tpu.memory_space<vmem>> -> memref<16x64xf32, #tpu.memory_space<vmem>>
      %dma_start3A_551 = arith.constant 0 : i32
      %dma_start3A_552 = arith.constant 0 : i32
      %dma_start3A_553 = tpu.memref_slice %arg3[%dma_start3A_551, %dma_start3A_552] : memref<1000000x64xf32, #tpu.memory_space<hbm>> -> memref<1000000x64xf32, #tpu.memory_space<hbm>>
      tpu.enqueue_indirect_dma source(%dma_start3A_553 : memref<1000000x64xf32, #tpu.memory_space<hbm>>) target(%dma_start3A_550 : memref<16x64xf32, #tpu.memory_space<vmem>>) offsets(%get3A_547 : vector<16xi32>) semaphore(%arg21 : memref<!tpu.dma_semaphore, #tpu.memory_space<semaphore_mem>>)
      %get3A_554 = arith.index_cast %add3A_503 : i32 to index
      %get3A_555 = arith.constant 80 : index
      %get3A_556 = tpu.vector_load %arg6[%get3A_554, %get3A_555] {strides = array<i32>} : memref<200x128xi32, #tpu.memory_space<vmem>>, vector<1x16xi32>,
      %get3A_557 = vector.shape_cast %get3A_556 : vector<1x16xi32> to vector<16xi32>
      %dma_start3A_558 = arith.constant 80 : i32
      %dma_start3A_559 = arith.constant 0 : i32
      %dma_start3A_560 = tpu.memref_slice %arg13[%dma_start3A_558, %dma_start3A_559] : memref<128x64xf32, #tpu.memory_space<vmem>> -> memref<16x64xf32, #tpu.memory_space<vmem>>
      %dma_start3A_561 = arith.constant 0 : i32
      %dma_start3A_562 = arith.constant 0 : i32
      %dma_start3A_563 = tpu.memref_slice %arg3[%dma_start3A_561, %dma_start3A_562] : memref<1000000x64xf32, #tpu.memory_space<hbm>> -> memref<1000000x64xf32, #tpu.memory_space<hbm>>
      tpu.enqueue_indirect_dma source(%dma_start3A_563 : memref<1000000x64xf32, #tpu.memory_space<hbm>>) target(%dma_start3A_560 : memref<16x64xf32, #tpu.memory_space<vmem>>) offsets(%get3A_557 : vector<16xi32>) semaphore(%arg21 : memref<!tpu.dma_semaphore, #tpu.memory_space<semaphore_mem>>)
      %get3A_564 = arith.index_cast %add3A_503 : i32 to index
      %get3A_565 = arith.constant 96 : index
      %get3A_566 = tpu.vector_load %arg6[%get3A_564, %get3A_565] {strides = array<i32>} : memref<200x128xi32, #tpu.memory_space<vmem>>, vector<1x16xi32>,
      %get3A_567 = vector.shape_cast %get3A_566 : vector<1x16xi32> to vector<16xi32>
      %dma_start3A_568 = arith.constant 96 : i32
      %dma_start3A_569 = arith.constant 0 : i32
      %dma_start3A_570 = tpu.memref_slice %arg13[%dma_start3A_568, %dma_start3A_569] : memref<128x64xf32, #tpu.memory_space<vmem>> -> memref<16x64xf32, #tpu.memory_space<vmem>>
      %dma_start3A_571 = arith.constant 0 : i32
      %dma_start3A_572 = arith.constant 0 : i32
      %dma_start3A_573 = tpu.memref_slice %arg3[%dma_start3A_571, %dma_start3A_572] : memref<1000000x64xf32, #tpu.memory_space<hbm>> -> memref<1000000x64xf32, #tpu.memory_space<hbm>>
      tpu.enqueue_indirect_dma source(%dma_start3A_573 : memref<1000000x64xf32, #tpu.memory_space<hbm>>) target(%dma_start3A_570 : memref<16x64xf32, #tpu.memory_space<vmem>>) offsets(%get3A_567 : vector<16xi32>) semaphore(%arg21 : memref<!tpu.dma_semaphore, #tpu.memory_space<semaphore_mem>>)
      %get3A_574 = arith.index_cast %add3A_503 : i32 to index
      %get3A_575 = arith.constant 112 : index
      %get3A_576 = tpu.vector_load %arg6[%get3A_574, %get3A_575] {strides = array<i32>} : memref<200x128xi32, #tpu.memory_space<vmem>>, vector<1x16xi32>,
      %get3A_577 = vector.shape_cast %get3A_576 : vector<1x16xi32> to vector<16xi32>
      %dma_start3A_578 = arith.constant 112 : i32
      %dma_start3A_579 = arith.constant 0 : i32
      %dma_start3A_580 = tpu.memref_slice %arg13[%dma_start3A_578, %dma_start3A_579] : memref<128x64xf32, #tpu.memory_space<vmem>> -> memref<16x64xf32, #tpu.memory_space<vmem>>
      %dma_start3A_581 = arith.constant 0 : i32
      %dma_start3A_582 = arith.constant 0 : i32
      %dma_start3A_583 = tpu.memref_slice %arg3[%dma_start3A_581, %dma_start3A_582] : memref<1000000x64xf32, #tpu.memory_space<hbm>> -> memref<1000000x64xf32, #tpu.memory_space<hbm>>
      tpu.enqueue_indirect_dma source(%dma_start3A_583 : memref<1000000x64xf32, #tpu.memory_space<hbm>>) target(%dma_start3A_580 : memref<16x64xf32, #tpu.memory_space<vmem>>) offsets(%get3A_577 : vector<16xi32>) semaphore(%arg21 : memref<!tpu.dma_semaphore, #tpu.memory_space<semaphore_mem>>)
      %dma_wait3A_584 = arith.constant 0 : i32
      %dma_wait3A_585 = arith.constant 0 : i32
      %dma_wait3A_586 = tpu.memref_slice %arg6[%dma_wait3A_584, %dma_wait3A_585] : memref<200x128xi32, #tpu.memory_space<vmem>> -> memref<1x128xi32, #tpu.memory_space<vmem>>
      %dma_wait3A_587 = tpu.memref_squeeze %dma_wait3A_586 : memref<1x128xi32, #tpu.memory_space<vmem>> -> memref<128xi32, #tpu.memory_space<vmem>>
      %dma_wait3A_588 = arith.constant 0 : i32
      %dma_wait3A_589 = arith.constant 0 : i32
      %dma_wait3A_590 = tpu.memref_slice %arg3[%dma_wait3A_588, %dma_wait3A_589] : memref<1000000x64xf32, #tpu.memory_space<hbm>> -> memref<1000000x64xf32, #tpu.memory_space<hbm>>
      tpu.wait_indirect_dma semaphore(%arg17 : memref<!tpu.dma_semaphore, #tpu.memory_space<semaphore_mem>>) src(%dma_wait3A_590 : memref<1000000x64xf32, #tpu.memory_space<hbm>>) dst(%arg9 : memref<128x64xf32, #tpu.memory_space<vmem>>)
      %mul3A_591 = arith.constant 128 : i32
      %mul3A_592 = arith.muli %add3A_496, %mul3A_591 : i32
      %rem3A_593 = arith.constant 200 : i32
      %rem3A_594 = arith.remsi %mul3A_592, %rem3A_593 : i32
      %scan3A_595 = arith.constant 0 : i32
      %scan3A_596 = arith.constant 0 : i32
      %scan3A_597 = arith.constant 128 : i32
      %scan3A_598 = arith.addi %scan3A_596, %scan3A_597 : i32
      %scan3A_599 = arith.constant 4 : i32
      scf.for %scan3A_993 = %scan3A_596 to %scan3A_598 step %scan3A_599  : i32 {
        %add3A_994 = arith.addi %rem3A_594, %scan3A_993 : i32
        %get3A_995 = arith.index_cast %scan3A_993 : i32 to index
        %get3A_996 = arith.constant 0 : index
        %get3A_997 = tpu.vector_load %arg9[%get3A_995, %get3A_996] {strides = array<i32>} : memref<128x64xf32, #tpu.memory_space<vmem>>, vector<1x16xf32>,
        %get3A_998 = vector.shape_cast %get3A_997 : vector<1x16xf32> to vector<16xf32>
        %get3A_999 = arith.index_cast %add3A_994 : i32 to index
        %get3A_1000 = arith.constant 0 : index
        %get3A_1001 = tpu.vector_load %arg7[%get3A_999, %get3A_1000] {strides = array<i32>} : memref<328x64xf32, #tpu.memory_space<vmem>>, vector<1x16xf32>,
        %get3A_1002 = vector.shape_cast %get3A_1001 : vector<1x16xf32> to vector<16xf32>
        %add3A_1003 = arith.addf %get3A_998, %get3A_1002 : vector<16xf32>
        %swap3A = arith.index_cast %scan3A_993 : i32 to index
        %swap3A_1004 = arith.constant 0 : index
        %swap3A_1005 = tpu.vector_load %arg9[%swap3A, %swap3A_1004] {strides = array<i32>} : memref<128x64xf32, #tpu.memory_space<vmem>>, vector<1x16xf32>,
        %swap3A_1006 = vector.shape_cast %swap3A_1005 : vector<1x16xf32> to vector<16xf32>
        %swap3A_1007 = vector.shape_cast %add3A_1003 : vector<16xf32> to vector<1x16xf32>
        tpu.vector_store %arg9[%swap3A, %swap3A_1004], %swap3A_1007 {strides = array<i32>} : memref<128x64xf32, #tpu.memory_space<vmem>>, vector<1x16xf32>,
        %get3A_1008 = arith.index_cast %scan3A_993 : i32 to index
        %get3A_1009 = arith.constant 16 : index
        %get3A_1010 = tpu.vector_load %arg9[%get3A_1008, %get3A_1009] {strides = array<i32>} : memref<128x64xf32, #tpu.memory_space<vmem>>, vector<1x16xf32>,
        %get3A_1011 = vector.shape_cast %get3A_1010 : vector<1x16xf32> to vector<16xf32>
        %get3A_1012 = arith.index_cast %add3A_994 : i32 to index
        %get3A_1013 = arith.constant 16 : index
        %get3A_1014 = tpu.vector_load %arg7[%get3A_1012, %get3A_1013] {strides = array<i32>} : memref<328x64xf32, #tpu.memory_space<vmem>>, vector<1x16xf32>,
        %get3A_1015 = vector.shape_cast %get3A_1014 : vector<1x16xf32> to vector<16xf32>
        %add3A_1016 = arith.addf %get3A_1011, %get3A_1015 : vector<16xf32>
        %swap3A_1017 = arith.index_cast %scan3A_993 : i32 to index
        %swap3A_1018 = arith.constant 16 : index
        %swap3A_1019 = tpu.vector_load %arg9[%swap3A_1017, %swap3A_1018] {strides = array<i32>} : memref<128x64xf32, #tpu.memory_space<vmem>>, vector<1x16xf32>,
        %swap3A_1020 = vector.shape_cast %swap3A_1019 : vector<1x16xf32> to vector<16xf32>
        %swap3A_1021 = vector.shape_cast %add3A_1016 : vector<16xf32> to vector<1x16xf32>
        tpu.vector_store %arg9[%swap3A_1017, %swap3A_1018], %swap3A_1021 {strides = array<i32>} : memref<128x64xf32, #tpu.memory_space<vmem>>, vector<1x16xf32>,
        %get3A_1022 = arith.index_cast %scan3A_993 : i32 to index
        %get3A_1023 = arith.constant 32 : index
        %get3A_1024 = tpu.vector_load %arg9[%get3A_1022, %get3A_1023] {strides = array<i32>} : memref<128x64xf32, #tpu.memory_space<vmem>>, vector<1x16xf32>,
        %get3A_1025 = vector.shape_cast %get3A_1024 : vector<1x16xf32> to vector<16xf32>
        %get3A_1026 = arith.index_cast %add3A_994 : i32 to index
        %get3A_1027 = arith.constant 32 : index
        %get3A_1028 = tpu.vector_load %arg7[%get3A_1026, %get3A_1027] {strides = array<i32>} : memref<328x64xf32, #tpu.memory_space<vmem>>, vector<1x16xf32>,
        %get3A_1029 = vector.shape_cast %get3A_1028 : vector<1x16xf32> to vector<16xf32>
        %add3A_1030 = arith.addf %get3A_1025, %get3A_1029 : vector<16xf32>
        %swap3A_1031 = arith.index_cast %scan3A_993 : i32 to index
        %swap3A_1032 = arith.constant 32 : index
        %swap3A_1033 = tpu.vector_load %arg9[%swap3A_1031, %swap3A_1032] {strides = array<i32>} : memref<128x64xf32, #tpu.memory_space<vmem>>, vector<1x16xf32>,
        %swap3A_1034 = vector.shape_cast %swap3A_1033 : vector<1x16xf32> to vector<16xf32>
        %swap3A_1035 = vector.shape_cast %add3A_1030 : vector<16xf32> to vector<1x16xf32>
        tpu.vector_store %arg9[%swap3A_1031, %swap3A_1032], %swap3A_1035 {strides = array<i32>} : memref<128x64xf32, #tpu.memory_space<vmem>>, vector<1x16xf32>,
        %get3A_1036 = arith.index_cast %scan3A_993 : i32 to index
        %get3A_1037 = arith.constant 48 : index
        %get3A_1038 = tpu.vector_load %arg9[%get3A_1036, %get3A_1037] {strides = array<i32>} : memref<128x64xf32, #tpu.memory_space<vmem>>, vector<1x16xf32>,
        %get3A_1039 = vector.shape_cast %get3A_1038 : vector<1x16xf32> to vector<16xf32>
        %get3A_1040 = arith.index_cast %add3A_994 : i32 to index
        %get3A_1041 = arith.constant 48 : index
        %get3A_1042 = tpu.vector_load %arg7[%get3A_1040, %get3A_1041] {strides = array<i32>} : memref<328x64xf32, #tpu.memory_space<vmem>>, vector<1x16xf32>,
        %get3A_1043 = vector.shape_cast %get3A_1042 : vector<1x16xf32> to vector<16xf32>
        %add3A_1044 = arith.addf %get3A_1039, %get3A_1043 : vector<16xf32>
        %swap3A_1045 = arith.index_cast %scan3A_993 : i32 to index
        %swap3A_1046 = arith.constant 48 : index
        %swap3A_1047 = tpu.vector_load %arg9[%swap3A_1045, %swap3A_1046] {strides = array<i32>} : memref<128x64xf32, #tpu.memory_space<vmem>>, vector<1x16xf32>,
        %swap3A_1048 = vector.shape_cast %swap3A_1047 : vector<1x16xf32> to vector<16xf32>
        %swap3A_1049 = vector.shape_cast %add3A_1044 : vector<16xf32> to vector<1x16xf32>
        tpu.vector_store %arg9[%swap3A_1045, %swap3A_1046], %swap3A_1049 {strides = array<i32>} : memref<128x64xf32, #tpu.memory_space<vmem>>, vector<1x16xf32>,
        %scan3A_1050 = arith.constant 1 : i32
        %scan3A_1051 = arith.addi %scan3A_993, %scan3A_1050 : i32
        %add3A_1052 = arith.addi %rem3A_594, %scan3A_1051 : i32
        %get3A_1053 = arith.index_cast %scan3A_1051 : i32 to index
        %get3A_1054 = arith.constant 0 : index
        %get3A_1055 = tpu.vector_load %arg9[%get3A_1053, %get3A_1054] {strides = array<i32>} : memref<128x64xf32, #tpu.memory_space<vmem>>, vector<1x16xf32>,
        %get3A_1056 = vector.shape_cast %get3A_1055 : vector<1x16xf32> to vector<16xf32>
        %get3A_1057 = arith.index_cast %add3A_1052 : i32 to index
        %get3A_1058 = arith.constant 0 : index
        %get3A_1059 = tpu.vector_load %arg7[%get3A_1057, %get3A_1058] {strides = array<i32>} : memref<328x64xf32, #tpu.memory_space<vmem>>, vector<1x16xf32>,
        %get3A_1060 = vector.shape_cast %get3A_1059 : vector<1x16xf32> to vector<16xf32>
        %add3A_1061 = arith.addf %get3A_1056, %get3A_1060 : vector<16xf32>
        %swap3A_1062 = arith.index_cast %scan3A_1051 : i32 to index
        %swap3A_1063 = arith.constant 0 : index
        %swap3A_1064 = tpu.vector_load %arg9[%swap3A_1062, %swap3A_1063] {strides = array<i32>} : memref<128x64xf32, #tpu.memory_space<vmem>>, vector<1x16xf32>,
        %swap3A_1065 = vector.shape_cast %swap3A_1064 : vector<1x16xf32> to vector<16xf32>
        %swap3A_1066 = vector.shape_cast %add3A_1061 : vector<16xf32> to vector<1x16xf32>
        tpu.vector_store %arg9[%swap3A_1062, %swap3A_1063], %swap3A_1066 {strides = array<i32>} : memref<128x64xf32, #tpu.memory_space<vmem>>, vector<1x16xf32>,
        %get3A_1067 = arith.index_cast %scan3A_1051 : i32 to index
        %get3A_1068 = arith.constant 16 : index
        %get3A_1069 = tpu.vector_load %arg9[%get3A_1067, %get3A_1068] {strides = array<i32>} : memref<128x64xf32, #tpu.memory_space<vmem>>, vector<1x16xf32>,
        %get3A_1070 = vector.shape_cast %get3A_1069 : vector<1x16xf32> to vector<16xf32>
        %get3A_1071 = arith.index_cast %add3A_1052 : i32 to index
        %get3A_1072 = arith.constant 16 : index
        %get3A_1073 = tpu.vector_load %arg7[%get3A_1071, %get3A_1072] {strides = array<i32>} : memref<328x64xf32, #tpu.memory_space<vmem>>, vector<1x16xf32>,
        %get3A_1074 = vector.shape_cast %get3A_1073 : vector<1x16xf32> to vector<16xf32>
        %add3A_1075 = arith.addf %get3A_1070, %get3A_1074 : vector<16xf32>
        %swap3A_1076 = arith.index_cast %scan3A_1051 : i32 to index
        %swap3A_1077 = arith.constant 16 : index
        %swap3A_1078 = tpu.vector_load %arg9[%swap3A_1076, %swap3A_1077] {strides = array<i32>} : memref<128x64xf32, #tpu.memory_space<vmem>>, vector<1x16xf32>,
        %swap3A_1079 = vector.shape_cast %swap3A_1078 : vector<1x16xf32> to vector<16xf32>
        %swap3A_1080 = vector.shape_cast %add3A_1075 : vector<16xf32> to vector<1x16xf32>
        tpu.vector_store %arg9[%swap3A_1076, %swap3A_1077], %swap3A_1080 {strides = array<i32>} : memref<128x64xf32, #tpu.memory_space<vmem>>, vector<1x16xf32>,
        %get3A_1081 = arith.index_cast %scan3A_1051 : i32 to index
        %get3A_1082 = arith.constant 32 : index
        %get3A_1083 = tpu.vector_load %arg9[%get3A_1081, %get3A_1082] {strides = array<i32>} : memref<128x64xf32, #tpu.memory_space<vmem>>, vector<1x16xf32>,
        %get3A_1084 = vector.shape_cast %get3A_1083 : vector<1x16xf32> to vector<16xf32>
        %get3A_1085 = arith.index_cast %add3A_1052 : i32 to index
        %get3A_1086 = arith.constant 32 : index
        %get3A_1087 = tpu.vector_load %arg7[%get3A_1085, %get3A_1086] {strides = array<i32>} : memref<328x64xf32, #tpu.memory_space<vmem>>, vector<1x16xf32>,
        %get3A_1088 = vector.shape_cast %get3A_1087 : vector<1x16xf32> to vector<16xf32>
        %add3A_1089 = arith.addf %get3A_1084, %get3A_1088 : vector<16xf32>
        %swap3A_1090 = arith.index_cast %scan3A_1051 : i32 to index
        %swap3A_1091 = arith.constant 32 : index
        %swap3A_1092 = tpu.vector_load %arg9[%swap3A_1090, %swap3A_1091] {strides = array<i32>} : memref<128x64xf32, #tpu.memory_space<vmem>>, vector<1x16xf32>,
        %swap3A_1093 = vector.shape_cast %swap3A_1092 : vector<1x16xf32> to vector<16xf32>
        %swap3A_1094 = vector.shape_cast %add3A_1089 : vector<16xf32> to vector<1x16xf32>
        tpu.vector_store %arg9[%swap3A_1090, %swap3A_1091], %swap3A_1094 {strides = array<i32>} : memref<128x64xf32, #tpu.memory_space<vmem>>, vector<1x16xf32>,
        %get3A_1095 = arith.index_cast %scan3A_1051 : i32 to index
        %get3A_1096 = arith.constant 48 : index
        %get3A_1097 = tpu.vector_load %arg9[%get3A_1095, %get3A_1096] {strides = array<i32>} : memref<128x64xf32, #tpu.memory_space<vmem>>, vector<1x16xf32>,
        %get3A_1098 = vector.shape_cast %get3A_1097 : vector<1x16xf32> to vector<16xf32>
        %get3A_1099 = arith.index_cast %add3A_1052 : i32 to index
        %get3A_1100 = arith.constant 48 : index
        %get3A_1101 = tpu.vector_load %arg7[%get3A_1099, %get3A_1100] {strides = array<i32>} : memref<328x64xf32, #tpu.memory_space<vmem>>, vector<1x16xf32>,
        %get3A_1102 = vector.shape_cast %get3A_1101 : vector<1x16xf32> to vector<16xf32>
        %add3A_1103 = arith.addf %get3A_1098, %get3A_1102 : vector<16xf32>
        %swap3A_1104 = arith.index_cast %scan3A_1051 : i32 to index
        %swap3A_1105 = arith.constant 48 : index
        %swap3A_1106 = tpu.vector_load %arg9[%swap3A_1104, %swap3A_1105] {strides = array<i32>} : memref<128x64xf32, #tpu.memory_space<vmem>>, vector<1x16xf32>,
        %swap3A_1107 = vector.shape_cast %swap3A_1106 : vector<1x16xf32> to vector<16xf32>
        %swap3A_1108 = vector.shape_cast %add3A_1103 : vector<16xf32> to vector<1x16xf32>
        tpu.vector_store %arg9[%swap3A_1104, %swap3A_1105], %swap3A_1108 {strides = array<i32>} : memref<128x64xf32, #tpu.memory_space<vmem>>, vector<1x16xf32>,
        %scan3A_1109 = arith.constant 2 : i32
        %scan3A_1110 = arith.addi %scan3A_993, %scan3A_1109 : i32
        %add3A_1111 = arith.addi %rem3A_594, %scan3A_1110 : i32
        %get3A_1112 = arith.index_cast %scan3A_1110 : i32 to index
        %get3A_1113 = arith.constant 0 : index
        %get3A_1114 = tpu.vector_load %arg9[%get3A_1112, %get3A_1113] {strides = array<i32>} : memref<128x64xf32, #tpu.memory_space<vmem>>, vector<1x16xf32>,
        %get3A_1115 = vector.shape_cast %get3A_1114 : vector<1x16xf32> to vector<16xf32>
        %get3A_1116 = arith.index_cast %add3A_1111 : i32 to index
        %get3A_1117 = arith.constant 0 : index
        %get3A_1118 = tpu.vector_load %arg7[%get3A_1116, %get3A_1117] {strides = array<i32>} : memref<328x64xf32, #tpu.memory_space<vmem>>, vector<1x16xf32>,
        %get3A_1119 = vector.shape_cast %get3A_1118 : vector<1x16xf32> to vector<16xf32>
        %add3A_1120 = arith.addf %get3A_1115, %get3A_1119 : vector<16xf32>
        %swap3A_1121 = arith.index_cast %scan3A_1110 : i32 to index
        %swap3A_1122 = arith.constant 0 : index
        %swap3A_1123 = tpu.vector_load %arg9[%swap3A_1121, %swap3A_1122] {strides = array<i32>} : memref<128x64xf32, #tpu.memory_space<vmem>>, vector<1x16xf32>,
        %swap3A_1124 = vector.shape_cast %swap3A_1123 : vector<1x16xf32> to vector<16xf32>
        %swap3A_1125 = vector.shape_cast %add3A_1120 : vector<16xf32> to vector<1x16xf32>
        tpu.vector_store %arg9[%swap3A_1121, %swap3A_1122], %swap3A_1125 {strides = array<i32>} : memref<128x64xf32, #tpu.memory_space<vmem>>, vector<1x16xf32>,
        %get3A_1126 = arith.index_cast %scan3A_1110 : i32 to index
        %get3A_1127 = arith.constant 16 : index
        %get3A_1128 = tpu.vector_load %arg9[%get3A_1126, %get3A_1127] {strides = array<i32>} : memref<128x64xf32, #tpu.memory_space<vmem>>, vector<1x16xf32>,
        %get3A_1129 = vector.shape_cast %get3A_1128 : vector<1x16xf32> to vector<16xf32>
        %get3A_1130 = arith.index_cast %add3A_1111 : i32 to index
        %get3A_1131 = arith.constant 16 : index
        %get3A_1132 = tpu.vector_load %arg7[%get3A_1130, %get3A_1131] {strides = array<i32>} : memref<328x64xf32, #tpu.memory_space<vmem>>, vector<1x16xf32>,
        %get3A_1133 = vector.shape_cast %get3A_1132 : vector<1x16xf32> to vector<16xf32>
        %add3A_1134 = arith.addf %get3A_1129, %get3A_1133 : vector<16xf32>
        %swap3A_1135 = arith.index_cast %scan3A_1110 : i32 to index
        %swap3A_1136 = arith.constant 16 : index
        %swap3A_1137 = tpu.vector_load %arg9[%swap3A_1135, %swap3A_1136] {strides = array<i32>} : memref<128x64xf32, #tpu.memory_space<vmem>>, vector<1x16xf32>,
        %swap3A_1138 = vector.shape_cast %swap3A_1137 : vector<1x16xf32> to vector<16xf32>
        %swap3A_1139 = vector.shape_cast %add3A_1134 : vector<16xf32> to vector<1x16xf32>
        tpu.vector_store %arg9[%swap3A_1135, %swap3A_1136], %swap3A_1139 {strides = array<i32>} : memref<128x64xf32, #tpu.memory_space<vmem>>, vector<1x16xf32>,
        %get3A_1140 = arith.index_cast %scan3A_1110 : i32 to index
        %get3A_1141 = arith.constant 32 : index
        %get3A_1142 = tpu.vector_load %arg9[%get3A_1140, %get3A_1141] {strides = array<i32>} : memref<128x64xf32, #tpu.memory_space<vmem>>, vector<1x16xf32>,
        %get3A_1143 = vector.shape_cast %get3A_1142 : vector<1x16xf32> to vector<16xf32>
        %get3A_1144 = arith.index_cast %add3A_1111 : i32 to index
        %get3A_1145 = arith.constant 32 : index
        %get3A_1146 = tpu.vector_load %arg7[%get3A_1144, %get3A_1145] {strides = array<i32>} : memref<328x64xf32, #tpu.memory_space<vmem>>, vector<1x16xf32>,
        %get3A_1147 = vector.shape_cast %get3A_1146 : vector<1x16xf32> to vector<16xf32>
        %add3A_1148 = arith.addf %get3A_1143, %get3A_1147 : vector<16xf32>
        %swap3A_1149 = arith.index_cast %scan3A_1110 : i32 to index
        %swap3A_1150 = arith.constant 32 : index
        %swap3A_1151 = tpu.vector_load %arg9[%swap3A_1149, %swap3A_1150] {strides = array<i32>} : memref<128x64xf32, #tpu.memory_space<vmem>>, vector<1x16xf32>,
        %swap3A_1152 = vector.shape_cast %swap3A_1151 : vector<1x16xf32> to vector<16xf32>
        %swap3A_1153 = vector.shape_cast %add3A_1148 : vector<16xf32> to vector<1x16xf32>
        tpu.vector_store %arg9[%swap3A_1149, %swap3A_1150], %swap3A_1153 {strides = array<i32>} : memref<128x64xf32, #tpu.memory_space<vmem>>, vector<1x16xf32>,
        %get3A_1154 = arith.index_cast %scan3A_1110 : i32 to index
        %get3A_1155 = arith.constant 48 : index
        %get3A_1156 = tpu.vector_load %arg9[%get3A_1154, %get3A_1155] {strides = array<i32>} : memref<128x64xf32, #tpu.memory_space<vmem>>, vector<1x16xf32>,
        %get3A_1157 = vector.shape_cast %get3A_1156 : vector<1x16xf32> to vector<16xf32>
        %get3A_1158 = arith.index_cast %add3A_1111 : i32 to index
        %get3A_1159 = arith.constant 48 : index
        %get3A_1160 = tpu.vector_load %arg7[%get3A_1158, %get3A_1159] {strides = array<i32>} : memref<328x64xf32, #tpu.memory_space<vmem>>, vector<1x16xf32>,
        %get3A_1161 = vector.shape_cast %get3A_1160 : vector<1x16xf32> to vector<16xf32>
        %add3A_1162 = arith.addf %get3A_1157, %get3A_1161 : vector<16xf32>
        %swap3A_1163 = arith.index_cast %scan3A_1110 : i32 to index
        %swap3A_1164 = arith.constant 48 : index
        %swap3A_1165 = tpu.vector_load %arg9[%swap3A_1163, %swap3A_1164] {strides = array<i32>} : memref<128x64xf32, #tpu.memory_space<vmem>>, vector<1x16xf32>,
        %swap3A_1166 = vector.shape_cast %swap3A_1165 : vector<1x16xf32> to vector<16xf32>
        %swap3A_1167 = vector.shape_cast %add3A_1162 : vector<16xf32> to vector<1x16xf32>
        tpu.vector_store %arg9[%swap3A_1163, %swap3A_1164], %swap3A_1167 {strides = array<i32>} : memref<128x64xf32, #tpu.memory_space<vmem>>, vector<1x16xf32>,
        %scan3A_1168 = arith.constant 3 : i32
        %scan3A_1169 = arith.addi %scan3A_993, %scan3A_1168 : i32
        %add3A_1170 = arith.addi %rem3A_594, %scan3A_1169 : i32
        %get3A_1171 = arith.index_cast %scan3A_1169 : i32 to index
        %get3A_1172 = arith.constant 0 : index
        %get3A_1173 = tpu.vector_load %arg9[%get3A_1171, %get3A_1172] {strides = array<i32>} : memref<128x64xf32, #tpu.memory_space<vmem>>, vector<1x16xf32>,
        %get3A_1174 = vector.shape_cast %get3A_1173 : vector<1x16xf32> to vector<16xf32>
        %get3A_1175 = arith.index_cast %add3A_1170 : i32 to index
        %get3A_1176 = arith.constant 0 : index
        %get3A_1177 = tpu.vector_load %arg7[%get3A_1175, %get3A_1176] {strides = array<i32>} : memref<328x64xf32, #tpu.memory_space<vmem>>, vector<1x16xf32>,
        %get3A_1178 = vector.shape_cast %get3A_1177 : vector<1x16xf32> to vector<16xf32>
        %add3A_1179 = arith.addf %get3A_1174, %get3A_1178 : vector<16xf32>
        %swap3A_1180 = arith.index_cast %scan3A_1169 : i32 to index
        %swap3A_1181 = arith.constant 0 : index
        %swap3A_1182 = tpu.vector_load %arg9[%swap3A_1180, %swap3A_1181] {strides = array<i32>} : memref<128x64xf32, #tpu.memory_space<vmem>>, vector<1x16xf32>,
        %swap3A_1183 = vector.shape_cast %swap3A_1182 : vector<1x16xf32> to vector<16xf32>
        %swap3A_1184 = vector.shape_cast %add3A_1179 : vector<16xf32> to vector<1x16xf32>
        tpu.vector_store %arg9[%swap3A_1180, %swap3A_1181], %swap3A_1184 {strides = array<i32>} : memref<128x64xf32, #tpu.memory_space<vmem>>, vector<1x16xf32>,
        %get3A_1185 = arith.index_cast %scan3A_1169 : i32 to index
        %get3A_1186 = arith.constant 16 : index
        %get3A_1187 = tpu.vector_load %arg9[%get3A_1185, %get3A_1186] {strides = array<i32>} : memref<128x64xf32, #tpu.memory_space<vmem>>, vector<1x16xf32>,
        %get3A_1188 = vector.shape_cast %get3A_1187 : vector<1x16xf32> to vector<16xf32>
        %get3A_1189 = arith.index_cast %add3A_1170 : i32 to index
        %get3A_1190 = arith.constant 16 : index
        %get3A_1191 = tpu.vector_load %arg7[%get3A_1189, %get3A_1190] {strides = array<i32>} : memref<328x64xf32, #tpu.memory_space<vmem>>, vector<1x16xf32>,
        %get3A_1192 = vector.shape_cast %get3A_1191 : vector<1x16xf32> to vector<16xf32>
        %add3A_1193 = arith.addf %get3A_1188, %get3A_1192 : vector<16xf32>
        %swap3A_1194 = arith.index_cast %scan3A_1169 : i32 to index
        %swap3A_1195 = arith.constant 16 : index
        %swap3A_1196 = tpu.vector_load %arg9[%swap3A_1194, %swap3A_1195] {strides = array<i32>} : memref<128x64xf32, #tpu.memory_space<vmem>>, vector<1x16xf32>,
        %swap3A_1197 = vector.shape_cast %swap3A_1196 : vector<1x16xf32> to vector<16xf32>
        %swap3A_1198 = vector.shape_cast %add3A_1193 : vector<16xf32> to vector<1x16xf32>
        tpu.vector_store %arg9[%swap3A_1194, %swap3A_1195], %swap3A_1198 {strides = array<i32>} : memref<128x64xf32, #tpu.memory_space<vmem>>, vector<1x16xf32>,
        %get3A_1199 = arith.index_cast %scan3A_1169 : i32 to index
        %get3A_1200 = arith.constant 32 : index
        %get3A_1201 = tpu.vector_load %arg9[%get3A_1199, %get3A_1200] {strides = array<i32>} : memref<128x64xf32, #tpu.memory_space<vmem>>, vector<1x16xf32>,
        %get3A_1202 = vector.shape_cast %get3A_1201 : vector<1x16xf32> to vector<16xf32>
        %get3A_1203 = arith.index_cast %add3A_1170 : i32 to index
        %get3A_1204 = arith.constant 32 : index
        %get3A_1205 = tpu.vector_load %arg7[%get3A_1203, %get3A_1204] {strides = array<i32>} : memref<328x64xf32, #tpu.memory_space<vmem>>, vector<1x16xf32>,
        %get3A_1206 = vector.shape_cast %get3A_1205 : vector<1x16xf32> to vector<16xf32>
        %add3A_1207 = arith.addf %get3A_1202, %get3A_1206 : vector<16xf32>
        %swap3A_1208 = arith.index_cast %scan3A_1169 : i32 to index
        %swap3A_1209 = arith.constant 32 : index
        %swap3A_1210 = tpu.vector_load %arg9[%swap3A_1208, %swap3A_1209] {strides = array<i32>} : memref<128x64xf32, #tpu.memory_space<vmem>>, vector<1x16xf32>,
        %swap3A_1211 = vector.shape_cast %swap3A_1210 : vector<1x16xf32> to vector<16xf32>
        %swap3A_1212 = vector.shape_cast %add3A_1207 : vector<16xf32> to vector<1x16xf32>
        tpu.vector_store %arg9[%swap3A_1208, %swap3A_1209], %swap3A_1212 {strides = array<i32>} : memref<128x64xf32, #tpu.memory_space<vmem>>, vector<1x16xf32>,
        %get3A_1213 = arith.index_cast %scan3A_1169 : i32 to index
        %get3A_1214 = arith.constant 48 : index
        %get3A_1215 = tpu.vector_load %arg9[%get3A_1213, %get3A_1214] {strides = array<i32>} : memref<128x64xf32, #tpu.memory_space<vmem>>, vector<1x16xf32>,
        %get3A_1216 = vector.shape_cast %get3A_1215 : vector<1x16xf32> to vector<16xf32>
        %get3A_1217 = arith.index_cast %add3A_1170 : i32 to index
        %get3A_1218 = arith.constant 48 : index
        %get3A_1219 = tpu.vector_load %arg7[%get3A_1217, %get3A_1218] {strides = array<i32>} : memref<328x64xf32, #tpu.memory_space<vmem>>, vector<1x16xf32>,
        %get3A_1220 = vector.shape_cast %get3A_1219 : vector<1x16xf32> to vector<16xf32>
        %add3A_1221 = arith.addf %get3A_1216, %get3A_1220 : vector<16xf32>
        %swap3A_1222 = arith.index_cast %scan3A_1169 : i32 to index
        %swap3A_1223 = arith.constant 48 : index
        %swap3A_1224 = tpu.vector_load %arg9[%swap3A_1222, %swap3A_1223] {strides = array<i32>} : memref<128x64xf32, #tpu.memory_space<vmem>>, vector<1x16xf32>,
        %swap3A_1225 = vector.shape_cast %swap3A_1224 : vector<1x16xf32> to vector<16xf32>
        %swap3A_1226 = vector.shape_cast %add3A_1221 : vector<16xf32> to vector<1x16xf32>
        tpu.vector_store %arg9[%swap3A_1222, %swap3A_1223], %swap3A_1226 {strides = array<i32>} : memref<128x64xf32, #tpu.memory_space<vmem>>, vector<1x16xf32>,
      }
      %scan3A_600 = arith.constant 128 : i32
      %add3A_601 = arith.addi %mul3A_2, %add3A_496 : i32
      %mul3A_602 = arith.constant 128 : i32
      %mul3A_603 = arith.muli %add3A_601, %mul3A_602 : i32
      %dma_start3A_604 = arith.constant 0 : i32
      %dma_start3A_605 = tpu.memref_slice %arg5[%mul3A_603, %dma_start3A_604] : memref<819200x64xf32, #tpu.memory_space<hbm>> -> memref<128x64xf32, #tpu.memory_space<hbm>>
      %dma_start3A_606 = arith.constant 0 : i32
      %dma_start3A_607 = tpu.memref_slice %arg5[%mul3A_603, %dma_start3A_606] : memref<819200x64xf32, #tpu.memory_space<hbm>> -> memref<128x64xf32, #tpu.memory_space<hbm>>
      tpu.enqueue_dma source(%arg9 : memref<128x64xf32, #tpu.memory_space<vmem>>) target(%dma_start3A_607 : memref<128x64xf32, #tpu.memory_space<hbm>>) target_semaphore(%arg25 : memref<!tpu.dma_semaphore, #tpu.memory_space<semaphore_mem>>)
      %mul3A_608 = arith.constant 8 : i32
      %mul3A_609 = arith.muli %scan3A_381, %mul3A_608 : i32
      %add3A_610 = arith.constant 2 : i32
      %add3A_611 = arith.addi %mul3A_609, %add3A_610 : i32
      %gt3A_612 = arith.constant 0 : i32
      %gt3A_613 = arith.cmpi sgt, %scan3A_381, %gt3A_612 : i32
      %convert_element_type3A_614 = arith.extui %gt3A_613 : i1 to i32
      %cond3A_615 = arith.constant 0 : i32
      %cond3A_616 = arith.cmpi ne, %convert_element_type3A_614, %cond3A_615 : i32
      scf.if %cond3A_616 {
        %mul3A_993 = arith.constant 128 : i32
        %mul3A_994 = arith.muli %mul3A_2, %mul3A_993 : i32
        %dma_wait3A_995 = arith.constant 0 : i32
        %dma_wait3A_996 = tpu.memref_slice %arg5[%mul3A_994, %dma_wait3A_995] : memref<819200x64xf32, #tpu.memory_space<hbm>> -> memref<128x64xf32, #tpu.memory_space<hbm>>
        %dma_wait3A_997 = arith.constant 0 : i32
        %dma_wait3A_998 = tpu.memref_slice %arg5[%mul3A_994, %dma_wait3A_997] : memref<819200x64xf32, #tpu.memory_space<hbm>> -> memref<128x64xf32, #tpu.memory_space<hbm>>
        tpu.wait_dma2 semaphore(%arg30 : memref<!tpu.dma_semaphore, #tpu.memory_space<semaphore_mem>>) src(%arg14 : memref<128x64xf32, #tpu.memory_space<vmem>>) dst(%dma_wait3A_998 : memref<128x64xf32, #tpu.memory_space<hbm>>)
      } else {
      }
      %add3A_617 = arith.constant 4 : i32
      %add3A_618 = arith.addi %add3A_611, %add3A_617 : i32
      %get3A_619 = arith.index_cast %add3A_618 : i32 to index
      %get3A_620 = arith.constant 0 : index
      %get3A_621 = tpu.vector_load %arg6[%get3A_619, %get3A_620] {strides = array<i32>} : memref<200x128xi32, #tpu.memory_space<vmem>>, vector<1x16xi32>,
      %get3A_622 = vector.shape_cast %get3A_621 : vector<1x16xi32> to vector<16xi32>
      %dma_start3A_623 = arith.constant 0 : i32
      %dma_start3A_624 = arith.constant 0 : i32
      %dma_start3A_625 = tpu.memref_slice %arg14[%dma_start3A_623, %dma_start3A_624] : memref<128x64xf32, #tpu.memory_space<vmem>> -> memref<16x64xf32, #tpu.memory_space<vmem>>
      %dma_start3A_626 = arith.constant 0 : i32
      %dma_start3A_627 = arith.constant 0 : i32
      %dma_start3A_628 = tpu.memref_slice %arg3[%dma_start3A_626, %dma_start3A_627] : memref<1000000x64xf32, #tpu.memory_space<hbm>> -> memref<1000000x64xf32, #tpu.memory_space<hbm>>
      tpu.enqueue_indirect_dma source(%dma_start3A_628 : memref<1000000x64xf32, #tpu.memory_space<hbm>>) target(%dma_start3A_625 : memref<16x64xf32, #tpu.memory_space<vmem>>) offsets(%get3A_622 : vector<16xi32>) semaphore(%arg22 : memref<!tpu.dma_semaphore, #tpu.memory_space<semaphore_mem>>)
      %get3A_629 = arith.index_cast %add3A_618 : i32 to index
      %get3A_630 = arith.constant 16 : index
      %get3A_631 = tpu.vector_load %arg6[%get3A_629, %get3A_630] {strides = array<i32>} : memref<200x128xi32, #tpu.memory_space<vmem>>, vector<1x16xi32>,
      %get3A_632 = vector.shape_cast %get3A_631 : vector<1x16xi32> to vector<16xi32>
      %dma_start3A_633 = arith.constant 16 : i32
      %dma_start3A_634 = arith.constant 0 : i32
      %dma_start3A_635 = tpu.memref_slice %arg14[%dma_start3A_633, %dma_start3A_634] : memref<128x64xf32, #tpu.memory_space<vmem>> -> memref<16x64xf32, #tpu.memory_space<vmem>>
      %dma_start3A_636 = arith.constant 0 : i32
      %dma_start3A_637 = arith.constant 0 : i32
      %dma_start3A_638 = tpu.memref_slice %arg3[%dma_start3A_636, %dma_start3A_637] : memref<1000000x64xf32, #tpu.memory_space<hbm>> -> memref<1000000x64xf32, #tpu.memory_space<hbm>>
      tpu.enqueue_indirect_dma source(%dma_start3A_638 : memref<1000000x64xf32, #tpu.memory_space<hbm>>) target(%dma_start3A_635 : memref<16x64xf32, #tpu.memory_space<vmem>>) offsets(%get3A_632 : vector<16xi32>) semaphore(%arg22 : memref<!tpu.dma_semaphore, #tpu.memory_space<semaphore_mem>>)
      %get3A_639 = arith.index_cast %add3A_618 : i32 to index
      %get3A_640 = arith.constant 32 : index
      %get3A_641 = tpu.vector_load %arg6[%get3A_639, %get3A_640] {strides = array<i32>} : memref<200x128xi32, #tpu.memory_space<vmem>>, vector<1x16xi32>,
      %get3A_642 = vector.shape_cast %get3A_641 : vector<1x16xi32> to vector<16xi32>
      %dma_start3A_643 = arith.constant 32 : i32
      %dma_start3A_644 = arith.constant 0 : i32
      %dma_start3A_645 = tpu.memref_slice %arg14[%dma_start3A_643, %dma_start3A_644] : memref<128x64xf32, #tpu.memory_space<vmem>> -> memref<16x64xf32, #tpu.memory_space<vmem>>
      %dma_start3A_646 = arith.constant 0 : i32
      %dma_start3A_647 = arith.constant 0 : i32
      %dma_start3A_648 = tpu.memref_slice %arg3[%dma_start3A_646, %dma_start3A_647] : memref<1000000x64xf32, #tpu.memory_space<hbm>> -> memref<1000000x64xf32, #tpu.memory_space<hbm>>
      tpu.enqueue_indirect_dma source(%dma_start3A_648 : memref<1000000x64xf32, #tpu.memory_space<hbm>>) target(%dma_start3A_645 : memref<16x64xf32, #tpu.memory_space<vmem>>) offsets(%get3A_642 : vector<16xi32>) semaphore(%arg22 : memref<!tpu.dma_semaphore, #tpu.memory_space<semaphore_mem>>)
      %get3A_649 = arith.index_cast %add3A_618 : i32 to index
      %get3A_650 = arith.constant 48 : index
      %get3A_651 = tpu.vector_load %arg6[%get3A_649, %get3A_650] {strides = array<i32>} : memref<200x128xi32, #tpu.memory_space<vmem>>, vector<1x16xi32>,
      %get3A_652 = vector.shape_cast %get3A_651 : vector<1x16xi32> to vector<16xi32>
      %dma_start3A_653 = arith.constant 48 : i32
      %dma_start3A_654 = arith.constant 0 : i32
      %dma_start3A_655 = tpu.memref_slice %arg14[%dma_start3A_653, %dma_start3A_654] : memref<128x64xf32, #tpu.memory_space<vmem>> -> memref<16x64xf32, #tpu.memory_space<vmem>>
      %dma_start3A_656 = arith.constant 0 : i32
      %dma_start3A_657 = arith.constant 0 : i32
      %dma_start3A_658 = tpu.memref_slice %arg3[%dma_start3A_656, %dma_start3A_657] : memref<1000000x64xf32, #tpu.memory_space<hbm>> -> memref<1000000x64xf32, #tpu.memory_space<hbm>>
      tpu.enqueue_indirect_dma source(%dma_start3A_658 : memref<1000000x64xf32, #tpu.memory_space<hbm>>) target(%dma_start3A_655 : memref<16x64xf32, #tpu.memory_space<vmem>>) offsets(%get3A_652 : vector<16xi32>) semaphore(%arg22 : memref<!tpu.dma_semaphore, #tpu.memory_space<semaphore_mem>>)
      %get3A_659 = arith.index_cast %add3A_618 : i32 to index
      %get3A_660 = arith.constant 64 : index
      %get3A_661 = tpu.vector_load %arg6[%get3A_659, %get3A_660] {strides = array<i32>} : memref<200x128xi32, #tpu.memory_space<vmem>>, vector<1x16xi32>,
      %get3A_662 = vector.shape_cast %get3A_661 : vector<1x16xi32> to vector<16xi32>
      %dma_start3A_663 = arith.constant 64 : i32
      %dma_start3A_664 = arith.constant 0 : i32
      %dma_start3A_665 = tpu.memref_slice %arg14[%dma_start3A_663, %dma_start3A_664] : memref<128x64xf32, #tpu.memory_space<vmem>> -> memref<16x64xf32, #tpu.memory_space<vmem>>
      %dma_start3A_666 = arith.constant 0 : i32
      %dma_start3A_667 = arith.constant 0 : i32
      %dma_start3A_668 = tpu.memref_slice %arg3[%dma_start3A_666, %dma_start3A_667] : memref<1000000x64xf32, #tpu.memory_space<hbm>> -> memref<1000000x64xf32, #tpu.memory_space<hbm>>
      tpu.enqueue_indirect_dma source(%dma_start3A_668 : memref<1000000x64xf32, #tpu.memory_space<hbm>>) target(%dma_start3A_665 : memref<16x64xf32, #tpu.memory_space<vmem>>) offsets(%get3A_662 : vector<16xi32>) semaphore(%arg22 : memref<!tpu.dma_semaphore, #tpu.memory_space<semaphore_mem>>)
      %get3A_669 = arith.index_cast %add3A_618 : i32 to index
      %get3A_670 = arith.constant 80 : index
      %get3A_671 = tpu.vector_load %arg6[%get3A_669, %get3A_670] {strides = array<i32>} : memref<200x128xi32, #tpu.memory_space<vmem>>, vector<1x16xi32>,
      %get3A_672 = vector.shape_cast %get3A_671 : vector<1x16xi32> to vector<16xi32>
      %dma_start3A_673 = arith.constant 80 : i32
      %dma_start3A_674 = arith.constant 0 : i32
      %dma_start3A_675 = tpu.memref_slice %arg14[%dma_start3A_673, %dma_start3A_674] : memref<128x64xf32, #tpu.memory_space<vmem>> -> memref<16x64xf32, #tpu.memory_space<vmem>>
      %dma_start3A_676 = arith.constant 0 : i32
      %dma_start3A_677 = arith.constant 0 : i32
      %dma_start3A_678 = tpu.memref_slice %arg3[%dma_start3A_676, %dma_start3A_677] : memref<1000000x64xf32, #tpu.memory_space<hbm>> -> memref<1000000x64xf32, #tpu.memory_space<hbm>>
      tpu.enqueue_indirect_dma source(%dma_start3A_678 : memref<1000000x64xf32, #tpu.memory_space<hbm>>) target(%dma_start3A_675 : memref<16x64xf32, #tpu.memory_space<vmem>>) offsets(%get3A_672 : vector<16xi32>) semaphore(%arg22 : memref<!tpu.dma_semaphore, #tpu.memory_space<semaphore_mem>>)
      %get3A_679 = arith.index_cast %add3A_618 : i32 to index
      %get3A_680 = arith.constant 96 : index
      %get3A_681 = tpu.vector_load %arg6[%get3A_679, %get3A_680] {strides = array<i32>} : memref<200x128xi32, #tpu.memory_space<vmem>>, vector<1x16xi32>,
      %get3A_682 = vector.shape_cast %get3A_681 : vector<1x16xi32> to vector<16xi32>
      %dma_start3A_683 = arith.constant 96 : i32
      %dma_start3A_684 = arith.constant 0 : i32
      %dma_start3A_685 = tpu.memref_slice %arg14[%dma_start3A_683, %dma_start3A_684] : memref<128x64xf32, #tpu.memory_space<vmem>> -> memref<16x64xf32, #tpu.memory_space<vmem>>
      %dma_start3A_686 = arith.constant 0 : i32
      %dma_start3A_687 = arith.constant 0 : i32
      %dma_start3A_688 = tpu.memref_slice %arg3[%dma_start3A_686, %dma_start3A_687] : memref<1000000x64xf32, #tpu.memory_space<hbm>> -> memref<1000000x64xf32, #tpu.memory_space<hbm>>
      tpu.enqueue_indirect_dma source(%dma_start3A_688 : memref<1000000x64xf32, #tpu.memory_space<hbm>>) target(%dma_start3A_685 : memref<16x64xf32, #tpu.memory_space<vmem>>) offsets(%get3A_682 : vector<16xi32>) semaphore(%arg22 : memref<!tpu.dma_semaphore, #tpu.memory_space<semaphore_mem>>)
      %get3A_689 = arith.index_cast %add3A_618 : i32 to index
      %get3A_690 = arith.constant 112 : index
      %get3A_691 = tpu.vector_load %arg6[%get3A_689, %get3A_690] {strides = array<i32>} : memref<200x128xi32, #tpu.memory_space<vmem>>, vector<1x16xi32>,
      %get3A_692 = vector.shape_cast %get3A_691 : vector<1x16xi32> to vector<16xi32>
      %dma_start3A_693 = arith.constant 112 : i32
      %dma_start3A_694 = arith.constant 0 : i32
      %dma_start3A_695 = tpu.memref_slice %arg14[%dma_start3A_693, %dma_start3A_694] : memref<128x64xf32, #tpu.memory_space<vmem>> -> memref<16x64xf32, #tpu.memory_space<vmem>>
      %dma_start3A_696 = arith.constant 0 : i32
      %dma_start3A_697 = arith.constant 0 : i32
      %dma_start3A_698 = tpu.memref_slice %arg3[%dma_start3A_696, %dma_start3A_697] : memref<1000000x64xf32, #tpu.memory_space<hbm>> -> memref<1000000x64xf32, #tpu.memory_space<hbm>>
      tpu.enqueue_indirect_dma source(%dma_start3A_698 : memref<1000000x64xf32, #tpu.memory_space<hbm>>) target(%dma_start3A_695 : memref<16x64xf32, #tpu.memory_space<vmem>>) offsets(%get3A_692 : vector<16xi32>) semaphore(%arg22 : memref<!tpu.dma_semaphore, #tpu.memory_space<semaphore_mem>>)
      %dma_wait3A_699 = arith.constant 0 : i32
      %dma_wait3A_700 = arith.constant 0 : i32
      %dma_wait3A_701 = tpu.memref_slice %arg6[%dma_wait3A_699, %dma_wait3A_700] : memref<200x128xi32, #tpu.memory_space<vmem>> -> memref<1x128xi32, #tpu.memory_space<vmem>>
      %dma_wait3A_702 = tpu.memref_squeeze %dma_wait3A_701 : memref<1x128xi32, #tpu.memory_space<vmem>> -> memref<128xi32, #tpu.memory_space<vmem>>
      %dma_wait3A_703 = arith.constant 0 : i32
      %dma_wait3A_704 = arith.constant 0 : i32
      %dma_wait3A_705 = tpu.memref_slice %arg3[%dma_wait3A_703, %dma_wait3A_704] : memref<1000000x64xf32, #tpu.memory_space<hbm>> -> memref<1000000x64xf32, #tpu.memory_space<hbm>>
      tpu.wait_indirect_dma semaphore(%arg18 : memref<!tpu.dma_semaphore, #tpu.memory_space<semaphore_mem>>) src(%dma_wait3A_705 : memref<1000000x64xf32, #tpu.memory_space<hbm>>) dst(%arg10 : memref<128x64xf32, #tpu.memory_space<vmem>>)
      %mul3A_706 = arith.constant 128 : i32
      %mul3A_707 = arith.muli %add3A_611, %mul3A_706 : i32
      %rem3A_708 = arith.constant 200 : i32
      %rem3A_709 = arith.remsi %mul3A_707, %rem3A_708 : i32
      %scan3A_710 = arith.constant 0 : i32
      %scan3A_711 = arith.constant 0 : i32
      %scan3A_712 = arith.constant 128 : i32
      %scan3A_713 = arith.addi %scan3A_711, %scan3A_712 : i32
      %scan3A_714 = arith.constant 4 : i32
      scf.for %scan3A_993 = %scan3A_711 to %scan3A_713 step %scan3A_714  : i32 {
        %add3A_994 = arith.addi %rem3A_709, %scan3A_993 : i32
        %get3A_995 = arith.index_cast %scan3A_993 : i32 to index
        %get3A_996 = arith.constant 0 : index
        %get3A_997 = tpu.vector_load %arg10[%get3A_995, %get3A_996] {strides = array<i32>} : memref<128x64xf32, #tpu.memory_space<vmem>>, vector<1x16xf32>,
        %get3A_998 = vector.shape_cast %get3A_997 : vector<1x16xf32> to vector<16xf32>
        %get3A_999 = arith.index_cast %add3A_994 : i32 to index
        %get3A_1000 = arith.constant 0 : index
        %get3A_1001 = tpu.vector_load %arg7[%get3A_999, %get3A_1000] {strides = array<i32>} : memref<328x64xf32, #tpu.memory_space<vmem>>, vector<1x16xf32>,
        %get3A_1002 = vector.shape_cast %get3A_1001 : vector<1x16xf32> to vector<16xf32>
        %add3A_1003 = arith.addf %get3A_998, %get3A_1002 : vector<16xf32>
        %swap3A = arith.index_cast %scan3A_993 : i32 to index
        %swap3A_1004 = arith.constant 0 : index
        %swap3A_1005 = tpu.vector_load %arg10[%swap3A, %swap3A_1004] {strides = array<i32>} : memref<128x64xf32, #tpu.memory_space<vmem>>, vector<1x16xf32>,
        %swap3A_1006 = vector.shape_cast %swap3A_1005 : vector<1x16xf32> to vector<16xf32>
        %swap3A_1007 = vector.shape_cast %add3A_1003 : vector<16xf32> to vector<1x16xf32>
        tpu.vector_store %arg10[%swap3A, %swap3A_1004], %swap3A_1007 {strides = array<i32>} : memref<128x64xf32, #tpu.memory_space<vmem>>, vector<1x16xf32>,
        %get3A_1008 = arith.index_cast %scan3A_993 : i32 to index
        %get3A_1009 = arith.constant 16 : index
        %get3A_1010 = tpu.vector_load %arg10[%get3A_1008, %get3A_1009] {strides = array<i32>} : memref<128x64xf32, #tpu.memory_space<vmem>>, vector<1x16xf32>,
        %get3A_1011 = vector.shape_cast %get3A_1010 : vector<1x16xf32> to vector<16xf32>
        %get3A_1012 = arith.index_cast %add3A_994 : i32 to index
        %get3A_1013 = arith.constant 16 : index
        %get3A_1014 = tpu.vector_load %arg7[%get3A_1012, %get3A_1013] {strides = array<i32>} : memref<328x64xf32, #tpu.memory_space<vmem>>, vector<1x16xf32>,
        %get3A_1015 = vector.shape_cast %get3A_1014 : vector<1x16xf32> to vector<16xf32>
        %add3A_1016 = arith.addf %get3A_1011, %get3A_1015 : vector<16xf32>
        %swap3A_1017 = arith.index_cast %scan3A_993 : i32 to index
        %swap3A_1018 = arith.constant 16 : index
        %swap3A_1019 = tpu.vector_load %arg10[%swap3A_1017, %swap3A_1018] {strides = array<i32>} : memref<128x64xf32, #tpu.memory_space<vmem>>, vector<1x16xf32>,
        %swap3A_1020 = vector.shape_cast %swap3A_1019 : vector<1x16xf32> to vector<16xf32>
        %swap3A_1021 = vector.shape_cast %add3A_1016 : vector<16xf32> to vector<1x16xf32>
        tpu.vector_store %arg10[%swap3A_1017, %swap3A_1018], %swap3A_1021 {strides = array<i32>} : memref<128x64xf32, #tpu.memory_space<vmem>>, vector<1x16xf32>,
        %get3A_1022 = arith.index_cast %scan3A_993 : i32 to index
        %get3A_1023 = arith.constant 32 : index
        %get3A_1024 = tpu.vector_load %arg10[%get3A_1022, %get3A_1023] {strides = array<i32>} : memref<128x64xf32, #tpu.memory_space<vmem>>, vector<1x16xf32>,
        %get3A_1025 = vector.shape_cast %get3A_1024 : vector<1x16xf32> to vector<16xf32>
        %get3A_1026 = arith.index_cast %add3A_994 : i32 to index
        %get3A_1027 = arith.constant 32 : index
        %get3A_1028 = tpu.vector_load %arg7[%get3A_1026, %get3A_1027] {strides = array<i32>} : memref<328x64xf32, #tpu.memory_space<vmem>>, vector<1x16xf32>,
        %get3A_1029 = vector.shape_cast %get3A_1028 : vector<1x16xf32> to vector<16xf32>
        %add3A_1030 = arith.addf %get3A_1025, %get3A_1029 : vector<16xf32>
        %swap3A_1031 = arith.index_cast %scan3A_993 : i32 to index
        %swap3A_1032 = arith.constant 32 : index
        %swap3A_1033 = tpu.vector_load %arg10[%swap3A_1031, %swap3A_1032] {strides = array<i32>} : memref<128x64xf32, #tpu.memory_space<vmem>>, vector<1x16xf32>,
        %swap3A_1034 = vector.shape_cast %swap3A_1033 : vector<1x16xf32> to vector<16xf32>
        %swap3A_1035 = vector.shape_cast %add3A_1030 : vector<16xf32> to vector<1x16xf32>
        tpu.vector_store %arg10[%swap3A_1031, %swap3A_1032], %swap3A_1035 {strides = array<i32>} : memref<128x64xf32, #tpu.memory_space<vmem>>, vector<1x16xf32>,
        %get3A_1036 = arith.index_cast %scan3A_993 : i32 to index
        %get3A_1037 = arith.constant 48 : index
        %get3A_1038 = tpu.vector_load %arg10[%get3A_1036, %get3A_1037] {strides = array<i32>} : memref<128x64xf32, #tpu.memory_space<vmem>>, vector<1x16xf32>,
        %get3A_1039 = vector.shape_cast %get3A_1038 : vector<1x16xf32> to vector<16xf32>
        %get3A_1040 = arith.index_cast %add3A_994 : i32 to index
        %get3A_1041 = arith.constant 48 : index
        %get3A_1042 = tpu.vector_load %arg7[%get3A_1040, %get3A_1041] {strides = array<i32>} : memref<328x64xf32, #tpu.memory_space<vmem>>, vector<1x16xf32>,
        %get3A_1043 = vector.shape_cast %get3A_1042 : vector<1x16xf32> to vector<16xf32>
        %add3A_1044 = arith.addf %get3A_1039, %get3A_1043 : vector<16xf32>
        %swap3A_1045 = arith.index_cast %scan3A_993 : i32 to index
        %swap3A_1046 = arith.constant 48 : index
        %swap3A_1047 = tpu.vector_load %arg10[%swap3A_1045, %swap3A_1046] {strides = array<i32>} : memref<128x64xf32, #tpu.memory_space<vmem>>, vector<1x16xf32>,
        %swap3A_1048 = vector.shape_cast %swap3A_1047 : vector<1x16xf32> to vector<16xf32>
        %swap3A_1049 = vector.shape_cast %add3A_1044 : vector<16xf32> to vector<1x16xf32>
        tpu.vector_store %arg10[%swap3A_1045, %swap3A_1046], %swap3A_1049 {strides = array<i32>} : memref<128x64xf32, #tpu.memory_space<vmem>>, vector<1x16xf32>,
        %scan3A_1050 = arith.constant 1 : i32
        %scan3A_1051 = arith.addi %scan3A_993, %scan3A_1050 : i32
        %add3A_1052 = arith.addi %rem3A_709, %scan3A_1051 : i32
        %get3A_1053 = arith.index_cast %scan3A_1051 : i32 to index
        %get3A_1054 = arith.constant 0 : index
        %get3A_1055 = tpu.vector_load %arg10[%get3A_1053, %get3A_1054] {strides = array<i32>} : memref<128x64xf32, #tpu.memory_space<vmem>>, vector<1x16xf32>,
        %get3A_1056 = vector.shape_cast %get3A_1055 : vector<1x16xf32> to vector<16xf32>
        %get3A_1057 = arith.index_cast %add3A_1052 : i32 to index
        %get3A_1058 = arith.constant 0 : index
        %get3A_1059 = tpu.vector_load %arg7[%get3A_1057, %get3A_1058] {strides = array<i32>} : memref<328x64xf32, #tpu.memory_space<vmem>>, vector<1x16xf32>,
        %get3A_1060 = vector.shape_cast %get3A_1059 : vector<1x16xf32> to vector<16xf32>
        %add3A_1061 = arith.addf %get3A_1056, %get3A_1060 : vector<16xf32>
        %swap3A_1062 = arith.index_cast %scan3A_1051 : i32 to index
        %swap3A_1063 = arith.constant 0 : index
        %swap3A_1064 = tpu.vector_load %arg10[%swap3A_1062, %swap3A_1063] {strides = array<i32>} : memref<128x64xf32, #tpu.memory_space<vmem>>, vector<1x16xf32>,
        %swap3A_1065 = vector.shape_cast %swap3A_1064 : vector<1x16xf32> to vector<16xf32>
        %swap3A_1066 = vector.shape_cast %add3A_1061 : vector<16xf32> to vector<1x16xf32>
        tpu.vector_store %arg10[%swap3A_1062, %swap3A_1063], %swap3A_1066 {strides = array<i32>} : memref<128x64xf32, #tpu.memory_space<vmem>>, vector<1x16xf32>,
        %get3A_1067 = arith.index_cast %scan3A_1051 : i32 to index
        %get3A_1068 = arith.constant 16 : index
        %get3A_1069 = tpu.vector_load %arg10[%get3A_1067, %get3A_1068] {strides = array<i32>} : memref<128x64xf32, #tpu.memory_space<vmem>>, vector<1x16xf32>,
        %get3A_1070 = vector.shape_cast %get3A_1069 : vector<1x16xf32> to vector<16xf32>
        %get3A_1071 = arith.index_cast %add3A_1052 : i32 to index
        %get3A_1072 = arith.constant 16 : index
        %get3A_1073 = tpu.vector_load %arg7[%get3A_1071, %get3A_1072] {strides = array<i32>} : memref<328x64xf32, #tpu.memory_space<vmem>>, vector<1x16xf32>,
        %get3A_1074 = vector.shape_cast %get3A_1073 : vector<1x16xf32> to vector<16xf32>
        %add3A_1075 = arith.addf %get3A_1070, %get3A_1074 : vector<16xf32>
        %swap3A_1076 = arith.index_cast %scan3A_1051 : i32 to index
        %swap3A_1077 = arith.constant 16 : index
        %swap3A_1078 = tpu.vector_load %arg10[%swap3A_1076, %swap3A_1077] {strides = array<i32>} : memref<128x64xf32, #tpu.memory_space<vmem>>, vector<1x16xf32>,
        %swap3A_1079 = vector.shape_cast %swap3A_1078 : vector<1x16xf32> to vector<16xf32>
        %swap3A_1080 = vector.shape_cast %add3A_1075 : vector<16xf32> to vector<1x16xf32>
        tpu.vector_store %arg10[%swap3A_1076, %swap3A_1077], %swap3A_1080 {strides = array<i32>} : memref<128x64xf32, #tpu.memory_space<vmem>>, vector<1x16xf32>,
        %get3A_1081 = arith.index_cast %scan3A_1051 : i32 to index
        %get3A_1082 = arith.constant 32 : index
        %get3A_1083 = tpu.vector_load %arg10[%get3A_1081, %get3A_1082] {strides = array<i32>} : memref<128x64xf32, #tpu.memory_space<vmem>>, vector<1x16xf32>,
        %get3A_1084 = vector.shape_cast %get3A_1083 : vector<1x16xf32> to vector<16xf32>
        %get3A_1085 = arith.index_cast %add3A_1052 : i32 to index
        %get3A_1086 = arith.constant 32 : index
        %get3A_1087 = tpu.vector_load %arg7[%get3A_1085, %get3A_1086] {strides = array<i32>} : memref<328x64xf32, #tpu.memory_space<vmem>>, vector<1x16xf32>,
        %get3A_1088 = vector.shape_cast %get3A_1087 : vector<1x16xf32> to vector<16xf32>
        %add3A_1089 = arith.addf %get3A_1084, %get3A_1088 : vector<16xf32>
        %swap3A_1090 = arith.index_cast %scan3A_1051 : i32 to index
        %swap3A_1091 = arith.constant 32 : index
        %swap3A_1092 = tpu.vector_load %arg10[%swap3A_1090, %swap3A_1091] {strides = array<i32>} : memref<128x64xf32, #tpu.memory_space<vmem>>, vector<1x16xf32>,
        %swap3A_1093 = vector.shape_cast %swap3A_1092 : vector<1x16xf32> to vector<16xf32>
        %swap3A_1094 = vector.shape_cast %add3A_1089 : vector<16xf32> to vector<1x16xf32>
        tpu.vector_store %arg10[%swap3A_1090, %swap3A_1091], %swap3A_1094 {strides = array<i32>} : memref<128x64xf32, #tpu.memory_space<vmem>>, vector<1x16xf32>,
        %get3A_1095 = arith.index_cast %scan3A_1051 : i32 to index
        %get3A_1096 = arith.constant 48 : index
        %get3A_1097 = tpu.vector_load %arg10[%get3A_1095, %get3A_1096] {strides = array<i32>} : memref<128x64xf32, #tpu.memory_space<vmem>>, vector<1x16xf32>,
        %get3A_1098 = vector.shape_cast %get3A_1097 : vector<1x16xf32> to vector<16xf32>
        %get3A_1099 = arith.index_cast %add3A_1052 : i32 to index
        %get3A_1100 = arith.constant 48 : index
        %get3A_1101 = tpu.vector_load %arg7[%get3A_1099, %get3A_1100] {strides = array<i32>} : memref<328x64xf32, #tpu.memory_space<vmem>>, vector<1x16xf32>,
        %get3A_1102 = vector.shape_cast %get3A_1101 : vector<1x16xf32> to vector<16xf32>
        %add3A_1103 = arith.addf %get3A_1098, %get3A_1102 : vector<16xf32>
        %swap3A_1104 = arith.index_cast %scan3A_1051 : i32 to index
        %swap3A_1105 = arith.constant 48 : index
        %swap3A_1106 = tpu.vector_load %arg10[%swap3A_1104, %swap3A_1105] {strides = array<i32>} : memref<128x64xf32, #tpu.memory_space<vmem>>, vector<1x16xf32>,
        %swap3A_1107 = vector.shape_cast %swap3A_1106 : vector<1x16xf32> to vector<16xf32>
        %swap3A_1108 = vector.shape_cast %add3A_1103 : vector<16xf32> to vector<1x16xf32>
        tpu.vector_store %arg10[%swap3A_1104, %swap3A_1105], %swap3A_1108 {strides = array<i32>} : memref<128x64xf32, #tpu.memory_space<vmem>>, vector<1x16xf32>,
        %scan3A_1109 = arith.constant 2 : i32
        %scan3A_1110 = arith.addi %scan3A_993, %scan3A_1109 : i32
        %add3A_1111 = arith.addi %rem3A_709, %scan3A_1110 : i32
        %get3A_1112 = arith.index_cast %scan3A_1110 : i32 to index
        %get3A_1113 = arith.constant 0 : index
        %get3A_1114 = tpu.vector_load %arg10[%get3A_1112, %get3A_1113] {strides = array<i32>} : memref<128x64xf32, #tpu.memory_space<vmem>>, vector<1x16xf32>,
        %get3A_1115 = vector.shape_cast %get3A_1114 : vector<1x16xf32> to vector<16xf32>
        %get3A_1116 = arith.index_cast %add3A_1111 : i32 to index
        %get3A_1117 = arith.constant 0 : index
        %get3A_1118 = tpu.vector_load %arg7[%get3A_1116, %get3A_1117] {strides = array<i32>} : memref<328x64xf32, #tpu.memory_space<vmem>>, vector<1x16xf32>,
        %get3A_1119 = vector.shape_cast %get3A_1118 : vector<1x16xf32> to vector<16xf32>
        %add3A_1120 = arith.addf %get3A_1115, %get3A_1119 : vector<16xf32>
        %swap3A_1121 = arith.index_cast %scan3A_1110 : i32 to index
        %swap3A_1122 = arith.constant 0 : index
        %swap3A_1123 = tpu.vector_load %arg10[%swap3A_1121, %swap3A_1122] {strides = array<i32>} : memref<128x64xf32, #tpu.memory_space<vmem>>, vector<1x16xf32>,
        %swap3A_1124 = vector.shape_cast %swap3A_1123 : vector<1x16xf32> to vector<16xf32>
        %swap3A_1125 = vector.shape_cast %add3A_1120 : vector<16xf32> to vector<1x16xf32>
        tpu.vector_store %arg10[%swap3A_1121, %swap3A_1122], %swap3A_1125 {strides = array<i32>} : memref<128x64xf32, #tpu.memory_space<vmem>>, vector<1x16xf32>,
        %get3A_1126 = arith.index_cast %scan3A_1110 : i32 to index
        %get3A_1127 = arith.constant 16 : index
        %get3A_1128 = tpu.vector_load %arg10[%get3A_1126, %get3A_1127] {strides = array<i32>} : memref<128x64xf32, #tpu.memory_space<vmem>>, vector<1x16xf32>,
        %get3A_1129 = vector.shape_cast %get3A_1128 : vector<1x16xf32> to vector<16xf32>
        %get3A_1130 = arith.index_cast %add3A_1111 : i32 to index
        %get3A_1131 = arith.constant 16 : index
        %get3A_1132 = tpu.vector_load %arg7[%get3A_1130, %get3A_1131] {strides = array<i32>} : memref<328x64xf32, #tpu.memory_space<vmem>>, vector<1x16xf32>,
        %get3A_1133 = vector.shape_cast %get3A_1132 : vector<1x16xf32> to vector<16xf32>
        %add3A_1134 = arith.addf %get3A_1129, %get3A_1133 : vector<16xf32>
        %swap3A_1135 = arith.index_cast %scan3A_1110 : i32 to index
        %swap3A_1136 = arith.constant 16 : index
        %swap3A_1137 = tpu.vector_load %arg10[%swap3A_1135, %swap3A_1136] {strides = array<i32>} : memref<128x64xf32, #tpu.memory_space<vmem>>, vector<1x16xf32>,
        %swap3A_1138 = vector.shape_cast %swap3A_1137 : vector<1x16xf32> to vector<16xf32>
        %swap3A_1139 = vector.shape_cast %add3A_1134 : vector<16xf32> to vector<1x16xf32>
        tpu.vector_store %arg10[%swap3A_1135, %swap3A_1136], %swap3A_1139 {strides = array<i32>} : memref<128x64xf32, #tpu.memory_space<vmem>>, vector<1x16xf32>,
        %get3A_1140 = arith.index_cast %scan3A_1110 : i32 to index
        %get3A_1141 = arith.constant 32 : index
        %get3A_1142 = tpu.vector_load %arg10[%get3A_1140, %get3A_1141] {strides = array<i32>} : memref<128x64xf32, #tpu.memory_space<vmem>>, vector<1x16xf32>,
        %get3A_1143 = vector.shape_cast %get3A_1142 : vector<1x16xf32> to vector<16xf32>
        %get3A_1144 = arith.index_cast %add3A_1111 : i32 to index
        %get3A_1145 = arith.constant 32 : index
        %get3A_1146 = tpu.vector_load %arg7[%get3A_1144, %get3A_1145] {strides = array<i32>} : memref<328x64xf32, #tpu.memory_space<vmem>>, vector<1x16xf32>,
        %get3A_1147 = vector.shape_cast %get3A_1146 : vector<1x16xf32> to vector<16xf32>
        %add3A_1148 = arith.addf %get3A_1143, %get3A_1147 : vector<16xf32>
        %swap3A_1149 = arith.index_cast %scan3A_1110 : i32 to index
        %swap3A_1150 = arith.constant 32 : index
        %swap3A_1151 = tpu.vector_load %arg10[%swap3A_1149, %swap3A_1150] {strides = array<i32>} : memref<128x64xf32, #tpu.memory_space<vmem>>, vector<1x16xf32>,
        %swap3A_1152 = vector.shape_cast %swap3A_1151 : vector<1x16xf32> to vector<16xf32>
        %swap3A_1153 = vector.shape_cast %add3A_1148 : vector<16xf32> to vector<1x16xf32>
        tpu.vector_store %arg10[%swap3A_1149, %swap3A_1150], %swap3A_1153 {strides = array<i32>} : memref<128x64xf32, #tpu.memory_space<vmem>>, vector<1x16xf32>,
        %get3A_1154 = arith.index_cast %scan3A_1110 : i32 to index
        %get3A_1155 = arith.constant 48 : index
        %get3A_1156 = tpu.vector_load %arg10[%get3A_1154, %get3A_1155] {strides = array<i32>} : memref<128x64xf32, #tpu.memory_space<vmem>>, vector<1x16xf32>,
        %get3A_1157 = vector.shape_cast %get3A_1156 : vector<1x16xf32> to vector<16xf32>
        %get3A_1158 = arith.index_cast %add3A_1111 : i32 to index
        %get3A_1159 = arith.constant 48 : index
        %get3A_1160 = tpu.vector_load %arg7[%get3A_1158, %get3A_1159] {strides = array<i32>} : memref<328x64xf32, #tpu.memory_space<vmem>>, vector<1x16xf32>,
        %get3A_1161 = vector.shape_cast %get3A_1160 : vector<1x16xf32> to vector<16xf32>
        %add3A_1162 = arith.addf %get3A_1157, %get3A_1161 : vector<16xf32>
        %swap3A_1163 = arith.index_cast %scan3A_1110 : i32 to index
        %swap3A_1164 = arith.constant 48 : index
        %swap3A_1165 = tpu.vector_load %arg10[%swap3A_1163, %swap3A_1164] {strides = array<i32>} : memref<128x64xf32, #tpu.memory_space<vmem>>, vector<1x16xf32>,
        %swap3A_1166 = vector.shape_cast %swap3A_1165 : vector<1x16xf32> to vector<16xf32>
        %swap3A_1167 = vector.shape_cast %add3A_1162 : vector<16xf32> to vector<1x16xf32>
        tpu.vector_store %arg10[%swap3A_1163, %swap3A_1164], %swap3A_1167 {strides = array<i32>} : memref<128x64xf32, #tpu.memory_space<vmem>>, vector<1x16xf32>,
        %scan3A_1168 = arith.constant 3 : i32
        %scan3A_1169 = arith.addi %scan3A_993, %scan3A_1168 : i32
        %add3A_1170 = arith.addi %rem3A_709, %scan3A_1169 : i32
        %get3A_1171 = arith.index_cast %scan3A_1169 : i32 to index
        %get3A_1172 = arith.constant 0 : index
        %get3A_1173 = tpu.vector_load %arg10[%get3A_1171, %get3A_1172] {strides = array<i32>} : memref<128x64xf32, #tpu.memory_space<vmem>>, vector<1x16xf32>,
        %get3A_1174 = vector.shape_cast %get3A_1173 : vector<1x16xf32> to vector<16xf32>
        %get3A_1175 = arith.index_cast %add3A_1170 : i32 to index
        %get3A_1176 = arith.constant 0 : index
        %get3A_1177 = tpu.vector_load %arg7[%get3A_1175, %get3A_1176] {strides = array<i32>} : memref<328x64xf32, #tpu.memory_space<vmem>>, vector<1x16xf32>,
        %get3A_1178 = vector.shape_cast %get3A_1177 : vector<1x16xf32> to vector<16xf32>
        %add3A_1179 = arith.addf %get3A_1174, %get3A_1178 : vector<16xf32>
        %swap3A_1180 = arith.index_cast %scan3A_1169 : i32 to index
        %swap3A_1181 = arith.constant 0 : index
        %swap3A_1182 = tpu.vector_load %arg10[%swap3A_1180, %swap3A_1181] {strides = array<i32>} : memref<128x64xf32, #tpu.memory_space<vmem>>, vector<1x16xf32>,
        %swap3A_1183 = vector.shape_cast %swap3A_1182 : vector<1x16xf32> to vector<16xf32>
        %swap3A_1184 = vector.shape_cast %add3A_1179 : vector<16xf32> to vector<1x16xf32>
        tpu.vector_store %arg10[%swap3A_1180, %swap3A_1181], %swap3A_1184 {strides = array<i32>} : memref<128x64xf32, #tpu.memory_space<vmem>>, vector<1x16xf32>,
        %get3A_1185 = arith.index_cast %scan3A_1169 : i32 to index
        %get3A_1186 = arith.constant 16 : index
        %get3A_1187 = tpu.vector_load %arg10[%get3A_1185, %get3A_1186] {strides = array<i32>} : memref<128x64xf32, #tpu.memory_space<vmem>>, vector<1x16xf32>,
        %get3A_1188 = vector.shape_cast %get3A_1187 : vector<1x16xf32> to vector<16xf32>
        %get3A_1189 = arith.index_cast %add3A_1170 : i32 to index
        %get3A_1190 = arith.constant 16 : index
        %get3A_1191 = tpu.vector_load %arg7[%get3A_1189, %get3A_1190] {strides = array<i32>} : memref<328x64xf32, #tpu.memory_space<vmem>>, vector<1x16xf32>,
        %get3A_1192 = vector.shape_cast %get3A_1191 : vector<1x16xf32> to vector<16xf32>
        %add3A_1193 = arith.addf %get3A_1188, %get3A_1192 : vector<16xf32>
        %swap3A_1194 = arith.index_cast %scan3A_1169 : i32 to index
        %swap3A_1195 = arith.constant 16 : index
        %swap3A_1196 = tpu.vector_load %arg10[%swap3A_1194, %swap3A_1195] {strides = array<i32>} : memref<128x64xf32, #tpu.memory_space<vmem>>, vector<1x16xf32>,
        %swap3A_1197 = vector.shape_cast %swap3A_1196 : vector<1x16xf32> to vector<16xf32>
        %swap3A_1198 = vector.shape_cast %add3A_1193 : vector<16xf32> to vector<1x16xf32>
        tpu.vector_store %arg10[%swap3A_1194, %swap3A_1195], %swap3A_1198 {strides = array<i32>} : memref<128x64xf32, #tpu.memory_space<vmem>>, vector<1x16xf32>,
        %get3A_1199 = arith.index_cast %scan3A_1169 : i32 to index
        %get3A_1200 = arith.constant 32 : index
        %get3A_1201 = tpu.vector_load %arg10[%get3A_1199, %get3A_1200] {strides = array<i32>} : memref<128x64xf32, #tpu.memory_space<vmem>>, vector<1x16xf32>,
        %get3A_1202 = vector.shape_cast %get3A_1201 : vector<1x16xf32> to vector<16xf32>
        %get3A_1203 = arith.index_cast %add3A_1170 : i32 to index
        %get3A_1204 = arith.constant 32 : index
        %get3A_1205 = tpu.vector_load %arg7[%get3A_1203, %get3A_1204] {strides = array<i32>} : memref<328x64xf32, #tpu.memory_space<vmem>>, vector<1x16xf32>,
        %get3A_1206 = vector.shape_cast %get3A_1205 : vector<1x16xf32> to vector<16xf32>
        %add3A_1207 = arith.addf %get3A_1202, %get3A_1206 : vector<16xf32>
        %swap3A_1208 = arith.index_cast %scan3A_1169 : i32 to index
        %swap3A_1209 = arith.constant 32 : index
        %swap3A_1210 = tpu.vector_load %arg10[%swap3A_1208, %swap3A_1209] {strides = array<i32>} : memref<128x64xf32, #tpu.memory_space<vmem>>, vector<1x16xf32>,
        %swap3A_1211 = vector.shape_cast %swap3A_1210 : vector<1x16xf32> to vector<16xf32>
        %swap3A_1212 = vector.shape_cast %add3A_1207 : vector<16xf32> to vector<1x16xf32>
        tpu.vector_store %arg10[%swap3A_1208, %swap3A_1209], %swap3A_1212 {strides = array<i32>} : memref<128x64xf32, #tpu.memory_space<vmem>>, vector<1x16xf32>,
        %get3A_1213 = arith.index_cast %scan3A_1169 : i32 to index
        %get3A_1214 = arith.constant 48 : index
        %get3A_1215 = tpu.vector_load %arg10[%get3A_1213, %get3A_1214] {strides = array<i32>} : memref<128x64xf32, #tpu.memory_space<vmem>>, vector<1x16xf32>,
        %get3A_1216 = vector.shape_cast %get3A_1215 : vector<1x16xf32> to vector<16xf32>
        %get3A_1217 = arith.index_cast %add3A_1170 : i32 to index
        %get3A_1218 = arith.constant 48 : index
        %get3A_1219 = tpu.vector_load %arg7[%get3A_1217, %get3A_1218] {strides = array<i32>} : memref<328x64xf32, #tpu.memory_space<vmem>>, vector<1x16xf32>,
        %get3A_1220 = vector.shape_cast %get3A_1219 : vector<1x16xf32> to vector<16xf32>
        %add3A_1221 = arith.addf %get3A_1216, %get3A_1220 : vector<16xf32>
        %swap3A_1222 = arith.index_cast %scan3A_1169 : i32 to index
        %swap3A_1223 = arith.constant 48 : index
        %swap3A_1224 = tpu.vector_load %arg10[%swap3A_1222, %swap3A_1223] {strides = array<i32>} : memref<128x64xf32, #tpu.memory_space<vmem>>, vector<1x16xf32>,
        %swap3A_1225 = vector.shape_cast %swap3A_1224 : vector<1x16xf32> to vector<16xf32>
        %swap3A_1226 = vector.shape_cast %add3A_1221 : vector<16xf32> to vector<1x16xf32>
        tpu.vector_store %arg10[%swap3A_1222, %swap3A_1223], %swap3A_1226 {strides = array<i32>} : memref<128x64xf32, #tpu.memory_space<vmem>>, vector<1x16xf32>,
      }
      %scan3A_715 = arith.constant 128 : i32
      %add3A_716 = arith.addi %mul3A_2, %add3A_611 : i32
      %mul3A_717 = arith.constant 128 : i32
      %mul3A_718 = arith.muli %add3A_716, %mul3A_717 : i32
      %dma_start3A_719 = arith.constant 0 : i32
      %dma_start3A_720 = tpu.memref_slice %arg5[%mul3A_718, %dma_start3A_719] : memref<819200x64xf32, #tpu.memory_space<hbm>> -> memref<128x64xf32, #tpu.memory_space<hbm>>
      %dma_start3A_721 = arith.constant 0 : i32
      %dma_start3A_722 = tpu.memref_slice %arg5[%mul3A_718, %dma_start3A_721] : memref<819200x64xf32, #tpu.memory_space<hbm>> -> memref<128x64xf32, #tpu.memory_space<hbm>>
      tpu.enqueue_dma source(%arg10 : memref<128x64xf32, #tpu.memory_space<vmem>>) target(%dma_start3A_722 : memref<128x64xf32, #tpu.memory_space<hbm>>) target_semaphore(%arg26 : memref<!tpu.dma_semaphore, #tpu.memory_space<semaphore_mem>>)
      %mul3A_723 = arith.constant 8 : i32
      %mul3A_724 = arith.muli %scan3A_381, %mul3A_723 : i32
      %add3A_725 = arith.constant 3 : i32
      %add3A_726 = arith.addi %mul3A_724, %add3A_725 : i32
      %gt3A_727 = arith.constant 0 : i32
      %gt3A_728 = arith.cmpi sgt, %scan3A_381, %gt3A_727 : i32
      %convert_element_type3A_729 = arith.extui %gt3A_728 : i1 to i32
      %cond3A_730 = arith.constant 0 : i32
      %cond3A_731 = arith.cmpi ne, %convert_element_type3A_729, %cond3A_730 : i32
      scf.if %cond3A_731 {
        %mul3A_993 = arith.constant 128 : i32
        %mul3A_994 = arith.muli %mul3A_2, %mul3A_993 : i32
        %dma_wait3A_995 = arith.constant 0 : i32
        %dma_wait3A_996 = tpu.memref_slice %arg5[%mul3A_994, %dma_wait3A_995] : memref<819200x64xf32, #tpu.memory_space<hbm>> -> memref<128x64xf32, #tpu.memory_space<hbm>>
        %dma_wait3A_997 = arith.constant 0 : i32
        %dma_wait3A_998 = tpu.memref_slice %arg5[%mul3A_994, %dma_wait3A_997] : memref<819200x64xf32, #tpu.memory_space<hbm>> -> memref<128x64xf32, #tpu.memory_space<hbm>>
        tpu.wait_dma2 semaphore(%arg31 : memref<!tpu.dma_semaphore, #tpu.memory_space<semaphore_mem>>) src(%arg15 : memref<128x64xf32, #tpu.memory_space<vmem>>) dst(%dma_wait3A_998 : memref<128x64xf32, #tpu.memory_space<hbm>>)
      } else {
      }
      %add3A_732 = arith.constant 4 : i32
      %add3A_733 = arith.addi %add3A_726, %add3A_732 : i32
      %get3A_734 = arith.index_cast %add3A_733 : i32 to index
      %get3A_735 = arith.constant 0 : index
      %get3A_736 = tpu.vector_load %arg6[%get3A_734, %get3A_735] {strides = array<i32>} : memref<200x128xi32, #tpu.memory_space<vmem>>, vector<1x16xi32>,
      %get3A_737 = vector.shape_cast %get3A_736 : vector<1x16xi32> to vector<16xi32>
      %dma_start3A_738 = arith.constant 0 : i32
      %dma_start3A_739 = arith.constant 0 : i32
      %dma_start3A_740 = tpu.memref_slice %arg15[%dma_start3A_738, %dma_start3A_739] : memref<128x64xf32, #tpu.memory_space<vmem>> -> memref<16x64xf32, #tpu.memory_space<vmem>>
      %dma_start3A_741 = arith.constant 0 : i32
      %dma_start3A_742 = arith.constant 0 : i32
      %dma_start3A_743 = tpu.memref_slice %arg3[%dma_start3A_741, %dma_start3A_742] : memref<1000000x64xf32, #tpu.memory_space<hbm>> -> memref<1000000x64xf32, #tpu.memory_space<hbm>>
      tpu.enqueue_indirect_dma source(%dma_start3A_743 : memref<1000000x64xf32, #tpu.memory_space<hbm>>) target(%dma_start3A_740 : memref<16x64xf32, #tpu.memory_space<vmem>>) offsets(%get3A_737 : vector<16xi32>) semaphore(%arg23 : memref<!tpu.dma_semaphore, #tpu.memory_space<semaphore_mem>>)
      %get3A_744 = arith.index_cast %add3A_733 : i32 to index
      %get3A_745 = arith.constant 16 : index
      %get3A_746 = tpu.vector_load %arg6[%get3A_744, %get3A_745] {strides = array<i32>} : memref<200x128xi32, #tpu.memory_space<vmem>>, vector<1x16xi32>,
      %get3A_747 = vector.shape_cast %get3A_746 : vector<1x16xi32> to vector<16xi32>
      %dma_start3A_748 = arith.constant 16 : i32
      %dma_start3A_749 = arith.constant 0 : i32
      %dma_start3A_750 = tpu.memref_slice %arg15[%dma_start3A_748, %dma_start3A_749] : memref<128x64xf32, #tpu.memory_space<vmem>> -> memref<16x64xf32, #tpu.memory_space<vmem>>
      %dma_start3A_751 = arith.constant 0 : i32
      %dma_start3A_752 = arith.constant 0 : i32
      %dma_start3A_753 = tpu.memref_slice %arg3[%dma_start3A_751, %dma_start3A_752] : memref<1000000x64xf32, #tpu.memory_space<hbm>> -> memref<1000000x64xf32, #tpu.memory_space<hbm>>
      tpu.enqueue_indirect_dma source(%dma_start3A_753 : memref<1000000x64xf32, #tpu.memory_space<hbm>>) target(%dma_start3A_750 : memref<16x64xf32, #tpu.memory_space<vmem>>) offsets(%get3A_747 : vector<16xi32>) semaphore(%arg23 : memref<!tpu.dma_semaphore, #tpu.memory_space<semaphore_mem>>)
      %get3A_754 = arith.index_cast %add3A_733 : i32 to index
      %get3A_755 = arith.constant 32 : index
      %get3A_756 = tpu.vector_load %arg6[%get3A_754, %get3A_755] {strides = array<i32>} : memref<200x128xi32, #tpu.memory_space<vmem>>, vector<1x16xi32>,
      %get3A_757 = vector.shape_cast %get3A_756 : vector<1x16xi32> to vector<16xi32>
      %dma_start3A_758 = arith.constant 32 : i32
      %dma_start3A_759 = arith.constant 0 : i32
      %dma_start3A_760 = tpu.memref_slice %arg15[%dma_start3A_758, %dma_start3A_759] : memref<128x64xf32, #tpu.memory_space<vmem>> -> memref<16x64xf32, #tpu.memory_space<vmem>>
      %dma_start3A_761 = arith.constant 0 : i32
      %dma_start3A_762 = arith.constant 0 : i32
      %dma_start3A_763 = tpu.memref_slice %arg3[%dma_start3A_761, %dma_start3A_762] : memref<1000000x64xf32, #tpu.memory_space<hbm>> -> memref<1000000x64xf32, #tpu.memory_space<hbm>>
      tpu.enqueue_indirect_dma source(%dma_start3A_763 : memref<1000000x64xf32, #tpu.memory_space<hbm>>) target(%dma_start3A_760 : memref<16x64xf32, #tpu.memory_space<vmem>>) offsets(%get3A_757 : vector<16xi32>) semaphore(%arg23 : memref<!tpu.dma_semaphore, #tpu.memory_space<semaphore_mem>>)
      %get3A_764 = arith.index_cast %add3A_733 : i32 to index
      %get3A_765 = arith.constant 48 : index
      %get3A_766 = tpu.vector_load %arg6[%get3A_764, %get3A_765] {strides = array<i32>} : memref<200x128xi32, #tpu.memory_space<vmem>>, vector<1x16xi32>,
      %get3A_767 = vector.shape_cast %get3A_766 : vector<1x16xi32> to vector<16xi32>
      %dma_start3A_768 = arith.constant 48 : i32
      %dma_start3A_769 = arith.constant 0 : i32
      %dma_start3A_770 = tpu.memref_slice %arg15[%dma_start3A_768, %dma_start3A_769] : memref<128x64xf32, #tpu.memory_space<vmem>> -> memref<16x64xf32, #tpu.memory_space<vmem>>
      %dma_start3A_771 = arith.constant 0 : i32
      %dma_start3A_772 = arith.constant 0 : i32
      %dma_start3A_773 = tpu.memref_slice %arg3[%dma_start3A_771, %dma_start3A_772] : memref<1000000x64xf32, #tpu.memory_space<hbm>> -> memref<1000000x64xf32, #tpu.memory_space<hbm>>
      tpu.enqueue_indirect_dma source(%dma_start3A_773 : memref<1000000x64xf32, #tpu.memory_space<hbm>>) target(%dma_start3A_770 : memref<16x64xf32, #tpu.memory_space<vmem>>) offsets(%get3A_767 : vector<16xi32>) semaphore(%arg23 : memref<!tpu.dma_semaphore, #tpu.memory_space<semaphore_mem>>)
      %get3A_774 = arith.index_cast %add3A_733 : i32 to index
      %get3A_775 = arith.constant 64 : index
      %get3A_776 = tpu.vector_load %arg6[%get3A_774, %get3A_775] {strides = array<i32>} : memref<200x128xi32, #tpu.memory_space<vmem>>, vector<1x16xi32>,
      %get3A_777 = vector.shape_cast %get3A_776 : vector<1x16xi32> to vector<16xi32>
      %dma_start3A_778 = arith.constant 64 : i32
      %dma_start3A_779 = arith.constant 0 : i32
      %dma_start3A_780 = tpu.memref_slice %arg15[%dma_start3A_778, %dma_start3A_779] : memref<128x64xf32, #tpu.memory_space<vmem>> -> memref<16x64xf32, #tpu.memory_space<vmem>>
      %dma_start3A_781 = arith.constant 0 : i32
      %dma_start3A_782 = arith.constant 0 : i32
      %dma_start3A_783 = tpu.memref_slice %arg3[%dma_start3A_781, %dma_start3A_782] : memref<1000000x64xf32, #tpu.memory_space<hbm>> -> memref<1000000x64xf32, #tpu.memory_space<hbm>>
      tpu.enqueue_indirect_dma source(%dma_start3A_783 : memref<1000000x64xf32, #tpu.memory_space<hbm>>) target(%dma_start3A_780 : memref<16x64xf32, #tpu.memory_space<vmem>>) offsets(%get3A_777 : vector<16xi32>) semaphore(%arg23 : memref<!tpu.dma_semaphore, #tpu.memory_space<semaphore_mem>>)
      %get3A_784 = arith.index_cast %add3A_733 : i32 to index
      %get3A_785 = arith.constant 80 : index
      %get3A_786 = tpu.vector_load %arg6[%get3A_784, %get3A_785] {strides = array<i32>} : memref<200x128xi32, #tpu.memory_space<vmem>>, vector<1x16xi32>,
      %get3A_787 = vector.shape_cast %get3A_786 : vector<1x16xi32> to vector<16xi32>
      %dma_start3A_788 = arith.constant 80 : i32
      %dma_start3A_789 = arith.constant 0 : i32
      %dma_start3A_790 = tpu.memref_slice %arg15[%dma_start3A_788, %dma_start3A_789] : memref<128x64xf32, #tpu.memory_space<vmem>> -> memref<16x64xf32, #tpu.memory_space<vmem>>
      %dma_start3A_791 = arith.constant 0 : i32
      %dma_start3A_792 = arith.constant 0 : i32
      %dma_start3A_793 = tpu.memref_slice %arg3[%dma_start3A_791, %dma_start3A_792] : memref<1000000x64xf32, #tpu.memory_space<hbm>> -> memref<1000000x64xf32, #tpu.memory_space<hbm>>
      tpu.enqueue_indirect_dma source(%dma_start3A_793 : memref<1000000x64xf32, #tpu.memory_space<hbm>>) target(%dma_start3A_790 : memref<16x64xf32, #tpu.memory_space<vmem>>) offsets(%get3A_787 : vector<16xi32>) semaphore(%arg23 : memref<!tpu.dma_semaphore, #tpu.memory_space<semaphore_mem>>)
      %get3A_794 = arith.index_cast %add3A_733 : i32 to index
      %get3A_795 = arith.constant 96 : index
      %get3A_796 = tpu.vector_load %arg6[%get3A_794, %get3A_795] {strides = array<i32>} : memref<200x128xi32, #tpu.memory_space<vmem>>, vector<1x16xi32>,
      %get3A_797 = vector.shape_cast %get3A_796 : vector<1x16xi32> to vector<16xi32>
      %dma_start3A_798 = arith.constant 96 : i32
      %dma_start3A_799 = arith.constant 0 : i32
      %dma_start3A_800 = tpu.memref_slice %arg15[%dma_start3A_798, %dma_start3A_799] : memref<128x64xf32, #tpu.memory_space<vmem>> -> memref<16x64xf32, #tpu.memory_space<vmem>>
      %dma_start3A_801 = arith.constant 0 : i32
      %dma_start3A_802 = arith.constant 0 : i32
      %dma_start3A_803 = tpu.memref_slice %arg3[%dma_start3A_801, %dma_start3A_802] : memref<1000000x64xf32, #tpu.memory_space<hbm>> -> memref<1000000x64xf32, #tpu.memory_space<hbm>>
      tpu.enqueue_indirect_dma source(%dma_start3A_803 : memref<1000000x64xf32, #tpu.memory_space<hbm>>) target(%dma_start3A_800 : memref<16x64xf32, #tpu.memory_space<vmem>>) offsets(%get3A_797 : vector<16xi32>) semaphore(%arg23 : memref<!tpu.dma_semaphore, #tpu.memory_space<semaphore_mem>>)
      %get3A_804 = arith.index_cast %add3A_733 : i32 to index
      %get3A_805 = arith.constant 112 : index
      %get3A_806 = tpu.vector_load %arg6[%get3A_804, %get3A_805] {strides = array<i32>} : memref<200x128xi32, #tpu.memory_space<vmem>>, vector<1x16xi32>,
      %get3A_807 = vector.shape_cast %get3A_806 : vector<1x16xi32> to vector<16xi32>
      %dma_start3A_808 = arith.constant 112 : i32
      %dma_start3A_809 = arith.constant 0 : i32
      %dma_start3A_810 = tpu.memref_slice %arg15[%dma_start3A_808, %dma_start3A_809] : memref<128x64xf32, #tpu.memory_space<vmem>> -> memref<16x64xf32, #tpu.memory_space<vmem>>
      %dma_start3A_811 = arith.constant 0 : i32
      %dma_start3A_812 = arith.constant 0 : i32
      %dma_start3A_813 = tpu.memref_slice %arg3[%dma_start3A_811, %dma_start3A_812] : memref<1000000x64xf32, #tpu.memory_space<hbm>> -> memref<1000000x64xf32, #tpu.memory_space<hbm>>
      tpu.enqueue_indirect_dma source(%dma_start3A_813 : memref<1000000x64xf32, #tpu.memory_space<hbm>>) target(%dma_start3A_810 : memref<16x64xf32, #tpu.memory_space<vmem>>) offsets(%get3A_807 : vector<16xi32>) semaphore(%arg23 : memref<!tpu.dma_semaphore, #tpu.memory_space<semaphore_mem>>)
      %dma_wait3A_814 = arith.constant 0 : i32
      %dma_wait3A_815 = arith.constant 0 : i32
      %dma_wait3A_816 = tpu.memref_slice %arg6[%dma_wait3A_814, %dma_wait3A_815] : memref<200x128xi32, #tpu.memory_space<vmem>> -> memref<1x128xi32, #tpu.memory_space<vmem>>
      %dma_wait3A_817 = tpu.memref_squeeze %dma_wait3A_816 : memref<1x128xi32, #tpu.memory_space<vmem>> -> memref<128xi32, #tpu.memory_space<vmem>>
      %dma_wait3A_818 = arith.constant 0 : i32
      %dma_wait3A_819 = arith.constant 0 : i32
      %dma_wait3A_820 = tpu.memref_slice %arg3[%dma_wait3A_818, %dma_wait3A_819] : memref<1000000x64xf32, #tpu.memory_space<hbm>> -> memref<1000000x64xf32, #tpu.memory_space<hbm>>
      tpu.wait_indirect_dma semaphore(%arg19 : memref<!tpu.dma_semaphore, #tpu.memory_space<semaphore_mem>>) src(%dma_wait3A_820 : memref<1000000x64xf32, #tpu.memory_space<hbm>>) dst(%arg11 : memref<128x64xf32, #tpu.memory_space<vmem>>)
      %mul3A_821 = arith.constant 128 : i32
      %mul3A_822 = arith.muli %add3A_726, %mul3A_821 : i32
      %rem3A_823 = arith.constant 200 : i32
      %rem3A_824 = arith.remsi %mul3A_822, %rem3A_823 : i32
      %scan3A_825 = arith.constant 0 : i32
      %scan3A_826 = arith.constant 0 : i32
      %scan3A_827 = arith.constant 128 : i32
      %scan3A_828 = arith.addi %scan3A_826, %scan3A_827 : i32
      %scan3A_829 = arith.constant 4 : i32
      scf.for %scan3A_993 = %scan3A_826 to %scan3A_828 step %scan3A_829  : i32 {
        %add3A_994 = arith.addi %rem3A_824, %scan3A_993 : i32
        %get3A_995 = arith.index_cast %scan3A_993 : i32 to index
        %get3A_996 = arith.constant 0 : index
        %get3A_997 = tpu.vector_load %arg11[%get3A_995, %get3A_996] {strides = array<i32>} : memref<128x64xf32, #tpu.memory_space<vmem>>, vector<1x16xf32>,
        %get3A_998 = vector.shape_cast %get3A_997 : vector<1x16xf32> to vector<16xf32>
        %get3A_999 = arith.index_cast %add3A_994 : i32 to index
        %get3A_1000 = arith.constant 0 : index
        %get3A_1001 = tpu.vector_load %arg7[%get3A_999, %get3A_1000] {strides = array<i32>} : memref<328x64xf32, #tpu.memory_space<vmem>>, vector<1x16xf32>,
        %get3A_1002 = vector.shape_cast %get3A_1001 : vector<1x16xf32> to vector<16xf32>
        %add3A_1003 = arith.addf %get3A_998, %get3A_1002 : vector<16xf32>
        %swap3A = arith.index_cast %scan3A_993 : i32 to index
        %swap3A_1004 = arith.constant 0 : index
        %swap3A_1005 = tpu.vector_load %arg11[%swap3A, %swap3A_1004] {strides = array<i32>} : memref<128x64xf32, #tpu.memory_space<vmem>>, vector<1x16xf32>,
        %swap3A_1006 = vector.shape_cast %swap3A_1005 : vector<1x16xf32> to vector<16xf32>
        %swap3A_1007 = vector.shape_cast %add3A_1003 : vector<16xf32> to vector<1x16xf32>
        tpu.vector_store %arg11[%swap3A, %swap3A_1004], %swap3A_1007 {strides = array<i32>} : memref<128x64xf32, #tpu.memory_space<vmem>>, vector<1x16xf32>,
        %get3A_1008 = arith.index_cast %scan3A_993 : i32 to index
        %get3A_1009 = arith.constant 16 : index
        %get3A_1010 = tpu.vector_load %arg11[%get3A_1008, %get3A_1009] {strides = array<i32>} : memref<128x64xf32, #tpu.memory_space<vmem>>, vector<1x16xf32>,
        %get3A_1011 = vector.shape_cast %get3A_1010 : vector<1x16xf32> to vector<16xf32>
        %get3A_1012 = arith.index_cast %add3A_994 : i32 to index
        %get3A_1013 = arith.constant 16 : index
        %get3A_1014 = tpu.vector_load %arg7[%get3A_1012, %get3A_1013] {strides = array<i32>} : memref<328x64xf32, #tpu.memory_space<vmem>>, vector<1x16xf32>,
        %get3A_1015 = vector.shape_cast %get3A_1014 : vector<1x16xf32> to vector<16xf32>
        %add3A_1016 = arith.addf %get3A_1011, %get3A_1015 : vector<16xf32>
        %swap3A_1017 = arith.index_cast %scan3A_993 : i32 to index
        %swap3A_1018 = arith.constant 16 : index
        %swap3A_1019 = tpu.vector_load %arg11[%swap3A_1017, %swap3A_1018] {strides = array<i32>} : memref<128x64xf32, #tpu.memory_space<vmem>>, vector<1x16xf32>,
        %swap3A_1020 = vector.shape_cast %swap3A_1019 : vector<1x16xf32> to vector<16xf32>
        %swap3A_1021 = vector.shape_cast %add3A_1016 : vector<16xf32> to vector<1x16xf32>
        tpu.vector_store %arg11[%swap3A_1017, %swap3A_1018], %swap3A_1021 {strides = array<i32>} : memref<128x64xf32, #tpu.memory_space<vmem>>, vector<1x16xf32>,
        %get3A_1022 = arith.index_cast %scan3A_993 : i32 to index
        %get3A_1023 = arith.constant 32 : index
        %get3A_1024 = tpu.vector_load %arg11[%get3A_1022, %get3A_1023] {strides = array<i32>} : memref<128x64xf32, #tpu.memory_space<vmem>>, vector<1x16xf32>,
        %get3A_1025 = vector.shape_cast %get3A_1024 : vector<1x16xf32> to vector<16xf32>
        %get3A_1026 = arith.index_cast %add3A_994 : i32 to index
        %get3A_1027 = arith.constant 32 : index
        %get3A_1028 = tpu.vector_load %arg7[%get3A_1026, %get3A_1027] {strides = array<i32>} : memref<328x64xf32, #tpu.memory_space<vmem>>, vector<1x16xf32>,
        %get3A_1029 = vector.shape_cast %get3A_1028 : vector<1x16xf32> to vector<16xf32>
        %add3A_1030 = arith.addf %get3A_1025, %get3A_1029 : vector<16xf32>
        %swap3A_1031 = arith.index_cast %scan3A_993 : i32 to index
        %swap3A_1032 = arith.constant 32 : index
        %swap3A_1033 = tpu.vector_load %arg11[%swap3A_1031, %swap3A_1032] {strides = array<i32>} : memref<128x64xf32, #tpu.memory_space<vmem>>, vector<1x16xf32>,
        %swap3A_1034 = vector.shape_cast %swap3A_1033 : vector<1x16xf32> to vector<16xf32>
        %swap3A_1035 = vector.shape_cast %add3A_1030 : vector<16xf32> to vector<1x16xf32>
        tpu.vector_store %arg11[%swap3A_1031, %swap3A_1032], %swap3A_1035 {strides = array<i32>} : memref<128x64xf32, #tpu.memory_space<vmem>>, vector<1x16xf32>,
        %get3A_1036 = arith.index_cast %scan3A_993 : i32 to index
        %get3A_1037 = arith.constant 48 : index
        %get3A_1038 = tpu.vector_load %arg11[%get3A_1036, %get3A_1037] {strides = array<i32>} : memref<128x64xf32, #tpu.memory_space<vmem>>, vector<1x16xf32>,
        %get3A_1039 = vector.shape_cast %get3A_1038 : vector<1x16xf32> to vector<16xf32>
        %get3A_1040 = arith.index_cast %add3A_994 : i32 to index
        %get3A_1041 = arith.constant 48 : index
        %get3A_1042 = tpu.vector_load %arg7[%get3A_1040, %get3A_1041] {strides = array<i32>} : memref<328x64xf32, #tpu.memory_space<vmem>>, vector<1x16xf32>,
        %get3A_1043 = vector.shape_cast %get3A_1042 : vector<1x16xf32> to vector<16xf32>
        %add3A_1044 = arith.addf %get3A_1039, %get3A_1043 : vector<16xf32>
        %swap3A_1045 = arith.index_cast %scan3A_993 : i32 to index
        %swap3A_1046 = arith.constant 48 : index
        %swap3A_1047 = tpu.vector_load %arg11[%swap3A_1045, %swap3A_1046] {strides = array<i32>} : memref<128x64xf32, #tpu.memory_space<vmem>>, vector<1x16xf32>,
        %swap3A_1048 = vector.shape_cast %swap3A_1047 : vector<1x16xf32> to vector<16xf32>
        %swap3A_1049 = vector.shape_cast %add3A_1044 : vector<16xf32> to vector<1x16xf32>
        tpu.vector_store %arg11[%swap3A_1045, %swap3A_1046], %swap3A_1049 {strides = array<i32>} : memref<128x64xf32, #tpu.memory_space<vmem>>, vector<1x16xf32>,
        %scan3A_1050 = arith.constant 1 : i32
        %scan3A_1051 = arith.addi %scan3A_993, %scan3A_1050 : i32
        %add3A_1052 = arith.addi %rem3A_824, %scan3A_1051 : i32
        %get3A_1053 = arith.index_cast %scan3A_1051 : i32 to index
        %get3A_1054 = arith.constant 0 : index
        %get3A_1055 = tpu.vector_load %arg11[%get3A_1053, %get3A_1054] {strides = array<i32>} : memref<128x64xf32, #tpu.memory_space<vmem>>, vector<1x16xf32>,
        %get3A_1056 = vector.shape_cast %get3A_1055 : vector<1x16xf32> to vector<16xf32>
        %get3A_1057 = arith.index_cast %add3A_1052 : i32 to index
        %get3A_1058 = arith.constant 0 : index
        %get3A_1059 = tpu.vector_load %arg7[%get3A_1057, %get3A_1058] {strides = array<i32>} : memref<328x64xf32, #tpu.memory_space<vmem>>, vector<1x16xf32>,
        %get3A_1060 = vector.shape_cast %get3A_1059 : vector<1x16xf32> to vector<16xf32>
        %add3A_1061 = arith.addf %get3A_1056, %get3A_1060 : vector<16xf32>
        %swap3A_1062 = arith.index_cast %scan3A_1051 : i32 to index
        %swap3A_1063 = arith.constant 0 : index
        %swap3A_1064 = tpu.vector_load %arg11[%swap3A_1062, %swap3A_1063] {strides = array<i32>} : memref<128x64xf32, #tpu.memory_space<vmem>>, vector<1x16xf32>,
        %swap3A_1065 = vector.shape_cast %swap3A_1064 : vector<1x16xf32> to vector<16xf32>
        %swap3A_1066 = vector.shape_cast %add3A_1061 : vector<16xf32> to vector<1x16xf32>
        tpu.vector_store %arg11[%swap3A_1062, %swap3A_1063], %swap3A_1066 {strides = array<i32>} : memref<128x64xf32, #tpu.memory_space<vmem>>, vector<1x16xf32>,
        %get3A_1067 = arith.index_cast %scan3A_1051 : i32 to index
        %get3A_1068 = arith.constant 16 : index
        %get3A_1069 = tpu.vector_load %arg11[%get3A_1067, %get3A_1068] {strides = array<i32>} : memref<128x64xf32, #tpu.memory_space<vmem>>, vector<1x16xf32>,
        %get3A_1070 = vector.shape_cast %get3A_1069 : vector<1x16xf32> to vector<16xf32>
        %get3A_1071 = arith.index_cast %add3A_1052 : i32 to index
        %get3A_1072 = arith.constant 16 : index
        %get3A_1073 = tpu.vector_load %arg7[%get3A_1071, %get3A_1072] {strides = array<i32>} : memref<328x64xf32, #tpu.memory_space<vmem>>, vector<1x16xf32>,
        %get3A_1074 = vector.shape_cast %get3A_1073 : vector<1x16xf32> to vector<16xf32>
        %add3A_1075 = arith.addf %get3A_1070, %get3A_1074 : vector<16xf32>
        %swap3A_1076 = arith.index_cast %scan3A_1051 : i32 to index
        %swap3A_1077 = arith.constant 16 : index
        %swap3A_1078 = tpu.vector_load %arg11[%swap3A_1076, %swap3A_1077] {strides = array<i32>} : memref<128x64xf32, #tpu.memory_space<vmem>>, vector<1x16xf32>,
        %swap3A_1079 = vector.shape_cast %swap3A_1078 : vector<1x16xf32> to vector<16xf32>
        %swap3A_1080 = vector.shape_cast %add3A_1075 : vector<16xf32> to vector<1x16xf32>
        tpu.vector_store %arg11[%swap3A_1076, %swap3A_1077], %swap3A_1080 {strides = array<i32>} : memref<128x64xf32, #tpu.memory_space<vmem>>, vector<1x16xf32>,
        %get3A_1081 = arith.index_cast %scan3A_1051 : i32 to index
        %get3A_1082 = arith.constant 32 : index
        %get3A_1083 = tpu.vector_load %arg11[%get3A_1081, %get3A_1082] {strides = array<i32>} : memref<128x64xf32, #tpu.memory_space<vmem>>, vector<1x16xf32>,
        %get3A_1084 = vector.shape_cast %get3A_1083 : vector<1x16xf32> to vector<16xf32>
        %get3A_1085 = arith.index_cast %add3A_1052 : i32 to index
        %get3A_1086 = arith.constant 32 : index
        %get3A_1087 = tpu.vector_load %arg7[%get3A_1085, %get3A_1086] {strides = array<i32>} : memref<328x64xf32, #tpu.memory_space<vmem>>, vector<1x16xf32>,
        %get3A_1088 = vector.shape_cast %get3A_1087 : vector<1x16xf32> to vector<16xf32>
        %add3A_1089 = arith.addf %get3A_1084, %get3A_1088 : vector<16xf32>
        %swap3A_1090 = arith.index_cast %scan3A_1051 : i32 to index
        %swap3A_1091 = arith.constant 32 : index
        %swap3A_1092 = tpu.vector_load %arg11[%swap3A_1090, %swap3A_1091] {strides = array<i32>} : memref<128x64xf32, #tpu.memory_space<vmem>>, vector<1x16xf32>,
        %swap3A_1093 = vector.shape_cast %swap3A_1092 : vector<1x16xf32> to vector<16xf32>
        %swap3A_1094 = vector.shape_cast %add3A_1089 : vector<16xf32> to vector<1x16xf32>
        tpu.vector_store %arg11[%swap3A_1090, %swap3A_1091], %swap3A_1094 {strides = array<i32>} : memref<128x64xf32, #tpu.memory_space<vmem>>, vector<1x16xf32>,
        %get3A_1095 = arith.index_cast %scan3A_1051 : i32 to index
        %get3A_1096 = arith.constant 48 : index
        %get3A_1097 = tpu.vector_load %arg11[%get3A_1095, %get3A_1096] {strides = array<i32>} : memref<128x64xf32, #tpu.memory_space<vmem>>, vector<1x16xf32>,
        %get3A_1098 = vector.shape_cast %get3A_1097 : vector<1x16xf32> to vector<16xf32>
        %get3A_1099 = arith.index_cast %add3A_1052 : i32 to index
        %get3A_1100 = arith.constant 48 : index
        %get3A_1101 = tpu.vector_load %arg7[%get3A_1099, %get3A_1100] {strides = array<i32>} : memref<328x64xf32, #tpu.memory_space<vmem>>, vector<1x16xf32>,
        %get3A_1102 = vector.shape_cast %get3A_1101 : vector<1x16xf32> to vector<16xf32>
        %add3A_1103 = arith.addf %get3A_1098, %get3A_1102 : vector<16xf32>
        %swap3A_1104 = arith.index_cast %scan3A_1051 : i32 to index
        %swap3A_1105 = arith.constant 48 : index
        %swap3A_1106 = tpu.vector_load %arg11[%swap3A_1104, %swap3A_1105] {strides = array<i32>} : memref<128x64xf32, #tpu.memory_space<vmem>>, vector<1x16xf32>,
        %swap3A_1107 = vector.shape_cast %swap3A_1106 : vector<1x16xf32> to vector<16xf32>
        %swap3A_1108 = vector.shape_cast %add3A_1103 : vector<16xf32> to vector<1x16xf32>
        tpu.vector_store %arg11[%swap3A_1104, %swap3A_1105], %swap3A_1108 {strides = array<i32>} : memref<128x64xf32, #tpu.memory_space<vmem>>, vector<1x16xf32>,
        %scan3A_1109 = arith.constant 2 : i32
        %scan3A_1110 = arith.addi %scan3A_993, %scan3A_1109 : i32
        %add3A_1111 = arith.addi %rem3A_824, %scan3A_1110 : i32
        %get3A_1112 = arith.index_cast %scan3A_1110 : i32 to index
        %get3A_1113 = arith.constant 0 : index
        %get3A_1114 = tpu.vector_load %arg11[%get3A_1112, %get3A_1113] {strides = array<i32>} : memref<128x64xf32, #tpu.memory_space<vmem>>, vector<1x16xf32>,
        %get3A_1115 = vector.shape_cast %get3A_1114 : vector<1x16xf32> to vector<16xf32>
        %get3A_1116 = arith.index_cast %add3A_1111 : i32 to index
        %get3A_1117 = arith.constant 0 : index
        %get3A_1118 = tpu.vector_load %arg7[%get3A_1116, %get3A_1117] {strides = array<i32>} : memref<328x64xf32, #tpu.memory_space<vmem>>, vector<1x16xf32>,
        %get3A_1119 = vector.shape_cast %get3A_1118 : vector<1x16xf32> to vector<16xf32>
        %add3A_1120 = arith.addf %get3A_1115, %get3A_1119 : vector<16xf32>
        %swap3A_1121 = arith.index_cast %scan3A_1110 : i32 to index
        %swap3A_1122 = arith.constant 0 : index
        %swap3A_1123 = tpu.vector_load %arg11[%swap3A_1121, %swap3A_1122] {strides = array<i32>} : memref<128x64xf32, #tpu.memory_space<vmem>>, vector<1x16xf32>,
        %swap3A_1124 = vector.shape_cast %swap3A_1123 : vector<1x16xf32> to vector<16xf32>
        %swap3A_1125 = vector.shape_cast %add3A_1120 : vector<16xf32> to vector<1x16xf32>
        tpu.vector_store %arg11[%swap3A_1121, %swap3A_1122], %swap3A_1125 {strides = array<i32>} : memref<128x64xf32, #tpu.memory_space<vmem>>, vector<1x16xf32>,
        %get3A_1126 = arith.index_cast %scan3A_1110 : i32 to index
        %get3A_1127 = arith.constant 16 : index
        %get3A_1128 = tpu.vector_load %arg11[%get3A_1126, %get3A_1127] {strides = array<i32>} : memref<128x64xf32, #tpu.memory_space<vmem>>, vector<1x16xf32>,
        %get3A_1129 = vector.shape_cast %get3A_1128 : vector<1x16xf32> to vector<16xf32>
        %get3A_1130 = arith.index_cast %add3A_1111 : i32 to index
        %get3A_1131 = arith.constant 16 : index
        %get3A_1132 = tpu.vector_load %arg7[%get3A_1130, %get3A_1131] {strides = array<i32>} : memref<328x64xf32, #tpu.memory_space<vmem>>, vector<1x16xf32>,
        %get3A_1133 = vector.shape_cast %get3A_1132 : vector<1x16xf32> to vector<16xf32>
        %add3A_1134 = arith.addf %get3A_1129, %get3A_1133 : vector<16xf32>
        %swap3A_1135 = arith.index_cast %scan3A_1110 : i32 to index
        %swap3A_1136 = arith.constant 16 : index
        %swap3A_1137 = tpu.vector_load %arg11[%swap3A_1135, %swap3A_1136] {strides = array<i32>} : memref<128x64xf32, #tpu.memory_space<vmem>>, vector<1x16xf32>,
        %swap3A_1138 = vector.shape_cast %swap3A_1137 : vector<1x16xf32> to vector<16xf32>
        %swap3A_1139 = vector.shape_cast %add3A_1134 : vector<16xf32> to vector<1x16xf32>
        tpu.vector_store %arg11[%swap3A_1135, %swap3A_1136], %swap3A_1139 {strides = array<i32>} : memref<128x64xf32, #tpu.memory_space<vmem>>, vector<1x16xf32>,
        %get3A_1140 = arith.index_cast %scan3A_1110 : i32 to index
        %get3A_1141 = arith.constant 32 : index
        %get3A_1142 = tpu.vector_load %arg11[%get3A_1140, %get3A_1141] {strides = array<i32>} : memref<128x64xf32, #tpu.memory_space<vmem>>, vector<1x16xf32>,
        %get3A_1143 = vector.shape_cast %get3A_1142 : vector<1x16xf32> to vector<16xf32>
        %get3A_1144 = arith.index_cast %add3A_1111 : i32 to index
        %get3A_1145 = arith.constant 32 : index
        %get3A_1146 = tpu.vector_load %arg7[%get3A_1144, %get3A_1145] {strides = array<i32>} : memref<328x64xf32, #tpu.memory_space<vmem>>, vector<1x16xf32>,
        %get3A_1147 = vector.shape_cast %get3A_1146 : vector<1x16xf32> to vector<16xf32>
        %add3A_1148 = arith.addf %get3A_1143, %get3A_1147 : vector<16xf32>
        %swap3A_1149 = arith.index_cast %scan3A_1110 : i32 to index
        %swap3A_1150 = arith.constant 32 : index
        %swap3A_1151 = tpu.vector_load %arg11[%swap3A_1149, %swap3A_1150] {strides = array<i32>} : memref<128x64xf32, #tpu.memory_space<vmem>>, vector<1x16xf32>,
        %swap3A_1152 = vector.shape_cast %swap3A_1151 : vector<1x16xf32> to vector<16xf32>
        %swap3A_1153 = vector.shape_cast %add3A_1148 : vector<16xf32> to vector<1x16xf32>
        tpu.vector_store %arg11[%swap3A_1149, %swap3A_1150], %swap3A_1153 {strides = array<i32>} : memref<128x64xf32, #tpu.memory_space<vmem>>, vector<1x16xf32>,
        %get3A_1154 = arith.index_cast %scan3A_1110 : i32 to index
        %get3A_1155 = arith.constant 48 : index
        %get3A_1156 = tpu.vector_load %arg11[%get3A_1154, %get3A_1155] {strides = array<i32>} : memref<128x64xf32, #tpu.memory_space<vmem>>, vector<1x16xf32>,
        %get3A_1157 = vector.shape_cast %get3A_1156 : vector<1x16xf32> to vector<16xf32>
        %get3A_1158 = arith.index_cast %add3A_1111 : i32 to index
        %get3A_1159 = arith.constant 48 : index
        %get3A_1160 = tpu.vector_load %arg7[%get3A_1158, %get3A_1159] {strides = array<i32>} : memref<328x64xf32, #tpu.memory_space<vmem>>, vector<1x16xf32>,
        %get3A_1161 = vector.shape_cast %get3A_1160 : vector<1x16xf32> to vector<16xf32>
        %add3A_1162 = arith.addf %get3A_1157, %get3A_1161 : vector<16xf32>
        %swap3A_1163 = arith.index_cast %scan3A_1110 : i32 to index
        %swap3A_1164 = arith.constant 48 : index
        %swap3A_1165 = tpu.vector_load %arg11[%swap3A_1163, %swap3A_1164] {strides = array<i32>} : memref<128x64xf32, #tpu.memory_space<vmem>>, vector<1x16xf32>,
        %swap3A_1166 = vector.shape_cast %swap3A_1165 : vector<1x16xf32> to vector<16xf32>
        %swap3A_1167 = vector.shape_cast %add3A_1162 : vector<16xf32> to vector<1x16xf32>
        tpu.vector_store %arg11[%swap3A_1163, %swap3A_1164], %swap3A_1167 {strides = array<i32>} : memref<128x64xf32, #tpu.memory_space<vmem>>, vector<1x16xf32>,
        %scan3A_1168 = arith.constant 3 : i32
        %scan3A_1169 = arith.addi %scan3A_993, %scan3A_1168 : i32
        %add3A_1170 = arith.addi %rem3A_824, %scan3A_1169 : i32
        %get3A_1171 = arith.index_cast %scan3A_1169 : i32 to index
        %get3A_1172 = arith.constant 0 : index
        %get3A_1173 = tpu.vector_load %arg11[%get3A_1171, %get3A_1172] {strides = array<i32>} : memref<128x64xf32, #tpu.memory_space<vmem>>, vector<1x16xf32>,
        %get3A_1174 = vector.shape_cast %get3A_1173 : vector<1x16xf32> to vector<16xf32>
        %get3A_1175 = arith.index_cast %add3A_1170 : i32 to index
        %get3A_1176 = arith.constant 0 : index
        %get3A_1177 = tpu.vector_load %arg7[%get3A_1175, %get3A_1176] {strides = array<i32>} : memref<328x64xf32, #tpu.memory_space<vmem>>, vector<1x16xf32>,
        %get3A_1178 = vector.shape_cast %get3A_1177 : vector<1x16xf32> to vector<16xf32>
        %add3A_1179 = arith.addf %get3A_1174, %get3A_1178 : vector<16xf32>
        %swap3A_1180 = arith.index_cast %scan3A_1169 : i32 to index
        %swap3A_1181 = arith.constant 0 : index
        %swap3A_1182 = tpu.vector_load %arg11[%swap3A_1180, %swap3A_1181] {strides = array<i32>} : memref<128x64xf32, #tpu.memory_space<vmem>>, vector<1x16xf32>,
        %swap3A_1183 = vector.shape_cast %swap3A_1182 : vector<1x16xf32> to vector<16xf32>
        %swap3A_1184 = vector.shape_cast %add3A_1179 : vector<16xf32> to vector<1x16xf32>
        tpu.vector_store %arg11[%swap3A_1180, %swap3A_1181], %swap3A_1184 {strides = array<i32>} : memref<128x64xf32, #tpu.memory_space<vmem>>, vector<1x16xf32>,
        %get3A_1185 = arith.index_cast %scan3A_1169 : i32 to index
        %get3A_1186 = arith.constant 16 : index
        %get3A_1187 = tpu.vector_load %arg11[%get3A_1185, %get3A_1186] {strides = array<i32>} : memref<128x64xf32, #tpu.memory_space<vmem>>, vector<1x16xf32>,
        %get3A_1188 = vector.shape_cast %get3A_1187 : vector<1x16xf32> to vector<16xf32>
        %get3A_1189 = arith.index_cast %add3A_1170 : i32 to index
        %get3A_1190 = arith.constant 16 : index
        %get3A_1191 = tpu.vector_load %arg7[%get3A_1189, %get3A_1190] {strides = array<i32>} : memref<328x64xf32, #tpu.memory_space<vmem>>, vector<1x16xf32>,
        %get3A_1192 = vector.shape_cast %get3A_1191 : vector<1x16xf32> to vector<16xf32>
        %add3A_1193 = arith.addf %get3A_1188, %get3A_1192 : vector<16xf32>
        %swap3A_1194 = arith.index_cast %scan3A_1169 : i32 to index
        %swap3A_1195 = arith.constant 16 : index
        %swap3A_1196 = tpu.vector_load %arg11[%swap3A_1194, %swap3A_1195] {strides = array<i32>} : memref<128x64xf32, #tpu.memory_space<vmem>>, vector<1x16xf32>,
        %swap3A_1197 = vector.shape_cast %swap3A_1196 : vector<1x16xf32> to vector<16xf32>
        %swap3A_1198 = vector.shape_cast %add3A_1193 : vector<16xf32> to vector<1x16xf32>
        tpu.vector_store %arg11[%swap3A_1194, %swap3A_1195], %swap3A_1198 {strides = array<i32>} : memref<128x64xf32, #tpu.memory_space<vmem>>, vector<1x16xf32>,
        %get3A_1199 = arith.index_cast %scan3A_1169 : i32 to index
        %get3A_1200 = arith.constant 32 : index
        %get3A_1201 = tpu.vector_load %arg11[%get3A_1199, %get3A_1200] {strides = array<i32>} : memref<128x64xf32, #tpu.memory_space<vmem>>, vector<1x16xf32>,
        %get3A_1202 = vector.shape_cast %get3A_1201 : vector<1x16xf32> to vector<16xf32>
        %get3A_1203 = arith.index_cast %add3A_1170 : i32 to index
        %get3A_1204 = arith.constant 32 : index
        %get3A_1205 = tpu.vector_load %arg7[%get3A_1203, %get3A_1204] {strides = array<i32>} : memref<328x64xf32, #tpu.memory_space<vmem>>, vector<1x16xf32>,
        %get3A_1206 = vector.shape_cast %get3A_1205 : vector<1x16xf32> to vector<16xf32>
        %add3A_1207 = arith.addf %get3A_1202, %get3A_1206 : vector<16xf32>
        %swap3A_1208 = arith.index_cast %scan3A_1169 : i32 to index
        %swap3A_1209 = arith.constant 32 : index
        %swap3A_1210 = tpu.vector_load %arg11[%swap3A_1208, %swap3A_1209] {strides = array<i32>} : memref<128x64xf32, #tpu.memory_space<vmem>>, vector<1x16xf32>,
        %swap3A_1211 = vector.shape_cast %swap3A_1210 : vector<1x16xf32> to vector<16xf32>
        %swap3A_1212 = vector.shape_cast %add3A_1207 : vector<16xf32> to vector<1x16xf32>
        tpu.vector_store %arg11[%swap3A_1208, %swap3A_1209], %swap3A_1212 {strides = array<i32>} : memref<128x64xf32, #tpu.memory_space<vmem>>, vector<1x16xf32>,
        %get3A_1213 = arith.index_cast %scan3A_1169 : i32 to index
        %get3A_1214 = arith.constant 48 : index
        %get3A_1215 = tpu.vector_load %arg11[%get3A_1213, %get3A_1214] {strides = array<i32>} : memref<128x64xf32, #tpu.memory_space<vmem>>, vector<1x16xf32>,
        %get3A_1216 = vector.shape_cast %get3A_1215 : vector<1x16xf32> to vector<16xf32>
        %get3A_1217 = arith.index_cast %add3A_1170 : i32 to index
        %get3A_1218 = arith.constant 48 : index
        %get3A_1219 = tpu.vector_load %arg7[%get3A_1217, %get3A_1218] {strides = array<i32>} : memref<328x64xf32, #tpu.memory_space<vmem>>, vector<1x16xf32>,
        %get3A_1220 = vector.shape_cast %get3A_1219 : vector<1x16xf32> to vector<16xf32>
        %add3A_1221 = arith.addf %get3A_1216, %get3A_1220 : vector<16xf32>
        %swap3A_1222 = arith.index_cast %scan3A_1169 : i32 to index
        %swap3A_1223 = arith.constant 48 : index
        %swap3A_1224 = tpu.vector_load %arg11[%swap3A_1222, %swap3A_1223] {strides = array<i32>} : memref<128x64xf32, #tpu.memory_space<vmem>>, vector<1x16xf32>,
        %swap3A_1225 = vector.shape_cast %swap3A_1224 : vector<1x16xf32> to vector<16xf32>
        %swap3A_1226 = vector.shape_cast %add3A_1221 : vector<16xf32> to vector<1x16xf32>
        tpu.vector_store %arg11[%swap3A_1222, %swap3A_1223], %swap3A_1226 {strides = array<i32>} : memref<128x64xf32, #tpu.memory_space<vmem>>, vector<1x16xf32>,
      }
      %scan3A_830 = arith.constant 128 : i32
      %add3A_831 = arith.addi %mul3A_2, %add3A_726 : i32
      %mul3A_832 = arith.constant 128 : i32
      %mul3A_833 = arith.muli %add3A_831, %mul3A_832 : i32
      %dma_start3A_834 = arith.constant 0 : i32
      %dma_start3A_835 = tpu.memref_slice %arg5[%mul3A_833, %dma_start3A_834] : memref<819200x64xf32, #tpu.memory_space<hbm>> -> memref<128x64xf32, #tpu.memory_space<hbm>>
      %dma_start3A_836 = arith.constant 0 : i32
      %dma_start3A_837 = tpu.memref_slice %arg5[%mul3A_833, %dma_start3A_836] : memref<819200x64xf32, #tpu.memory_space<hbm>> -> memref<128x64xf32, #tpu.memory_space<hbm>>
      tpu.enqueue_dma source(%arg11 : memref<128x64xf32, #tpu.memory_space<vmem>>) target(%dma_start3A_837 : memref<128x64xf32, #tpu.memory_space<hbm>>) target_semaphore(%arg27 : memref<!tpu.dma_semaphore, #tpu.memory_space<semaphore_mem>>)
      %mul3A_838 = arith.constant 8 : i32
      %mul3A_839 = arith.muli %scan3A_381, %mul3A_838 : i32
      %add3A_840 = arith.constant 4 : i32
      %add3A_841 = arith.addi %mul3A_839, %add3A_840 : i32
      %mul3A_842 = arith.constant 128 : i32
      %mul3A_843 = arith.muli %mul3A_2, %mul3A_842 : i32
      %dma_wait3A_844 = arith.constant 0 : i32
      %dma_wait3A_845 = tpu.memref_slice %arg5[%mul3A_843, %dma_wait3A_844] : memref<819200x64xf32, #tpu.memory_space<hbm>> -> memref<128x64xf32, #tpu.memory_space<hbm>>
      %dma_wait3A_846 = arith.constant 0 : i32
      %dma_wait3A_847 = tpu.memref_slice %arg5[%mul3A_843, %dma_wait3A_846] : memref<819200x64xf32, #tpu.memory_space<hbm>> -> memref<128x64xf32, #tpu.memory_space<hbm>>
      tpu.wait_dma2 semaphore(%arg24 : memref<!tpu.dma_semaphore, #tpu.memory_space<semaphore_mem>>) src(%arg8 : memref<128x64xf32, #tpu.memory_space<vmem>>) dst(%dma_wait3A_847 : memref<128x64xf32, #tpu.memory_space<hbm>>)
      %lt3A = arith.constant 24 : i32
      %lt3A_848 = arith.cmpi slt, %scan3A_381, %lt3A : i32
      %convert_element_type3A_849 = arith.extui %lt3A_848 : i1 to i32
      %cond3A_850 = arith.constant 0 : i32
      %cond3A_851 = arith.cmpi ne, %convert_element_type3A_849, %cond3A_850 : i32
      scf.if %cond3A_851 {
        %add3A_993 = arith.constant 4 : i32
        %add3A_994 = arith.addi %add3A_841, %add3A_993 : i32
        %get3A_995 = arith.index_cast %add3A_994 : i32 to index
        %get3A_996 = arith.constant 0 : index
        %get3A_997 = tpu.vector_load %arg6[%get3A_995, %get3A_996] {strides = array<i32>} : memref<200x128xi32, #tpu.memory_space<vmem>>, vector<1x16xi32>,
        %get3A_998 = vector.shape_cast %get3A_997 : vector<1x16xi32> to vector<16xi32>
        %dma_start3A_999 = arith.constant 0 : i32
        %dma_start3A_1000 = arith.constant 0 : i32
        %dma_start3A_1001 = tpu.memref_slice %arg8[%dma_start3A_999, %dma_start3A_1000] : memref<128x64xf32, #tpu.memory_space<vmem>> -> memref<16x64xf32, #tpu.memory_space<vmem>>
        %dma_start3A_1002 = arith.constant 0 : i32
        %dma_start3A_1003 = arith.constant 0 : i32
        %dma_start3A_1004 = tpu.memref_slice %arg3[%dma_start3A_1002, %dma_start3A_1003] : memref<1000000x64xf32, #tpu.memory_space<hbm>> -> memref<1000000x64xf32, #tpu.memory_space<hbm>>
        tpu.enqueue_indirect_dma source(%dma_start3A_1004 : memref<1000000x64xf32, #tpu.memory_space<hbm>>) target(%dma_start3A_1001 : memref<16x64xf32, #tpu.memory_space<vmem>>) offsets(%get3A_998 : vector<16xi32>) semaphore(%arg16 : memref<!tpu.dma_semaphore, #tpu.memory_space<semaphore_mem>>)
        %get3A_1005 = arith.index_cast %add3A_994 : i32 to index
        %get3A_1006 = arith.constant 16 : index
        %get3A_1007 = tpu.vector_load %arg6[%get3A_1005, %get3A_1006] {strides = array<i32>} : memref<200x128xi32, #tpu.memory_space<vmem>>, vector<1x16xi32>,
        %get3A_1008 = vector.shape_cast %get3A_1007 : vector<1x16xi32> to vector<16xi32>
        %dma_start3A_1009 = arith.constant 16 : i32
        %dma_start3A_1010 = arith.constant 0 : i32
        %dma_start3A_1011 = tpu.memref_slice %arg8[%dma_start3A_1009, %dma_start3A_1010] : memref<128x64xf32, #tpu.memory_space<vmem>> -> memref<16x64xf32, #tpu.memory_space<vmem>>
        %dma_start3A_1012 = arith.constant 0 : i32
        %dma_start3A_1013 = arith.constant 0 : i32
        %dma_start3A_1014 = tpu.memref_slice %arg3[%dma_start3A_1012, %dma_start3A_1013] : memref<1000000x64xf32, #tpu.memory_space<hbm>> -> memref<1000000x64xf32, #tpu.memory_space<hbm>>
        tpu.enqueue_indirect_dma source(%dma_start3A_1014 : memref<1000000x64xf32, #tpu.memory_space<hbm>>) target(%dma_start3A_1011 : memref<16x64xf32, #tpu.memory_space<vmem>>) offsets(%get3A_1008 : vector<16xi32>) semaphore(%arg16 : memref<!tpu.dma_semaphore, #tpu.memory_space<semaphore_mem>>)
        %get3A_1015 = arith.index_cast %add3A_994 : i32 to index
        %get3A_1016 = arith.constant 32 : index
        %get3A_1017 = tpu.vector_load %arg6[%get3A_1015, %get3A_1016] {strides = array<i32>} : memref<200x128xi32, #tpu.memory_space<vmem>>, vector<1x16xi32>,
        %get3A_1018 = vector.shape_cast %get3A_1017 : vector<1x16xi32> to vector<16xi32>
        %dma_start3A_1019 = arith.constant 32 : i32
        %dma_start3A_1020 = arith.constant 0 : i32
        %dma_start3A_1021 = tpu.memref_slice %arg8[%dma_start3A_1019, %dma_start3A_1020] : memref<128x64xf32, #tpu.memory_space<vmem>> -> memref<16x64xf32, #tpu.memory_space<vmem>>
        %dma_start3A_1022 = arith.constant 0 : i32
        %dma_start3A_1023 = arith.constant 0 : i32
        %dma_start3A_1024 = tpu.memref_slice %arg3[%dma_start3A_1022, %dma_start3A_1023] : memref<1000000x64xf32, #tpu.memory_space<hbm>> -> memref<1000000x64xf32, #tpu.memory_space<hbm>>
        tpu.enqueue_indirect_dma source(%dma_start3A_1024 : memref<1000000x64xf32, #tpu.memory_space<hbm>>) target(%dma_start3A_1021 : memref<16x64xf32, #tpu.memory_space<vmem>>) offsets(%get3A_1018 : vector<16xi32>) semaphore(%arg16 : memref<!tpu.dma_semaphore, #tpu.memory_space<semaphore_mem>>)
        %get3A_1025 = arith.index_cast %add3A_994 : i32 to index
        %get3A_1026 = arith.constant 48 : index
        %get3A_1027 = tpu.vector_load %arg6[%get3A_1025, %get3A_1026] {strides = array<i32>} : memref<200x128xi32, #tpu.memory_space<vmem>>, vector<1x16xi32>,
        %get3A_1028 = vector.shape_cast %get3A_1027 : vector<1x16xi32> to vector<16xi32>
        %dma_start3A_1029 = arith.constant 48 : i32
        %dma_start3A_1030 = arith.constant 0 : i32
        %dma_start3A_1031 = tpu.memref_slice %arg8[%dma_start3A_1029, %dma_start3A_1030] : memref<128x64xf32, #tpu.memory_space<vmem>> -> memref<16x64xf32, #tpu.memory_space<vmem>>
        %dma_start3A_1032 = arith.constant 0 : i32
        %dma_start3A_1033 = arith.constant 0 : i32
        %dma_start3A_1034 = tpu.memref_slice %arg3[%dma_start3A_1032, %dma_start3A_1033] : memref<1000000x64xf32, #tpu.memory_space<hbm>> -> memref<1000000x64xf32, #tpu.memory_space<hbm>>
        tpu.enqueue_indirect_dma source(%dma_start3A_1034 : memref<1000000x64xf32, #tpu.memory_space<hbm>>) target(%dma_start3A_1031 : memref<16x64xf32, #tpu.memory_space<vmem>>) offsets(%get3A_1028 : vector<16xi32>) semaphore(%arg16 : memref<!tpu.dma_semaphore, #tpu.memory_space<semaphore_mem>>)
        %get3A_1035 = arith.index_cast %add3A_994 : i32 to index
        %get3A_1036 = arith.constant 64 : index
        %get3A_1037 = tpu.vector_load %arg6[%get3A_1035, %get3A_1036] {strides = array<i32>} : memref<200x128xi32, #tpu.memory_space<vmem>>, vector<1x16xi32>,
        %get3A_1038 = vector.shape_cast %get3A_1037 : vector<1x16xi32> to vector<16xi32>
        %dma_start3A_1039 = arith.constant 64 : i32
        %dma_start3A_1040 = arith.constant 0 : i32
        %dma_start3A_1041 = tpu.memref_slice %arg8[%dma_start3A_1039, %dma_start3A_1040] : memref<128x64xf32, #tpu.memory_space<vmem>> -> memref<16x64xf32, #tpu.memory_space<vmem>>
        %dma_start3A_1042 = arith.constant 0 : i32
        %dma_start3A_1043 = arith.constant 0 : i32
        %dma_start3A_1044 = tpu.memref_slice %arg3[%dma_start3A_1042, %dma_start3A_1043] : memref<1000000x64xf32, #tpu.memory_space<hbm>> -> memref<1000000x64xf32, #tpu.memory_space<hbm>>
        tpu.enqueue_indirect_dma source(%dma_start3A_1044 : memref<1000000x64xf32, #tpu.memory_space<hbm>>) target(%dma_start3A_1041 : memref<16x64xf32, #tpu.memory_space<vmem>>) offsets(%get3A_1038 : vector<16xi32>) semaphore(%arg16 : memref<!tpu.dma_semaphore, #tpu.memory_space<semaphore_mem>>)
        %get3A_1045 = arith.index_cast %add3A_994 : i32 to index
        %get3A_1046 = arith.constant 80 : index
        %get3A_1047 = tpu.vector_load %arg6[%get3A_1045, %get3A_1046] {strides = array<i32>} : memref<200x128xi32, #tpu.memory_space<vmem>>, vector<1x16xi32>,
        %get3A_1048 = vector.shape_cast %get3A_1047 : vector<1x16xi32> to vector<16xi32>
        %dma_start3A_1049 = arith.constant 80 : i32
        %dma_start3A_1050 = arith.constant 0 : i32
        %dma_start3A_1051 = tpu.memref_slice %arg8[%dma_start3A_1049, %dma_start3A_1050] : memref<128x64xf32, #tpu.memory_space<vmem>> -> memref<16x64xf32, #tpu.memory_space<vmem>>
        %dma_start3A_1052 = arith.constant 0 : i32
        %dma_start3A_1053 = arith.constant 0 : i32
        %dma_start3A_1054 = tpu.memref_slice %arg3[%dma_start3A_1052, %dma_start3A_1053] : memref<1000000x64xf32, #tpu.memory_space<hbm>> -> memref<1000000x64xf32, #tpu.memory_space<hbm>>
        tpu.enqueue_indirect_dma source(%dma_start3A_1054 : memref<1000000x64xf32, #tpu.memory_space<hbm>>) target(%dma_start3A_1051 : memref<16x64xf32, #tpu.memory_space<vmem>>) offsets(%get3A_1048 : vector<16xi32>) semaphore(%arg16 : memref<!tpu.dma_semaphore, #tpu.memory_space<semaphore_mem>>)
        %get3A_1055 = arith.index_cast %add3A_994 : i32 to index
        %get3A_1056 = arith.constant 96 : index
        %get3A_1057 = tpu.vector_load %arg6[%get3A_1055, %get3A_1056] {strides = array<i32>} : memref<200x128xi32, #tpu.memory_space<vmem>>, vector<1x16xi32>,
        %get3A_1058 = vector.shape_cast %get3A_1057 : vector<1x16xi32> to vector<16xi32>
        %dma_start3A_1059 = arith.constant 96 : i32
        %dma_start3A_1060 = arith.constant 0 : i32
        %dma_start3A_1061 = tpu.memref_slice %arg8[%dma_start3A_1059, %dma_start3A_1060] : memref<128x64xf32, #tpu.memory_space<vmem>> -> memref<16x64xf32, #tpu.memory_space<vmem>>
        %dma_start3A_1062 = arith.constant 0 : i32
        %dma_start3A_1063 = arith.constant 0 : i32
        %dma_start3A_1064 = tpu.memref_slice %arg3[%dma_start3A_1062, %dma_start3A_1063] : memref<1000000x64xf32, #tpu.memory_space<hbm>> -> memref<1000000x64xf32, #tpu.memory_space<hbm>>
        tpu.enqueue_indirect_dma source(%dma_start3A_1064 : memref<1000000x64xf32, #tpu.memory_space<hbm>>) target(%dma_start3A_1061 : memref<16x64xf32, #tpu.memory_space<vmem>>) offsets(%get3A_1058 : vector<16xi32>) semaphore(%arg16 : memref<!tpu.dma_semaphore, #tpu.memory_space<semaphore_mem>>)
        %get3A_1065 = arith.index_cast %add3A_994 : i32 to index
        %get3A_1066 = arith.constant 112 : index
        %get3A_1067 = tpu.vector_load %arg6[%get3A_1065, %get3A_1066] {strides = array<i32>} : memref<200x128xi32, #tpu.memory_space<vmem>>, vector<1x16xi32>,
        %get3A_1068 = vector.shape_cast %get3A_1067 : vector<1x16xi32> to vector<16xi32>
        %dma_start3A_1069 = arith.constant 112 : i32
        %dma_start3A_1070 = arith.constant 0 : i32
        %dma_start3A_1071 = tpu.memref_slice %arg8[%dma_start3A_1069, %dma_start3A_1070] : memref<128x64xf32, #tpu.memory_space<vmem>> -> memref<16x64xf32, #tpu.memory_space<vmem>>
        %dma_start3A_1072 = arith.constant 0 : i32
        %dma_start3A_1073 = arith.constant 0 : i32
        %dma_start3A_1074 = tpu.memref_slice %arg3[%dma_start3A_1072, %dma_start3A_1073] : memref<1000000x64xf32, #tpu.memory_space<hbm>> -> memref<1000000x64xf32, #tpu.memory_space<hbm>>
        tpu.enqueue_indirect_dma source(%dma_start3A_1074 : memref<1000000x64xf32, #tpu.memory_space<hbm>>) target(%dma_start3A_1071 : memref<16x64xf32, #tpu.memory_space<vmem>>) offsets(%get3A_1068 : vector<16xi32>) semaphore(%arg16 : memref<!tpu.dma_semaphore, #tpu.memory_space<semaphore_mem>>)
      } else {
      }
      %dma_wait3A_852 = arith.constant 0 : i32
      %dma_wait3A_853 = arith.constant 0 : i32
      %dma_wait3A_854 = tpu.memref_slice %arg6[%dma_wait3A_852, %dma_wait3A_853] : memref<200x128xi32, #tpu.memory_space<vmem>> -> memref<1x128xi32, #tpu.memory_space<vmem>>
      %dma_wait3A_855 = tpu.memref_squeeze %dma_wait3A_854 : memref<1x128xi32, #tpu.memory_space<vmem>> -> memref<128xi32, #tpu.memory_space<vmem>>
      %dma_wait3A_856 = arith.constant 0 : i32
      %dma_wait3A_857 = arith.constant 0 : i32
      %dma_wait3A_858 = tpu.memref_slice %arg3[%dma_wait3A_856, %dma_wait3A_857] : memref<1000000x64xf32, #tpu.memory_space<hbm>> -> memref<1000000x64xf32, #tpu.memory_space<hbm>>
      tpu.wait_indirect_dma semaphore(%arg20 : memref<!tpu.dma_semaphore, #tpu.memory_space<semaphore_mem>>) src(%dma_wait3A_858 : memref<1000000x64xf32, #tpu.memory_space<hbm>>) dst(%arg12 : memref<128x64xf32, #tpu.memory_space<vmem>>)
      %mul3A_859 = arith.constant 128 : i32
      %mul3A_860 = arith.muli %add3A_841, %mul3A_859 : i32
      %rem3A_861 = arith.constant 200 : i32
      %rem3A_862 = arith.remsi %mul3A_860, %rem3A_861 : i32
      %scan3A_863 = arith.constant 0 : i32
      %scan3A_864 = arith.constant 0 : i32
      %scan3A_865 = arith.constant 128 : i32
      %scan3A_866 = arith.addi %scan3A_864, %scan3A_865 : i32
      %scan3A_867 = arith.constant 4 : i32
      scf.for %scan3A_993 = %scan3A_864 to %scan3A_866 step %scan3A_867  : i32 {
        %add3A_994 = arith.addi %rem3A_862, %scan3A_993 : i32
        %get3A_995 = arith.index_cast %scan3A_993 : i32 to index
        %get3A_996 = arith.constant 0 : index
        %get3A_997 = tpu.vector_load %arg12[%get3A_995, %get3A_996] {strides = array<i32>} : memref<128x64xf32, #tpu.memory_space<vmem>>, vector<1x16xf32>,
        %get3A_998 = vector.shape_cast %get3A_997 : vector<1x16xf32> to vector<16xf32>
        %get3A_999 = arith.index_cast %add3A_994 : i32 to index
        %get3A_1000 = arith.constant 0 : index
        %get3A_1001 = tpu.vector_load %arg7[%get3A_999, %get3A_1000] {strides = array<i32>} : memref<328x64xf32, #tpu.memory_space<vmem>>, vector<1x16xf32>,
        %get3A_1002 = vector.shape_cast %get3A_1001 : vector<1x16xf32> to vector<16xf32>
        %add3A_1003 = arith.addf %get3A_998, %get3A_1002 : vector<16xf32>
        %swap3A = arith.index_cast %scan3A_993 : i32 to index
        %swap3A_1004 = arith.constant 0 : index
        %swap3A_1005 = tpu.vector_load %arg12[%swap3A, %swap3A_1004] {strides = array<i32>} : memref<128x64xf32, #tpu.memory_space<vmem>>, vector<1x16xf32>,
        %swap3A_1006 = vector.shape_cast %swap3A_1005 : vector<1x16xf32> to vector<16xf32>
        %swap3A_1007 = vector.shape_cast %add3A_1003 : vector<16xf32> to vector<1x16xf32>
        tpu.vector_store %arg12[%swap3A, %swap3A_1004], %swap3A_1007 {strides = array<i32>} : memref<128x64xf32, #tpu.memory_space<vmem>>, vector<1x16xf32>,
        %get3A_1008 = arith.index_cast %scan3A_993 : i32 to index
        %get3A_1009 = arith.constant 16 : index
        %get3A_1010 = tpu.vector_load %arg12[%get3A_1008, %get3A_1009] {strides = array<i32>} : memref<128x64xf32, #tpu.memory_space<vmem>>, vector<1x16xf32>,
        %get3A_1011 = vector.shape_cast %get3A_1010 : vector<1x16xf32> to vector<16xf32>
        %get3A_1012 = arith.index_cast %add3A_994 : i32 to index
        %get3A_1013 = arith.constant 16 : index
        %get3A_1014 = tpu.vector_load %arg7[%get3A_1012, %get3A_1013] {strides = array<i32>} : memref<328x64xf32, #tpu.memory_space<vmem>>, vector<1x16xf32>,
        %get3A_1015 = vector.shape_cast %get3A_1014 : vector<1x16xf32> to vector<16xf32>
        %add3A_1016 = arith.addf %get3A_1011, %get3A_1015 : vector<16xf32>
        %swap3A_1017 = arith.index_cast %scan3A_993 : i32 to index
        %swap3A_1018 = arith.constant 16 : index
        %swap3A_1019 = tpu.vector_load %arg12[%swap3A_1017, %swap3A_1018] {strides = array<i32>} : memref<128x64xf32, #tpu.memory_space<vmem>>, vector<1x16xf32>,
        %swap3A_1020 = vector.shape_cast %swap3A_1019 : vector<1x16xf32> to vector<16xf32>
        %swap3A_1021 = vector.shape_cast %add3A_1016 : vector<16xf32> to vector<1x16xf32>
        tpu.vector_store %arg12[%swap3A_1017, %swap3A_1018], %swap3A_1021 {strides = array<i32>} : memref<128x64xf32, #tpu.memory_space<vmem>>, vector<1x16xf32>,
        %get3A_1022 = arith.index_cast %scan3A_993 : i32 to index
        %get3A_1023 = arith.constant 32 : index
        %get3A_1024 = tpu.vector_load %arg12[%get3A_1022, %get3A_1023] {strides = array<i32>} : memref<128x64xf32, #tpu.memory_space<vmem>>, vector<1x16xf32>,
        %get3A_1025 = vector.shape_cast %get3A_1024 : vector<1x16xf32> to vector<16xf32>
        %get3A_1026 = arith.index_cast %add3A_994 : i32 to index
        %get3A_1027 = arith.constant 32 : index
        %get3A_1028 = tpu.vector_load %arg7[%get3A_1026, %get3A_1027] {strides = array<i32>} : memref<328x64xf32, #tpu.memory_space<vmem>>, vector<1x16xf32>,
        %get3A_1029 = vector.shape_cast %get3A_1028 : vector<1x16xf32> to vector<16xf32>
        %add3A_1030 = arith.addf %get3A_1025, %get3A_1029 : vector<16xf32>
        %swap3A_1031 = arith.index_cast %scan3A_993 : i32 to index
        %swap3A_1032 = arith.constant 32 : index
        %swap3A_1033 = tpu.vector_load %arg12[%swap3A_1031, %swap3A_1032] {strides = array<i32>} : memref<128x64xf32, #tpu.memory_space<vmem>>, vector<1x16xf32>,
        %swap3A_1034 = vector.shape_cast %swap3A_1033 : vector<1x16xf32> to vector<16xf32>
        %swap3A_1035 = vector.shape_cast %add3A_1030 : vector<16xf32> to vector<1x16xf32>
        tpu.vector_store %arg12[%swap3A_1031, %swap3A_1032], %swap3A_1035 {strides = array<i32>} : memref<128x64xf32, #tpu.memory_space<vmem>>, vector<1x16xf32>,
        %get3A_1036 = arith.index_cast %scan3A_993 : i32 to index
        %get3A_1037 = arith.constant 48 : index
        %get3A_1038 = tpu.vector_load %arg12[%get3A_1036, %get3A_1037] {strides = array<i32>} : memref<128x64xf32, #tpu.memory_space<vmem>>, vector<1x16xf32>,
        %get3A_1039 = vector.shape_cast %get3A_1038 : vector<1x16xf32> to vector<16xf32>
        %get3A_1040 = arith.index_cast %add3A_994 : i32 to index
        %get3A_1041 = arith.constant 48 : index
        %get3A_1042 = tpu.vector_load %arg7[%get3A_1040, %get3A_1041] {strides = array<i32>} : memref<328x64xf32, #tpu.memory_space<vmem>>, vector<1x16xf32>,
        %get3A_1043 = vector.shape_cast %get3A_1042 : vector<1x16xf32> to vector<16xf32>
        %add3A_1044 = arith.addf %get3A_1039, %get3A_1043 : vector<16xf32>
        %swap3A_1045 = arith.index_cast %scan3A_993 : i32 to index
        %swap3A_1046 = arith.constant 48 : index
        %swap3A_1047 = tpu.vector_load %arg12[%swap3A_1045, %swap3A_1046] {strides = array<i32>} : memref<128x64xf32, #tpu.memory_space<vmem>>, vector<1x16xf32>,
        %swap3A_1048 = vector.shape_cast %swap3A_1047 : vector<1x16xf32> to vector<16xf32>
        %swap3A_1049 = vector.shape_cast %add3A_1044 : vector<16xf32> to vector<1x16xf32>
        tpu.vector_store %arg12[%swap3A_1045, %swap3A_1046], %swap3A_1049 {strides = array<i32>} : memref<128x64xf32, #tpu.memory_space<vmem>>, vector<1x16xf32>,
        %scan3A_1050 = arith.constant 1 : i32
        %scan3A_1051 = arith.addi %scan3A_993, %scan3A_1050 : i32
        %add3A_1052 = arith.addi %rem3A_862, %scan3A_1051 : i32
        %get3A_1053 = arith.index_cast %scan3A_1051 : i32 to index
        %get3A_1054 = arith.constant 0 : index
        %get3A_1055 = tpu.vector_load %arg12[%get3A_1053, %get3A_1054] {strides = array<i32>} : memref<128x64xf32, #tpu.memory_space<vmem>>, vector<1x16xf32>,
        %get3A_1056 = vector.shape_cast %get3A_1055 : vector<1x16xf32> to vector<16xf32>
        %get3A_1057 = arith.index_cast %add3A_1052 : i32 to index
        %get3A_1058 = arith.constant 0 : index
        %get3A_1059 = tpu.vector_load %arg7[%get3A_1057, %get3A_1058] {strides = array<i32>} : memref<328x64xf32, #tpu.memory_space<vmem>>, vector<1x16xf32>,
        %get3A_1060 = vector.shape_cast %get3A_1059 : vector<1x16xf32> to vector<16xf32>
        %add3A_1061 = arith.addf %get3A_1056, %get3A_1060 : vector<16xf32>
        %swap3A_1062 = arith.index_cast %scan3A_1051 : i32 to index
        %swap3A_1063 = arith.constant 0 : index
        %swap3A_1064 = tpu.vector_load %arg12[%swap3A_1062, %swap3A_1063] {strides = array<i32>} : memref<128x64xf32, #tpu.memory_space<vmem>>, vector<1x16xf32>,
        %swap3A_1065 = vector.shape_cast %swap3A_1064 : vector<1x16xf32> to vector<16xf32>
        %swap3A_1066 = vector.shape_cast %add3A_1061 : vector<16xf32> to vector<1x16xf32>
        tpu.vector_store %arg12[%swap3A_1062, %swap3A_1063], %swap3A_1066 {strides = array<i32>} : memref<128x64xf32, #tpu.memory_space<vmem>>, vector<1x16xf32>,
        %get3A_1067 = arith.index_cast %scan3A_1051 : i32 to index
        %get3A_1068 = arith.constant 16 : index
        %get3A_1069 = tpu.vector_load %arg12[%get3A_1067, %get3A_1068] {strides = array<i32>} : memref<128x64xf32, #tpu.memory_space<vmem>>, vector<1x16xf32>,
        %get3A_1070 = vector.shape_cast %get3A_1069 : vector<1x16xf32> to vector<16xf32>
        %get3A_1071 = arith.index_cast %add3A_1052 : i32 to index
        %get3A_1072 = arith.constant 16 : index
        %get3A_1073 = tpu.vector_load %arg7[%get3A_1071, %get3A_1072] {strides = array<i32>} : memref<328x64xf32, #tpu.memory_space<vmem>>, vector<1x16xf32>,
        %get3A_1074 = vector.shape_cast %get3A_1073 : vector<1x16xf32> to vector<16xf32>
        %add3A_1075 = arith.addf %get3A_1070, %get3A_1074 : vector<16xf32>
        %swap3A_1076 = arith.index_cast %scan3A_1051 : i32 to index
        %swap3A_1077 = arith.constant 16 : index
        %swap3A_1078 = tpu.vector_load %arg12[%swap3A_1076, %swap3A_1077] {strides = array<i32>} : memref<128x64xf32, #tpu.memory_space<vmem>>, vector<1x16xf32>,
        %swap3A_1079 = vector.shape_cast %swap3A_1078 : vector<1x16xf32> to vector<16xf32>
        %swap3A_1080 = vector.shape_cast %add3A_1075 : vector<16xf32> to vector<1x16xf32>
        tpu.vector_store %arg12[%swap3A_1076, %swap3A_1077], %swap3A_1080 {strides = array<i32>} : memref<128x64xf32, #tpu.memory_space<vmem>>, vector<1x16xf32>,
        %get3A_1081 = arith.index_cast %scan3A_1051 : i32 to index
        %get3A_1082 = arith.constant 32 : index
        %get3A_1083 = tpu.vector_load %arg12[%get3A_1081, %get3A_1082] {strides = array<i32>} : memref<128x64xf32, #tpu.memory_space<vmem>>, vector<1x16xf32>,
        %get3A_1084 = vector.shape_cast %get3A_1083 : vector<1x16xf32> to vector<16xf32>
        %get3A_1085 = arith.index_cast %add3A_1052 : i32 to index
        %get3A_1086 = arith.constant 32 : index
        %get3A_1087 = tpu.vector_load %arg7[%get3A_1085, %get3A_1086] {strides = array<i32>} : memref<328x64xf32, #tpu.memory_space<vmem>>, vector<1x16xf32>,
        %get3A_1088 = vector.shape_cast %get3A_1087 : vector<1x16xf32> to vector<16xf32>
        %add3A_1089 = arith.addf %get3A_1084, %get3A_1088 : vector<16xf32>
        %swap3A_1090 = arith.index_cast %scan3A_1051 : i32 to index
        %swap3A_1091 = arith.constant 32 : index
        %swap3A_1092 = tpu.vector_load %arg12[%swap3A_1090, %swap3A_1091] {strides = array<i32>} : memref<128x64xf32, #tpu.memory_space<vmem>>, vector<1x16xf32>,
        %swap3A_1093 = vector.shape_cast %swap3A_1092 : vector<1x16xf32> to vector<16xf32>
        %swap3A_1094 = vector.shape_cast %add3A_1089 : vector<16xf32> to vector<1x16xf32>
        tpu.vector_store %arg12[%swap3A_1090, %swap3A_1091], %swap3A_1094 {strides = array<i32>} : memref<128x64xf32, #tpu.memory_space<vmem>>, vector<1x16xf32>,
        %get3A_1095 = arith.index_cast %scan3A_1051 : i32 to index
        %get3A_1096 = arith.constant 48 : index
        %get3A_1097 = tpu.vector_load %arg12[%get3A_1095, %get3A_1096] {strides = array<i32>} : memref<128x64xf32, #tpu.memory_space<vmem>>, vector<1x16xf32>,
        %get3A_1098 = vector.shape_cast %get3A_1097 : vector<1x16xf32> to vector<16xf32>
        %get3A_1099 = arith.index_cast %add3A_1052 : i32 to index
        %get3A_1100 = arith.constant 48 : index
        %get3A_1101 = tpu.vector_load %arg7[%get3A_1099, %get3A_1100] {strides = array<i32>} : memref<328x64xf32, #tpu.memory_space<vmem>>, vector<1x16xf32>,
        %get3A_1102 = vector.shape_cast %get3A_1101 : vector<1x16xf32> to vector<16xf32>
        %add3A_1103 = arith.addf %get3A_1098, %get3A_1102 : vector<16xf32>
        %swap3A_1104 = arith.index_cast %scan3A_1051 : i32 to index
        %swap3A_1105 = arith.constant 48 : index
        %swap3A_1106 = tpu.vector_load %arg12[%swap3A_1104, %swap3A_1105] {strides = array<i32>} : memref<128x64xf32, #tpu.memory_space<vmem>>, vector<1x16xf32>,
        %swap3A_1107 = vector.shape_cast %swap3A_1106 : vector<1x16xf32> to vector<16xf32>
        %swap3A_1108 = vector.shape_cast %add3A_1103 : vector<16xf32> to vector<1x16xf32>
        tpu.vector_store %arg12[%swap3A_1104, %swap3A_1105], %swap3A_1108 {strides = array<i32>} : memref<128x64xf32, #tpu.memory_space<vmem>>, vector<1x16xf32>,
        %scan3A_1109 = arith.constant 2 : i32
        %scan3A_1110 = arith.addi %scan3A_993, %scan3A_1109 : i32
        %add3A_1111 = arith.addi %rem3A_862, %scan3A_1110 : i32
        %get3A_1112 = arith.index_cast %scan3A_1110 : i32 to index
        %get3A_1113 = arith.constant 0 : index
        %get3A_1114 = tpu.vector_load %arg12[%get3A_1112, %get3A_1113] {strides = array<i32>} : memref<128x64xf32, #tpu.memory_space<vmem>>, vector<1x16xf32>,
        %get3A_1115 = vector.shape_cast %get3A_1114 : vector<1x16xf32> to vector<16xf32>
        %get3A_1116 = arith.index_cast %add3A_1111 : i32 to index
        %get3A_1117 = arith.constant 0 : index
        %get3A_1118 = tpu.vector_load %arg7[%get3A_1116, %get3A_1117] {strides = array<i32>} : memref<328x64xf32, #tpu.memory_space<vmem>>, vector<1x16xf32>,
        %get3A_1119 = vector.shape_cast %get3A_1118 : vector<1x16xf32> to vector<16xf32>
        %add3A_1120 = arith.addf %get3A_1115, %get3A_1119 : vector<16xf32>
        %swap3A_1121 = arith.index_cast %scan3A_1110 : i32 to index
        %swap3A_1122 = arith.constant 0 : index
        %swap3A_1123 = tpu.vector_load %arg12[%swap3A_1121, %swap3A_1122] {strides = array<i32>} : memref<128x64xf32, #tpu.memory_space<vmem>>, vector<1x16xf32>,
        %swap3A_1124 = vector.shape_cast %swap3A_1123 : vector<1x16xf32> to vector<16xf32>
        %swap3A_1125 = vector.shape_cast %add3A_1120 : vector<16xf32> to vector<1x16xf32>
        tpu.vector_store %arg12[%swap3A_1121, %swap3A_1122], %swap3A_1125 {strides = array<i32>} : memref<128x64xf32, #tpu.memory_space<vmem>>, vector<1x16xf32>,
        %get3A_1126 = arith.index_cast %scan3A_1110 : i32 to index
        %get3A_1127 = arith.constant 16 : index
        %get3A_1128 = tpu.vector_load %arg12[%get3A_1126, %get3A_1127] {strides = array<i32>} : memref<128x64xf32, #tpu.memory_space<vmem>>, vector<1x16xf32>,
        %get3A_1129 = vector.shape_cast %get3A_1128 : vector<1x16xf32> to vector<16xf32>
        %get3A_1130 = arith.index_cast %add3A_1111 : i32 to index
        %get3A_1131 = arith.constant 16 : index
        %get3A_1132 = tpu.vector_load %arg7[%get3A_1130, %get3A_1131] {strides = array<i32>} : memref<328x64xf32, #tpu.memory_space<vmem>>, vector<1x16xf32>,
        %get3A_1133 = vector.shape_cast %get3A_1132 : vector<1x16xf32> to vector<16xf32>
        %add3A_1134 = arith.addf %get3A_1129, %get3A_1133 : vector<16xf32>
        %swap3A_1135 = arith.index_cast %scan3A_1110 : i32 to index
        %swap3A_1136 = arith.constant 16 : index
        %swap3A_1137 = tpu.vector_load %arg12[%swap3A_1135, %swap3A_1136] {strides = array<i32>} : memref<128x64xf32, #tpu.memory_space<vmem>>, vector<1x16xf32>,
        %swap3A_1138 = vector.shape_cast %swap3A_1137 : vector<1x16xf32> to vector<16xf32>
        %swap3A_1139 = vector.shape_cast %add3A_1134 : vector<16xf32> to vector<1x16xf32>
        tpu.vector_store %arg12[%swap3A_1135, %swap3A_1136], %swap3A_1139 {strides = array<i32>} : memref<128x64xf32, #tpu.memory_space<vmem>>, vector<1x16xf32>,
        %get3A_1140 = arith.index_cast %scan3A_1110 : i32 to index
        %get3A_1141 = arith.constant 32 : index
        %get3A_1142 = tpu.vector_load %arg12[%get3A_1140, %get3A_1141] {strides = array<i32>} : memref<128x64xf32, #tpu.memory_space<vmem>>, vector<1x16xf32>,
        %get3A_1143 = vector.shape_cast %get3A_1142 : vector<1x16xf32> to vector<16xf32>
        %get3A_1144 = arith.index_cast %add3A_1111 : i32 to index
        %get3A_1145 = arith.constant 32 : index
        %get3A_1146 = tpu.vector_load %arg7[%get3A_1144, %get3A_1145] {strides = array<i32>} : memref<328x64xf32, #tpu.memory_space<vmem>>, vector<1x16xf32>,
        %get3A_1147 = vector.shape_cast %get3A_1146 : vector<1x16xf32> to vector<16xf32>
        %add3A_1148 = arith.addf %get3A_1143, %get3A_1147 : vector<16xf32>
        %swap3A_1149 = arith.index_cast %scan3A_1110 : i32 to index
        %swap3A_1150 = arith.constant 32 : index
        %swap3A_1151 = tpu.vector_load %arg12[%swap3A_1149, %swap3A_1150] {strides = array<i32>} : memref<128x64xf32, #tpu.memory_space<vmem>>, vector<1x16xf32>,
        %swap3A_1152 = vector.shape_cast %swap3A_1151 : vector<1x16xf32> to vector<16xf32>
        %swap3A_1153 = vector.shape_cast %add3A_1148 : vector<16xf32> to vector<1x16xf32>
        tpu.vector_store %arg12[%swap3A_1149, %swap3A_1150], %swap3A_1153 {strides = array<i32>} : memref<128x64xf32, #tpu.memory_space<vmem>>, vector<1x16xf32>,
        %get3A_1154 = arith.index_cast %scan3A_1110 : i32 to index
        %get3A_1155 = arith.constant 48 : index
        %get3A_1156 = tpu.vector_load %arg12[%get3A_1154, %get3A_1155] {strides = array<i32>} : memref<128x64xf32, #tpu.memory_space<vmem>>, vector<1x16xf32>,
        %get3A_1157 = vector.shape_cast %get3A_1156 : vector<1x16xf32> to vector<16xf32>
        %get3A_1158 = arith.index_cast %add3A_1111 : i32 to index
        %get3A_1159 = arith.constant 48 : index
        %get3A_1160 = tpu.vector_load %arg7[%get3A_1158, %get3A_1159] {strides = array<i32>} : memref<328x64xf32, #tpu.memory_space<vmem>>, vector<1x16xf32>,
        %get3A_1161 = vector.shape_cast %get3A_1160 : vector<1x16xf32> to vector<16xf32>
        %add3A_1162 = arith.addf %get3A_1157, %get3A_1161 : vector<16xf32>
        %swap3A_1163 = arith.index_cast %scan3A_1110 : i32 to index
        %swap3A_1164 = arith.constant 48 : index
        %swap3A_1165 = tpu.vector_load %arg12[%swap3A_1163, %swap3A_1164] {strides = array<i32>} : memref<128x64xf32, #tpu.memory_space<vmem>>, vector<1x16xf32>,
        %swap3A_1166 = vector.shape_cast %swap3A_1165 : vector<1x16xf32> to vector<16xf32>
        %swap3A_1167 = vector.shape_cast %add3A_1162 : vector<16xf32> to vector<1x16xf32>
        tpu.vector_store %arg12[%swap3A_1163, %swap3A_1164], %swap3A_1167 {strides = array<i32>} : memref<128x64xf32, #tpu.memory_space<vmem>>, vector<1x16xf32>,
        %scan3A_1168 = arith.constant 3 : i32
        %scan3A_1169 = arith.addi %scan3A_993, %scan3A_1168 : i32
        %add3A_1170 = arith.addi %rem3A_862, %scan3A_1169 : i32
        %get3A_1171 = arith.index_cast %scan3A_1169 : i32 to index
        %get3A_1172 = arith.constant 0 : index
        %get3A_1173 = tpu.vector_load %arg12[%get3A_1171, %get3A_1172] {strides = array<i32>} : memref<128x64xf32, #tpu.memory_space<vmem>>, vector<1x16xf32>,
        %get3A_1174 = vector.shape_cast %get3A_1173 : vector<1x16xf32> to vector<16xf32>
        %get3A_1175 = arith.index_cast %add3A_1170 : i32 to index
        %get3A_1176 = arith.constant 0 : index
        %get3A_1177 = tpu.vector_load %arg7[%get3A_1175, %get3A_1176] {strides = array<i32>} : memref<328x64xf32, #tpu.memory_space<vmem>>, vector<1x16xf32>,
        %get3A_1178 = vector.shape_cast %get3A_1177 : vector<1x16xf32> to vector<16xf32>
        %add3A_1179 = arith.addf %get3A_1174, %get3A_1178 : vector<16xf32>
        %swap3A_1180 = arith.index_cast %scan3A_1169 : i32 to index
        %swap3A_1181 = arith.constant 0 : index
        %swap3A_1182 = tpu.vector_load %arg12[%swap3A_1180, %swap3A_1181] {strides = array<i32>} : memref<128x64xf32, #tpu.memory_space<vmem>>, vector<1x16xf32>,
        %swap3A_1183 = vector.shape_cast %swap3A_1182 : vector<1x16xf32> to vector<16xf32>
        %swap3A_1184 = vector.shape_cast %add3A_1179 : vector<16xf32> to vector<1x16xf32>
        tpu.vector_store %arg12[%swap3A_1180, %swap3A_1181], %swap3A_1184 {strides = array<i32>} : memref<128x64xf32, #tpu.memory_space<vmem>>, vector<1x16xf32>,
        %get3A_1185 = arith.index_cast %scan3A_1169 : i32 to index
        %get3A_1186 = arith.constant 16 : index
        %get3A_1187 = tpu.vector_load %arg12[%get3A_1185, %get3A_1186] {strides = array<i32>} : memref<128x64xf32, #tpu.memory_space<vmem>>, vector<1x16xf32>,
        %get3A_1188 = vector.shape_cast %get3A_1187 : vector<1x16xf32> to vector<16xf32>
        %get3A_1189 = arith.index_cast %add3A_1170 : i32 to index
        %get3A_1190 = arith.constant 16 : index
        %get3A_1191 = tpu.vector_load %arg7[%get3A_1189, %get3A_1190] {strides = array<i32>} : memref<328x64xf32, #tpu.memory_space<vmem>>, vector<1x16xf32>,
        %get3A_1192 = vector.shape_cast %get3A_1191 : vector<1x16xf32> to vector<16xf32>
        %add3A_1193 = arith.addf %get3A_1188, %get3A_1192 : vector<16xf32>
        %swap3A_1194 = arith.index_cast %scan3A_1169 : i32 to index
        %swap3A_1195 = arith.constant 16 : index
        %swap3A_1196 = tpu.vector_load %arg12[%swap3A_1194, %swap3A_1195] {strides = array<i32>} : memref<128x64xf32, #tpu.memory_space<vmem>>, vector<1x16xf32>,
        %swap3A_1197 = vector.shape_cast %swap3A_1196 : vector<1x16xf32> to vector<16xf32>
        %swap3A_1198 = vector.shape_cast %add3A_1193 : vector<16xf32> to vector<1x16xf32>
        tpu.vector_store %arg12[%swap3A_1194, %swap3A_1195], %swap3A_1198 {strides = array<i32>} : memref<128x64xf32, #tpu.memory_space<vmem>>, vector<1x16xf32>,
        %get3A_1199 = arith.index_cast %scan3A_1169 : i32 to index
        %get3A_1200 = arith.constant 32 : index
        %get3A_1201 = tpu.vector_load %arg12[%get3A_1199, %get3A_1200] {strides = array<i32>} : memref<128x64xf32, #tpu.memory_space<vmem>>, vector<1x16xf32>,
        %get3A_1202 = vector.shape_cast %get3A_1201 : vector<1x16xf32> to vector<16xf32>
        %get3A_1203 = arith.index_cast %add3A_1170 : i32 to index
        %get3A_1204 = arith.constant 32 : index
        %get3A_1205 = tpu.vector_load %arg7[%get3A_1203, %get3A_1204] {strides = array<i32>} : memref<328x64xf32, #tpu.memory_space<vmem>>, vector<1x16xf32>,
        %get3A_1206 = vector.shape_cast %get3A_1205 : vector<1x16xf32> to vector<16xf32>
        %add3A_1207 = arith.addf %get3A_1202, %get3A_1206 : vector<16xf32>
        %swap3A_1208 = arith.index_cast %scan3A_1169 : i32 to index
        %swap3A_1209 = arith.constant 32 : index
        %swap3A_1210 = tpu.vector_load %arg12[%swap3A_1208, %swap3A_1209] {strides = array<i32>} : memref<128x64xf32, #tpu.memory_space<vmem>>, vector<1x16xf32>,
        %swap3A_1211 = vector.shape_cast %swap3A_1210 : vector<1x16xf32> to vector<16xf32>
        %swap3A_1212 = vector.shape_cast %add3A_1207 : vector<16xf32> to vector<1x16xf32>
        tpu.vector_store %arg12[%swap3A_1208, %swap3A_1209], %swap3A_1212 {strides = array<i32>} : memref<128x64xf32, #tpu.memory_space<vmem>>, vector<1x16xf32>,
        %get3A_1213 = arith.index_cast %scan3A_1169 : i32 to index
        %get3A_1214 = arith.constant 48 : index
        %get3A_1215 = tpu.vector_load %arg12[%get3A_1213, %get3A_1214] {strides = array<i32>} : memref<128x64xf32, #tpu.memory_space<vmem>>, vector<1x16xf32>,
        %get3A_1216 = vector.shape_cast %get3A_1215 : vector<1x16xf32> to vector<16xf32>
        %get3A_1217 = arith.index_cast %add3A_1170 : i32 to index
        %get3A_1218 = arith.constant 48 : index
        %get3A_1219 = tpu.vector_load %arg7[%get3A_1217, %get3A_1218] {strides = array<i32>} : memref<328x64xf32, #tpu.memory_space<vmem>>, vector<1x16xf32>,
        %get3A_1220 = vector.shape_cast %get3A_1219 : vector<1x16xf32> to vector<16xf32>
        %add3A_1221 = arith.addf %get3A_1216, %get3A_1220 : vector<16xf32>
        %swap3A_1222 = arith.index_cast %scan3A_1169 : i32 to index
        %swap3A_1223 = arith.constant 48 : index
        %swap3A_1224 = tpu.vector_load %arg12[%swap3A_1222, %swap3A_1223] {strides = array<i32>} : memref<128x64xf32, #tpu.memory_space<vmem>>, vector<1x16xf32>,
        %swap3A_1225 = vector.shape_cast %swap3A_1224 : vector<1x16xf32> to vector<16xf32>
        %swap3A_1226 = vector.shape_cast %add3A_1221 : vector<16xf32> to vector<1x16xf32>
        tpu.vector_store %arg12[%swap3A_1222, %swap3A_1223], %swap3A_1226 {strides = array<i32>} : memref<128x64xf32, #tpu.memory_space<vmem>>, vector<1x16xf32>,
      }
      %scan3A_868 = arith.constant 128 : i32
      %add3A_869 = arith.addi %mul3A_2, %add3A_841 : i32
      %mul3A_870 = arith.constant 128 : i32
      %mul3A_871 = arith.muli %add3A_869, %mul3A_870 : i32
      %dma_start3A_872 = arith.constant 0 : i32
      %dma_start3A_873 = tpu.memref_slice %arg5[%mul3A_871, %dma_start3A_872] : memref<819200x64xf32, #tpu.memory_space<hbm>> -> memref<128x64xf32, #tpu.memory_space<hbm>>
      %dma_start3A_874 = arith.constant 0 : i32
      %dma_start3A_875 = tpu.memref_slice %arg5[%mul3A_871, %dma_start3A_874] : memref<819200x64xf32, #tpu.memory_space<hbm>> -> memref<128x64xf32, #tpu.memory_space<hbm>>
      tpu.enqueue_dma source(%arg12 : memref<128x64xf32, #tpu.memory_space<vmem>>) target(%dma_start3A_875 : memref<128x64xf32, #tpu.memory_space<hbm>>) target_semaphore(%arg28 : memref<!tpu.dma_semaphore, #tpu.memory_space<semaphore_mem>>)
      %mul3A_876 = arith.constant 8 : i32
      %mul3A_877 = arith.muli %scan3A_381, %mul3A_876 : i32
      %add3A_878 = arith.constant 5 : i32
      %add3A_879 = arith.addi %mul3A_877, %add3A_878 : i32
      %mul3A_880 = arith.constant 128 : i32
      %mul3A_881 = arith.muli %mul3A_2, %mul3A_880 : i32
      %dma_wait3A_882 = arith.constant 0 : i32
      %dma_wait3A_883 = tpu.memref_slice %arg5[%mul3A_881, %dma_wait3A_882] : memref<819200x64xf32, #tpu.memory_space<hbm>> -> memref<128x64xf32, #tpu.memory_space<hbm>>
      %dma_wait3A_884 = arith.constant 0 : i32
      %dma_wait3A_885 = tpu.memref_slice %arg5[%mul3A_881, %dma_wait3A_884] : memref<819200x64xf32, #tpu.memory_space<hbm>> -> memref<128x64xf32, #tpu.memory_space<hbm>>
      tpu.wait_dma2 semaphore(%arg25 : memref<!tpu.dma_semaphore, #tpu.memory_space<semaphore_mem>>) src(%arg9 : memref<128x64xf32, #tpu.memory_space<vmem>>) dst(%dma_wait3A_885 : memref<128x64xf32, #tpu.memory_space<hbm>>)
      %lt3A_886 = arith.constant 24 : i32
      %lt3A_887 = arith.cmpi slt, %scan3A_381, %lt3A_886 : i32
      %convert_element_type3A_888 = arith.extui %lt3A_887 : i1 to i32
      %cond3A_889 = arith.constant 0 : i32
      %cond3A_890 = arith.cmpi ne, %convert_element_type3A_888, %cond3A_889 : i32
      scf.if %cond3A_890 {
        %add3A_993 = arith.constant 4 : i32
        %add3A_994 = arith.addi %add3A_879, %add3A_993 : i32
        %get3A_995 = arith.index_cast %add3A_994 : i32 to index
        %get3A_996 = arith.constant 0 : index
        %get3A_997 = tpu.vector_load %arg6[%get3A_995, %get3A_996] {strides = array<i32>} : memref<200x128xi32, #tpu.memory_space<vmem>>, vector<1x16xi32>,
        %get3A_998 = vector.shape_cast %get3A_997 : vector<1x16xi32> to vector<16xi32>
        %dma_start3A_999 = arith.constant 0 : i32
        %dma_start3A_1000 = arith.constant 0 : i32
        %dma_start3A_1001 = tpu.memref_slice %arg9[%dma_start3A_999, %dma_start3A_1000] : memref<128x64xf32, #tpu.memory_space<vmem>> -> memref<16x64xf32, #tpu.memory_space<vmem>>
        %dma_start3A_1002 = arith.constant 0 : i32
        %dma_start3A_1003 = arith.constant 0 : i32
        %dma_start3A_1004 = tpu.memref_slice %arg3[%dma_start3A_1002, %dma_start3A_1003] : memref<1000000x64xf32, #tpu.memory_space<hbm>> -> memref<1000000x64xf32, #tpu.memory_space<hbm>>
        tpu.enqueue_indirect_dma source(%dma_start3A_1004 : memref<1000000x64xf32, #tpu.memory_space<hbm>>) target(%dma_start3A_1001 : memref<16x64xf32, #tpu.memory_space<vmem>>) offsets(%get3A_998 : vector<16xi32>) semaphore(%arg17 : memref<!tpu.dma_semaphore, #tpu.memory_space<semaphore_mem>>)
        %get3A_1005 = arith.index_cast %add3A_994 : i32 to index
        %get3A_1006 = arith.constant 16 : index
        %get3A_1007 = tpu.vector_load %arg6[%get3A_1005, %get3A_1006] {strides = array<i32>} : memref<200x128xi32, #tpu.memory_space<vmem>>, vector<1x16xi32>,
        %get3A_1008 = vector.shape_cast %get3A_1007 : vector<1x16xi32> to vector<16xi32>
        %dma_start3A_1009 = arith.constant 16 : i32
        %dma_start3A_1010 = arith.constant 0 : i32
        %dma_start3A_1011 = tpu.memref_slice %arg9[%dma_start3A_1009, %dma_start3A_1010] : memref<128x64xf32, #tpu.memory_space<vmem>> -> memref<16x64xf32, #tpu.memory_space<vmem>>
        %dma_start3A_1012 = arith.constant 0 : i32
        %dma_start3A_1013 = arith.constant 0 : i32
        %dma_start3A_1014 = tpu.memref_slice %arg3[%dma_start3A_1012, %dma_start3A_1013] : memref<1000000x64xf32, #tpu.memory_space<hbm>> -> memref<1000000x64xf32, #tpu.memory_space<hbm>>
        tpu.enqueue_indirect_dma source(%dma_start3A_1014 : memref<1000000x64xf32, #tpu.memory_space<hbm>>) target(%dma_start3A_1011 : memref<16x64xf32, #tpu.memory_space<vmem>>) offsets(%get3A_1008 : vector<16xi32>) semaphore(%arg17 : memref<!tpu.dma_semaphore, #tpu.memory_space<semaphore_mem>>)
        %get3A_1015 = arith.index_cast %add3A_994 : i32 to index
        %get3A_1016 = arith.constant 32 : index
        %get3A_1017 = tpu.vector_load %arg6[%get3A_1015, %get3A_1016] {strides = array<i32>} : memref<200x128xi32, #tpu.memory_space<vmem>>, vector<1x16xi32>,
        %get3A_1018 = vector.shape_cast %get3A_1017 : vector<1x16xi32> to vector<16xi32>
        %dma_start3A_1019 = arith.constant 32 : i32
        %dma_start3A_1020 = arith.constant 0 : i32
        %dma_start3A_1021 = tpu.memref_slice %arg9[%dma_start3A_1019, %dma_start3A_1020] : memref<128x64xf32, #tpu.memory_space<vmem>> -> memref<16x64xf32, #tpu.memory_space<vmem>>
        %dma_start3A_1022 = arith.constant 0 : i32
        %dma_start3A_1023 = arith.constant 0 : i32
        %dma_start3A_1024 = tpu.memref_slice %arg3[%dma_start3A_1022, %dma_start3A_1023] : memref<1000000x64xf32, #tpu.memory_space<hbm>> -> memref<1000000x64xf32, #tpu.memory_space<hbm>>
        tpu.enqueue_indirect_dma source(%dma_start3A_1024 : memref<1000000x64xf32, #tpu.memory_space<hbm>>) target(%dma_start3A_1021 : memref<16x64xf32, #tpu.memory_space<vmem>>) offsets(%get3A_1018 : vector<16xi32>) semaphore(%arg17 : memref<!tpu.dma_semaphore, #tpu.memory_space<semaphore_mem>>)
        %get3A_1025 = arith.index_cast %add3A_994 : i32 to index
        %get3A_1026 = arith.constant 48 : index
        %get3A_1027 = tpu.vector_load %arg6[%get3A_1025, %get3A_1026] {strides = array<i32>} : memref<200x128xi32, #tpu.memory_space<vmem>>, vector<1x16xi32>,
        %get3A_1028 = vector.shape_cast %get3A_1027 : vector<1x16xi32> to vector<16xi32>
        %dma_start3A_1029 = arith.constant 48 : i32
        %dma_start3A_1030 = arith.constant 0 : i32
        %dma_start3A_1031 = tpu.memref_slice %arg9[%dma_start3A_1029, %dma_start3A_1030] : memref<128x64xf32, #tpu.memory_space<vmem>> -> memref<16x64xf32, #tpu.memory_space<vmem>>
        %dma_start3A_1032 = arith.constant 0 : i32
        %dma_start3A_1033 = arith.constant 0 : i32
        %dma_start3A_1034 = tpu.memref_slice %arg3[%dma_start3A_1032, %dma_start3A_1033] : memref<1000000x64xf32, #tpu.memory_space<hbm>> -> memref<1000000x64xf32, #tpu.memory_space<hbm>>
        tpu.enqueue_indirect_dma source(%dma_start3A_1034 : memref<1000000x64xf32, #tpu.memory_space<hbm>>) target(%dma_start3A_1031 : memref<16x64xf32, #tpu.memory_space<vmem>>) offsets(%get3A_1028 : vector<16xi32>) semaphore(%arg17 : memref<!tpu.dma_semaphore, #tpu.memory_space<semaphore_mem>>)
        %get3A_1035 = arith.index_cast %add3A_994 : i32 to index
        %get3A_1036 = arith.constant 64 : index
        %get3A_1037 = tpu.vector_load %arg6[%get3A_1035, %get3A_1036] {strides = array<i32>} : memref<200x128xi32, #tpu.memory_space<vmem>>, vector<1x16xi32>,
        %get3A_1038 = vector.shape_cast %get3A_1037 : vector<1x16xi32> to vector<16xi32>
        %dma_start3A_1039 = arith.constant 64 : i32
        %dma_start3A_1040 = arith.constant 0 : i32
        %dma_start3A_1041 = tpu.memref_slice %arg9[%dma_start3A_1039, %dma_start3A_1040] : memref<128x64xf32, #tpu.memory_space<vmem>> -> memref<16x64xf32, #tpu.memory_space<vmem>>
        %dma_start3A_1042 = arith.constant 0 : i32
        %dma_start3A_1043 = arith.constant 0 : i32
        %dma_start3A_1044 = tpu.memref_slice %arg3[%dma_start3A_1042, %dma_start3A_1043] : memref<1000000x64xf32, #tpu.memory_space<hbm>> -> memref<1000000x64xf32, #tpu.memory_space<hbm>>
        tpu.enqueue_indirect_dma source(%dma_start3A_1044 : memref<1000000x64xf32, #tpu.memory_space<hbm>>) target(%dma_start3A_1041 : memref<16x64xf32, #tpu.memory_space<vmem>>) offsets(%get3A_1038 : vector<16xi32>) semaphore(%arg17 : memref<!tpu.dma_semaphore, #tpu.memory_space<semaphore_mem>>)
        %get3A_1045 = arith.index_cast %add3A_994 : i32 to index
        %get3A_1046 = arith.constant 80 : index
        %get3A_1047 = tpu.vector_load %arg6[%get3A_1045, %get3A_1046] {strides = array<i32>} : memref<200x128xi32, #tpu.memory_space<vmem>>, vector<1x16xi32>,
        %get3A_1048 = vector.shape_cast %get3A_1047 : vector<1x16xi32> to vector<16xi32>
        %dma_start3A_1049 = arith.constant 80 : i32
        %dma_start3A_1050 = arith.constant 0 : i32
        %dma_start3A_1051 = tpu.memref_slice %arg9[%dma_start3A_1049, %dma_start3A_1050] : memref<128x64xf32, #tpu.memory_space<vmem>> -> memref<16x64xf32, #tpu.memory_space<vmem>>
        %dma_start3A_1052 = arith.constant 0 : i32
        %dma_start3A_1053 = arith.constant 0 : i32
        %dma_start3A_1054 = tpu.memref_slice %arg3[%dma_start3A_1052, %dma_start3A_1053] : memref<1000000x64xf32, #tpu.memory_space<hbm>> -> memref<1000000x64xf32, #tpu.memory_space<hbm>>
        tpu.enqueue_indirect_dma source(%dma_start3A_1054 : memref<1000000x64xf32, #tpu.memory_space<hbm>>) target(%dma_start3A_1051 : memref<16x64xf32, #tpu.memory_space<vmem>>) offsets(%get3A_1048 : vector<16xi32>) semaphore(%arg17 : memref<!tpu.dma_semaphore, #tpu.memory_space<semaphore_mem>>)
        %get3A_1055 = arith.index_cast %add3A_994 : i32 to index
        %get3A_1056 = arith.constant 96 : index
        %get3A_1057 = tpu.vector_load %arg6[%get3A_1055, %get3A_1056] {strides = array<i32>} : memref<200x128xi32, #tpu.memory_space<vmem>>, vector<1x16xi32>,
        %get3A_1058 = vector.shape_cast %get3A_1057 : vector<1x16xi32> to vector<16xi32>
        %dma_start3A_1059 = arith.constant 96 : i32
        %dma_start3A_1060 = arith.constant 0 : i32
        %dma_start3A_1061 = tpu.memref_slice %arg9[%dma_start3A_1059, %dma_start3A_1060] : memref<128x64xf32, #tpu.memory_space<vmem>> -> memref<16x64xf32, #tpu.memory_space<vmem>>
        %dma_start3A_1062 = arith.constant 0 : i32
        %dma_start3A_1063 = arith.constant 0 : i32
        %dma_start3A_1064 = tpu.memref_slice %arg3[%dma_start3A_1062, %dma_start3A_1063] : memref<1000000x64xf32, #tpu.memory_space<hbm>> -> memref<1000000x64xf32, #tpu.memory_space<hbm>>
        tpu.enqueue_indirect_dma source(%dma_start3A_1064 : memref<1000000x64xf32, #tpu.memory_space<hbm>>) target(%dma_start3A_1061 : memref<16x64xf32, #tpu.memory_space<vmem>>) offsets(%get3A_1058 : vector<16xi32>) semaphore(%arg17 : memref<!tpu.dma_semaphore, #tpu.memory_space<semaphore_mem>>)
        %get3A_1065 = arith.index_cast %add3A_994 : i32 to index
        %get3A_1066 = arith.constant 112 : index
        %get3A_1067 = tpu.vector_load %arg6[%get3A_1065, %get3A_1066] {strides = array<i32>} : memref<200x128xi32, #tpu.memory_space<vmem>>, vector<1x16xi32>,
        %get3A_1068 = vector.shape_cast %get3A_1067 : vector<1x16xi32> to vector<16xi32>
        %dma_start3A_1069 = arith.constant 112 : i32
        %dma_start3A_1070 = arith.constant 0 : i32
        %dma_start3A_1071 = tpu.memref_slice %arg9[%dma_start3A_1069, %dma_start3A_1070] : memref<128x64xf32, #tpu.memory_space<vmem>> -> memref<16x64xf32, #tpu.memory_space<vmem>>
        %dma_start3A_1072 = arith.constant 0 : i32
        %dma_start3A_1073 = arith.constant 0 : i32
        %dma_start3A_1074 = tpu.memref_slice %arg3[%dma_start3A_1072, %dma_start3A_1073] : memref<1000000x64xf32, #tpu.memory_space<hbm>> -> memref<1000000x64xf32, #tpu.memory_space<hbm>>
        tpu.enqueue_indirect_dma source(%dma_start3A_1074 : memref<1000000x64xf32, #tpu.memory_space<hbm>>) target(%dma_start3A_1071 : memref<16x64xf32, #tpu.memory_space<vmem>>) offsets(%get3A_1068 : vector<16xi32>) semaphore(%arg17 : memref<!tpu.dma_semaphore, #tpu.memory_space<semaphore_mem>>)
      } else {
      }
      %dma_wait3A_891 = arith.constant 0 : i32
      %dma_wait3A_892 = arith.constant 0 : i32
      %dma_wait3A_893 = tpu.memref_slice %arg6[%dma_wait3A_891, %dma_wait3A_892] : memref<200x128xi32, #tpu.memory_space<vmem>> -> memref<1x128xi32, #tpu.memory_space<vmem>>
      %dma_wait3A_894 = tpu.memref_squeeze %dma_wait3A_893 : memref<1x128xi32, #tpu.memory_space<vmem>> -> memref<128xi32, #tpu.memory_space<vmem>>
      %dma_wait3A_895 = arith.constant 0 : i32
      %dma_wait3A_896 = arith.constant 0 : i32
      %dma_wait3A_897 = tpu.memref_slice %arg3[%dma_wait3A_895, %dma_wait3A_896] : memref<1000000x64xf32, #tpu.memory_space<hbm>> -> memref<1000000x64xf32, #tpu.memory_space<hbm>>
      tpu.wait_indirect_dma semaphore(%arg21 : memref<!tpu.dma_semaphore, #tpu.memory_space<semaphore_mem>>) src(%dma_wait3A_897 : memref<1000000x64xf32, #tpu.memory_space<hbm>>) dst(%arg13 : memref<128x64xf32, #tpu.memory_space<vmem>>)
      %mul3A_898 = arith.constant 128 : i32
      %mul3A_899 = arith.muli %add3A_879, %mul3A_898 : i32
      %rem3A_900 = arith.constant 200 : i32
      %rem3A_901 = arith.remsi %mul3A_899, %rem3A_900 : i32
      %scan3A_902 = arith.constant 0 : i32
      %scan3A_903 = arith.constant 0 : i32
      %scan3A_904 = arith.constant 128 : i32
      %scan3A_905 = arith.addi %scan3A_903, %scan3A_904 : i32
      %scan3A_906 = arith.constant 4 : i32
      scf.for %scan3A_993 = %scan3A_903 to %scan3A_905 step %scan3A_906  : i32 {
        %add3A_994 = arith.addi %rem3A_901, %scan3A_993 : i32
        %get3A_995 = arith.index_cast %scan3A_993 : i32 to index
        %get3A_996 = arith.constant 0 : index
        %get3A_997 = tpu.vector_load %arg13[%get3A_995, %get3A_996] {strides = array<i32>} : memref<128x64xf32, #tpu.memory_space<vmem>>, vector<1x16xf32>,
        %get3A_998 = vector.shape_cast %get3A_997 : vector<1x16xf32> to vector<16xf32>
        %get3A_999 = arith.index_cast %add3A_994 : i32 to index
        %get3A_1000 = arith.constant 0 : index
        %get3A_1001 = tpu.vector_load %arg7[%get3A_999, %get3A_1000] {strides = array<i32>} : memref<328x64xf32, #tpu.memory_space<vmem>>, vector<1x16xf32>,
        %get3A_1002 = vector.shape_cast %get3A_1001 : vector<1x16xf32> to vector<16xf32>
        %add3A_1003 = arith.addf %get3A_998, %get3A_1002 : vector<16xf32>
        %swap3A = arith.index_cast %scan3A_993 : i32 to index
        %swap3A_1004 = arith.constant 0 : index
        %swap3A_1005 = tpu.vector_load %arg13[%swap3A, %swap3A_1004] {strides = array<i32>} : memref<128x64xf32, #tpu.memory_space<vmem>>, vector<1x16xf32>,
        %swap3A_1006 = vector.shape_cast %swap3A_1005 : vector<1x16xf32> to vector<16xf32>
        %swap3A_1007 = vector.shape_cast %add3A_1003 : vector<16xf32> to vector<1x16xf32>
        tpu.vector_store %arg13[%swap3A, %swap3A_1004], %swap3A_1007 {strides = array<i32>} : memref<128x64xf32, #tpu.memory_space<vmem>>, vector<1x16xf32>,
        %get3A_1008 = arith.index_cast %scan3A_993 : i32 to index
        %get3A_1009 = arith.constant 16 : index
        %get3A_1010 = tpu.vector_load %arg13[%get3A_1008, %get3A_1009] {strides = array<i32>} : memref<128x64xf32, #tpu.memory_space<vmem>>, vector<1x16xf32>,
        %get3A_1011 = vector.shape_cast %get3A_1010 : vector<1x16xf32> to vector<16xf32>
        %get3A_1012 = arith.index_cast %add3A_994 : i32 to index
        %get3A_1013 = arith.constant 16 : index
        %get3A_1014 = tpu.vector_load %arg7[%get3A_1012, %get3A_1013] {strides = array<i32>} : memref<328x64xf32, #tpu.memory_space<vmem>>, vector<1x16xf32>,
        %get3A_1015 = vector.shape_cast %get3A_1014 : vector<1x16xf32> to vector<16xf32>
        %add3A_1016 = arith.addf %get3A_1011, %get3A_1015 : vector<16xf32>
        %swap3A_1017 = arith.index_cast %scan3A_993 : i32 to index
        %swap3A_1018 = arith.constant 16 : index
        %swap3A_1019 = tpu.vector_load %arg13[%swap3A_1017, %swap3A_1018] {strides = array<i32>} : memref<128x64xf32, #tpu.memory_space<vmem>>, vector<1x16xf32>,
        %swap3A_1020 = vector.shape_cast %swap3A_1019 : vector<1x16xf32> to vector<16xf32>
        %swap3A_1021 = vector.shape_cast %add3A_1016 : vector<16xf32> to vector<1x16xf32>
        tpu.vector_store %arg13[%swap3A_1017, %swap3A_1018], %swap3A_1021 {strides = array<i32>} : memref<128x64xf32, #tpu.memory_space<vmem>>, vector<1x16xf32>,
        %get3A_1022 = arith.index_cast %scan3A_993 : i32 to index
        %get3A_1023 = arith.constant 32 : index
        %get3A_1024 = tpu.vector_load %arg13[%get3A_1022, %get3A_1023] {strides = array<i32>} : memref<128x64xf32, #tpu.memory_space<vmem>>, vector<1x16xf32>,
        %get3A_1025 = vector.shape_cast %get3A_1024 : vector<1x16xf32> to vector<16xf32>
        %get3A_1026 = arith.index_cast %add3A_994 : i32 to index
        %get3A_1027 = arith.constant 32 : index
        %get3A_1028 = tpu.vector_load %arg7[%get3A_1026, %get3A_1027] {strides = array<i32>} : memref<328x64xf32, #tpu.memory_space<vmem>>, vector<1x16xf32>,
        %get3A_1029 = vector.shape_cast %get3A_1028 : vector<1x16xf32> to vector<16xf32>
        %add3A_1030 = arith.addf %get3A_1025, %get3A_1029 : vector<16xf32>
        %swap3A_1031 = arith.index_cast %scan3A_993 : i32 to index
        %swap3A_1032 = arith.constant 32 : index
        %swap3A_1033 = tpu.vector_load %arg13[%swap3A_1031, %swap3A_1032] {strides = array<i32>} : memref<128x64xf32, #tpu.memory_space<vmem>>, vector<1x16xf32>,
        %swap3A_1034 = vector.shape_cast %swap3A_1033 : vector<1x16xf32> to vector<16xf32>
        %swap3A_1035 = vector.shape_cast %add3A_1030 : vector<16xf32> to vector<1x16xf32>
        tpu.vector_store %arg13[%swap3A_1031, %swap3A_1032], %swap3A_1035 {strides = array<i32>} : memref<128x64xf32, #tpu.memory_space<vmem>>, vector<1x16xf32>,
        %get3A_1036 = arith.index_cast %scan3A_993 : i32 to index
        %get3A_1037 = arith.constant 48 : index
        %get3A_1038 = tpu.vector_load %arg13[%get3A_1036, %get3A_1037] {strides = array<i32>} : memref<128x64xf32, #tpu.memory_space<vmem>>, vector<1x16xf32>,
        %get3A_1039 = vector.shape_cast %get3A_1038 : vector<1x16xf32> to vector<16xf32>
        %get3A_1040 = arith.index_cast %add3A_994 : i32 to index
        %get3A_1041 = arith.constant 48 : index
        %get3A_1042 = tpu.vector_load %arg7[%get3A_1040, %get3A_1041] {strides = array<i32>} : memref<328x64xf32, #tpu.memory_space<vmem>>, vector<1x16xf32>,
        %get3A_1043 = vector.shape_cast %get3A_1042 : vector<1x16xf32> to vector<16xf32>
        %add3A_1044 = arith.addf %get3A_1039, %get3A_1043 : vector<16xf32>
        %swap3A_1045 = arith.index_cast %scan3A_993 : i32 to index
        %swap3A_1046 = arith.constant 48 : index
        %swap3A_1047 = tpu.vector_load %arg13[%swap3A_1045, %swap3A_1046] {strides = array<i32>} : memref<128x64xf32, #tpu.memory_space<vmem>>, vector<1x16xf32>,
        %swap3A_1048 = vector.shape_cast %swap3A_1047 : vector<1x16xf32> to vector<16xf32>
        %swap3A_1049 = vector.shape_cast %add3A_1044 : vector<16xf32> to vector<1x16xf32>
        tpu.vector_store %arg13[%swap3A_1045, %swap3A_1046], %swap3A_1049 {strides = array<i32>} : memref<128x64xf32, #tpu.memory_space<vmem>>, vector<1x16xf32>,
        %scan3A_1050 = arith.constant 1 : i32
        %scan3A_1051 = arith.addi %scan3A_993, %scan3A_1050 : i32
        %add3A_1052 = arith.addi %rem3A_901, %scan3A_1051 : i32
        %get3A_1053 = arith.index_cast %scan3A_1051 : i32 to index
        %get3A_1054 = arith.constant 0 : index
        %get3A_1055 = tpu.vector_load %arg13[%get3A_1053, %get3A_1054] {strides = array<i32>} : memref<128x64xf32, #tpu.memory_space<vmem>>, vector<1x16xf32>,
        %get3A_1056 = vector.shape_cast %get3A_1055 : vector<1x16xf32> to vector<16xf32>
        %get3A_1057 = arith.index_cast %add3A_1052 : i32 to index
        %get3A_1058 = arith.constant 0 : index
        %get3A_1059 = tpu.vector_load %arg7[%get3A_1057, %get3A_1058] {strides = array<i32>} : memref<328x64xf32, #tpu.memory_space<vmem>>, vector<1x16xf32>,
        %get3A_1060 = vector.shape_cast %get3A_1059 : vector<1x16xf32> to vector<16xf32>
        %add3A_1061 = arith.addf %get3A_1056, %get3A_1060 : vector<16xf32>
        %swap3A_1062 = arith.index_cast %scan3A_1051 : i32 to index
        %swap3A_1063 = arith.constant 0 : index
        %swap3A_1064 = tpu.vector_load %arg13[%swap3A_1062, %swap3A_1063] {strides = array<i32>} : memref<128x64xf32, #tpu.memory_space<vmem>>, vector<1x16xf32>,
        %swap3A_1065 = vector.shape_cast %swap3A_1064 : vector<1x16xf32> to vector<16xf32>
        %swap3A_1066 = vector.shape_cast %add3A_1061 : vector<16xf32> to vector<1x16xf32>
        tpu.vector_store %arg13[%swap3A_1062, %swap3A_1063], %swap3A_1066 {strides = array<i32>} : memref<128x64xf32, #tpu.memory_space<vmem>>, vector<1x16xf32>,
        %get3A_1067 = arith.index_cast %scan3A_1051 : i32 to index
        %get3A_1068 = arith.constant 16 : index
        %get3A_1069 = tpu.vector_load %arg13[%get3A_1067, %get3A_1068] {strides = array<i32>} : memref<128x64xf32, #tpu.memory_space<vmem>>, vector<1x16xf32>,
        %get3A_1070 = vector.shape_cast %get3A_1069 : vector<1x16xf32> to vector<16xf32>
        %get3A_1071 = arith.index_cast %add3A_1052 : i32 to index
        %get3A_1072 = arith.constant 16 : index
        %get3A_1073 = tpu.vector_load %arg7[%get3A_1071, %get3A_1072] {strides = array<i32>} : memref<328x64xf32, #tpu.memory_space<vmem>>, vector<1x16xf32>,
        %get3A_1074 = vector.shape_cast %get3A_1073 : vector<1x16xf32> to vector<16xf32>
        %add3A_1075 = arith.addf %get3A_1070, %get3A_1074 : vector<16xf32>
        %swap3A_1076 = arith.index_cast %scan3A_1051 : i32 to index
        %swap3A_1077 = arith.constant 16 : index
        %swap3A_1078 = tpu.vector_load %arg13[%swap3A_1076, %swap3A_1077] {strides = array<i32>} : memref<128x64xf32, #tpu.memory_space<vmem>>, vector<1x16xf32>,
        %swap3A_1079 = vector.shape_cast %swap3A_1078 : vector<1x16xf32> to vector<16xf32>
        %swap3A_1080 = vector.shape_cast %add3A_1075 : vector<16xf32> to vector<1x16xf32>
        tpu.vector_store %arg13[%swap3A_1076, %swap3A_1077], %swap3A_1080 {strides = array<i32>} : memref<128x64xf32, #tpu.memory_space<vmem>>, vector<1x16xf32>,
        %get3A_1081 = arith.index_cast %scan3A_1051 : i32 to index
        %get3A_1082 = arith.constant 32 : index
        %get3A_1083 = tpu.vector_load %arg13[%get3A_1081, %get3A_1082] {strides = array<i32>} : memref<128x64xf32, #tpu.memory_space<vmem>>, vector<1x16xf32>,
        %get3A_1084 = vector.shape_cast %get3A_1083 : vector<1x16xf32> to vector<16xf32>
        %get3A_1085 = arith.index_cast %add3A_1052 : i32 to index
        %get3A_1086 = arith.constant 32 : index
        %get3A_1087 = tpu.vector_load %arg7[%get3A_1085, %get3A_1086] {strides = array<i32>} : memref<328x64xf32, #tpu.memory_space<vmem>>, vector<1x16xf32>,
        %get3A_1088 = vector.shape_cast %get3A_1087 : vector<1x16xf32> to vector<16xf32>
        %add3A_1089 = arith.addf %get3A_1084, %get3A_1088 : vector<16xf32>
        %swap3A_1090 = arith.index_cast %scan3A_1051 : i32 to index
        %swap3A_1091 = arith.constant 32 : index
        %swap3A_1092 = tpu.vector_load %arg13[%swap3A_1090, %swap3A_1091] {strides = array<i32>} : memref<128x64xf32, #tpu.memory_space<vmem>>, vector<1x16xf32>,
        %swap3A_1093 = vector.shape_cast %swap3A_1092 : vector<1x16xf32> to vector<16xf32>
        %swap3A_1094 = vector.shape_cast %add3A_1089 : vector<16xf32> to vector<1x16xf32>
        tpu.vector_store %arg13[%swap3A_1090, %swap3A_1091], %swap3A_1094 {strides = array<i32>} : memref<128x64xf32, #tpu.memory_space<vmem>>, vector<1x16xf32>,
        %get3A_1095 = arith.index_cast %scan3A_1051 : i32 to index
        %get3A_1096 = arith.constant 48 : index
        %get3A_1097 = tpu.vector_load %arg13[%get3A_1095, %get3A_1096] {strides = array<i32>} : memref<128x64xf32, #tpu.memory_space<vmem>>, vector<1x16xf32>,
        %get3A_1098 = vector.shape_cast %get3A_1097 : vector<1x16xf32> to vector<16xf32>
        %get3A_1099 = arith.index_cast %add3A_1052 : i32 to index
        %get3A_1100 = arith.constant 48 : index
        %get3A_1101 = tpu.vector_load %arg7[%get3A_1099, %get3A_1100] {strides = array<i32>} : memref<328x64xf32, #tpu.memory_space<vmem>>, vector<1x16xf32>,
        %get3A_1102 = vector.shape_cast %get3A_1101 : vector<1x16xf32> to vector<16xf32>
        %add3A_1103 = arith.addf %get3A_1098, %get3A_1102 : vector<16xf32>
        %swap3A_1104 = arith.index_cast %scan3A_1051 : i32 to index
        %swap3A_1105 = arith.constant 48 : index
        %swap3A_1106 = tpu.vector_load %arg13[%swap3A_1104, %swap3A_1105] {strides = array<i32>} : memref<128x64xf32, #tpu.memory_space<vmem>>, vector<1x16xf32>,
        %swap3A_1107 = vector.shape_cast %swap3A_1106 : vector<1x16xf32> to vector<16xf32>
        %swap3A_1108 = vector.shape_cast %add3A_1103 : vector<16xf32> to vector<1x16xf32>
        tpu.vector_store %arg13[%swap3A_1104, %swap3A_1105], %swap3A_1108 {strides = array<i32>} : memref<128x64xf32, #tpu.memory_space<vmem>>, vector<1x16xf32>,
        %scan3A_1109 = arith.constant 2 : i32
        %scan3A_1110 = arith.addi %scan3A_993, %scan3A_1109 : i32
        %add3A_1111 = arith.addi %rem3A_901, %scan3A_1110 : i32
        %get3A_1112 = arith.index_cast %scan3A_1110 : i32 to index
        %get3A_1113 = arith.constant 0 : index
        %get3A_1114 = tpu.vector_load %arg13[%get3A_1112, %get3A_1113] {strides = array<i32>} : memref<128x64xf32, #tpu.memory_space<vmem>>, vector<1x16xf32>,
        %get3A_1115 = vector.shape_cast %get3A_1114 : vector<1x16xf32> to vector<16xf32>
        %get3A_1116 = arith.index_cast %add3A_1111 : i32 to index
        %get3A_1117 = arith.constant 0 : index
        %get3A_1118 = tpu.vector_load %arg7[%get3A_1116, %get3A_1117] {strides = array<i32>} : memref<328x64xf32, #tpu.memory_space<vmem>>, vector<1x16xf32>,
        %get3A_1119 = vector.shape_cast %get3A_1118 : vector<1x16xf32> to vector<16xf32>
        %add3A_1120 = arith.addf %get3A_1115, %get3A_1119 : vector<16xf32>
        %swap3A_1121 = arith.index_cast %scan3A_1110 : i32 to index
        %swap3A_1122 = arith.constant 0 : index
        %swap3A_1123 = tpu.vector_load %arg13[%swap3A_1121, %swap3A_1122] {strides = array<i32>} : memref<128x64xf32, #tpu.memory_space<vmem>>, vector<1x16xf32>,
        %swap3A_1124 = vector.shape_cast %swap3A_1123 : vector<1x16xf32> to vector<16xf32>
        %swap3A_1125 = vector.shape_cast %add3A_1120 : vector<16xf32> to vector<1x16xf32>
        tpu.vector_store %arg13[%swap3A_1121, %swap3A_1122], %swap3A_1125 {strides = array<i32>} : memref<128x64xf32, #tpu.memory_space<vmem>>, vector<1x16xf32>,
        %get3A_1126 = arith.index_cast %scan3A_1110 : i32 to index
        %get3A_1127 = arith.constant 16 : index
        %get3A_1128 = tpu.vector_load %arg13[%get3A_1126, %get3A_1127] {strides = array<i32>} : memref<128x64xf32, #tpu.memory_space<vmem>>, vector<1x16xf32>,
        %get3A_1129 = vector.shape_cast %get3A_1128 : vector<1x16xf32> to vector<16xf32>
        %get3A_1130 = arith.index_cast %add3A_1111 : i32 to index
        %get3A_1131 = arith.constant 16 : index
        %get3A_1132 = tpu.vector_load %arg7[%get3A_1130, %get3A_1131] {strides = array<i32>} : memref<328x64xf32, #tpu.memory_space<vmem>>, vector<1x16xf32>,
        %get3A_1133 = vector.shape_cast %get3A_1132 : vector<1x16xf32> to vector<16xf32>
        %add3A_1134 = arith.addf %get3A_1129, %get3A_1133 : vector<16xf32>
        %swap3A_1135 = arith.index_cast %scan3A_1110 : i32 to index
        %swap3A_1136 = arith.constant 16 : index
        %swap3A_1137 = tpu.vector_load %arg13[%swap3A_1135, %swap3A_1136] {strides = array<i32>} : memref<128x64xf32, #tpu.memory_space<vmem>>, vector<1x16xf32>,
        %swap3A_1138 = vector.shape_cast %swap3A_1137 : vector<1x16xf32> to vector<16xf32>
        %swap3A_1139 = vector.shape_cast %add3A_1134 : vector<16xf32> to vector<1x16xf32>
        tpu.vector_store %arg13[%swap3A_1135, %swap3A_1136], %swap3A_1139 {strides = array<i32>} : memref<128x64xf32, #tpu.memory_space<vmem>>, vector<1x16xf32>,
        %get3A_1140 = arith.index_cast %scan3A_1110 : i32 to index
        %get3A_1141 = arith.constant 32 : index
        %get3A_1142 = tpu.vector_load %arg13[%get3A_1140, %get3A_1141] {strides = array<i32>} : memref<128x64xf32, #tpu.memory_space<vmem>>, vector<1x16xf32>,
        %get3A_1143 = vector.shape_cast %get3A_1142 : vector<1x16xf32> to vector<16xf32>
        %get3A_1144 = arith.index_cast %add3A_1111 : i32 to index
        %get3A_1145 = arith.constant 32 : index
        %get3A_1146 = tpu.vector_load %arg7[%get3A_1144, %get3A_1145] {strides = array<i32>} : memref<328x64xf32, #tpu.memory_space<vmem>>, vector<1x16xf32>,
        %get3A_1147 = vector.shape_cast %get3A_1146 : vector<1x16xf32> to vector<16xf32>
        %add3A_1148 = arith.addf %get3A_1143, %get3A_1147 : vector<16xf32>
        %swap3A_1149 = arith.index_cast %scan3A_1110 : i32 to index
        %swap3A_1150 = arith.constant 32 : index
        %swap3A_1151 = tpu.vector_load %arg13[%swap3A_1149, %swap3A_1150] {strides = array<i32>} : memref<128x64xf32, #tpu.memory_space<vmem>>, vector<1x16xf32>,
        %swap3A_1152 = vector.shape_cast %swap3A_1151 : vector<1x16xf32> to vector<16xf32>
        %swap3A_1153 = vector.shape_cast %add3A_1148 : vector<16xf32> to vector<1x16xf32>
        tpu.vector_store %arg13[%swap3A_1149, %swap3A_1150], %swap3A_1153 {strides = array<i32>} : memref<128x64xf32, #tpu.memory_space<vmem>>, vector<1x16xf32>,
        %get3A_1154 = arith.index_cast %scan3A_1110 : i32 to index
        %get3A_1155 = arith.constant 48 : index
        %get3A_1156 = tpu.vector_load %arg13[%get3A_1154, %get3A_1155] {strides = array<i32>} : memref<128x64xf32, #tpu.memory_space<vmem>>, vector<1x16xf32>,
        %get3A_1157 = vector.shape_cast %get3A_1156 : vector<1x16xf32> to vector<16xf32>
        %get3A_1158 = arith.index_cast %add3A_1111 : i32 to index
        %get3A_1159 = arith.constant 48 : index
        %get3A_1160 = tpu.vector_load %arg7[%get3A_1158, %get3A_1159] {strides = array<i32>} : memref<328x64xf32, #tpu.memory_space<vmem>>, vector<1x16xf32>,
        %get3A_1161 = vector.shape_cast %get3A_1160 : vector<1x16xf32> to vector<16xf32>
        %add3A_1162 = arith.addf %get3A_1157, %get3A_1161 : vector<16xf32>
        %swap3A_1163 = arith.index_cast %scan3A_1110 : i32 to index
        %swap3A_1164 = arith.constant 48 : index
        %swap3A_1165 = tpu.vector_load %arg13[%swap3A_1163, %swap3A_1164] {strides = array<i32>} : memref<128x64xf32, #tpu.memory_space<vmem>>, vector<1x16xf32>,
        %swap3A_1166 = vector.shape_cast %swap3A_1165 : vector<1x16xf32> to vector<16xf32>
        %swap3A_1167 = vector.shape_cast %add3A_1162 : vector<16xf32> to vector<1x16xf32>
        tpu.vector_store %arg13[%swap3A_1163, %swap3A_1164], %swap3A_1167 {strides = array<i32>} : memref<128x64xf32, #tpu.memory_space<vmem>>, vector<1x16xf32>,
        %scan3A_1168 = arith.constant 3 : i32
        %scan3A_1169 = arith.addi %scan3A_993, %scan3A_1168 : i32
        %add3A_1170 = arith.addi %rem3A_901, %scan3A_1169 : i32
        %get3A_1171 = arith.index_cast %scan3A_1169 : i32 to index
        %get3A_1172 = arith.constant 0 : index
        %get3A_1173 = tpu.vector_load %arg13[%get3A_1171, %get3A_1172] {strides = array<i32>} : memref<128x64xf32, #tpu.memory_space<vmem>>, vector<1x16xf32>,
        %get3A_1174 = vector.shape_cast %get3A_1173 : vector<1x16xf32> to vector<16xf32>
        %get3A_1175 = arith.index_cast %add3A_1170 : i32 to index
        %get3A_1176 = arith.constant 0 : index
        %get3A_1177 = tpu.vector_load %arg7[%get3A_1175, %get3A_1176] {strides = array<i32>} : memref<328x64xf32, #tpu.memory_space<vmem>>, vector<1x16xf32>,
        %get3A_1178 = vector.shape_cast %get3A_1177 : vector<1x16xf32> to vector<16xf32>
        %add3A_1179 = arith.addf %get3A_1174, %get3A_1178 : vector<16xf32>
        %swap3A_1180 = arith.index_cast %scan3A_1169 : i32 to index
        %swap3A_1181 = arith.constant 0 : index
        %swap3A_1182 = tpu.vector_load %arg13[%swap3A_1180, %swap3A_1181] {strides = array<i32>} : memref<128x64xf32, #tpu.memory_space<vmem>>, vector<1x16xf32>,
        %swap3A_1183 = vector.shape_cast %swap3A_1182 : vector<1x16xf32> to vector<16xf32>
        %swap3A_1184 = vector.shape_cast %add3A_1179 : vector<16xf32> to vector<1x16xf32>
        tpu.vector_store %arg13[%swap3A_1180, %swap3A_1181], %swap3A_1184 {strides = array<i32>} : memref<128x64xf32, #tpu.memory_space<vmem>>, vector<1x16xf32>,
        %get3A_1185 = arith.index_cast %scan3A_1169 : i32 to index
        %get3A_1186 = arith.constant 16 : index
        %get3A_1187 = tpu.vector_load %arg13[%get3A_1185, %get3A_1186] {strides = array<i32>} : memref<128x64xf32, #tpu.memory_space<vmem>>, vector<1x16xf32>,
        %get3A_1188 = vector.shape_cast %get3A_1187 : vector<1x16xf32> to vector<16xf32>
        %get3A_1189 = arith.index_cast %add3A_1170 : i32 to index
        %get3A_1190 = arith.constant 16 : index
        %get3A_1191 = tpu.vector_load %arg7[%get3A_1189, %get3A_1190] {strides = array<i32>} : memref<328x64xf32, #tpu.memory_space<vmem>>, vector<1x16xf32>,
        %get3A_1192 = vector.shape_cast %get3A_1191 : vector<1x16xf32> to vector<16xf32>
        %add3A_1193 = arith.addf %get3A_1188, %get3A_1192 : vector<16xf32>
        %swap3A_1194 = arith.index_cast %scan3A_1169 : i32 to index
        %swap3A_1195 = arith.constant 16 : index
        %swap3A_1196 = tpu.vector_load %arg13[%swap3A_1194, %swap3A_1195] {strides = array<i32>} : memref<128x64xf32, #tpu.memory_space<vmem>>, vector<1x16xf32>,
        %swap3A_1197 = vector.shape_cast %swap3A_1196 : vector<1x16xf32> to vector<16xf32>
        %swap3A_1198 = vector.shape_cast %add3A_1193 : vector<16xf32> to vector<1x16xf32>
        tpu.vector_store %arg13[%swap3A_1194, %swap3A_1195], %swap3A_1198 {strides = array<i32>} : memref<128x64xf32, #tpu.memory_space<vmem>>, vector<1x16xf32>,
        %get3A_1199 = arith.index_cast %scan3A_1169 : i32 to index
        %get3A_1200 = arith.constant 32 : index
        %get3A_1201 = tpu.vector_load %arg13[%get3A_1199, %get3A_1200] {strides = array<i32>} : memref<128x64xf32, #tpu.memory_space<vmem>>, vector<1x16xf32>,
        %get3A_1202 = vector.shape_cast %get3A_1201 : vector<1x16xf32> to vector<16xf32>
        %get3A_1203 = arith.index_cast %add3A_1170 : i32 to index
        %get3A_1204 = arith.constant 32 : index
        %get3A_1205 = tpu.vector_load %arg7[%get3A_1203, %get3A_1204] {strides = array<i32>} : memref<328x64xf32, #tpu.memory_space<vmem>>, vector<1x16xf32>,
        %get3A_1206 = vector.shape_cast %get3A_1205 : vector<1x16xf32> to vector<16xf32>
        %add3A_1207 = arith.addf %get3A_1202, %get3A_1206 : vector<16xf32>
        %swap3A_1208 = arith.index_cast %scan3A_1169 : i32 to index
        %swap3A_1209 = arith.constant 32 : index
        %swap3A_1210 = tpu.vector_load %arg13[%swap3A_1208, %swap3A_1209] {strides = array<i32>} : memref<128x64xf32, #tpu.memory_space<vmem>>, vector<1x16xf32>,
        %swap3A_1211 = vector.shape_cast %swap3A_1210 : vector<1x16xf32> to vector<16xf32>
        %swap3A_1212 = vector.shape_cast %add3A_1207 : vector<16xf32> to vector<1x16xf32>
        tpu.vector_store %arg13[%swap3A_1208, %swap3A_1209], %swap3A_1212 {strides = array<i32>} : memref<128x64xf32, #tpu.memory_space<vmem>>, vector<1x16xf32>,
        %get3A_1213 = arith.index_cast %scan3A_1169 : i32 to index
        %get3A_1214 = arith.constant 48 : index
        %get3A_1215 = tpu.vector_load %arg13[%get3A_1213, %get3A_1214] {strides = array<i32>} : memref<128x64xf32, #tpu.memory_space<vmem>>, vector<1x16xf32>,
        %get3A_1216 = vector.shape_cast %get3A_1215 : vector<1x16xf32> to vector<16xf32>
        %get3A_1217 = arith.index_cast %add3A_1170 : i32 to index
        %get3A_1218 = arith.constant 48 : index
        %get3A_1219 = tpu.vector_load %arg7[%get3A_1217, %get3A_1218] {strides = array<i32>} : memref<328x64xf32, #tpu.memory_space<vmem>>, vector<1x16xf32>,
        %get3A_1220 = vector.shape_cast %get3A_1219 : vector<1x16xf32> to vector<16xf32>
        %add3A_1221 = arith.addf %get3A_1216, %get3A_1220 : vector<16xf32>
        %swap3A_1222 = arith.index_cast %scan3A_1169 : i32 to index
        %swap3A_1223 = arith.constant 48 : index
        %swap3A_1224 = tpu.vector_load %arg13[%swap3A_1222, %swap3A_1223] {strides = array<i32>} : memref<128x64xf32, #tpu.memory_space<vmem>>, vector<1x16xf32>,
        %swap3A_1225 = vector.shape_cast %swap3A_1224 : vector<1x16xf32> to vector<16xf32>
        %swap3A_1226 = vector.shape_cast %add3A_1221 : vector<16xf32> to vector<1x16xf32>
        tpu.vector_store %arg13[%swap3A_1222, %swap3A_1223], %swap3A_1226 {strides = array<i32>} : memref<128x64xf32, #tpu.memory_space<vmem>>, vector<1x16xf32>,
      }
      %scan3A_907 = arith.constant 128 : i32
      %add3A_908 = arith.addi %mul3A_2, %add3A_879 : i32
      %mul3A_909 = arith.constant 128 : i32
      %mul3A_910 = arith.muli %add3A_908, %mul3A_909 : i32
      %dma_start3A_911 = arith.constant 0 : i32
      %dma_start3A_912 = tpu.memref_slice %arg5[%mul3A_910, %dma_start3A_911] : memref<819200x64xf32, #tpu.memory_space<hbm>> -> memref<128x64xf32, #tpu.memory_space<hbm>>
      %dma_start3A_913 = arith.constant 0 : i32
      %dma_start3A_914 = tpu.memref_slice %arg5[%mul3A_910, %dma_start3A_913] : memref<819200x64xf32, #tpu.memory_space<hbm>> -> memref<128x64xf32, #tpu.memory_space<hbm>>
      tpu.enqueue_dma source(%arg13 : memref<128x64xf32, #tpu.memory_space<vmem>>) target(%dma_start3A_914 : memref<128x64xf32, #tpu.memory_space<hbm>>) target_semaphore(%arg29 : memref<!tpu.dma_semaphore, #tpu.memory_space<semaphore_mem>>)
      %mul3A_915 = arith.constant 8 : i32
      %mul3A_916 = arith.muli %scan3A_381, %mul3A_915 : i32
      %add3A_917 = arith.constant 6 : i32
      %add3A_918 = arith.addi %mul3A_916, %add3A_917 : i32
      %mul3A_919 = arith.constant 128 : i32
      %mul3A_920 = arith.muli %mul3A_2, %mul3A_919 : i32
      %dma_wait3A_921 = arith.constant 0 : i32
      %dma_wait3A_922 = tpu.memref_slice %arg5[%mul3A_920, %dma_wait3A_921] : memref<819200x64xf32, #tpu.memory_space<hbm>> -> memref<128x64xf32, #tpu.memory_space<hbm>>
      %dma_wait3A_923 = arith.constant 0 : i32
      %dma_wait3A_924 = tpu.memref_slice %arg5[%mul3A_920, %dma_wait3A_923] : memref<819200x64xf32, #tpu.memory_space<hbm>> -> memref<128x64xf32, #tpu.memory_space<hbm>>
      tpu.wait_dma2 semaphore(%arg26 : memref<!tpu.dma_semaphore, #tpu.memory_space<semaphore_mem>>) src(%arg10 : memref<128x64xf32, #tpu.memory_space<vmem>>) dst(%dma_wait3A_924 : memref<128x64xf32, #tpu.memory_space<hbm>>)
      %lt3A_925 = arith.constant 24 : i32
      %lt3A_926 = arith.cmpi slt, %scan3A_381, %lt3A_925 : i32
      %convert_element_type3A_927 = arith.extui %lt3A_926 : i1 to i32
      %cond3A_928 = arith.constant 0 : i32
      %cond3A_929 = arith.cmpi ne, %convert_element_type3A_927, %cond3A_928 : i32
      scf.if %cond3A_929 {
        %add3A_993 = arith.constant 4 : i32
        %add3A_994 = arith.addi %add3A_918, %add3A_993 : i32
        %get3A_995 = arith.index_cast %add3A_994 : i32 to index
        %get3A_996 = arith.constant 0 : index
        %get3A_997 = tpu.vector_load %arg6[%get3A_995, %get3A_996] {strides = array<i32>} : memref<200x128xi32, #tpu.memory_space<vmem>>, vector<1x16xi32>,
        %get3A_998 = vector.shape_cast %get3A_997 : vector<1x16xi32> to vector<16xi32>
        %dma_start3A_999 = arith.constant 0 : i32
        %dma_start3A_1000 = arith.constant 0 : i32
        %dma_start3A_1001 = tpu.memref_slice %arg10[%dma_start3A_999, %dma_start3A_1000] : memref<128x64xf32, #tpu.memory_space<vmem>> -> memref<16x64xf32, #tpu.memory_space<vmem>>
        %dma_start3A_1002 = arith.constant 0 : i32
        %dma_start3A_1003 = arith.constant 0 : i32
        %dma_start3A_1004 = tpu.memref_slice %arg3[%dma_start3A_1002, %dma_start3A_1003] : memref<1000000x64xf32, #tpu.memory_space<hbm>> -> memref<1000000x64xf32, #tpu.memory_space<hbm>>
        tpu.enqueue_indirect_dma source(%dma_start3A_1004 : memref<1000000x64xf32, #tpu.memory_space<hbm>>) target(%dma_start3A_1001 : memref<16x64xf32, #tpu.memory_space<vmem>>) offsets(%get3A_998 : vector<16xi32>) semaphore(%arg18 : memref<!tpu.dma_semaphore, #tpu.memory_space<semaphore_mem>>)
        %get3A_1005 = arith.index_cast %add3A_994 : i32 to index
        %get3A_1006 = arith.constant 16 : index
        %get3A_1007 = tpu.vector_load %arg6[%get3A_1005, %get3A_1006] {strides = array<i32>} : memref<200x128xi32, #tpu.memory_space<vmem>>, vector<1x16xi32>,
        %get3A_1008 = vector.shape_cast %get3A_1007 : vector<1x16xi32> to vector<16xi32>
        %dma_start3A_1009 = arith.constant 16 : i32
        %dma_start3A_1010 = arith.constant 0 : i32
        %dma_start3A_1011 = tpu.memref_slice %arg10[%dma_start3A_1009, %dma_start3A_1010] : memref<128x64xf32, #tpu.memory_space<vmem>> -> memref<16x64xf32, #tpu.memory_space<vmem>>
        %dma_start3A_1012 = arith.constant 0 : i32
        %dma_start3A_1013 = arith.constant 0 : i32
        %dma_start3A_1014 = tpu.memref_slice %arg3[%dma_start3A_1012, %dma_start3A_1013] : memref<1000000x64xf32, #tpu.memory_space<hbm>> -> memref<1000000x64xf32, #tpu.memory_space<hbm>>
        tpu.enqueue_indirect_dma source(%dma_start3A_1014 : memref<1000000x64xf32, #tpu.memory_space<hbm>>) target(%dma_start3A_1011 : memref<16x64xf32, #tpu.memory_space<vmem>>) offsets(%get3A_1008 : vector<16xi32>) semaphore(%arg18 : memref<!tpu.dma_semaphore, #tpu.memory_space<semaphore_mem>>)
        %get3A_1015 = arith.index_cast %add3A_994 : i32 to index
        %get3A_1016 = arith.constant 32 : index
        %get3A_1017 = tpu.vector_load %arg6[%get3A_1015, %get3A_1016] {strides = array<i32>} : memref<200x128xi32, #tpu.memory_space<vmem>>, vector<1x16xi32>,
        %get3A_1018 = vector.shape_cast %get3A_1017 : vector<1x16xi32> to vector<16xi32>
        %dma_start3A_1019 = arith.constant 32 : i32
        %dma_start3A_1020 = arith.constant 0 : i32
        %dma_start3A_1021 = tpu.memref_slice %arg10[%dma_start3A_1019, %dma_start3A_1020] : memref<128x64xf32, #tpu.memory_space<vmem>> -> memref<16x64xf32, #tpu.memory_space<vmem>>
        %dma_start3A_1022 = arith.constant 0 : i32
        %dma_start3A_1023 = arith.constant 0 : i32
        %dma_start3A_1024 = tpu.memref_slice %arg3[%dma_start3A_1022, %dma_start3A_1023] : memref<1000000x64xf32, #tpu.memory_space<hbm>> -> memref<1000000x64xf32, #tpu.memory_space<hbm>>
        tpu.enqueue_indirect_dma source(%dma_start3A_1024 : memref<1000000x64xf32, #tpu.memory_space<hbm>>) target(%dma_start3A_1021 : memref<16x64xf32, #tpu.memory_space<vmem>>) offsets(%get3A_1018 : vector<16xi32>) semaphore(%arg18 : memref<!tpu.dma_semaphore, #tpu.memory_space<semaphore_mem>>)
        %get3A_1025 = arith.index_cast %add3A_994 : i32 to index
        %get3A_1026 = arith.constant 48 : index
        %get3A_1027 = tpu.vector_load %arg6[%get3A_1025, %get3A_1026] {strides = array<i32>} : memref<200x128xi32, #tpu.memory_space<vmem>>, vector<1x16xi32>,
        %get3A_1028 = vector.shape_cast %get3A_1027 : vector<1x16xi32> to vector<16xi32>
        %dma_start3A_1029 = arith.constant 48 : i32
        %dma_start3A_1030 = arith.constant 0 : i32
        %dma_start3A_1031 = tpu.memref_slice %arg10[%dma_start3A_1029, %dma_start3A_1030] : memref<128x64xf32, #tpu.memory_space<vmem>> -> memref<16x64xf32, #tpu.memory_space<vmem>>
        %dma_start3A_1032 = arith.constant 0 : i32
        %dma_start3A_1033 = arith.constant 0 : i32
        %dma_start3A_1034 = tpu.memref_slice %arg3[%dma_start3A_1032, %dma_start3A_1033] : memref<1000000x64xf32, #tpu.memory_space<hbm>> -> memref<1000000x64xf32, #tpu.memory_space<hbm>>
        tpu.enqueue_indirect_dma source(%dma_start3A_1034 : memref<1000000x64xf32, #tpu.memory_space<hbm>>) target(%dma_start3A_1031 : memref<16x64xf32, #tpu.memory_space<vmem>>) offsets(%get3A_1028 : vector<16xi32>) semaphore(%arg18 : memref<!tpu.dma_semaphore, #tpu.memory_space<semaphore_mem>>)
        %get3A_1035 = arith.index_cast %add3A_994 : i32 to index
        %get3A_1036 = arith.constant 64 : index
        %get3A_1037 = tpu.vector_load %arg6[%get3A_1035, %get3A_1036] {strides = array<i32>} : memref<200x128xi32, #tpu.memory_space<vmem>>, vector<1x16xi32>,
        %get3A_1038 = vector.shape_cast %get3A_1037 : vector<1x16xi32> to vector<16xi32>
        %dma_start3A_1039 = arith.constant 64 : i32
        %dma_start3A_1040 = arith.constant 0 : i32
        %dma_start3A_1041 = tpu.memref_slice %arg10[%dma_start3A_1039, %dma_start3A_1040] : memref<128x64xf32, #tpu.memory_space<vmem>> -> memref<16x64xf32, #tpu.memory_space<vmem>>
        %dma_start3A_1042 = arith.constant 0 : i32
        %dma_start3A_1043 = arith.constant 0 : i32
        %dma_start3A_1044 = tpu.memref_slice %arg3[%dma_start3A_1042, %dma_start3A_1043] : memref<1000000x64xf32, #tpu.memory_space<hbm>> -> memref<1000000x64xf32, #tpu.memory_space<hbm>>
        tpu.enqueue_indirect_dma source(%dma_start3A_1044 : memref<1000000x64xf32, #tpu.memory_space<hbm>>) target(%dma_start3A_1041 : memref<16x64xf32, #tpu.memory_space<vmem>>) offsets(%get3A_1038 : vector<16xi32>) semaphore(%arg18 : memref<!tpu.dma_semaphore, #tpu.memory_space<semaphore_mem>>)
        %get3A_1045 = arith.index_cast %add3A_994 : i32 to index
        %get3A_1046 = arith.constant 80 : index
        %get3A_1047 = tpu.vector_load %arg6[%get3A_1045, %get3A_1046] {strides = array<i32>} : memref<200x128xi32, #tpu.memory_space<vmem>>, vector<1x16xi32>,
        %get3A_1048 = vector.shape_cast %get3A_1047 : vector<1x16xi32> to vector<16xi32>
        %dma_start3A_1049 = arith.constant 80 : i32
        %dma_start3A_1050 = arith.constant 0 : i32
        %dma_start3A_1051 = tpu.memref_slice %arg10[%dma_start3A_1049, %dma_start3A_1050] : memref<128x64xf32, #tpu.memory_space<vmem>> -> memref<16x64xf32, #tpu.memory_space<vmem>>
        %dma_start3A_1052 = arith.constant 0 : i32
        %dma_start3A_1053 = arith.constant 0 : i32
        %dma_start3A_1054 = tpu.memref_slice %arg3[%dma_start3A_1052, %dma_start3A_1053] : memref<1000000x64xf32, #tpu.memory_space<hbm>> -> memref<1000000x64xf32, #tpu.memory_space<hbm>>
        tpu.enqueue_indirect_dma source(%dma_start3A_1054 : memref<1000000x64xf32, #tpu.memory_space<hbm>>) target(%dma_start3A_1051 : memref<16x64xf32, #tpu.memory_space<vmem>>) offsets(%get3A_1048 : vector<16xi32>) semaphore(%arg18 : memref<!tpu.dma_semaphore, #tpu.memory_space<semaphore_mem>>)
        %get3A_1055 = arith.index_cast %add3A_994 : i32 to index
        %get3A_1056 = arith.constant 96 : index
        %get3A_1057 = tpu.vector_load %arg6[%get3A_1055, %get3A_1056] {strides = array<i32>} : memref<200x128xi32, #tpu.memory_space<vmem>>, vector<1x16xi32>,
        %get3A_1058 = vector.shape_cast %get3A_1057 : vector<1x16xi32> to vector<16xi32>
        %dma_start3A_1059 = arith.constant 96 : i32
        %dma_start3A_1060 = arith.constant 0 : i32
        %dma_start3A_1061 = tpu.memref_slice %arg10[%dma_start3A_1059, %dma_start3A_1060] : memref<128x64xf32, #tpu.memory_space<vmem>> -> memref<16x64xf32, #tpu.memory_space<vmem>>
        %dma_start3A_1062 = arith.constant 0 : i32
        %dma_start3A_1063 = arith.constant 0 : i32
        %dma_start3A_1064 = tpu.memref_slice %arg3[%dma_start3A_1062, %dma_start3A_1063] : memref<1000000x64xf32, #tpu.memory_space<hbm>> -> memref<1000000x64xf32, #tpu.memory_space<hbm>>
        tpu.enqueue_indirect_dma source(%dma_start3A_1064 : memref<1000000x64xf32, #tpu.memory_space<hbm>>) target(%dma_start3A_1061 : memref<16x64xf32, #tpu.memory_space<vmem>>) offsets(%get3A_1058 : vector<16xi32>) semaphore(%arg18 : memref<!tpu.dma_semaphore, #tpu.memory_space<semaphore_mem>>)
        %get3A_1065 = arith.index_cast %add3A_994 : i32 to index
        %get3A_1066 = arith.constant 112 : index
        %get3A_1067 = tpu.vector_load %arg6[%get3A_1065, %get3A_1066] {strides = array<i32>} : memref<200x128xi32, #tpu.memory_space<vmem>>, vector<1x16xi32>,
        %get3A_1068 = vector.shape_cast %get3A_1067 : vector<1x16xi32> to vector<16xi32>
        %dma_start3A_1069 = arith.constant 112 : i32
        %dma_start3A_1070 = arith.constant 0 : i32
        %dma_start3A_1071 = tpu.memref_slice %arg10[%dma_start3A_1069, %dma_start3A_1070] : memref<128x64xf32, #tpu.memory_space<vmem>> -> memref<16x64xf32, #tpu.memory_space<vmem>>
        %dma_start3A_1072 = arith.constant 0 : i32
        %dma_start3A_1073 = arith.constant 0 : i32
        %dma_start3A_1074 = tpu.memref_slice %arg3[%dma_start3A_1072, %dma_start3A_1073] : memref<1000000x64xf32, #tpu.memory_space<hbm>> -> memref<1000000x64xf32, #tpu.memory_space<hbm>>
        tpu.enqueue_indirect_dma source(%dma_start3A_1074 : memref<1000000x64xf32, #tpu.memory_space<hbm>>) target(%dma_start3A_1071 : memref<16x64xf32, #tpu.memory_space<vmem>>) offsets(%get3A_1068 : vector<16xi32>) semaphore(%arg18 : memref<!tpu.dma_semaphore, #tpu.memory_space<semaphore_mem>>)
      } else {
      }
      %dma_wait3A_930 = arith.constant 0 : i32
      %dma_wait3A_931 = arith.constant 0 : i32
      %dma_wait3A_932 = tpu.memref_slice %arg6[%dma_wait3A_930, %dma_wait3A_931] : memref<200x128xi32, #tpu.memory_space<vmem>> -> memref<1x128xi32, #tpu.memory_space<vmem>>
      %dma_wait3A_933 = tpu.memref_squeeze %dma_wait3A_932 : memref<1x128xi32, #tpu.memory_space<vmem>> -> memref<128xi32, #tpu.memory_space<vmem>>
      %dma_wait3A_934 = arith.constant 0 : i32
      %dma_wait3A_935 = arith.constant 0 : i32
      %dma_wait3A_936 = tpu.memref_slice %arg3[%dma_wait3A_934, %dma_wait3A_935] : memref<1000000x64xf32, #tpu.memory_space<hbm>> -> memref<1000000x64xf32, #tpu.memory_space<hbm>>
      tpu.wait_indirect_dma semaphore(%arg22 : memref<!tpu.dma_semaphore, #tpu.memory_space<semaphore_mem>>) src(%dma_wait3A_936 : memref<1000000x64xf32, #tpu.memory_space<hbm>>) dst(%arg14 : memref<128x64xf32, #tpu.memory_space<vmem>>)
      %mul3A_937 = arith.constant 128 : i32
      %mul3A_938 = arith.muli %add3A_918, %mul3A_937 : i32
      %rem3A_939 = arith.constant 200 : i32
      %rem3A_940 = arith.remsi %mul3A_938, %rem3A_939 : i32
      %scan3A_941 = arith.constant 0 : i32
      %scan3A_942 = arith.constant 0 : i32
      %scan3A_943 = arith.constant 128 : i32
      %scan3A_944 = arith.addi %scan3A_942, %scan3A_943 : i32
      %scan3A_945 = arith.constant 4 : i32
      scf.for %scan3A_993 = %scan3A_942 to %scan3A_944 step %scan3A_945  : i32 {
        %add3A_994 = arith.addi %rem3A_940, %scan3A_993 : i32
        %get3A_995 = arith.index_cast %scan3A_993 : i32 to index
        %get3A_996 = arith.constant 0 : index
        %get3A_997 = tpu.vector_load %arg14[%get3A_995, %get3A_996] {strides = array<i32>} : memref<128x64xf32, #tpu.memory_space<vmem>>, vector<1x16xf32>,
        %get3A_998 = vector.shape_cast %get3A_997 : vector<1x16xf32> to vector<16xf32>
        %get3A_999 = arith.index_cast %add3A_994 : i32 to index
        %get3A_1000 = arith.constant 0 : index
        %get3A_1001 = tpu.vector_load %arg7[%get3A_999, %get3A_1000] {strides = array<i32>} : memref<328x64xf32, #tpu.memory_space<vmem>>, vector<1x16xf32>,
        %get3A_1002 = vector.shape_cast %get3A_1001 : vector<1x16xf32> to vector<16xf32>
        %add3A_1003 = arith.addf %get3A_998, %get3A_1002 : vector<16xf32>
        %swap3A = arith.index_cast %scan3A_993 : i32 to index
        %swap3A_1004 = arith.constant 0 : index
        %swap3A_1005 = tpu.vector_load %arg14[%swap3A, %swap3A_1004] {strides = array<i32>} : memref<128x64xf32, #tpu.memory_space<vmem>>, vector<1x16xf32>,
        %swap3A_1006 = vector.shape_cast %swap3A_1005 : vector<1x16xf32> to vector<16xf32>
        %swap3A_1007 = vector.shape_cast %add3A_1003 : vector<16xf32> to vector<1x16xf32>
        tpu.vector_store %arg14[%swap3A, %swap3A_1004], %swap3A_1007 {strides = array<i32>} : memref<128x64xf32, #tpu.memory_space<vmem>>, vector<1x16xf32>,
        %get3A_1008 = arith.index_cast %scan3A_993 : i32 to index
        %get3A_1009 = arith.constant 16 : index
        %get3A_1010 = tpu.vector_load %arg14[%get3A_1008, %get3A_1009] {strides = array<i32>} : memref<128x64xf32, #tpu.memory_space<vmem>>, vector<1x16xf32>,
        %get3A_1011 = vector.shape_cast %get3A_1010 : vector<1x16xf32> to vector<16xf32>
        %get3A_1012 = arith.index_cast %add3A_994 : i32 to index
        %get3A_1013 = arith.constant 16 : index
        %get3A_1014 = tpu.vector_load %arg7[%get3A_1012, %get3A_1013] {strides = array<i32>} : memref<328x64xf32, #tpu.memory_space<vmem>>, vector<1x16xf32>,
        %get3A_1015 = vector.shape_cast %get3A_1014 : vector<1x16xf32> to vector<16xf32>
        %add3A_1016 = arith.addf %get3A_1011, %get3A_1015 : vector<16xf32>
        %swap3A_1017 = arith.index_cast %scan3A_993 : i32 to index
        %swap3A_1018 = arith.constant 16 : index
        %swap3A_1019 = tpu.vector_load %arg14[%swap3A_1017, %swap3A_1018] {strides = array<i32>} : memref<128x64xf32, #tpu.memory_space<vmem>>, vector<1x16xf32>,
        %swap3A_1020 = vector.shape_cast %swap3A_1019 : vector<1x16xf32> to vector<16xf32>
        %swap3A_1021 = vector.shape_cast %add3A_1016 : vector<16xf32> to vector<1x16xf32>
        tpu.vector_store %arg14[%swap3A_1017, %swap3A_1018], %swap3A_1021 {strides = array<i32>} : memref<128x64xf32, #tpu.memory_space<vmem>>, vector<1x16xf32>,
        %get3A_1022 = arith.index_cast %scan3A_993 : i32 to index
        %get3A_1023 = arith.constant 32 : index
        %get3A_1024 = tpu.vector_load %arg14[%get3A_1022, %get3A_1023] {strides = array<i32>} : memref<128x64xf32, #tpu.memory_space<vmem>>, vector<1x16xf32>,
        %get3A_1025 = vector.shape_cast %get3A_1024 : vector<1x16xf32> to vector<16xf32>
        %get3A_1026 = arith.index_cast %add3A_994 : i32 to index
        %get3A_1027 = arith.constant 32 : index
        %get3A_1028 = tpu.vector_load %arg7[%get3A_1026, %get3A_1027] {strides = array<i32>} : memref<328x64xf32, #tpu.memory_space<vmem>>, vector<1x16xf32>,
        %get3A_1029 = vector.shape_cast %get3A_1028 : vector<1x16xf32> to vector<16xf32>
        %add3A_1030 = arith.addf %get3A_1025, %get3A_1029 : vector<16xf32>
        %swap3A_1031 = arith.index_cast %scan3A_993 : i32 to index
        %swap3A_1032 = arith.constant 32 : index
        %swap3A_1033 = tpu.vector_load %arg14[%swap3A_1031, %swap3A_1032] {strides = array<i32>} : memref<128x64xf32, #tpu.memory_space<vmem>>, vector<1x16xf32>,
        %swap3A_1034 = vector.shape_cast %swap3A_1033 : vector<1x16xf32> to vector<16xf32>
        %swap3A_1035 = vector.shape_cast %add3A_1030 : vector<16xf32> to vector<1x16xf32>
        tpu.vector_store %arg14[%swap3A_1031, %swap3A_1032], %swap3A_1035 {strides = array<i32>} : memref<128x64xf32, #tpu.memory_space<vmem>>, vector<1x16xf32>,
        %get3A_1036 = arith.index_cast %scan3A_993 : i32 to index
        %get3A_1037 = arith.constant 48 : index
        %get3A_1038 = tpu.vector_load %arg14[%get3A_1036, %get3A_1037] {strides = array<i32>} : memref<128x64xf32, #tpu.memory_space<vmem>>, vector<1x16xf32>,
        %get3A_1039 = vector.shape_cast %get3A_1038 : vector<1x16xf32> to vector<16xf32>
        %get3A_1040 = arith.index_cast %add3A_994 : i32 to index
        %get3A_1041 = arith.constant 48 : index
        %get3A_1042 = tpu.vector_load %arg7[%get3A_1040, %get3A_1041] {strides = array<i32>} : memref<328x64xf32, #tpu.memory_space<vmem>>, vector<1x16xf32>,
        %get3A_1043 = vector.shape_cast %get3A_1042 : vector<1x16xf32> to vector<16xf32>
        %add3A_1044 = arith.addf %get3A_1039, %get3A_1043 : vector<16xf32>
        %swap3A_1045 = arith.index_cast %scan3A_993 : i32 to index
        %swap3A_1046 = arith.constant 48 : index
        %swap3A_1047 = tpu.vector_load %arg14[%swap3A_1045, %swap3A_1046] {strides = array<i32>} : memref<128x64xf32, #tpu.memory_space<vmem>>, vector<1x16xf32>,
        %swap3A_1048 = vector.shape_cast %swap3A_1047 : vector<1x16xf32> to vector<16xf32>
        %swap3A_1049 = vector.shape_cast %add3A_1044 : vector<16xf32> to vector<1x16xf32>
        tpu.vector_store %arg14[%swap3A_1045, %swap3A_1046], %swap3A_1049 {strides = array<i32>} : memref<128x64xf32, #tpu.memory_space<vmem>>, vector<1x16xf32>,
        %scan3A_1050 = arith.constant 1 : i32
        %scan3A_1051 = arith.addi %scan3A_993, %scan3A_1050 : i32
        %add3A_1052 = arith.addi %rem3A_940, %scan3A_1051 : i32
        %get3A_1053 = arith.index_cast %scan3A_1051 : i32 to index
        %get3A_1054 = arith.constant 0 : index
        %get3A_1055 = tpu.vector_load %arg14[%get3A_1053, %get3A_1054] {strides = array<i32>} : memref<128x64xf32, #tpu.memory_space<vmem>>, vector<1x16xf32>,
        %get3A_1056 = vector.shape_cast %get3A_1055 : vector<1x16xf32> to vector<16xf32>
        %get3A_1057 = arith.index_cast %add3A_1052 : i32 to index
        %get3A_1058 = arith.constant 0 : index
        %get3A_1059 = tpu.vector_load %arg7[%get3A_1057, %get3A_1058] {strides = array<i32>} : memref<328x64xf32, #tpu.memory_space<vmem>>, vector<1x16xf32>,
        %get3A_1060 = vector.shape_cast %get3A_1059 : vector<1x16xf32> to vector<16xf32>
        %add3A_1061 = arith.addf %get3A_1056, %get3A_1060 : vector<16xf32>
        %swap3A_1062 = arith.index_cast %scan3A_1051 : i32 to index
        %swap3A_1063 = arith.constant 0 : index
        %swap3A_1064 = tpu.vector_load %arg14[%swap3A_1062, %swap3A_1063] {strides = array<i32>} : memref<128x64xf32, #tpu.memory_space<vmem>>, vector<1x16xf32>,
        %swap3A_1065 = vector.shape_cast %swap3A_1064 : vector<1x16xf32> to vector<16xf32>
        %swap3A_1066 = vector.shape_cast %add3A_1061 : vector<16xf32> to vector<1x16xf32>
        tpu.vector_store %arg14[%swap3A_1062, %swap3A_1063], %swap3A_1066 {strides = array<i32>} : memref<128x64xf32, #tpu.memory_space<vmem>>, vector<1x16xf32>,
        %get3A_1067 = arith.index_cast %scan3A_1051 : i32 to index
        %get3A_1068 = arith.constant 16 : index
        %get3A_1069 = tpu.vector_load %arg14[%get3A_1067, %get3A_1068] {strides = array<i32>} : memref<128x64xf32, #tpu.memory_space<vmem>>, vector<1x16xf32>,
        %get3A_1070 = vector.shape_cast %get3A_1069 : vector<1x16xf32> to vector<16xf32>
        %get3A_1071 = arith.index_cast %add3A_1052 : i32 to index
        %get3A_1072 = arith.constant 16 : index
        %get3A_1073 = tpu.vector_load %arg7[%get3A_1071, %get3A_1072] {strides = array<i32>} : memref<328x64xf32, #tpu.memory_space<vmem>>, vector<1x16xf32>,
        %get3A_1074 = vector.shape_cast %get3A_1073 : vector<1x16xf32> to vector<16xf32>
        %add3A_1075 = arith.addf %get3A_1070, %get3A_1074 : vector<16xf32>
        %swap3A_1076 = arith.index_cast %scan3A_1051 : i32 to index
        %swap3A_1077 = arith.constant 16 : index
        %swap3A_1078 = tpu.vector_load %arg14[%swap3A_1076, %swap3A_1077] {strides = array<i32>} : memref<128x64xf32, #tpu.memory_space<vmem>>, vector<1x16xf32>,
        %swap3A_1079 = vector.shape_cast %swap3A_1078 : vector<1x16xf32> to vector<16xf32>
        %swap3A_1080 = vector.shape_cast %add3A_1075 : vector<16xf32> to vector<1x16xf32>
        tpu.vector_store %arg14[%swap3A_1076, %swap3A_1077], %swap3A_1080 {strides = array<i32>} : memref<128x64xf32, #tpu.memory_space<vmem>>, vector<1x16xf32>,
        %get3A_1081 = arith.index_cast %scan3A_1051 : i32 to index
        %get3A_1082 = arith.constant 32 : index
        %get3A_1083 = tpu.vector_load %arg14[%get3A_1081, %get3A_1082] {strides = array<i32>} : memref<128x64xf32, #tpu.memory_space<vmem>>, vector<1x16xf32>,
        %get3A_1084 = vector.shape_cast %get3A_1083 : vector<1x16xf32> to vector<16xf32>
        %get3A_1085 = arith.index_cast %add3A_1052 : i32 to index
        %get3A_1086 = arith.constant 32 : index
        %get3A_1087 = tpu.vector_load %arg7[%get3A_1085, %get3A_1086] {strides = array<i32>} : memref<328x64xf32, #tpu.memory_space<vmem>>, vector<1x16xf32>,
        %get3A_1088 = vector.shape_cast %get3A_1087 : vector<1x16xf32> to vector<16xf32>
        %add3A_1089 = arith.addf %get3A_1084, %get3A_1088 : vector<16xf32>
        %swap3A_1090 = arith.index_cast %scan3A_1051 : i32 to index
        %swap3A_1091 = arith.constant 32 : index
        %swap3A_1092 = tpu.vector_load %arg14[%swap3A_1090, %swap3A_1091] {strides = array<i32>} : memref<128x64xf32, #tpu.memory_space<vmem>>, vector<1x16xf32>,
        %swap3A_1093 = vector.shape_cast %swap3A_1092 : vector<1x16xf32> to vector<16xf32>
        %swap3A_1094 = vector.shape_cast %add3A_1089 : vector<16xf32> to vector<1x16xf32>
        tpu.vector_store %arg14[%swap3A_1090, %swap3A_1091], %swap3A_1094 {strides = array<i32>} : memref<128x64xf32, #tpu.memory_space<vmem>>, vector<1x16xf32>,
        %get3A_1095 = arith.index_cast %scan3A_1051 : i32 to index
        %get3A_1096 = arith.constant 48 : index
        %get3A_1097 = tpu.vector_load %arg14[%get3A_1095, %get3A_1096] {strides = array<i32>} : memref<128x64xf32, #tpu.memory_space<vmem>>, vector<1x16xf32>,
        %get3A_1098 = vector.shape_cast %get3A_1097 : vector<1x16xf32> to vector<16xf32>
        %get3A_1099 = arith.index_cast %add3A_1052 : i32 to index
        %get3A_1100 = arith.constant 48 : index
        %get3A_1101 = tpu.vector_load %arg7[%get3A_1099, %get3A_1100] {strides = array<i32>} : memref<328x64xf32, #tpu.memory_space<vmem>>, vector<1x16xf32>,
        %get3A_1102 = vector.shape_cast %get3A_1101 : vector<1x16xf32> to vector<16xf32>
        %add3A_1103 = arith.addf %get3A_1098, %get3A_1102 : vector<16xf32>
        %swap3A_1104 = arith.index_cast %scan3A_1051 : i32 to index
        %swap3A_1105 = arith.constant 48 : index
        %swap3A_1106 = tpu.vector_load %arg14[%swap3A_1104, %swap3A_1105] {strides = array<i32>} : memref<128x64xf32, #tpu.memory_space<vmem>>, vector<1x16xf32>,
        %swap3A_1107 = vector.shape_cast %swap3A_1106 : vector<1x16xf32> to vector<16xf32>
        %swap3A_1108 = vector.shape_cast %add3A_1103 : vector<16xf32> to vector<1x16xf32>
        tpu.vector_store %arg14[%swap3A_1104, %swap3A_1105], %swap3A_1108 {strides = array<i32>} : memref<128x64xf32, #tpu.memory_space<vmem>>, vector<1x16xf32>,
        %scan3A_1109 = arith.constant 2 : i32
        %scan3A_1110 = arith.addi %scan3A_993, %scan3A_1109 : i32
        %add3A_1111 = arith.addi %rem3A_940, %scan3A_1110 : i32
        %get3A_1112 = arith.index_cast %scan3A_1110 : i32 to index
        %get3A_1113 = arith.constant 0 : index
        %get3A_1114 = tpu.vector_load %arg14[%get3A_1112, %get3A_1113] {strides = array<i32>} : memref<128x64xf32, #tpu.memory_space<vmem>>, vector<1x16xf32>,
        %get3A_1115 = vector.shape_cast %get3A_1114 : vector<1x16xf32> to vector<16xf32>
        %get3A_1116 = arith.index_cast %add3A_1111 : i32 to index
        %get3A_1117 = arith.constant 0 : index
        %get3A_1118 = tpu.vector_load %arg7[%get3A_1116, %get3A_1117] {strides = array<i32>} : memref<328x64xf32, #tpu.memory_space<vmem>>, vector<1x16xf32>,
        %get3A_1119 = vector.shape_cast %get3A_1118 : vector<1x16xf32> to vector<16xf32>
        %add3A_1120 = arith.addf %get3A_1115, %get3A_1119 : vector<16xf32>
        %swap3A_1121 = arith.index_cast %scan3A_1110 : i32 to index
        %swap3A_1122 = arith.constant 0 : index
        %swap3A_1123 = tpu.vector_load %arg14[%swap3A_1121, %swap3A_1122] {strides = array<i32>} : memref<128x64xf32, #tpu.memory_space<vmem>>, vector<1x16xf32>,
        %swap3A_1124 = vector.shape_cast %swap3A_1123 : vector<1x16xf32> to vector<16xf32>
        %swap3A_1125 = vector.shape_cast %add3A_1120 : vector<16xf32> to vector<1x16xf32>
        tpu.vector_store %arg14[%swap3A_1121, %swap3A_1122], %swap3A_1125 {strides = array<i32>} : memref<128x64xf32, #tpu.memory_space<vmem>>, vector<1x16xf32>,
        %get3A_1126 = arith.index_cast %scan3A_1110 : i32 to index
        %get3A_1127 = arith.constant 16 : index
        %get3A_1128 = tpu.vector_load %arg14[%get3A_1126, %get3A_1127] {strides = array<i32>} : memref<128x64xf32, #tpu.memory_space<vmem>>, vector<1x16xf32>,
        %get3A_1129 = vector.shape_cast %get3A_1128 : vector<1x16xf32> to vector<16xf32>
        %get3A_1130 = arith.index_cast %add3A_1111 : i32 to index
        %get3A_1131 = arith.constant 16 : index
        %get3A_1132 = tpu.vector_load %arg7[%get3A_1130, %get3A_1131] {strides = array<i32>} : memref<328x64xf32, #tpu.memory_space<vmem>>, vector<1x16xf32>,
        %get3A_1133 = vector.shape_cast %get3A_1132 : vector<1x16xf32> to vector<16xf32>
        %add3A_1134 = arith.addf %get3A_1129, %get3A_1133 : vector<16xf32>
        %swap3A_1135 = arith.index_cast %scan3A_1110 : i32 to index
        %swap3A_1136 = arith.constant 16 : index
        %swap3A_1137 = tpu.vector_load %arg14[%swap3A_1135, %swap3A_1136] {strides = array<i32>} : memref<128x64xf32, #tpu.memory_space<vmem>>, vector<1x16xf32>,
        %swap3A_1138 = vector.shape_cast %swap3A_1137 : vector<1x16xf32> to vector<16xf32>
        %swap3A_1139 = vector.shape_cast %add3A_1134 : vector<16xf32> to vector<1x16xf32>
        tpu.vector_store %arg14[%swap3A_1135, %swap3A_1136], %swap3A_1139 {strides = array<i32>} : memref<128x64xf32, #tpu.memory_space<vmem>>, vector<1x16xf32>,
        %get3A_1140 = arith.index_cast %scan3A_1110 : i32 to index
        %get3A_1141 = arith.constant 32 : index
        %get3A_1142 = tpu.vector_load %arg14[%get3A_1140, %get3A_1141] {strides = array<i32>} : memref<128x64xf32, #tpu.memory_space<vmem>>, vector<1x16xf32>,
        %get3A_1143 = vector.shape_cast %get3A_1142 : vector<1x16xf32> to vector<16xf32>
        %get3A_1144 = arith.index_cast %add3A_1111 : i32 to index
        %get3A_1145 = arith.constant 32 : index
        %get3A_1146 = tpu.vector_load %arg7[%get3A_1144, %get3A_1145] {strides = array<i32>} : memref<328x64xf32, #tpu.memory_space<vmem>>, vector<1x16xf32>,
        %get3A_1147 = vector.shape_cast %get3A_1146 : vector<1x16xf32> to vector<16xf32>
        %add3A_1148 = arith.addf %get3A_1143, %get3A_1147 : vector<16xf32>
        %swap3A_1149 = arith.index_cast %scan3A_1110 : i32 to index
        %swap3A_1150 = arith.constant 32 : index
        %swap3A_1151 = tpu.vector_load %arg14[%swap3A_1149, %swap3A_1150] {strides = array<i32>} : memref<128x64xf32, #tpu.memory_space<vmem>>, vector<1x16xf32>,
        %swap3A_1152 = vector.shape_cast %swap3A_1151 : vector<1x16xf32> to vector<16xf32>
        %swap3A_1153 = vector.shape_cast %add3A_1148 : vector<16xf32> to vector<1x16xf32>
        tpu.vector_store %arg14[%swap3A_1149, %swap3A_1150], %swap3A_1153 {strides = array<i32>} : memref<128x64xf32, #tpu.memory_space<vmem>>, vector<1x16xf32>,
        %get3A_1154 = arith.index_cast %scan3A_1110 : i32 to index
        %get3A_1155 = arith.constant 48 : index
        %get3A_1156 = tpu.vector_load %arg14[%get3A_1154, %get3A_1155] {strides = array<i32>} : memref<128x64xf32, #tpu.memory_space<vmem>>, vector<1x16xf32>,
        %get3A_1157 = vector.shape_cast %get3A_1156 : vector<1x16xf32> to vector<16xf32>
        %get3A_1158 = arith.index_cast %add3A_1111 : i32 to index
        %get3A_1159 = arith.constant 48 : index
        %get3A_1160 = tpu.vector_load %arg7[%get3A_1158, %get3A_1159] {strides = array<i32>} : memref<328x64xf32, #tpu.memory_space<vmem>>, vector<1x16xf32>,
        %get3A_1161 = vector.shape_cast %get3A_1160 : vector<1x16xf32> to vector<16xf32>
        %add3A_1162 = arith.addf %get3A_1157, %get3A_1161 : vector<16xf32>
        %swap3A_1163 = arith.index_cast %scan3A_1110 : i32 to index
        %swap3A_1164 = arith.constant 48 : index
        %swap3A_1165 = tpu.vector_load %arg14[%swap3A_1163, %swap3A_1164] {strides = array<i32>} : memref<128x64xf32, #tpu.memory_space<vmem>>, vector<1x16xf32>,
        %swap3A_1166 = vector.shape_cast %swap3A_1165 : vector<1x16xf32> to vector<16xf32>
        %swap3A_1167 = vector.shape_cast %add3A_1162 : vector<16xf32> to vector<1x16xf32>
        tpu.vector_store %arg14[%swap3A_1163, %swap3A_1164], %swap3A_1167 {strides = array<i32>} : memref<128x64xf32, #tpu.memory_space<vmem>>, vector<1x16xf32>,
        %scan3A_1168 = arith.constant 3 : i32
        %scan3A_1169 = arith.addi %scan3A_993, %scan3A_1168 : i32
        %add3A_1170 = arith.addi %rem3A_940, %scan3A_1169 : i32
        %get3A_1171 = arith.index_cast %scan3A_1169 : i32 to index
        %get3A_1172 = arith.constant 0 : index
        %get3A_1173 = tpu.vector_load %arg14[%get3A_1171, %get3A_1172] {strides = array<i32>} : memref<128x64xf32, #tpu.memory_space<vmem>>, vector<1x16xf32>,
        %get3A_1174 = vector.shape_cast %get3A_1173 : vector<1x16xf32> to vector<16xf32>
        %get3A_1175 = arith.index_cast %add3A_1170 : i32 to index
        %get3A_1176 = arith.constant 0 : index
        %get3A_1177 = tpu.vector_load %arg7[%get3A_1175, %get3A_1176] {strides = array<i32>} : memref<328x64xf32, #tpu.memory_space<vmem>>, vector<1x16xf32>,
        %get3A_1178 = vector.shape_cast %get3A_1177 : vector<1x16xf32> to vector<16xf32>
        %add3A_1179 = arith.addf %get3A_1174, %get3A_1178 : vector<16xf32>
        %swap3A_1180 = arith.index_cast %scan3A_1169 : i32 to index
        %swap3A_1181 = arith.constant 0 : index
        %swap3A_1182 = tpu.vector_load %arg14[%swap3A_1180, %swap3A_1181] {strides = array<i32>} : memref<128x64xf32, #tpu.memory_space<vmem>>, vector<1x16xf32>,
        %swap3A_1183 = vector.shape_cast %swap3A_1182 : vector<1x16xf32> to vector<16xf32>
        %swap3A_1184 = vector.shape_cast %add3A_1179 : vector<16xf32> to vector<1x16xf32>
        tpu.vector_store %arg14[%swap3A_1180, %swap3A_1181], %swap3A_1184 {strides = array<i32>} : memref<128x64xf32, #tpu.memory_space<vmem>>, vector<1x16xf32>,
        %get3A_1185 = arith.index_cast %scan3A_1169 : i32 to index
        %get3A_1186 = arith.constant 16 : index
        %get3A_1187 = tpu.vector_load %arg14[%get3A_1185, %get3A_1186] {strides = array<i32>} : memref<128x64xf32, #tpu.memory_space<vmem>>, vector<1x16xf32>,
        %get3A_1188 = vector.shape_cast %get3A_1187 : vector<1x16xf32> to vector<16xf32>
        %get3A_1189 = arith.index_cast %add3A_1170 : i32 to index
        %get3A_1190 = arith.constant 16 : index
        %get3A_1191 = tpu.vector_load %arg7[%get3A_1189, %get3A_1190] {strides = array<i32>} : memref<328x64xf32, #tpu.memory_space<vmem>>, vector<1x16xf32>,
        %get3A_1192 = vector.shape_cast %get3A_1191 : vector<1x16xf32> to vector<16xf32>
        %add3A_1193 = arith.addf %get3A_1188, %get3A_1192 : vector<16xf32>
        %swap3A_1194 = arith.index_cast %scan3A_1169 : i32 to index
        %swap3A_1195 = arith.constant 16 : index
        %swap3A_1196 = tpu.vector_load %arg14[%swap3A_1194, %swap3A_1195] {strides = array<i32>} : memref<128x64xf32, #tpu.memory_space<vmem>>, vector<1x16xf32>,
        %swap3A_1197 = vector.shape_cast %swap3A_1196 : vector<1x16xf32> to vector<16xf32>
        %swap3A_1198 = vector.shape_cast %add3A_1193 : vector<16xf32> to vector<1x16xf32>
        tpu.vector_store %arg14[%swap3A_1194, %swap3A_1195], %swap3A_1198 {strides = array<i32>} : memref<128x64xf32, #tpu.memory_space<vmem>>, vector<1x16xf32>,
        %get3A_1199 = arith.index_cast %scan3A_1169 : i32 to index
        %get3A_1200 = arith.constant 32 : index
        %get3A_1201 = tpu.vector_load %arg14[%get3A_1199, %get3A_1200] {strides = array<i32>} : memref<128x64xf32, #tpu.memory_space<vmem>>, vector<1x16xf32>,
        %get3A_1202 = vector.shape_cast %get3A_1201 : vector<1x16xf32> to vector<16xf32>
        %get3A_1203 = arith.index_cast %add3A_1170 : i32 to index
        %get3A_1204 = arith.constant 32 : index
        %get3A_1205 = tpu.vector_load %arg7[%get3A_1203, %get3A_1204] {strides = array<i32>} : memref<328x64xf32, #tpu.memory_space<vmem>>, vector<1x16xf32>,
        %get3A_1206 = vector.shape_cast %get3A_1205 : vector<1x16xf32> to vector<16xf32>
        %add3A_1207 = arith.addf %get3A_1202, %get3A_1206 : vector<16xf32>
        %swap3A_1208 = arith.index_cast %scan3A_1169 : i32 to index
        %swap3A_1209 = arith.constant 32 : index
        %swap3A_1210 = tpu.vector_load %arg14[%swap3A_1208, %swap3A_1209] {strides = array<i32>} : memref<128x64xf32, #tpu.memory_space<vmem>>, vector<1x16xf32>,
        %swap3A_1211 = vector.shape_cast %swap3A_1210 : vector<1x16xf32> to vector<16xf32>
        %swap3A_1212 = vector.shape_cast %add3A_1207 : vector<16xf32> to vector<1x16xf32>
        tpu.vector_store %arg14[%swap3A_1208, %swap3A_1209], %swap3A_1212 {strides = array<i32>} : memref<128x64xf32, #tpu.memory_space<vmem>>, vector<1x16xf32>,
        %get3A_1213 = arith.index_cast %scan3A_1169 : i32 to index
        %get3A_1214 = arith.constant 48 : index
        %get3A_1215 = tpu.vector_load %arg14[%get3A_1213, %get3A_1214] {strides = array<i32>} : memref<128x64xf32, #tpu.memory_space<vmem>>, vector<1x16xf32>,
        %get3A_1216 = vector.shape_cast %get3A_1215 : vector<1x16xf32> to vector<16xf32>
        %get3A_1217 = arith.index_cast %add3A_1170 : i32 to index
        %get3A_1218 = arith.constant 48 : index
        %get3A_1219 = tpu.vector_load %arg7[%get3A_1217, %get3A_1218] {strides = array<i32>} : memref<328x64xf32, #tpu.memory_space<vmem>>, vector<1x16xf32>,
        %get3A_1220 = vector.shape_cast %get3A_1219 : vector<1x16xf32> to vector<16xf32>
        %add3A_1221 = arith.addf %get3A_1216, %get3A_1220 : vector<16xf32>
        %swap3A_1222 = arith.index_cast %scan3A_1169 : i32 to index
        %swap3A_1223 = arith.constant 48 : index
        %swap3A_1224 = tpu.vector_load %arg14[%swap3A_1222, %swap3A_1223] {strides = array<i32>} : memref<128x64xf32, #tpu.memory_space<vmem>>, vector<1x16xf32>,
        %swap3A_1225 = vector.shape_cast %swap3A_1224 : vector<1x16xf32> to vector<16xf32>
        %swap3A_1226 = vector.shape_cast %add3A_1221 : vector<16xf32> to vector<1x16xf32>
        tpu.vector_store %arg14[%swap3A_1222, %swap3A_1223], %swap3A_1226 {strides = array<i32>} : memref<128x64xf32, #tpu.memory_space<vmem>>, vector<1x16xf32>,
      }
      %scan3A_946 = arith.constant 128 : i32
      %add3A_947 = arith.addi %mul3A_2, %add3A_918 : i32
      %mul3A_948 = arith.constant 128 : i32
      %mul3A_949 = arith.muli %add3A_947, %mul3A_948 : i32
      %dma_start3A_950 = arith.constant 0 : i32
      %dma_start3A_951 = tpu.memref_slice %arg5[%mul3A_949, %dma_start3A_950] : memref<819200x64xf32, #tpu.memory_space<hbm>> -> memref<128x64xf32, #tpu.memory_space<hbm>>
      %dma_start3A_952 = arith.constant 0 : i32
      %dma_start3A_953 = tpu.memref_slice %arg5[%mul3A_949, %dma_start3A_952] : memref<819200x64xf32, #tpu.memory_space<hbm>> -> memref<128x64xf32, #tpu.memory_space<hbm>>
      tpu.enqueue_dma source(%arg14 : memref<128x64xf32, #tpu.memory_space<vmem>>) target(%dma_start3A_953 : memref<128x64xf32, #tpu.memory_space<hbm>>) target_semaphore(%arg30 : memref<!tpu.dma_semaphore, #tpu.memory_space<semaphore_mem>>)
      %mul3A_954 = arith.constant 8 : i32
      %mul3A_955 = arith.muli %scan3A_381, %mul3A_954 : i32
      %add3A_956 = arith.constant 7 : i32
      %add3A_957 = arith.addi %mul3A_955, %add3A_956 : i32
      %mul3A_958 = arith.constant 128 : i32
      %mul3A_959 = arith.muli %mul3A_2, %mul3A_958 : i32
      %dma_wait3A_960 = arith.constant 0 : i32
      %dma_wait3A_961 = tpu.memref_slice %arg5[%mul3A_959, %dma_wait3A_960] : memref<819200x64xf32, #tpu.memory_space<hbm>> -> memref<128x64xf32, #tpu.memory_space<hbm>>
      %dma_wait3A_962 = arith.constant 0 : i32
      %dma_wait3A_963 = tpu.memref_slice %arg5[%mul3A_959, %dma_wait3A_962] : memref<819200x64xf32, #tpu.memory_space<hbm>> -> memref<128x64xf32, #tpu.memory_space<hbm>>
      tpu.wait_dma2 semaphore(%arg27 : memref<!tpu.dma_semaphore, #tpu.memory_space<semaphore_mem>>) src(%arg11 : memref<128x64xf32, #tpu.memory_space<vmem>>) dst(%dma_wait3A_963 : memref<128x64xf32, #tpu.memory_space<hbm>>)
      %lt3A_964 = arith.constant 24 : i32
      %lt3A_965 = arith.cmpi slt, %scan3A_381, %lt3A_964 : i32
      %convert_element_type3A_966 = arith.extui %lt3A_965 : i1 to i32
      %cond3A_967 = arith.constant 0 : i32
      %cond3A_968 = arith.cmpi ne, %convert_element_type3A_966, %cond3A_967 : i32
      scf.if %cond3A_968 {
        %add3A_993 = arith.constant 4 : i32
        %add3A_994 = arith.addi %add3A_957, %add3A_993 : i32
        %get3A_995 = arith.index_cast %add3A_994 : i32 to index
        %get3A_996 = arith.constant 0 : index
        %get3A_997 = tpu.vector_load %arg6[%get3A_995, %get3A_996] {strides = array<i32>} : memref<200x128xi32, #tpu.memory_space<vmem>>, vector<1x16xi32>,
        %get3A_998 = vector.shape_cast %get3A_997 : vector<1x16xi32> to vector<16xi32>
        %dma_start3A_999 = arith.constant 0 : i32
        %dma_start3A_1000 = arith.constant 0 : i32
        %dma_start3A_1001 = tpu.memref_slice %arg11[%dma_start3A_999, %dma_start3A_1000] : memref<128x64xf32, #tpu.memory_space<vmem>> -> memref<16x64xf32, #tpu.memory_space<vmem>>
        %dma_start3A_1002 = arith.constant 0 : i32
        %dma_start3A_1003 = arith.constant 0 : i32
        %dma_start3A_1004 = tpu.memref_slice %arg3[%dma_start3A_1002, %dma_start3A_1003] : memref<1000000x64xf32, #tpu.memory_space<hbm>> -> memref<1000000x64xf32, #tpu.memory_space<hbm>>
        tpu.enqueue_indirect_dma source(%dma_start3A_1004 : memref<1000000x64xf32, #tpu.memory_space<hbm>>) target(%dma_start3A_1001 : memref<16x64xf32, #tpu.memory_space<vmem>>) offsets(%get3A_998 : vector<16xi32>) semaphore(%arg19 : memref<!tpu.dma_semaphore, #tpu.memory_space<semaphore_mem>>)
        %get3A_1005 = arith.index_cast %add3A_994 : i32 to index
        %get3A_1006 = arith.constant 16 : index
        %get3A_1007 = tpu.vector_load %arg6[%get3A_1005, %get3A_1006] {strides = array<i32>} : memref<200x128xi32, #tpu.memory_space<vmem>>, vector<1x16xi32>,
        %get3A_1008 = vector.shape_cast %get3A_1007 : vector<1x16xi32> to vector<16xi32>
        %dma_start3A_1009 = arith.constant 16 : i32
        %dma_start3A_1010 = arith.constant 0 : i32
        %dma_start3A_1011 = tpu.memref_slice %arg11[%dma_start3A_1009, %dma_start3A_1010] : memref<128x64xf32, #tpu.memory_space<vmem>> -> memref<16x64xf32, #tpu.memory_space<vmem>>
        %dma_start3A_1012 = arith.constant 0 : i32
        %dma_start3A_1013 = arith.constant 0 : i32
        %dma_start3A_1014 = tpu.memref_slice %arg3[%dma_start3A_1012, %dma_start3A_1013] : memref<1000000x64xf32, #tpu.memory_space<hbm>> -> memref<1000000x64xf32, #tpu.memory_space<hbm>>
        tpu.enqueue_indirect_dma source(%dma_start3A_1014 : memref<1000000x64xf32, #tpu.memory_space<hbm>>) target(%dma_start3A_1011 : memref<16x64xf32, #tpu.memory_space<vmem>>) offsets(%get3A_1008 : vector<16xi32>) semaphore(%arg19 : memref<!tpu.dma_semaphore, #tpu.memory_space<semaphore_mem>>)
        %get3A_1015 = arith.index_cast %add3A_994 : i32 to index
        %get3A_1016 = arith.constant 32 : index
        %get3A_1017 = tpu.vector_load %arg6[%get3A_1015, %get3A_1016] {strides = array<i32>} : memref<200x128xi32, #tpu.memory_space<vmem>>, vector<1x16xi32>,
        %get3A_1018 = vector.shape_cast %get3A_1017 : vector<1x16xi32> to vector<16xi32>
        %dma_start3A_1019 = arith.constant 32 : i32
        %dma_start3A_1020 = arith.constant 0 : i32
        %dma_start3A_1021 = tpu.memref_slice %arg11[%dma_start3A_1019, %dma_start3A_1020] : memref<128x64xf32, #tpu.memory_space<vmem>> -> memref<16x64xf32, #tpu.memory_space<vmem>>
        %dma_start3A_1022 = arith.constant 0 : i32
        %dma_start3A_1023 = arith.constant 0 : i32
        %dma_start3A_1024 = tpu.memref_slice %arg3[%dma_start3A_1022, %dma_start3A_1023] : memref<1000000x64xf32, #tpu.memory_space<hbm>> -> memref<1000000x64xf32, #tpu.memory_space<hbm>>
        tpu.enqueue_indirect_dma source(%dma_start3A_1024 : memref<1000000x64xf32, #tpu.memory_space<hbm>>) target(%dma_start3A_1021 : memref<16x64xf32, #tpu.memory_space<vmem>>) offsets(%get3A_1018 : vector<16xi32>) semaphore(%arg19 : memref<!tpu.dma_semaphore, #tpu.memory_space<semaphore_mem>>)
        %get3A_1025 = arith.index_cast %add3A_994 : i32 to index
        %get3A_1026 = arith.constant 48 : index
        %get3A_1027 = tpu.vector_load %arg6[%get3A_1025, %get3A_1026] {strides = array<i32>} : memref<200x128xi32, #tpu.memory_space<vmem>>, vector<1x16xi32>,
        %get3A_1028 = vector.shape_cast %get3A_1027 : vector<1x16xi32> to vector<16xi32>
        %dma_start3A_1029 = arith.constant 48 : i32
        %dma_start3A_1030 = arith.constant 0 : i32
        %dma_start3A_1031 = tpu.memref_slice %arg11[%dma_start3A_1029, %dma_start3A_1030] : memref<128x64xf32, #tpu.memory_space<vmem>> -> memref<16x64xf32, #tpu.memory_space<vmem>>
        %dma_start3A_1032 = arith.constant 0 : i32
        %dma_start3A_1033 = arith.constant 0 : i32
        %dma_start3A_1034 = tpu.memref_slice %arg3[%dma_start3A_1032, %dma_start3A_1033] : memref<1000000x64xf32, #tpu.memory_space<hbm>> -> memref<1000000x64xf32, #tpu.memory_space<hbm>>
        tpu.enqueue_indirect_dma source(%dma_start3A_1034 : memref<1000000x64xf32, #tpu.memory_space<hbm>>) target(%dma_start3A_1031 : memref<16x64xf32, #tpu.memory_space<vmem>>) offsets(%get3A_1028 : vector<16xi32>) semaphore(%arg19 : memref<!tpu.dma_semaphore, #tpu.memory_space<semaphore_mem>>)
        %get3A_1035 = arith.index_cast %add3A_994 : i32 to index
        %get3A_1036 = arith.constant 64 : index
        %get3A_1037 = tpu.vector_load %arg6[%get3A_1035, %get3A_1036] {strides = array<i32>} : memref<200x128xi32, #tpu.memory_space<vmem>>, vector<1x16xi32>,
        %get3A_1038 = vector.shape_cast %get3A_1037 : vector<1x16xi32> to vector<16xi32>
        %dma_start3A_1039 = arith.constant 64 : i32
        %dma_start3A_1040 = arith.constant 0 : i32
        %dma_start3A_1041 = tpu.memref_slice %arg11[%dma_start3A_1039, %dma_start3A_1040] : memref<128x64xf32, #tpu.memory_space<vmem>> -> memref<16x64xf32, #tpu.memory_space<vmem>>
        %dma_start3A_1042 = arith.constant 0 : i32
        %dma_start3A_1043 = arith.constant 0 : i32
        %dma_start3A_1044 = tpu.memref_slice %arg3[%dma_start3A_1042, %dma_start3A_1043] : memref<1000000x64xf32, #tpu.memory_space<hbm>> -> memref<1000000x64xf32, #tpu.memory_space<hbm>>
        tpu.enqueue_indirect_dma source(%dma_start3A_1044 : memref<1000000x64xf32, #tpu.memory_space<hbm>>) target(%dma_start3A_1041 : memref<16x64xf32, #tpu.memory_space<vmem>>) offsets(%get3A_1038 : vector<16xi32>) semaphore(%arg19 : memref<!tpu.dma_semaphore, #tpu.memory_space<semaphore_mem>>)
        %get3A_1045 = arith.index_cast %add3A_994 : i32 to index
        %get3A_1046 = arith.constant 80 : index
        %get3A_1047 = tpu.vector_load %arg6[%get3A_1045, %get3A_1046] {strides = array<i32>} : memref<200x128xi32, #tpu.memory_space<vmem>>, vector<1x16xi32>,
        %get3A_1048 = vector.shape_cast %get3A_1047 : vector<1x16xi32> to vector<16xi32>
        %dma_start3A_1049 = arith.constant 80 : i32
        %dma_start3A_1050 = arith.constant 0 : i32
        %dma_start3A_1051 = tpu.memref_slice %arg11[%dma_start3A_1049, %dma_start3A_1050] : memref<128x64xf32, #tpu.memory_space<vmem>> -> memref<16x64xf32, #tpu.memory_space<vmem>>
        %dma_start3A_1052 = arith.constant 0 : i32
        %dma_start3A_1053 = arith.constant 0 : i32
        %dma_start3A_1054 = tpu.memref_slice %arg3[%dma_start3A_1052, %dma_start3A_1053] : memref<1000000x64xf32, #tpu.memory_space<hbm>> -> memref<1000000x64xf32, #tpu.memory_space<hbm>>
        tpu.enqueue_indirect_dma source(%dma_start3A_1054 : memref<1000000x64xf32, #tpu.memory_space<hbm>>) target(%dma_start3A_1051 : memref<16x64xf32, #tpu.memory_space<vmem>>) offsets(%get3A_1048 : vector<16xi32>) semaphore(%arg19 : memref<!tpu.dma_semaphore, #tpu.memory_space<semaphore_mem>>)
        %get3A_1055 = arith.index_cast %add3A_994 : i32 to index
        %get3A_1056 = arith.constant 96 : index
        %get3A_1057 = tpu.vector_load %arg6[%get3A_1055, %get3A_1056] {strides = array<i32>} : memref<200x128xi32, #tpu.memory_space<vmem>>, vector<1x16xi32>,
        %get3A_1058 = vector.shape_cast %get3A_1057 : vector<1x16xi32> to vector<16xi32>
        %dma_start3A_1059 = arith.constant 96 : i32
        %dma_start3A_1060 = arith.constant 0 : i32
        %dma_start3A_1061 = tpu.memref_slice %arg11[%dma_start3A_1059, %dma_start3A_1060] : memref<128x64xf32, #tpu.memory_space<vmem>> -> memref<16x64xf32, #tpu.memory_space<vmem>>
        %dma_start3A_1062 = arith.constant 0 : i32
        %dma_start3A_1063 = arith.constant 0 : i32
        %dma_start3A_1064 = tpu.memref_slice %arg3[%dma_start3A_1062, %dma_start3A_1063] : memref<1000000x64xf32, #tpu.memory_space<hbm>> -> memref<1000000x64xf32, #tpu.memory_space<hbm>>
        tpu.enqueue_indirect_dma source(%dma_start3A_1064 : memref<1000000x64xf32, #tpu.memory_space<hbm>>) target(%dma_start3A_1061 : memref<16x64xf32, #tpu.memory_space<vmem>>) offsets(%get3A_1058 : vector<16xi32>) semaphore(%arg19 : memref<!tpu.dma_semaphore, #tpu.memory_space<semaphore_mem>>)
        %get3A_1065 = arith.index_cast %add3A_994 : i32 to index
        %get3A_1066 = arith.constant 112 : index
        %get3A_1067 = tpu.vector_load %arg6[%get3A_1065, %get3A_1066] {strides = array<i32>} : memref<200x128xi32, #tpu.memory_space<vmem>>, vector<1x16xi32>,
        %get3A_1068 = vector.shape_cast %get3A_1067 : vector<1x16xi32> to vector<16xi32>
        %dma_start3A_1069 = arith.constant 112 : i32
        %dma_start3A_1070 = arith.constant 0 : i32
        %dma_start3A_1071 = tpu.memref_slice %arg11[%dma_start3A_1069, %dma_start3A_1070] : memref<128x64xf32, #tpu.memory_space<vmem>> -> memref<16x64xf32, #tpu.memory_space<vmem>>
        %dma_start3A_1072 = arith.constant 0 : i32
        %dma_start3A_1073 = arith.constant 0 : i32
        %dma_start3A_1074 = tpu.memref_slice %arg3[%dma_start3A_1072, %dma_start3A_1073] : memref<1000000x64xf32, #tpu.memory_space<hbm>> -> memref<1000000x64xf32, #tpu.memory_space<hbm>>
        tpu.enqueue_indirect_dma source(%dma_start3A_1074 : memref<1000000x64xf32, #tpu.memory_space<hbm>>) target(%dma_start3A_1071 : memref<16x64xf32, #tpu.memory_space<vmem>>) offsets(%get3A_1068 : vector<16xi32>) semaphore(%arg19 : memref<!tpu.dma_semaphore, #tpu.memory_space<semaphore_mem>>)
      } else {
      }
      %dma_wait3A_969 = arith.constant 0 : i32
      %dma_wait3A_970 = arith.constant 0 : i32
      %dma_wait3A_971 = tpu.memref_slice %arg6[%dma_wait3A_969, %dma_wait3A_970] : memref<200x128xi32, #tpu.memory_space<vmem>> -> memref<1x128xi32, #tpu.memory_space<vmem>>
      %dma_wait3A_972 = tpu.memref_squeeze %dma_wait3A_971 : memref<1x128xi32, #tpu.memory_space<vmem>> -> memref<128xi32, #tpu.memory_space<vmem>>
      %dma_wait3A_973 = arith.constant 0 : i32
      %dma_wait3A_974 = arith.constant 0 : i32
      %dma_wait3A_975 = tpu.memref_slice %arg3[%dma_wait3A_973, %dma_wait3A_974] : memref<1000000x64xf32, #tpu.memory_space<hbm>> -> memref<1000000x64xf32, #tpu.memory_space<hbm>>
      tpu.wait_indirect_dma semaphore(%arg23 : memref<!tpu.dma_semaphore, #tpu.memory_space<semaphore_mem>>) src(%dma_wait3A_975 : memref<1000000x64xf32, #tpu.memory_space<hbm>>) dst(%arg15 : memref<128x64xf32, #tpu.memory_space<vmem>>)
      %mul3A_976 = arith.constant 128 : i32
      %mul3A_977 = arith.muli %add3A_957, %mul3A_976 : i32
      %rem3A_978 = arith.constant 200 : i32
      %rem3A_979 = arith.remsi %mul3A_977, %rem3A_978 : i32
      %scan3A_980 = arith.constant 0 : i32
      %scan3A_981 = arith.constant 0 : i32
      %scan3A_982 = arith.constant 128 : i32
      %scan3A_983 = arith.addi %scan3A_981, %scan3A_982 : i32
      %scan3A_984 = arith.constant 4 : i32
      scf.for %scan3A_993 = %scan3A_981 to %scan3A_983 step %scan3A_984  : i32 {
        %add3A_994 = arith.addi %rem3A_979, %scan3A_993 : i32
        %get3A_995 = arith.index_cast %scan3A_993 : i32 to index
        %get3A_996 = arith.constant 0 : index
        %get3A_997 = tpu.vector_load %arg15[%get3A_995, %get3A_996] {strides = array<i32>} : memref<128x64xf32, #tpu.memory_space<vmem>>, vector<1x16xf32>,
        %get3A_998 = vector.shape_cast %get3A_997 : vector<1x16xf32> to vector<16xf32>
        %get3A_999 = arith.index_cast %add3A_994 : i32 to index
        %get3A_1000 = arith.constant 0 : index
        %get3A_1001 = tpu.vector_load %arg7[%get3A_999, %get3A_1000] {strides = array<i32>} : memref<328x64xf32, #tpu.memory_space<vmem>>, vector<1x16xf32>,
        %get3A_1002 = vector.shape_cast %get3A_1001 : vector<1x16xf32> to vector<16xf32>
        %add3A_1003 = arith.addf %get3A_998, %get3A_1002 : vector<16xf32>
        %swap3A = arith.index_cast %scan3A_993 : i32 to index
        %swap3A_1004 = arith.constant 0 : index
        %swap3A_1005 = tpu.vector_load %arg15[%swap3A, %swap3A_1004] {strides = array<i32>} : memref<128x64xf32, #tpu.memory_space<vmem>>, vector<1x16xf32>,
        %swap3A_1006 = vector.shape_cast %swap3A_1005 : vector<1x16xf32> to vector<16xf32>
        %swap3A_1007 = vector.shape_cast %add3A_1003 : vector<16xf32> to vector<1x16xf32>
        tpu.vector_store %arg15[%swap3A, %swap3A_1004], %swap3A_1007 {strides = array<i32>} : memref<128x64xf32, #tpu.memory_space<vmem>>, vector<1x16xf32>,
        %get3A_1008 = arith.index_cast %scan3A_993 : i32 to index
        %get3A_1009 = arith.constant 16 : index
        %get3A_1010 = tpu.vector_load %arg15[%get3A_1008, %get3A_1009] {strides = array<i32>} : memref<128x64xf32, #tpu.memory_space<vmem>>, vector<1x16xf32>,
        %get3A_1011 = vector.shape_cast %get3A_1010 : vector<1x16xf32> to vector<16xf32>
        %get3A_1012 = arith.index_cast %add3A_994 : i32 to index
        %get3A_1013 = arith.constant 16 : index
        %get3A_1014 = tpu.vector_load %arg7[%get3A_1012, %get3A_1013] {strides = array<i32>} : memref<328x64xf32, #tpu.memory_space<vmem>>, vector<1x16xf32>,
        %get3A_1015 = vector.shape_cast %get3A_1014 : vector<1x16xf32> to vector<16xf32>
        %add3A_1016 = arith.addf %get3A_1011, %get3A_1015 : vector<16xf32>
        %swap3A_1017 = arith.index_cast %scan3A_993 : i32 to index
        %swap3A_1018 = arith.constant 16 : index
        %swap3A_1019 = tpu.vector_load %arg15[%swap3A_1017, %swap3A_1018] {strides = array<i32>} : memref<128x64xf32, #tpu.memory_space<vmem>>, vector<1x16xf32>,
        %swap3A_1020 = vector.shape_cast %swap3A_1019 : vector<1x16xf32> to vector<16xf32>
        %swap3A_1021 = vector.shape_cast %add3A_1016 : vector<16xf32> to vector<1x16xf32>
        tpu.vector_store %arg15[%swap3A_1017, %swap3A_1018], %swap3A_1021 {strides = array<i32>} : memref<128x64xf32, #tpu.memory_space<vmem>>, vector<1x16xf32>,
        %get3A_1022 = arith.index_cast %scan3A_993 : i32 to index
        %get3A_1023 = arith.constant 32 : index
        %get3A_1024 = tpu.vector_load %arg15[%get3A_1022, %get3A_1023] {strides = array<i32>} : memref<128x64xf32, #tpu.memory_space<vmem>>, vector<1x16xf32>,
        %get3A_1025 = vector.shape_cast %get3A_1024 : vector<1x16xf32> to vector<16xf32>
        %get3A_1026 = arith.index_cast %add3A_994 : i32 to index
        %get3A_1027 = arith.constant 32 : index
        %get3A_1028 = tpu.vector_load %arg7[%get3A_1026, %get3A_1027] {strides = array<i32>} : memref<328x64xf32, #tpu.memory_space<vmem>>, vector<1x16xf32>,
        %get3A_1029 = vector.shape_cast %get3A_1028 : vector<1x16xf32> to vector<16xf32>
        %add3A_1030 = arith.addf %get3A_1025, %get3A_1029 : vector<16xf32>
        %swap3A_1031 = arith.index_cast %scan3A_993 : i32 to index
        %swap3A_1032 = arith.constant 32 : index
        %swap3A_1033 = tpu.vector_load %arg15[%swap3A_1031, %swap3A_1032] {strides = array<i32>} : memref<128x64xf32, #tpu.memory_space<vmem>>, vector<1x16xf32>,
        %swap3A_1034 = vector.shape_cast %swap3A_1033 : vector<1x16xf32> to vector<16xf32>
        %swap3A_1035 = vector.shape_cast %add3A_1030 : vector<16xf32> to vector<1x16xf32>
        tpu.vector_store %arg15[%swap3A_1031, %swap3A_1032], %swap3A_1035 {strides = array<i32>} : memref<128x64xf32, #tpu.memory_space<vmem>>, vector<1x16xf32>,
        %get3A_1036 = arith.index_cast %scan3A_993 : i32 to index
        %get3A_1037 = arith.constant 48 : index
        %get3A_1038 = tpu.vector_load %arg15[%get3A_1036, %get3A_1037] {strides = array<i32>} : memref<128x64xf32, #tpu.memory_space<vmem>>, vector<1x16xf32>,
        %get3A_1039 = vector.shape_cast %get3A_1038 : vector<1x16xf32> to vector<16xf32>
        %get3A_1040 = arith.index_cast %add3A_994 : i32 to index
        %get3A_1041 = arith.constant 48 : index
        %get3A_1042 = tpu.vector_load %arg7[%get3A_1040, %get3A_1041] {strides = array<i32>} : memref<328x64xf32, #tpu.memory_space<vmem>>, vector<1x16xf32>,
        %get3A_1043 = vector.shape_cast %get3A_1042 : vector<1x16xf32> to vector<16xf32>
        %add3A_1044 = arith.addf %get3A_1039, %get3A_1043 : vector<16xf32>
        %swap3A_1045 = arith.index_cast %scan3A_993 : i32 to index
        %swap3A_1046 = arith.constant 48 : index
        %swap3A_1047 = tpu.vector_load %arg15[%swap3A_1045, %swap3A_1046] {strides = array<i32>} : memref<128x64xf32, #tpu.memory_space<vmem>>, vector<1x16xf32>,
        %swap3A_1048 = vector.shape_cast %swap3A_1047 : vector<1x16xf32> to vector<16xf32>
        %swap3A_1049 = vector.shape_cast %add3A_1044 : vector<16xf32> to vector<1x16xf32>
        tpu.vector_store %arg15[%swap3A_1045, %swap3A_1046], %swap3A_1049 {strides = array<i32>} : memref<128x64xf32, #tpu.memory_space<vmem>>, vector<1x16xf32>,
        %scan3A_1050 = arith.constant 1 : i32
        %scan3A_1051 = arith.addi %scan3A_993, %scan3A_1050 : i32
        %add3A_1052 = arith.addi %rem3A_979, %scan3A_1051 : i32
        %get3A_1053 = arith.index_cast %scan3A_1051 : i32 to index
        %get3A_1054 = arith.constant 0 : index
        %get3A_1055 = tpu.vector_load %arg15[%get3A_1053, %get3A_1054] {strides = array<i32>} : memref<128x64xf32, #tpu.memory_space<vmem>>, vector<1x16xf32>,
        %get3A_1056 = vector.shape_cast %get3A_1055 : vector<1x16xf32> to vector<16xf32>
        %get3A_1057 = arith.index_cast %add3A_1052 : i32 to index
        %get3A_1058 = arith.constant 0 : index
        %get3A_1059 = tpu.vector_load %arg7[%get3A_1057, %get3A_1058] {strides = array<i32>} : memref<328x64xf32, #tpu.memory_space<vmem>>, vector<1x16xf32>,
        %get3A_1060 = vector.shape_cast %get3A_1059 : vector<1x16xf32> to vector<16xf32>
        %add3A_1061 = arith.addf %get3A_1056, %get3A_1060 : vector<16xf32>
        %swap3A_1062 = arith.index_cast %scan3A_1051 : i32 to index
        %swap3A_1063 = arith.constant 0 : index
        %swap3A_1064 = tpu.vector_load %arg15[%swap3A_1062, %swap3A_1063] {strides = array<i32>} : memref<128x64xf32, #tpu.memory_space<vmem>>, vector<1x16xf32>,
        %swap3A_1065 = vector.shape_cast %swap3A_1064 : vector<1x16xf32> to vector<16xf32>
        %swap3A_1066 = vector.shape_cast %add3A_1061 : vector<16xf32> to vector<1x16xf32>
        tpu.vector_store %arg15[%swap3A_1062, %swap3A_1063], %swap3A_1066 {strides = array<i32>} : memref<128x64xf32, #tpu.memory_space<vmem>>, vector<1x16xf32>,
        %get3A_1067 = arith.index_cast %scan3A_1051 : i32 to index
        %get3A_1068 = arith.constant 16 : index
        %get3A_1069 = tpu.vector_load %arg15[%get3A_1067, %get3A_1068] {strides = array<i32>} : memref<128x64xf32, #tpu.memory_space<vmem>>, vector<1x16xf32>,
        %get3A_1070 = vector.shape_cast %get3A_1069 : vector<1x16xf32> to vector<16xf32>
        %get3A_1071 = arith.index_cast %add3A_1052 : i32 to index
        %get3A_1072 = arith.constant 16 : index
        %get3A_1073 = tpu.vector_load %arg7[%get3A_1071, %get3A_1072] {strides = array<i32>} : memref<328x64xf32, #tpu.memory_space<vmem>>, vector<1x16xf32>,
        %get3A_1074 = vector.shape_cast %get3A_1073 : vector<1x16xf32> to vector<16xf32>
        %add3A_1075 = arith.addf %get3A_1070, %get3A_1074 : vector<16xf32>
        %swap3A_1076 = arith.index_cast %scan3A_1051 : i32 to index
        %swap3A_1077 = arith.constant 16 : index
        %swap3A_1078 = tpu.vector_load %arg15[%swap3A_1076, %swap3A_1077] {strides = array<i32>} : memref<128x64xf32, #tpu.memory_space<vmem>>, vector<1x16xf32>,
        %swap3A_1079 = vector.shape_cast %swap3A_1078 : vector<1x16xf32> to vector<16xf32>
        %swap3A_1080 = vector.shape_cast %add3A_1075 : vector<16xf32> to vector<1x16xf32>
        tpu.vector_store %arg15[%swap3A_1076, %swap3A_1077], %swap3A_1080 {strides = array<i32>} : memref<128x64xf32, #tpu.memory_space<vmem>>, vector<1x16xf32>,
        %get3A_1081 = arith.index_cast %scan3A_1051 : i32 to index
        %get3A_1082 = arith.constant 32 : index
        %get3A_1083 = tpu.vector_load %arg15[%get3A_1081, %get3A_1082] {strides = array<i32>} : memref<128x64xf32, #tpu.memory_space<vmem>>, vector<1x16xf32>,
        %get3A_1084 = vector.shape_cast %get3A_1083 : vector<1x16xf32> to vector<16xf32>
        %get3A_1085 = arith.index_cast %add3A_1052 : i32 to index
        %get3A_1086 = arith.constant 32 : index
        %get3A_1087 = tpu.vector_load %arg7[%get3A_1085, %get3A_1086] {strides = array<i32>} : memref<328x64xf32, #tpu.memory_space<vmem>>, vector<1x16xf32>,
        %get3A_1088 = vector.shape_cast %get3A_1087 : vector<1x16xf32> to vector<16xf32>
        %add3A_1089 = arith.addf %get3A_1084, %get3A_1088 : vector<16xf32>
        %swap3A_1090 = arith.index_cast %scan3A_1051 : i32 to index
        %swap3A_1091 = arith.constant 32 : index
        %swap3A_1092 = tpu.vector_load %arg15[%swap3A_1090, %swap3A_1091] {strides = array<i32>} : memref<128x64xf32, #tpu.memory_space<vmem>>, vector<1x16xf32>,
        %swap3A_1093 = vector.shape_cast %swap3A_1092 : vector<1x16xf32> to vector<16xf32>
        %swap3A_1094 = vector.shape_cast %add3A_1089 : vector<16xf32> to vector<1x16xf32>
        tpu.vector_store %arg15[%swap3A_1090, %swap3A_1091], %swap3A_1094 {strides = array<i32>} : memref<128x64xf32, #tpu.memory_space<vmem>>, vector<1x16xf32>,
        %get3A_1095 = arith.index_cast %scan3A_1051 : i32 to index
        %get3A_1096 = arith.constant 48 : index
        %get3A_1097 = tpu.vector_load %arg15[%get3A_1095, %get3A_1096] {strides = array<i32>} : memref<128x64xf32, #tpu.memory_space<vmem>>, vector<1x16xf32>,
        %get3A_1098 = vector.shape_cast %get3A_1097 : vector<1x16xf32> to vector<16xf32>
        %get3A_1099 = arith.index_cast %add3A_1052 : i32 to index
        %get3A_1100 = arith.constant 48 : index
        %get3A_1101 = tpu.vector_load %arg7[%get3A_1099, %get3A_1100] {strides = array<i32>} : memref<328x64xf32, #tpu.memory_space<vmem>>, vector<1x16xf32>,
        %get3A_1102 = vector.shape_cast %get3A_1101 : vector<1x16xf32> to vector<16xf32>
        %add3A_1103 = arith.addf %get3A_1098, %get3A_1102 : vector<16xf32>
        %swap3A_1104 = arith.index_cast %scan3A_1051 : i32 to index
        %swap3A_1105 = arith.constant 48 : index
        %swap3A_1106 = tpu.vector_load %arg15[%swap3A_1104, %swap3A_1105] {strides = array<i32>} : memref<128x64xf32, #tpu.memory_space<vmem>>, vector<1x16xf32>,
        %swap3A_1107 = vector.shape_cast %swap3A_1106 : vector<1x16xf32> to vector<16xf32>
        %swap3A_1108 = vector.shape_cast %add3A_1103 : vector<16xf32> to vector<1x16xf32>
        tpu.vector_store %arg15[%swap3A_1104, %swap3A_1105], %swap3A_1108 {strides = array<i32>} : memref<128x64xf32, #tpu.memory_space<vmem>>, vector<1x16xf32>,
        %scan3A_1109 = arith.constant 2 : i32
        %scan3A_1110 = arith.addi %scan3A_993, %scan3A_1109 : i32
        %add3A_1111 = arith.addi %rem3A_979, %scan3A_1110 : i32
        %get3A_1112 = arith.index_cast %scan3A_1110 : i32 to index
        %get3A_1113 = arith.constant 0 : index
        %get3A_1114 = tpu.vector_load %arg15[%get3A_1112, %get3A_1113] {strides = array<i32>} : memref<128x64xf32, #tpu.memory_space<vmem>>, vector<1x16xf32>,
        %get3A_1115 = vector.shape_cast %get3A_1114 : vector<1x16xf32> to vector<16xf32>
        %get3A_1116 = arith.index_cast %add3A_1111 : i32 to index
        %get3A_1117 = arith.constant 0 : index
        %get3A_1118 = tpu.vector_load %arg7[%get3A_1116, %get3A_1117] {strides = array<i32>} : memref<328x64xf32, #tpu.memory_space<vmem>>, vector<1x16xf32>,
        %get3A_1119 = vector.shape_cast %get3A_1118 : vector<1x16xf32> to vector<16xf32>
        %add3A_1120 = arith.addf %get3A_1115, %get3A_1119 : vector<16xf32>
        %swap3A_1121 = arith.index_cast %scan3A_1110 : i32 to index
        %swap3A_1122 = arith.constant 0 : index
        %swap3A_1123 = tpu.vector_load %arg15[%swap3A_1121, %swap3A_1122] {strides = array<i32>} : memref<128x64xf32, #tpu.memory_space<vmem>>, vector<1x16xf32>,
        %swap3A_1124 = vector.shape_cast %swap3A_1123 : vector<1x16xf32> to vector<16xf32>
        %swap3A_1125 = vector.shape_cast %add3A_1120 : vector<16xf32> to vector<1x16xf32>
        tpu.vector_store %arg15[%swap3A_1121, %swap3A_1122], %swap3A_1125 {strides = array<i32>} : memref<128x64xf32, #tpu.memory_space<vmem>>, vector<1x16xf32>,
        %get3A_1126 = arith.index_cast %scan3A_1110 : i32 to index
        %get3A_1127 = arith.constant 16 : index
        %get3A_1128 = tpu.vector_load %arg15[%get3A_1126, %get3A_1127] {strides = array<i32>} : memref<128x64xf32, #tpu.memory_space<vmem>>, vector<1x16xf32>,
        %get3A_1129 = vector.shape_cast %get3A_1128 : vector<1x16xf32> to vector<16xf32>
        %get3A_1130 = arith.index_cast %add3A_1111 : i32 to index
        %get3A_1131 = arith.constant 16 : index
        %get3A_1132 = tpu.vector_load %arg7[%get3A_1130, %get3A_1131] {strides = array<i32>} : memref<328x64xf32, #tpu.memory_space<vmem>>, vector<1x16xf32>,
        %get3A_1133 = vector.shape_cast %get3A_1132 : vector<1x16xf32> to vector<16xf32>
        %add3A_1134 = arith.addf %get3A_1129, %get3A_1133 : vector<16xf32>
        %swap3A_1135 = arith.index_cast %scan3A_1110 : i32 to index
        %swap3A_1136 = arith.constant 16 : index
        %swap3A_1137 = tpu.vector_load %arg15[%swap3A_1135, %swap3A_1136] {strides = array<i32>} : memref<128x64xf32, #tpu.memory_space<vmem>>, vector<1x16xf32>,
        %swap3A_1138 = vector.shape_cast %swap3A_1137 : vector<1x16xf32> to vector<16xf32>
        %swap3A_1139 = vector.shape_cast %add3A_1134 : vector<16xf32> to vector<1x16xf32>
        tpu.vector_store %arg15[%swap3A_1135, %swap3A_1136], %swap3A_1139 {strides = array<i32>} : memref<128x64xf32, #tpu.memory_space<vmem>>, vector<1x16xf32>,
        %get3A_1140 = arith.index_cast %scan3A_1110 : i32 to index
        %get3A_1141 = arith.constant 32 : index
        %get3A_1142 = tpu.vector_load %arg15[%get3A_1140, %get3A_1141] {strides = array<i32>} : memref<128x64xf32, #tpu.memory_space<vmem>>, vector<1x16xf32>,
        %get3A_1143 = vector.shape_cast %get3A_1142 : vector<1x16xf32> to vector<16xf32>
        %get3A_1144 = arith.index_cast %add3A_1111 : i32 to index
        %get3A_1145 = arith.constant 32 : index
        %get3A_1146 = tpu.vector_load %arg7[%get3A_1144, %get3A_1145] {strides = array<i32>} : memref<328x64xf32, #tpu.memory_space<vmem>>, vector<1x16xf32>,
        %get3A_1147 = vector.shape_cast %get3A_1146 : vector<1x16xf32> to vector<16xf32>
        %add3A_1148 = arith.addf %get3A_1143, %get3A_1147 : vector<16xf32>
        %swap3A_1149 = arith.index_cast %scan3A_1110 : i32 to index
        %swap3A_1150 = arith.constant 32 : index
        %swap3A_1151 = tpu.vector_load %arg15[%swap3A_1149, %swap3A_1150] {strides = array<i32>} : memref<128x64xf32, #tpu.memory_space<vmem>>, vector<1x16xf32>,
        %swap3A_1152 = vector.shape_cast %swap3A_1151 : vector<1x16xf32> to vector<16xf32>
        %swap3A_1153 = vector.shape_cast %add3A_1148 : vector<16xf32> to vector<1x16xf32>
        tpu.vector_store %arg15[%swap3A_1149, %swap3A_1150], %swap3A_1153 {strides = array<i32>} : memref<128x64xf32, #tpu.memory_space<vmem>>, vector<1x16xf32>,
        %get3A_1154 = arith.index_cast %scan3A_1110 : i32 to index
        %get3A_1155 = arith.constant 48 : index
        %get3A_1156 = tpu.vector_load %arg15[%get3A_1154, %get3A_1155] {strides = array<i32>} : memref<128x64xf32, #tpu.memory_space<vmem>>, vector<1x16xf32>,
        %get3A_1157 = vector.shape_cast %get3A_1156 : vector<1x16xf32> to vector<16xf32>
        %get3A_1158 = arith.index_cast %add3A_1111 : i32 to index
        %get3A_1159 = arith.constant 48 : index
        %get3A_1160 = tpu.vector_load %arg7[%get3A_1158, %get3A_1159] {strides = array<i32>} : memref<328x64xf32, #tpu.memory_space<vmem>>, vector<1x16xf32>,
        %get3A_1161 = vector.shape_cast %get3A_1160 : vector<1x16xf32> to vector<16xf32>
        %add3A_1162 = arith.addf %get3A_1157, %get3A_1161 : vector<16xf32>
        %swap3A_1163 = arith.index_cast %scan3A_1110 : i32 to index
        %swap3A_1164 = arith.constant 48 : index
        %swap3A_1165 = tpu.vector_load %arg15[%swap3A_1163, %swap3A_1164] {strides = array<i32>} : memref<128x64xf32, #tpu.memory_space<vmem>>, vector<1x16xf32>,
        %swap3A_1166 = vector.shape_cast %swap3A_1165 : vector<1x16xf32> to vector<16xf32>
        %swap3A_1167 = vector.shape_cast %add3A_1162 : vector<16xf32> to vector<1x16xf32>
        tpu.vector_store %arg15[%swap3A_1163, %swap3A_1164], %swap3A_1167 {strides = array<i32>} : memref<128x64xf32, #tpu.memory_space<vmem>>, vector<1x16xf32>,
        %scan3A_1168 = arith.constant 3 : i32
        %scan3A_1169 = arith.addi %scan3A_993, %scan3A_1168 : i32
        %add3A_1170 = arith.addi %rem3A_979, %scan3A_1169 : i32
        %get3A_1171 = arith.index_cast %scan3A_1169 : i32 to index
        %get3A_1172 = arith.constant 0 : index
        %get3A_1173 = tpu.vector_load %arg15[%get3A_1171, %get3A_1172] {strides = array<i32>} : memref<128x64xf32, #tpu.memory_space<vmem>>, vector<1x16xf32>,
        %get3A_1174 = vector.shape_cast %get3A_1173 : vector<1x16xf32> to vector<16xf32>
        %get3A_1175 = arith.index_cast %add3A_1170 : i32 to index
        %get3A_1176 = arith.constant 0 : index
        %get3A_1177 = tpu.vector_load %arg7[%get3A_1175, %get3A_1176] {strides = array<i32>} : memref<328x64xf32, #tpu.memory_space<vmem>>, vector<1x16xf32>,
        %get3A_1178 = vector.shape_cast %get3A_1177 : vector<1x16xf32> to vector<16xf32>
        %add3A_1179 = arith.addf %get3A_1174, %get3A_1178 : vector<16xf32>
        %swap3A_1180 = arith.index_cast %scan3A_1169 : i32 to index
        %swap3A_1181 = arith.constant 0 : index
        %swap3A_1182 = tpu.vector_load %arg15[%swap3A_1180, %swap3A_1181] {strides = array<i32>} : memref<128x64xf32, #tpu.memory_space<vmem>>, vector<1x16xf32>,
        %swap3A_1183 = vector.shape_cast %swap3A_1182 : vector<1x16xf32> to vector<16xf32>
        %swap3A_1184 = vector.shape_cast %add3A_1179 : vector<16xf32> to vector<1x16xf32>
        tpu.vector_store %arg15[%swap3A_1180, %swap3A_1181], %swap3A_1184 {strides = array<i32>} : memref<128x64xf32, #tpu.memory_space<vmem>>, vector<1x16xf32>,
        %get3A_1185 = arith.index_cast %scan3A_1169 : i32 to index
        %get3A_1186 = arith.constant 16 : index
        %get3A_1187 = tpu.vector_load %arg15[%get3A_1185, %get3A_1186] {strides = array<i32>} : memref<128x64xf32, #tpu.memory_space<vmem>>, vector<1x16xf32>,
        %get3A_1188 = vector.shape_cast %get3A_1187 : vector<1x16xf32> to vector<16xf32>
        %get3A_1189 = arith.index_cast %add3A_1170 : i32 to index
        %get3A_1190 = arith.constant 16 : index
        %get3A_1191 = tpu.vector_load %arg7[%get3A_1189, %get3A_1190] {strides = array<i32>} : memref<328x64xf32, #tpu.memory_space<vmem>>, vector<1x16xf32>,
        %get3A_1192 = vector.shape_cast %get3A_1191 : vector<1x16xf32> to vector<16xf32>
        %add3A_1193 = arith.addf %get3A_1188, %get3A_1192 : vector<16xf32>
        %swap3A_1194 = arith.index_cast %scan3A_1169 : i32 to index
        %swap3A_1195 = arith.constant 16 : index
        %swap3A_1196 = tpu.vector_load %arg15[%swap3A_1194, %swap3A_1195] {strides = array<i32>} : memref<128x64xf32, #tpu.memory_space<vmem>>, vector<1x16xf32>,
        %swap3A_1197 = vector.shape_cast %swap3A_1196 : vector<1x16xf32> to vector<16xf32>
        %swap3A_1198 = vector.shape_cast %add3A_1193 : vector<16xf32> to vector<1x16xf32>
        tpu.vector_store %arg15[%swap3A_1194, %swap3A_1195], %swap3A_1198 {strides = array<i32>} : memref<128x64xf32, #tpu.memory_space<vmem>>, vector<1x16xf32>,
        %get3A_1199 = arith.index_cast %scan3A_1169 : i32 to index
        %get3A_1200 = arith.constant 32 : index
        %get3A_1201 = tpu.vector_load %arg15[%get3A_1199, %get3A_1200] {strides = array<i32>} : memref<128x64xf32, #tpu.memory_space<vmem>>, vector<1x16xf32>,
        %get3A_1202 = vector.shape_cast %get3A_1201 : vector<1x16xf32> to vector<16xf32>
        %get3A_1203 = arith.index_cast %add3A_1170 : i32 to index
        %get3A_1204 = arith.constant 32 : index
        %get3A_1205 = tpu.vector_load %arg7[%get3A_1203, %get3A_1204] {strides = array<i32>} : memref<328x64xf32, #tpu.memory_space<vmem>>, vector<1x16xf32>,
        %get3A_1206 = vector.shape_cast %get3A_1205 : vector<1x16xf32> to vector<16xf32>
        %add3A_1207 = arith.addf %get3A_1202, %get3A_1206 : vector<16xf32>
        %swap3A_1208 = arith.index_cast %scan3A_1169 : i32 to index
        %swap3A_1209 = arith.constant 32 : index
        %swap3A_1210 = tpu.vector_load %arg15[%swap3A_1208, %swap3A_1209] {strides = array<i32>} : memref<128x64xf32, #tpu.memory_space<vmem>>, vector<1x16xf32>,
        %swap3A_1211 = vector.shape_cast %swap3A_1210 : vector<1x16xf32> to vector<16xf32>
        %swap3A_1212 = vector.shape_cast %add3A_1207 : vector<16xf32> to vector<1x16xf32>
        tpu.vector_store %arg15[%swap3A_1208, %swap3A_1209], %swap3A_1212 {strides = array<i32>} : memref<128x64xf32, #tpu.memory_space<vmem>>, vector<1x16xf32>,
        %get3A_1213 = arith.index_cast %scan3A_1169 : i32 to index
        %get3A_1214 = arith.constant 48 : index
        %get3A_1215 = tpu.vector_load %arg15[%get3A_1213, %get3A_1214] {strides = array<i32>} : memref<128x64xf32, #tpu.memory_space<vmem>>, vector<1x16xf32>,
        %get3A_1216 = vector.shape_cast %get3A_1215 : vector<1x16xf32> to vector<16xf32>
        %get3A_1217 = arith.index_cast %add3A_1170 : i32 to index
        %get3A_1218 = arith.constant 48 : index
        %get3A_1219 = tpu.vector_load %arg7[%get3A_1217, %get3A_1218] {strides = array<i32>} : memref<328x64xf32, #tpu.memory_space<vmem>>, vector<1x16xf32>,
        %get3A_1220 = vector.shape_cast %get3A_1219 : vector<1x16xf32> to vector<16xf32>
        %add3A_1221 = arith.addf %get3A_1216, %get3A_1220 : vector<16xf32>
        %swap3A_1222 = arith.index_cast %scan3A_1169 : i32 to index
        %swap3A_1223 = arith.constant 48 : index
        %swap3A_1224 = tpu.vector_load %arg15[%swap3A_1222, %swap3A_1223] {strides = array<i32>} : memref<128x64xf32, #tpu.memory_space<vmem>>, vector<1x16xf32>,
        %swap3A_1225 = vector.shape_cast %swap3A_1224 : vector<1x16xf32> to vector<16xf32>
        %swap3A_1226 = vector.shape_cast %add3A_1221 : vector<16xf32> to vector<1x16xf32>
        tpu.vector_store %arg15[%swap3A_1222, %swap3A_1223], %swap3A_1226 {strides = array<i32>} : memref<128x64xf32, #tpu.memory_space<vmem>>, vector<1x16xf32>,
      }
      %scan3A_985 = arith.constant 128 : i32
      %add3A_986 = arith.addi %mul3A_2, %add3A_957 : i32
      %mul3A_987 = arith.constant 128 : i32
      %mul3A_988 = arith.muli %add3A_986, %mul3A_987 : i32
      %dma_start3A_989 = arith.constant 0 : i32
      %dma_start3A_990 = tpu.memref_slice %arg5[%mul3A_988, %dma_start3A_989] : memref<819200x64xf32, #tpu.memory_space<hbm>> -> memref<128x64xf32, #tpu.memory_space<hbm>>
      %dma_start3A_991 = arith.constant 0 : i32
      %dma_start3A_992 = tpu.memref_slice %arg5[%mul3A_988, %dma_start3A_991] : memref<819200x64xf32, #tpu.memory_space<hbm>> -> memref<128x64xf32, #tpu.memory_space<hbm>>
      tpu.enqueue_dma source(%arg15 : memref<128x64xf32, #tpu.memory_space<vmem>>) target(%dma_start3A_992 : memref<128x64xf32, #tpu.memory_space<hbm>>) target_semaphore(%arg31 : memref<!tpu.dma_semaphore, #tpu.memory_space<semaphore_mem>>)
    }
    %scan3A_357 = arith.constant 25 : i32
    %mul3A_358 = arith.constant 128 : i32
    %mul3A_359 = arith.muli %mul3A_2, %mul3A_358 : i32
    %dma_wait3A = arith.constant 0 : i32
    %dma_wait3A_360 = tpu.memref_slice %arg5[%mul3A_359, %dma_wait3A] : memref<819200x64xf32, #tpu.memory_space<hbm>> -> memref<128x64xf32, #tpu.memory_space<hbm>>
    %dma_wait3A_361 = arith.constant 0 : i32
    %dma_wait3A_362 = tpu.memref_slice %arg5[%mul3A_359, %dma_wait3A_361] : memref<819200x64xf32, #tpu.memory_space<hbm>> -> memref<128x64xf32, #tpu.memory_space<hbm>>
    tpu.wait_dma2 semaphore(%arg28 : memref<!tpu.dma_semaphore, #tpu.memory_space<semaphore_mem>>) src(%arg12 : memref<128x64xf32, #tpu.memory_space<vmem>>) dst(%dma_wait3A_362 : memref<128x64xf32, #tpu.memory_space<hbm>>)
    %mul3A_363 = arith.constant 128 : i32
    %mul3A_364 = arith.muli %mul3A_2, %mul3A_363 : i32
    %dma_wait3A_365 = arith.constant 0 : i32
    %dma_wait3A_366 = tpu.memref_slice %arg5[%mul3A_364, %dma_wait3A_365] : memref<819200x64xf32, #tpu.memory_space<hbm>> -> memref<128x64xf32, #tpu.memory_space<hbm>>
    %dma_wait3A_367 = arith.constant 0 : i32
    %dma_wait3A_368 = tpu.memref_slice %arg5[%mul3A_364, %dma_wait3A_367] : memref<819200x64xf32, #tpu.memory_space<hbm>> -> memref<128x64xf32, #tpu.memory_space<hbm>>
    tpu.wait_dma2 semaphore(%arg29 : memref<!tpu.dma_semaphore, #tpu.memory_space<semaphore_mem>>) src(%arg13 : memref<128x64xf32, #tpu.memory_space<vmem>>) dst(%dma_wait3A_368 : memref<128x64xf32, #tpu.memory_space<hbm>>)
    %mul3A_369 = arith.constant 128 : i32
    %mul3A_370 = arith.muli %mul3A_2, %mul3A_369 : i32
    %dma_wait3A_371 = arith.constant 0 : i32
    %dma_wait3A_372 = tpu.memref_slice %arg5[%mul3A_370, %dma_wait3A_371] : memref<819200x64xf32, #tpu.memory_space<hbm>> -> memref<128x64xf32, #tpu.memory_space<hbm>>
    %dma_wait3A_373 = arith.constant 0 : i32
    %dma_wait3A_374 = tpu.memref_slice %arg5[%mul3A_370, %dma_wait3A_373] : memref<819200x64xf32, #tpu.memory_space<hbm>> -> memref<128x64xf32, #tpu.memory_space<hbm>>
    tpu.wait_dma2 semaphore(%arg30 : memref<!tpu.dma_semaphore, #tpu.memory_space<semaphore_mem>>) src(%arg14 : memref<128x64xf32, #tpu.memory_space<vmem>>) dst(%dma_wait3A_374 : memref<128x64xf32, #tpu.memory_space<hbm>>)
    %mul3A_375 = arith.constant 128 : i32
    %mul3A_376 = arith.muli %mul3A_2, %mul3A_375 : i32
    %dma_wait3A_377 = arith.constant 0 : i32
    %dma_wait3A_378 = tpu.memref_slice %arg5[%mul3A_376, %dma_wait3A_377] : memref<819200x64xf32, #tpu.memory_space<hbm>> -> memref<128x64xf32, #tpu.memory_space<hbm>>
    %dma_wait3A_379 = arith.constant 0 : i32
    %dma_wait3A_380 = tpu.memref_slice %arg5[%mul3A_376, %dma_wait3A_379] : memref<819200x64xf32, #tpu.memory_space<hbm>> -> memref<128x64xf32, #tpu.memory_space<hbm>>
    tpu.wait_dma2 semaphore(%arg31 : memref<!tpu.dma_semaphore, #tpu.memory_space<semaphore_mem>>) src(%arg15 : memref<128x64xf32, #tpu.memory_space<vmem>>) dst(%dma_wait3A_380 : memref<128x64xf32, #tpu.memory_space<hbm>>)
    return
  }
}

</mosaic_0001>

<sc_bundles>
// kernel: kernel.3.cloned.1.call-start
scs
__scs_entry_jumppad:
0x0: {  	(pc) =	sbr.rel $0x88, $3  }
0x1: {  	(tag) =	ssettag $0x0;
	lr =	simm.s32 $0x1  }
0x2: {  	[smem:$0x3F9E] =	sst lr;
	_ =	strace $0xD0000000  }
0x3: {  	_ = 	snop  }
0x4: {  	_ = 	snop  }
0x5: {  	_ = 	snop  }
0x6: {  	_ = 	snop  }
0x7: {  	_ = 	snop  }
__scs_overlays_trampoline_lowered:
0x8: {  	[smem:$0x3FAD] =	sst s0  }
0x9: {  	[smem:$0x3FAE] =	sst s1  }
0xa: {  	[smem:$0x3FAF] =	sst s2  }
0xb: {  	[smem:$0x3FB0] =	sst s3  }
0xc: {  	[smem:$0x3FB1] =	sst s4  }
0xd: {  	[smem:$0x3FB2] =	sst s5  }
0xe: {  	[smem:$0x3FB3] =	sst s6  }
0xf: {  	[smem:$0x3FB4] =	sst s7  }
0x10: {  	[smem:$0x3FB5] =	sst s8  }
0x11: {  	[smem:$0x3FB6] =	sst s9;
	s0 =	simm.s32 @!p0 $0x0  }
0x12: {  	s1 =	sld [smem:$0x3F9C];
	s0 =	simm.s32 @p0 $0x1  }
0x13: {  	[smem:$0x3FB7] =	sst s0;
	s0 =	simm.s32 @!p1 $0x0  }
0x14: {  	s2 =	sld [smem:$0x3F9B];
	s0 =	simm.s32 @p1 $0x1  }
0x15: {  	[smem:$0x3FB8] =	sst s0;
	s0 =	simm.s32 @!p2 $0x0  }
0x16: {  	s3 =	sld [smem:$0x3FDB];
	s0 =	simm.s32 @p2 $0x1  }
0x17: {  	s4 =	simm.s32 $0x1BF5;
	[smem:$0x3FBA] =	sst s0  }
0x18: {  	s0 =	sld [smem:$0x3F9D];
	_ =	swait.ge [sflag:s4], $0x0  }
0x19: {  	s7 =	sld [smem:$0x3F9E]  }
0x1a: {  	s8 =	sadd.s32 $0xFFFFE003, lr  }
0x1b: {  	s9 =	sadd.s32 $0xFFFFFEF7, lr;
	s5 =	simm.s32 $0xFFFFFFFF;
	p2 =	slt.u32 s8, $0xFFFFF086  }
0x1c: {  	p1 =	slt.u32 s9, $0xF7A;
	s5 =	simm.s32 @!p2 $0x0  }
0x1d: {  	s5 =	simm.s32 @p1 $0x1;
	p0 =	seq.s32 s7, s2  }
0x1e: {  	s7 =	smul.u32 @!p0 $0xF7A, s2;
	p2 =	seq.s32 @!p0 s5, $0x0  }
0x1f: {  	s9 =	smul.u32 $0xF7A, s1;
	s8 =	simm.s32 @!p0 $0x1BF5;
	p2 =	por !p2, p0  }
0x20: {  	[sflag:s8] =	ssyncset.s32 @!p0 $0xFFFFF086;
	s6 =	sadd.s32 @!p0 s3, s7;
	s7 =	simm.s32 @!p0 $0x108  }
0x21: {  	s3 =	sadd.s32 s3, s9;
	s6 =	sadd.s32 @!p0 $0x88, s6;
	s7 =	simm.s32 @p2 $0x1082  }
0x22: {  	[simem:s7], [sflag:s8] =	dma.local @!p0 [hbm:s6], $0xF7A  }
0x23: {  	s9 =	sor.u32 $0xD0000000, s2;
	s6 =	simm.s32 $0x108;
	_ =	swait.ge @!p0 [sflag:s8], $0x0  }
0x24: {  	s3 =	sadd.s32 $0x88, s3;
	s6 =	simm.s32 @!p1 $0x1082;
	[sflag:s4] =	ssyncset.s32 $0xFFFFF086  }
0x25: {  	[simem:s6], [sflag:s4] =	dma.local [hbm:s3], $0xF7A  }
0x26: {  	[smem:$0x3F9E] =	sst s1;
	(tag) =	ssettag s2;
	_ =	strace s9  }
0x27: {  	s1 =	sld [smem:$0x3FAE]  }
0x28: {  	s2 =	sld [smem:$0x3FAF]  }
0x29: {  	s4 =	sld [smem:$0x3FB1]  }
0x2a: {  	p0 =	seq.s32 s5, $0x0;
	s5 =	sld [smem:$0x3FB2]  }
0x2b: {  	s6 =	sld [smem:$0x3FB3]  }
0x2c: {  	s7 =	sld [smem:$0x3FB4]  }
0x2d: {  	s3 =	simm.s32 $0x108;
	s8 =	sld [smem:$0x3FB5]  }
0x2e: {  	s3 =	simm.s32 @!p0 $0x1082;
	s9 =	sld [smem:$0x3FB6]  }
0x2f: {  	lr =	sadd.s32 s0, s3;
	s0 =	sld [smem:$0x3FAD]  }
0x30: {  	s3 =	sld [smem:$0x3FB0]  }
0x31: {  	[smem:$0x3FB9] =	sst s10  }
0x32: {  	s10 =	sld [smem:$0x3FB7];
	_ =	sdelay $0x3  }
0x33: {  	p0 =	seq.s32 s10, $0x1;
	s10 =	sld [smem:$0x3FB9];
	_ =	sdelay $0x3  }
0x34: {  	[smem:$0x3FB9] =	sst s10  }
0x35: {  	s10 =	sld [smem:$0x3FB8];
	_ =	sdelay $0x3  }
0x36: {  	p1 =	seq.s32 s10, $0x1;
	s10 =	sld [smem:$0x3FB9];
	_ =	sdelay $0x3  }
0x37: {  	[smem:$0x3FB9] =	sst s10  }
0x38: {  	s10 =	sld [smem:$0x3FBA]  }
0x39: {  	_ = 	snop;
	(pc) =	sbr.ind lr, $3  }
0x3a: {  	_ = 	snop  }
0x3b: {  	_ = 	snop  }
0x3c: {  	p2 =	seq.s32 s10, $0x1;
	s10 =	sld [smem:$0x3FB9]  }
0x3d: {  	_ =	shalt  }
0x3e: {  	_ =	shalt  }
0x3f: {  	_ =	shalt  }
0x40: {  	_ =	shalt  }
0x41: {  	_ =	shalt  }
0x42: {  	_ =	shalt  }
0x43: {  	_ =	shalt  }
0x44: {  	_ =	shalt  }
0x45: {  	_ =	shalt  }
0x46: {  	_ =	shalt  }
0x47: {  	_ =	shalt  }
0x48: {  	_ =	shalt  }
0x49: {  	_ =	shalt  }
0x4a: {  	_ =	shalt  }
0x4b: {  	_ =	shalt  }
0x4c: {  	_ =	shalt  }
0x4d: {  	_ =	shalt  }
0x4e: {  	_ =	shalt  }
0x4f: {  	_ =	shalt  }
0x50: {  	_ =	shalt  }
0x51: {  	_ =	shalt  }
0x52: {  	_ =	shalt  }
0x53: {  	_ =	shalt  }
0x54: {  	_ =	shalt  }
0x55: {  	_ =	shalt  }
0x56: {  	_ =	shalt  }
0x57: {  	_ =	shalt  }
0x58: {  	_ =	shalt  }
0x59: {  	_ =	shalt  }
0x5a: {  	_ =	shalt  }
0x5b: {  	_ =	shalt  }
0x5c: {  	_ =	shalt  }
0x5d: {  	_ =	shalt  }
0x5e: {  	_ =	shalt  }
0x5f: {  	_ =	shalt  }
0x60: {  	_ =	shalt  }
0x61: {  	_ =	shalt  }
0x62: {  	_ =	shalt  }
0x63: {  	_ =	shalt  }
0x64: {  	_ =	shalt  }
0x65: {  	_ =	shalt  }
0x66: {  	_ =	shalt  }
0x67: {  	_ =	shalt  }
0x68: {  	_ =	shalt  }
0x69: {  	_ =	shalt  }
0x6a: {  	_ =	shalt  }
0x6b: {  	_ =	shalt  }
0x6c: {  	_ =	shalt  }
0x6d: {  	_ =	shalt  }
0x6e: {  	_ =	shalt  }
0x6f: {  	_ =	shalt  }
0x70: {  	_ =	shalt  }
0x71: {  	_ =	shalt  }
0x72: {  	_ =	shalt  }
0x73: {  	_ =	shalt  }
0x74: {  	_ =	shalt  }
0x75: {  	_ =	shalt  }
0x76: {  	_ =	shalt  }
0x77: {  	_ =	shalt  }
0x78: {  	_ =	shalt  }
0x79: {  	_ =	shalt  }
0x7a: {  	_ =	shalt  }
0x7b: {  	_ =	shalt  }
0x7c: {  	_ =	shalt  }
0x7d: {  	_ =	shalt  }
0x7e: {  	_ =	shalt  }
0x7f: {  	_ =	shalt  }
0x80: {  	_ =	shalt  }
0x81: {  	_ =	shalt  }
0x82: {  	_ =	shalt  }
0x83: {  	_ =	shalt  }
0x84: {  	_ =	shalt  }
0x85: {  	_ =	shalt  }
0x86: {  	_ =	shalt  }
0x87: {  	_ =	shalt  }
.Lfunc_end0:
.L_simem_size_0:
called_computation.1_lowered:
.L_overlay_start_0:
0x88: {  	s2 =	sld [smem:$0x3FD9]  }
0x89: {  	s3 =	sld [smem:$0x3FFE];
	_ =	sdelay $0x1  }
0x8a: {  	s1 =	srdreg.scid  }
0x8b: {  	s0 =	sand.u32 $0x1, s1  }
0x8c: {  	s17 =	sshll.u32 s0, $0xA;
	s2 =	sadd.s32 s3, s2  }
0x8d: {  	s2 =	sadd.s32 s2, s17  }
0x8e: {  	[smem:$0x3FC5] =	sst s2  }
0x8f: {  	_ = 	snop  }
0x90: {  	s2 =	sld [smem:$0x3FD0];
	(tm) =	ssettm $0x1  }
0x91: {  	s18 =	sld [smem:$0x3FFB];
	_ =	sdelay $0x3  }
0x92: {  	_ =	strace s18  }
0x93: {  	s3 =	sld [smem:$0x3FFC];
	_ =	sdelay $0x3  }
0x94: {  	_ =	strace s3  }
0x95: {  	s3 =	sld [smem:$0x3FFD];
	_ =	sdelay $0x3  }
0x96: {  	_ =	strace s3  }
0x97: {  	_ =	strace $0x8FFFFFFF  }
0x98: {  	s19 =	sld [smem:$0x3FDB];
	_ =	sdelay $0x1  }
0x99: {  	s4 =	simm.s32 $_scs_section_size  }
0x9a: {  	s5 =	simm.s32 $_size__tile_overlayer_lowered;
	s6 =	simm.s32 $_tile_overlayer_lowered  }
0x9b: {  	s22 =	simm.s32 $0x1BFF;
	s21 =	sshll.u32 s6, $0x1;
	s3 =	sadd.s32 s4, s19  }
0x9c: {  	s7 =	simm.s32 $0x0;
	s20 =	sshll.u32 s5, $0x1;
	s5 =	sadd.s32 s21, s3  }
0x9d: {  	[timem:s7], [sflag:s22] =	dma.local [hbm:s5], s20  }
0x9e: {  	_ =	swait.ge [sflag:s22], s20  }
0x9f: {  	s4 =	ssub.s32 $0x0, s20;
	[sflag:s22] =	ssyncset.done $0x0  }
0xa0: {  	[sflag:s22] =	ssyncadd.s32 s4;
	_ =	sdelay $0x1  }
0xa1: {  	s23 =	simm.s32 $0x1B8B  }
0xa2: {  	_ =	swait.ge [sflag:s23], $0x1  }
0xa3: {  	[sflag:s23] =	ssyncset.done $0x0  }
0xa4: {  	s25 =	simm.s32 $0x1B8E;
	s24 =	sld [smem:$0x3FFE];
	[sflag:s23] =	ssyncadd.s32 $0xFFFFFFFF  }
0xa5: {  	s26 =	simm.s32 $execute0_lowered;
	[smem:$0x3FD2] =	sst s25  }
0xa6: {  	s5 =	sshll.u32 s26, $0x1;
	_ =	strace $0x80000046;
	[dreg:$0x1] =	wrdreg $0xFFFFFFFF  }
0xa7: {  	s28 =	simm.s32 $_size_execute0_lowered;
	s3 =	sadd.s32 s3, s5;
	[dreg:$0x0] =	wrdreg $0x0  }
0xa8: {  	s5 =	sshll.u32 s28, $0x1;
	[dreg:$0x2] =	wrdreg s3  }
0xa9: {  	[dreg:$0x3] =	wrdreg s5  }
0xaa: {  	[dreg:$0x4] =	wrdreg $0xC0  }
0xab: {  	_ =	task [dreg:s7], $0x5FFFF  }
0xac: {  	[dreg:$0x1] =	wrdreg $0xFFFFFFFF  }
0xad: {  	[dreg:$0x0] =	wrdreg $0x60  }
0xae: {  	[dreg:$0x2] =	wrdreg s24  }
0xaf: {  	[dreg:$0x3] =	wrdreg s2  }
0xb0: {  	[dreg:$0x4] =	wrdreg $0x9  }
0xb1: {  	_ =	task.clear_ibuf [dreg:s7], $0x5FFFF;
	_ =	strace $0x90000046  }
0xb2: {  	s29 =	simm.s32 $0x9;
	_ =	strace $0x80000048  }
0xb3: {  	_ =	swait.ge [sflag:s29], $0x1  }
0xb4: {  	[sflag:s29] =	ssyncadd.s32 $0xFFFFFFFF  }
0xb5: {  	_ =	strace $0x90000048  }
0xb6: {  	_ =	sfence  }
0xb7: {  	s30 =	sld [smem:$0x0];
	_ =	sdelay $0x2  }
0xb8: {  	s31 =	sshll.u32 s1, $0xD;
	s1 =	sshrl.u32 s1, $0x2  }
0xb9: {  	s3 =	sand.u32 $0x4000, s31;
	s1 =	sadd.s32 s1, s30  }
0xba: {  	s0 =	sor.u32 s3, s0;
	s1 =	sshll.u32 s1, $0x11  }
0xbb: {  	s0 =	sor.u32 s1, s0  }
0xbc: {  	s0 =	sadd.s32 $0x8F2B, s0  }
0xbd: {  	[sflag:s0] =	ssyncadd.remote.s32 $0x1  }
0xbe: {  	_ =	sfence.sel $0xFFFF  }
0xbf: {  	[dreg:$0x0] =	wrdreg $0xFFFFFFFF;
	(pc) =	sbr.abs _section_cstart, $3  }
0xc0: {  	[dreg:$0x1] =	wrdreg $0xFFFFFFFF  }
0xc1: {  	_ =	task.clear_ibuf [dreg:s7], $0x2FFFF;
	_ =	strace $0x9FFFFFFF  }
0xc2: {  	(tm) =	ssettm $0x7FFFFFFF  }
0xc3: {  	_ =	shalt  }
tec
execute0_lowered:
.L_overlay_start_1:
0x0: {  	(tag) =	ssettag $0x1  }
0x1: {  	s0 =	srdreg.scid;
	s2 =	stileid.u32  }
0x2: {  	s1 =	rddreg [dreg:$0x0];
	s0 =	sand.u32 $0x1, s0;
	s2 =	sshll.u32 s2, $0x1  }
0x3: {  	s31 =	rddreg [dreg:$0x1];
	s2 =	sor.u32 s0, s2;
	s0 =	ssub.s32 $0x2, s0  }
0x4: {  	s3 =	simm.s32 $0x0;
	s4 =	smul.u32 $0xC80, s2;
	s6 =	sshrl.u32 s0, $0x1  }
0x5: {  	[smem:$0x7FF] =	sst s3;
	s0 =	ssub.s32 s0, s6  }
0x6: {  	s5 =	sadd.s32 s4, s1;
	s4 =	sadd.s32 $0xF43000, s1;
	s1 =	sadd.s32 $0x19C00, s1  }
0x7: {  	_ =	strace $0x80000047;
	s0 =	smax.u32 s0, $0x1;
	[dreg:$0x3] =	wrdreg s1  }
0x8: {  	s24 =	simm.s32 $0x13600;
	s30 =	sadd.s32 $0xC00, s5;
	[dreg:$0x5] =	wrdreg s0  }
0x9: {  	vm0 =	vmmov $0xffff;
	s6 =	smul.u32 $0xC8, s2;
	s2 =	simm.s32 $0x0;
	[dreg:$0x4] =	wrdreg s30  }
.LBB2_1:
0xa: {  	[dreg:$0x6] =	wrdreg s2  }
0xb: {  	s0 =	rddreg [dreg:$0x4];
	s1 =	simm.s32 $0x11  }
0xc: {  	[tilespmem:s3], [sflag:$0x11] =	stream.linear.gather [hbm4b:s0+s3], $0x6400, $0x38;
	[tilespmem:$0x1B600] =	vst v63  }
0xd: {  	_ =	swait.ge [sflag:s1], $0x6400  }
0xe: {  	[sflag:s1] =	ssyncset.done $0x0  }
0xf: {  	s16 =	simm.s32 $0x6400;
	s15 =	rddreg [dreg:$0x3];
	[sflag:s1] =	ssyncadd.s32 $0xFFFF9C00  }
0x10: {  	[tilespmem:s16], [sflag:$0x11] =	stream.linear.gather [hbm4b:s15+s3], $0x3200, $0x38;
	[tilespmem:$0x1B600] =	vst v63  }
0x11: {  	_ =	swait.ge [sflag:s1], $0x3200  }
0x12: {  	[sflag:s1] =	ssyncset.done $0x0  }
0x13: {  	s17 =	simm.s32 $0x9600;
	[sflag:s1] =	ssyncadd.s32 $0xFFFFCE00  }
0x14: {  	[tilespmem:s17], [sflag:$0x11] =	stream.linear.gather [hbm4b:s15+s3], $0x2000, $0x38;
	[tilespmem:$0x1B600] =	vst v63  }
0x15: {  	_ =	swait.ge [sflag:s1], $0x2000  }
0x16: {  	[sflag:s1] =	ssyncset.done $0x0  }
0x17: {  	[sflag:s1] =	ssyncadd.s32 $0xFFFFE000  }
0x18: {  	v0 =	vld [tilespmem:$0x0];
	_ =	sdelay $0x6  }
0x19: {  	s18 =	simm.s32 $0xB600  }
0x1a: {  	[tilespmem:s18], [sflag:$0x1] =	stream.indirect_vreg.gather [hbm4b:s4+s3], $0x40, v0, vm0, $0xb8;
	[tilespmem:$0x1B600] =	vst v63  }
0x1b: {  	v0 =	vld [tilespmem:$0x10];
	_ =	sdelay $0x6  }
0x1c: {  	s19 =	simm.s32 $0xBA00  }
0x1d: {  	[tilespmem:s19], [sflag:$0x1] =	stream.indirect_vreg.gather [hbm4b:s4+s3], $0x40, v0, vm0, $0xb8;
	[tilespmem:$0x1B600] =	vst v63  }
0x1e: {  	v0 =	vld [tilespmem:$0x20];
	_ =	sdelay $0x6  }
0x1f: {  	s20 =	simm.s32 $0xBE00  }
0x20: {  	[tilespmem:s20], [sflag:$0x1] =	stream.indirect_vreg.gather [hbm4b:s4+s3], $0x40, v0, vm0, $0xb8;
	[tilespmem:$0x1B600] =	vst v63  }
0x21: {  	v0 =	vld [tilespmem:$0x30];
	_ =	sdelay $0x6  }
0x22: {  	s21 =	simm.s32 $0xC200  }
0x23: {  	[tilespmem:s21], [sflag:$0x1] =	stream.indirect_vreg.gather [hbm4b:s4+s3], $0x40, v0, vm0, $0xb8;
	[tilespmem:$0x1B600] =	vst v63  }
0x24: {  	v0 =	vld [tilespmem:$0x40];
	_ =	sdelay $0x6  }
0x25: {  	s22 =	simm.s32 $0xC600  }
0x26: {  	[tilespmem:s22], [sflag:$0x1] =	stream.indirect_vreg.gather [hbm4b:s4+s3], $0x40, v0, vm0, $0xb8;
	[tilespmem:$0x1B600] =	vst v63  }
0x27: {  	v0 =	vld [tilespmem:$0x50];
	_ =	sdelay $0x6  }
0x28: {  	s23 =	simm.s32 $0xCA00  }
0x29: {  	[tilespmem:s23], [sflag:$0x1] =	stream.indirect_vreg.gather [hbm4b:s4+s3], $0x40, v0, vm0, $0xb8;
	[tilespmem:$0x1B600] =	vst v63  }
0x2a: {  	v0 =	vld [tilespmem:$0x60];
	_ =	sdelay $0x6  }
0x2b: {  	s25 =	simm.s32 $0xCE00  }
0x2c: {  	[tilespmem:s25], [sflag:$0x1] =	stream.indirect_vreg.gather [hbm4b:s4+s3], $0x40, v0, vm0, $0xb8;
	[tilespmem:$0x1B600] =	vst v63  }
0x2d: {  	v0 =	vld [tilespmem:$0x70];
	_ =	sdelay $0x6  }
0x2e: {  	s26 =	simm.s32 $0xD200  }
0x2f: {  	[tilespmem:s26], [sflag:$0x1] =	stream.indirect_vreg.gather [hbm4b:s4+s3], $0x40, v0, vm0, $0xb8;
	[tilespmem:$0x1B600] =	vst v63  }
0x30: {  	v0 =	vld [tilespmem:$0x80];
	_ =	sdelay $0x6  }
0x31: {  	s28 =	simm.s32 $0xD600  }
0x32: {  	[tilespmem:s28], [sflag:$0x2] =	stream.indirect_vreg.gather [hbm4b:s4+s3], $0x40, v0, vm0, $0xb8;
	[tilespmem:$0x1B600] =	vst v63  }
0x33: {  	v0 =	vld [tilespmem:$0x90];
	_ =	sdelay $0x6  }
0x34: {  	s1 =	simm.s32 $0xDA00  }
0x35: {  	[tilespmem:s1], [sflag:$0x2] =	stream.indirect_vreg.gather [hbm4b:s4+s3], $0x40, v0, vm0, $0xb8;
	[tilespmem:$0x1B600] =	vst v63  }
0x36: {  	v0 =	vld [tilespmem:$0xA0];
	_ =	sdelay $0x6  }
0x37: {  	s2 =	simm.s32 $0xDE00  }
0x38: {  	[tilespmem:s2], [sflag:$0x2] =	stream.indirect_vreg.gather [hbm4b:s4+s3], $0x40, v0, vm0, $0xb8;
	[tilespmem:$0x1B600] =	vst v63  }
0x39: {  	v0 =	vld [tilespmem:$0xB0];
	_ =	sdelay $0x6  }
0x3a: {  	s5 =	simm.s32 $0xE200  }
0x3b: {  	[tilespmem:s5], [sflag:$0x2] =	stream.indirect_vreg.gather [hbm4b:s4+s3], $0x40, v0, vm0, $0xb8;
	[tilespmem:$0x1B600] =	vst v63  }
0x3c: {  	v0 =	vld [tilespmem:$0xC0];
	_ =	sdelay $0x6  }
0x3d: {  	s7 =	simm.s32 $0xE600  }
0x3e: {  	[tilespmem:s7], [sflag:$0x2] =	stream.indirect_vreg.gather [hbm4b:s4+s3], $0x40, v0, vm0, $0xb8;
	[tilespmem:$0x1B600] =	vst v63  }
0x3f: {  	v0 =	vld [tilespmem:$0xD0];
	_ =	sdelay $0x6  }
0x40: {  	s8 =	simm.s32 $0xEA00  }
0x41: {  	[tilespmem:s8], [sflag:$0x2] =	stream.indirect_vreg.gather [hbm4b:s4+s3], $0x40, v0, vm0, $0xb8;
	[tilespmem:$0x1B600] =	vst v63  }
0x42: {  	v0 =	vld [tilespmem:$0xE0];
	_ =	sdelay $0x6  }
0x43: {  	s9 =	simm.s32 $0xEE00  }
0x44: {  	[tilespmem:s9], [sflag:$0x2] =	stream.indirect_vreg.gather [hbm4b:s4+s3], $0x40, v0, vm0, $0xb8;
	[tilespmem:$0x1B600] =	vst v63  }
0x45: {  	v0 =	vld [tilespmem:$0xF0];
	_ =	sdelay $0x6  }
0x46: {  	s10 =	simm.s32 $0xF200  }
0x47: {  	[tilespmem:s10], [sflag:$0x2] =	stream.indirect_vreg.gather [hbm4b:s4+s3], $0x40, v0, vm0, $0xb8;
	[tilespmem:$0x1B600] =	vst v63  }
0x48: {  	v0 =	vld [tilespmem:$0x100];
	_ =	sdelay $0x6  }
0x49: {  	s11 =	simm.s32 $0xF600  }
0x4a: {  	[tilespmem:s11], [sflag:$0x3] =	stream.indirect_vreg.gather [hbm4b:s4+s3], $0x40, v0, vm0, $0xb8;
	[tilespmem:$0x1B600] =	vst v63  }
0x4b: {  	v0 =	vld [tilespmem:$0x110];
	_ =	sdelay $0x6  }
0x4c: {  	s12 =	simm.s32 $0xFA00  }
0x4d: {  	[tilespmem:s12], [sflag:$0x3] =	stream.indirect_vreg.gather [hbm4b:s4+s3], $0x40, v0, vm0, $0xb8;
	[tilespmem:$0x1B600] =	vst v63  }
0x4e: {  	v0 =	vld [tilespmem:$0x120];
	_ =	sdelay $0x6  }
0x4f: {  	s13 =	simm.s32 $0xFE00  }
0x50: {  	[tilespmem:s13], [sflag:$0x3] =	stream.indirect_vreg.gather [hbm4b:s4+s3], $0x40, v0, vm0, $0xb8;
	[tilespmem:$0x1B600] =	vst v63  }
0x51: {  	v0 =	vld [tilespmem:$0x130];
	_ =	sdelay $0x6  }
0x52: {  	s14 =	simm.s32 $0x10200  }
0x53: {  	[tilespmem:s14], [sflag:$0x3] =	stream.indirect_vreg.gather [hbm4b:s4+s3], $0x40, v0, vm0, $0xb8;
	[tilespmem:$0x1B600] =	vst v63  }
0x54: {  	v0 =	vld [tilespmem:$0x140];
	_ =	sdelay $0x6  }
0x55: {  	s15 =	simm.s32 $0x10600  }
0x56: {  	[tilespmem:s15], [sflag:$0x3] =	stream.indirect_vreg.gather [hbm4b:s4+s3], $0x40, v0, vm0, $0xb8;
	[tilespmem:$0x1B600] =	vst v63  }
0x57: {  	v0 =	vld [tilespmem:$0x150];
	_ =	sdelay $0x6  }
0x58: {  	s16 =	simm.s32 $0x10A00  }
0x59: {  	[tilespmem:s16], [sflag:$0x3] =	stream.indirect_vreg.gather [hbm4b:s4+s3], $0x40, v0, vm0, $0xb8;
	[tilespmem:$0x1B600] =	vst v63  }
0x5a: {  	v0 =	vld [tilespmem:$0x160];
	_ =	sdelay $0x6  }
0x5b: {  	s17 =	simm.s32 $0x10E00  }
0x5c: {  	[tilespmem:s17], [sflag:$0x3] =	stream.indirect_vreg.gather [hbm4b:s4+s3], $0x40, v0, vm0, $0xb8;
	[tilespmem:$0x1B600] =	vst v63  }
0x5d: {  	v0 =	vld [tilespmem:$0x170];
	_ =	sdelay $0x6  }
0x5e: {  	s18 =	simm.s32 $0x11200  }
0x5f: {  	[tilespmem:s18], [sflag:$0x3] =	stream.indirect_vreg.gather [hbm4b:s4+s3], $0x40, v0, vm0, $0xb8;
	[tilespmem:$0x1B600] =	vst v63  }
0x60: {  	v0 =	vld [tilespmem:$0x180];
	_ =	sdelay $0x6  }
0x61: {  	s19 =	simm.s32 $0x11600  }
0x62: {  	[tilespmem:s19], [sflag:$0x4] =	stream.indirect_vreg.gather [hbm4b:s4+s3], $0x40, v0, vm0, $0xb8;
	[tilespmem:$0x1B600] =	vst v63  }
0x63: {  	v0 =	vld [tilespmem:$0x190];
	_ =	sdelay $0x6  }
0x64: {  	s20 =	simm.s32 $0x11A00  }
0x65: {  	[tilespmem:s20], [sflag:$0x4] =	stream.indirect_vreg.gather [hbm4b:s4+s3], $0x40, v0, vm0, $0xb8;
	[tilespmem:$0x1B600] =	vst v63  }
0x66: {  	v0 =	vld [tilespmem:$0x1A0];
	_ =	sdelay $0x6  }
0x67: {  	s21 =	simm.s32 $0x11E00  }
0x68: {  	[tilespmem:s21], [sflag:$0x4] =	stream.indirect_vreg.gather [hbm4b:s4+s3], $0x40, v0, vm0, $0xb8;
	[tilespmem:$0x1B600] =	vst v63  }
0x69: {  	v0 =	vld [tilespmem:$0x1B0];
	_ =	sdelay $0x6  }
0x6a: {  	s22 =	simm.s32 $0x12200  }
0x6b: {  	[tilespmem:s22], [sflag:$0x4] =	stream.indirect_vreg.gather [hbm4b:s4+s3], $0x40, v0, vm0, $0xb8;
	[tilespmem:$0x1B600] =	vst v63  }
0x6c: {  	v0 =	vld [tilespmem:$0x1C0];
	_ =	sdelay $0x6  }
0x6d: {  	s23 =	simm.s32 $0x12600  }
0x6e: {  	[tilespmem:s23], [sflag:$0x4] =	stream.indirect_vreg.gather [hbm4b:s4+s3], $0x40, v0, vm0, $0xb8;
	[tilespmem:$0x1B600] =	vst v63  }
0x6f: {  	v0 =	vld [tilespmem:$0x1D0];
	_ =	sdelay $0x6  }
0x70: {  	s25 =	simm.s32 $0x12A00  }
0x71: {  	[tilespmem:s25], [sflag:$0x4] =	stream.indirect_vreg.gather [hbm4b:s4+s3], $0x40, v0, vm0, $0xb8;
	[tilespmem:$0x1B600] =	vst v63  }
0x72: {  	v0 =	vld [tilespmem:$0x1E0];
	_ =	sdelay $0x6  }
0x73: {  	s26 =	simm.s32 $0x12E00  }
0x74: {  	[tilespmem:s26], [sflag:$0x4] =	stream.indirect_vreg.gather [hbm4b:s4+s3], $0x40, v0, vm0, $0xb8;
	[tilespmem:$0x1B600] =	vst v63  }
0x75: {  	v0 =	vld [tilespmem:$0x1F0];
	_ =	sdelay $0x1  }
0x76: {  	s29 =	simm.s32 $0x104F0;
	s30 =	simm.s32 $0x380;
	s0 =	simm.s32 $0x0  }
0x77: {  	s28 =	simm.s32 $0x13200;
	s1 =	simm.s32 $0x84F0;
	s7 =	simm.s32 $0x64F0  }
0x78: {  	s10 =	simm.s32 $0x300;
	s12 =	simm.s32 $0xE4F0;
	s13 =	simm.s32 $0xA4F0  }
0x79: {  	s14 =	simm.s32 $0x280;
	s15 =	simm.s32 $0x100;
	s16 =	simm.s32 $0xC4F0  }
0x7a: {  	s17 =	simm.s32 $0x180;
	s20 =	simm.s32 $0x200;
	s21 =	simm.s32 $0x0  }
0x7b: {  	s22 =	simm.s32 $0x144F0;
	s23 =	simm.s32 $0x124F0;
	s25 =	simm.s32 $0x80  }
0x7c: {  	[tilespmem:s28], [sflag:$0x4] =	stream.indirect_vreg.gather [hbm4b:s4+s3], $0x40, v0, vm0, $0xb8;
	[tilespmem:$0x1B600] =	vst v63  }
.LBB2_2:
0x7d: {  	p0 =	seq.s32 s21, $0x0  }
0x7e: {  	s11 =	smov.u32 s31;
	s31 =	smov.u32 s1;
	s1 =	simm.s32 @!p0 $0xD  }
0x7f: {  	s2 =	sshll.u32 s21, $0x3;
	_ =	swait.ge @!p0 [sflag:s1], $0x2000  }
0x80: {  	s5 =	sor.u32 $0x4, s2;
	[sflag:s1] =	ssyncset.done @!p0 $0x0  }
0x81: {  	[sflag:s1] =	ssyncadd.s32 @!p0 $0xFFFFE000;
	s1 =	sshll.u32 s5, $0x7  }
0x82: {  	v0 =	vld [tilespmem:s1+$0x0];
	_ =	sdelay $0x7  }
0x83: {  	[tilespmem:s24], [sflag:$0x5] =	stream.indirect_vreg.gather [hbm4b:s4+s3], $0x40, v0, vm0, $0xb8;
	[tilespmem:$0x1B600] =	vst v63  }
0x84: {  	v0 =	vld [tilespmem:s1+$0x10];
	_ =	sdelay $0x6  }
0x85: {  	s24 =	simm.s32 $0x13A00  }
0x86: {  	[tilespmem:s24], [sflag:$0x5] =	stream.indirect_vreg.gather [hbm4b:s4+s3], $0x40, v0, vm0, $0xb8;
	[tilespmem:$0x1B600] =	vst v63  }
0x87: {  	v0 =	vld [tilespmem:s1+$0x20];
	_ =	sdelay $0x6  }
0x88: {  	s26 =	simm.s32 $0x13E00  }
0x89: {  	[tilespmem:s26], [sflag:$0x5] =	stream.indirect_vreg.gather [hbm4b:s4+s3], $0x40, v0, vm0, $0xb8;
	[tilespmem:$0x1B600] =	vst v63  }
0x8a: {  	v0 =	vld [tilespmem:s1+$0x30];
	_ =	sdelay $0x6  }
0x8b: {  	s8 =	simm.s32 $0x14200  }
0x8c: {  	[tilespmem:s8], [sflag:$0x5] =	stream.indirect_vreg.gather [hbm4b:s4+s3], $0x40, v0, vm0, $0xb8;
	[tilespmem:$0x1B600] =	vst v63  }
0x8d: {  	v0 =	vld [tilespmem:s1+$0x40];
	_ =	sdelay $0x6  }
0x8e: {  	s9 =	simm.s32 $0x14600  }
0x8f: {  	[tilespmem:s9], [sflag:$0x5] =	stream.indirect_vreg.gather [hbm4b:s4+s3], $0x40, v0, vm0, $0xb8;
	[tilespmem:$0x1B600] =	vst v63  }
0x90: {  	v0 =	vld [tilespmem:s1+$0x50];
	_ =	sdelay $0x6  }
0x91: {  	s18 =	simm.s32 $0x14A00  }
0x92: {  	[tilespmem:s18], [sflag:$0x5] =	stream.indirect_vreg.gather [hbm4b:s4+s3], $0x40, v0, vm0, $0xb8;
	[tilespmem:$0x1B600] =	vst v63  }
0x93: {  	v0 =	vld [tilespmem:s1+$0x60];
	_ =	sdelay $0x6  }
0x94: {  	s19 =	simm.s32 $0x14E00  }
0x95: {  	[tilespmem:s19], [sflag:$0x5] =	stream.indirect_vreg.gather [hbm4b:s4+s3], $0x40, v0, vm0, $0xb8;
	[tilespmem:$0x1B600] =	vst v63  }
0x96: {  	v0 =	vld [tilespmem:s1+$0x70];
	_ =	sdelay $0x4  }
0x97: {  	s24 =	smulhi.u32 $0x51EB851F, s0  }
0x98: {  	[dreg:$0xa] =	wrdreg s5  }
0x99: {  	s26 =	simm.s32 $0x15200;
	s8 =	simm.s32 $0x1;
	s1 =	sshrl.u32 s24, $0x6  }
0x9a: {  	[tilespmem:s26], [sflag:$0x5] =	stream.indirect_vreg.gather [hbm4b:s4+s3], $0x40, v0, vm0, $0xb8;
	[tilespmem:$0x1B600] =	vst v63  }
0x9b: {  	s1 =	smul.u32 $0xFFFF3800, s1;
	_ =	swait.ge [sflag:s8], $0x2000  }
0x9c: {  	[sflag:s8] =	ssyncset.done $0x0  }
0x9d: {  	s24 =	simm.s32 $0xB680;
	s1 =	sshra.s32 s1, $0x2;
	[sflag:s8] =	ssyncadd.s32 $0xFFFFE000  }
0x9e: {  	s8 =	sadd.s32 s1, s7;
	v0 =	vld [tilespmem:s24+$0xFFFFFF80]  }
0x9f: {  	v1 =	vld [tilespmem:s8+$0xFFFFFF10];
	_ =	sdelay $0x4  }
0xa0: {  	v0 =	vadd.f32 v1, v0;
	_ =	sdelay $0x1  }
0xa1: {  	[tilespmem:s24+$0xFFFFFF80] =	vst v0;
	v0 =	vld [tilespmem:s24+$0xFFFFFF90]  }
0xa2: {  	v1 =	vld [tilespmem:s8+$0xFFFFFF20];
	_ =	sdelay $0x4  }
0xa3: {  	v0 =	vadd.f32 v1, v0;
	_ =	sdelay $0x1  }
0xa4: {  	[tilespmem:s24+$0xFFFFFF90] =	vst v0;
	v0 =	vld [tilespmem:s24+$0xFFFFFFA0]  }
0xa5: {  	v1 =	vld [tilespmem:s8+$0xFFFFFF30];
	_ =	sdelay $0x4  }
0xa6: {  	v0 =	vadd.f32 v1, v0;
	_ =	sdelay $0x1  }
0xa7: {  	[tilespmem:s24+$0xFFFFFFA0] =	vst v0;
	v0 =	vld [tilespmem:s24+$0xFFFFFFB0]  }
0xa8: {  	v1 =	vld [tilespmem:s8+$0xFFFFFF40];
	_ =	sdelay $0x4  }
0xa9: {  	v0 =	vadd.f32 v1, v0;
	_ =	sdelay $0x1  }
0xaa: {  	[tilespmem:s24+$0xFFFFFFB0] =	vst v0;
	v0 =	vld [tilespmem:s24+$0xFFFFFFC0]  }
0xab: {  	v1 =	vld [tilespmem:s8+$0xFFFFFF50];
	_ =	sdelay $0x4  }
0xac: {  	v0 =	vadd.f32 v1, v0;
	_ =	sdelay $0x1  }
0xad: {  	[tilespmem:s24+$0xFFFFFFC0] =	vst v0;
	v0 =	vld [tilespmem:s24+$0xFFFFFFD0]  }
0xae: {  	v1 =	vld [tilespmem:s8+$0xFFFFFF60];
	_ =	sdelay $0x4  }
0xaf: {  	v0 =	vadd.f32 v1, v0;
	_ =	sdelay $0x1  }
0xb0: {  	[tilespmem:s24+$0xFFFFFFD0] =	vst v0;
	v0 =	vld [tilespmem:s24+$0xFFFFFFE0]  }
0xb1: {  	v1 =	vld [tilespmem:s8+$0xFFFFFF70];
	_ =	sdelay $0x4  }
0xb2: {  	v0 =	vadd.f32 v1, v0;
	_ =	sdelay $0x1  }
0xb3: {  	[tilespmem:s24+$0xFFFFFFE0] =	vst v0;
	v0 =	vld [tilespmem:s24+$0xFFFFFFF0]  }
0xb4: {  	v1 =	vld [tilespmem:s8+$0xFFFFFF80];
	_ =	sdelay $0x4  }
0xb5: {  	v0 =	vadd.f32 v1, v0;
	_ =	sdelay $0x1  }
0xb6: {  	[tilespmem:s24+$0xFFFFFFF0] =	vst v0;
	v0 =	vld [tilespmem:s24+$0x0]  }
0xb7: {  	v1 =	vld [tilespmem:s8+$0xFFFFFF90];
	_ =	sdelay $0x4  }
0xb8: {  	v0 =	vadd.f32 v1, v0;
	_ =	sdelay $0x1  }
0xb9: {  	[tilespmem:s24+$0x0] =	vst v0;
	v0 =	vld [tilespmem:s24+$0x10]  }
0xba: {  	v1 =	vld [tilespmem:s8+$0xFFFFFFA0];
	_ =	sdelay $0x4  }
0xbb: {  	v0 =	vadd.f32 v1, v0;
	_ =	sdelay $0x1  }
0xbc: {  	[tilespmem:s24+$0x10] =	vst v0;
	v0 =	vld [tilespmem:s24+$0x20]  }
0xbd: {  	v1 =	vld [tilespmem:s8+$0xFFFFFFB0];
	_ =	sdelay $0x4  }
0xbe: {  	v0 =	vadd.f32 v1, v0;
	_ =	sdelay $0x1  }
0xbf: {  	[tilespmem:s24+$0x20] =	vst v0;
	v0 =	vld [tilespmem:s24+$0x30]  }
0xc0: {  	v1 =	vld [tilespmem:s8+$0xFFFFFFC0];
	_ =	sdelay $0x4  }
0xc1: {  	v0 =	vadd.f32 v1, v0;
	_ =	sdelay $0x1  }
0xc2: {  	[tilespmem:s24+$0x30] =	vst v0;
	v0 =	vld [tilespmem:s24+$0x40]  }
0xc3: {  	v1 =	vld [tilespmem:s8+$0xFFFFFFD0];
	_ =	sdelay $0x4  }
0xc4: {  	v0 =	vadd.f32 v1, v0;
	_ =	sdelay $0x1  }
0xc5: {  	[tilespmem:s24+$0x40] =	vst v0;
	v0 =	vld [tilespmem:s24+$0x50]  }
0xc6: {  	v1 =	vld [tilespmem:s8+$0xFFFFFFE0];
	_ =	sdelay $0x4  }
0xc7: {  	s18 =	smulhi.u32 $0x51EB851F, s10;
	v0 =	vadd.f32 v1, v0  }
0xc8: {  	s9 =	smulhi.u32 $0x51EB851F, s30  }
0xc9: {  	s5 =	sshrl.u32 s18, $0x6;
	s18 =	smulhi.u32 $0x51EB851F, s17;
	[tilespmem:s24+$0x50] =	vst v0;
	v0 =	vld [tilespmem:s24+$0x60]  }
0xca: {  	s5 =	smul.u32 $0xFFFF3800, s5;
	v1 =	vld [tilespmem:s8+$0xFFFFFFF0]  }
0xcb: {  	s19 =	smulhi.u32 $0x51EB851F, s14  }
0xcc: {  	s26 =	smulhi.u32 $0x51EB851F, s25  }
0xcd: {  	[dreg:$0x7] =	wrdreg s7;
	s1 =	sshrl.u32 s9, $0x6;
	s9 =	smulhi.u32 $0x51EB851F, s20  }
0xce: {  	s26 =	sshrl.u32 s26, $0x6;
	s7 =	sshrl.u32 s19, $0x6;
	s19 =	smulhi.u32 $0x51EB851F, s15  }
0xcf: {  	s26 =	smul.u32 $0xFFFF3800, s26;
	v0 =	vadd.f32 v1, v0  }
0xd0: {  	s18 =	sshrl.u32 s18, $0x6;
	s5 =	sshra.s32 s5, $0x2;
	s1 =	smul.u32 $0xFFFF3800, s1  }
0xd1: {  	[dreg:$0x9] =	wrdreg s25;
	s7 =	smul.u32 $0xFFFF3800, s7;
	s9 =	sshrl.u32 s9, $0x6;
	[tilespmem:s24+$0x60] =	vst v0;
	v0 =	vld [tilespmem:s24+$0x70]  }
0xd2: {  	[dreg:$0x8] =	wrdreg s31;
	s9 =	smul.u32 $0xFFFF3800, s9;
	s1 =	sshra.s32 s1, $0x2;
	v1 =	vld [tilespmem:s8+$0x0]  }
0xd3: {  	s19 =	sshrl.u32 s19, $0x6;
	s28 =	sadd.s32 s1, s22;
	s1 =	smul.u32 $0xFFFF3800, s18  }
0xd4: {  	s7 =	sshra.s32 s7, $0x2;
	s18 =	smul.u32 $0xFFFF3800, s19;
	s9 =	sshra.s32 s9, $0x2  }
0xd5: {  	s19 =	sadd.s32 s5, s23;
	s7 =	sadd.s32 s7, s29;
	s25 =	sadd.s32 s9, s12  }
0xd6: {  	s1 =	sshra.s32 s1, $0x2;
	s9 =	sshra.s32 s18, $0x2;
	s18 =	sshra.s32 s26, $0x2  }
0xd7: {  	s26 =	sadd.s32 s1, s16;
	s5 =	sadd.s32 s9, s13;
	s9 =	sadd.s32 s18, s31;
	v0 =	vadd.f32 v1, v0  }
0xd8: {  	s18 =	sshll.u32 s21, $0xA;
	s31 =	simm.s32 $0x0;
	s1 =	simm.s32 $0xB780  }
.LBB2_3:
0xd9: {  	v1 =	vld [tilespmem:s1+$0xFFFFFF80];
	[tilespmem:s24+$0x70] =	vst v0;
	s8 =	sadd.s32 $0x100, s8;
	s24 =	smov.u32 s1  }
0xda: {  	s31 =	sadd.s32 $0x4, s31;
	v0 =	vld [tilespmem:s8+$0xFFFFFF10]  }
0xdb: {  	p1 =	slt.u32 s31, $0x7C;
	_ =	sdelay $0x3  }
0xdc: {  	v0 =	vadd.f32 v0, v1;
	_ =	sdelay $0x1  }
0xdd: {  	[tilespmem:s1+$0xFFFFFF80] =	vst v0;
	v0 =	vld [tilespmem:s1+$0xFFFFFF90]  }
0xde: {  	v1 =	vld [tilespmem:s8+$0xFFFFFF20];
	_ =	sdelay $0x4  }
0xdf: {  	v0 =	vadd.f32 v1, v0;
	_ =	sdelay $0x1  }
0xe0: {  	[tilespmem:s1+$0xFFFFFF90] =	vst v0;
	v0 =	vld [tilespmem:s1+$0xFFFFFFA0]  }
0xe1: {  	v1 =	vld [tilespmem:s8+$0xFFFFFF30];
	_ =	sdelay $0x4  }
0xe2: {  	v0 =	vadd.f32 v1, v0;
	_ =	sdelay $0x1  }
0xe3: {  	[tilespmem:s1+$0xFFFFFFA0] =	vst v0;
	v0 =	vld [tilespmem:s1+$0xFFFFFFB0]  }
0xe4: {  	v1 =	vld [tilespmem:s8+$0xFFFFFF40];
	_ =	sdelay $0x4  }
0xe5: {  	v0 =	vadd.f32 v1, v0;
	_ =	sdelay $0x1  }
0xe6: {  	[tilespmem:s1+$0xFFFFFFB0] =	vst v0;
	v0 =	vld [tilespmem:s1+$0xFFFFFFC0]  }
0xe7: {  	v1 =	vld [tilespmem:s8+$0xFFFFFF50];
	_ =	sdelay $0x4  }
0xe8: {  	v0 =	vadd.f32 v1, v0;
	_ =	sdelay $0x1  }
0xe9: {  	[tilespmem:s1+$0xFFFFFFC0] =	vst v0;
	v0 =	vld [tilespmem:s1+$0xFFFFFFD0]  }
0xea: {  	v1 =	vld [tilespmem:s8+$0xFFFFFF60];
	_ =	sdelay $0x4  }
0xeb: {  	v0 =	vadd.f32 v1, v0;
	_ =	sdelay $0x1  }
0xec: {  	[tilespmem:s1+$0xFFFFFFD0] =	vst v0;
	v0 =	vld [tilespmem:s1+$0xFFFFFFE0]  }
0xed: {  	v1 =	vld [tilespmem:s8+$0xFFFFFF70];
	_ =	sdelay $0x4  }
0xee: {  	v0 =	vadd.f32 v1, v0;
	_ =	sdelay $0x1  }
0xef: {  	[tilespmem:s1+$0xFFFFFFE0] =	vst v0;
	v0 =	vld [tilespmem:s1+$0xFFFFFFF0]  }
0xf0: {  	v1 =	vld [tilespmem:s8+$0xFFFFFF80];
	_ =	sdelay $0x4  }
0xf1: {  	v0 =	vadd.f32 v1, v0;
	_ =	sdelay $0x1  }
0xf2: {  	[tilespmem:s1+$0xFFFFFFF0] =	vst v0;
	v0 =	vld [tilespmem:s1+$0x0]  }
0xf3: {  	v1 =	vld [tilespmem:s8+$0xFFFFFF90];
	_ =	sdelay $0x4  }
0xf4: {  	v0 =	vadd.f32 v1, v0;
	_ =	sdelay $0x1  }
0xf5: {  	[tilespmem:s1+$0x0] =	vst v0;
	v0 =	vld [tilespmem:s1+$0x10]  }
0xf6: {  	v1 =	vld [tilespmem:s8+$0xFFFFFFA0];
	_ =	sdelay $0x4  }
0xf7: {  	v0 =	vadd.f32 v1, v0;
	_ =	sdelay $0x1  }
0xf8: {  	[tilespmem:s1+$0x10] =	vst v0;
	v0 =	vld [tilespmem:s1+$0x20]  }
0xf9: {  	v1 =	vld [tilespmem:s8+$0xFFFFFFB0];
	_ =	sdelay $0x4  }
0xfa: {  	v0 =	vadd.f32 v1, v0;
	_ =	sdelay $0x1  }
0xfb: {  	[tilespmem:s1+$0x20] =	vst v0;
	v0 =	vld [tilespmem:s1+$0x30]  }
0xfc: {  	v1 =	vld [tilespmem:s8+$0xFFFFFFC0];
	_ =	sdelay $0x4  }
0xfd: {  	v0 =	vadd.f32 v1, v0;
	_ =	sdelay $0x1  }
0xfe: {  	[tilespmem:s1+$0x30] =	vst v0;
	v0 =	vld [tilespmem:s1+$0x40]  }
0xff: {  	v1 =	vld [tilespmem:s8+$0xFFFFFFD0];
	_ =	sdelay $0x4  }
0x100: {  	v0 =	vadd.f32 v1, v0;
	_ =	sdelay $0x1  }
0x101: {  	[tilespmem:s1+$0x40] =	vst v0;
	v0 =	vld [tilespmem:s1+$0x50]  }
0x102: {  	v1 =	vld [tilespmem:s8+$0xFFFFFFE0];
	_ =	sdelay $0x4  }
0x103: {  	v0 =	vadd.f32 v1, v0;
	_ =	sdelay $0x1  }
0x104: {  	[tilespmem:s1+$0x50] =	vst v0;
	v0 =	vld [tilespmem:s1+$0x60]  }
0x105: {  	v1 =	vld [tilespmem:s8+$0xFFFFFFF0];
	_ =	sdelay $0x4  }
0x106: {  	v0 =	vadd.f32 v1, v0;
	_ =	sdelay $0x1  }
0x107: {  	[tilespmem:s1+$0x60] =	vst v0;
	v0 =	vld [tilespmem:s1+$0x70]  }
0x108: {  	v1 =	vld [tilespmem:s8+$0x0];
	_ =	sdelay $0x1  }
.Ltmp0:
0x109: {  	(pc) =	sbr.rel @p1 .LBB2_3-.Ltmp0, $3  }
0x10a: {  	_ =	sdelay $0x1  }
0x10b: {  	v0 =	vadd.f32 v1, v0  }
0x10c: {  	s1 =	sadd.s32 $0x100, s1  }
0x10d: {  	s1 =	sadd.s32 s6, s2  }
0x10e: {  	s1 =	sshll.u32 s1, $0xA  }
0x10f: {  	[tilespmem:s24+$0x70] =	vst v0;
	s8 =	simm.s32 $0xB600;
	s1 =	sadd.s32 s11, s1  }
0x110: {  	[hbm4b:s1+s3] =	stream.linear.scatter [tilespmem:s8], [sflag:$0x9], $0x2000, $0x38;
	[tilespmem:$0x1B600] =	vst v63  }
0x111: {  	s1 =	simm.s32 @!p0 $0xE  }
0x112: {  	_ =	swait.ge @!p0 [sflag:s1], $0x2000  }
0x113: {  	s24 =	sor.u32 $0x5, s2;
	[sflag:s1] =	ssyncset.done @!p0 $0x0  }
0x114: {  	[sflag:s1] =	ssyncadd.s32 @!p0 $0xFFFFE000;
	s1 =	sshll.u32 s24, $0x7  }
0x115: {  	v0 =	vld [tilespmem:s1+$0x0];
	_ =	sdelay $0x6  }
0x116: {  	[dreg:$0xb] =	wrdreg s24;
	s24 =	simm.s32 $0x15600  }
0x117: {  	[tilespmem:s24], [sflag:$0x6] =	stream.indirect_vreg.gather [hbm4b:s4+s3], $0x40, v0, vm0, $0xb8;
	[tilespmem:$0x1B600] =	vst v63  }
0x118: {  	v0 =	vld [tilespmem:s1+$0x10];
	_ =	sdelay $0x6  }
0x119: {  	s24 =	simm.s32 $0x15A00  }
0x11a: {  	[tilespmem:s24], [sflag:$0x6] =	stream.indirect_vreg.gather [hbm4b:s4+s3], $0x40, v0, vm0, $0xb8;
	[tilespmem:$0x1B600] =	vst v63  }
0x11b: {  	v0 =	vld [tilespmem:s1+$0x20];
	_ =	sdelay $0x6  }
0x11c: {  	s24 =	simm.s32 $0x15E00  }
0x11d: {  	[tilespmem:s24], [sflag:$0x6] =	stream.indirect_vreg.gather [hbm4b:s4+s3], $0x40, v0, vm0, $0xb8;
	[tilespmem:$0x1B600] =	vst v63  }
0x11e: {  	v0 =	vld [tilespmem:s1+$0x30];
	_ =	sdelay $0x6  }
0x11f: {  	s24 =	simm.s32 $0x16200  }
0x120: {  	[tilespmem:s24], [sflag:$0x6] =	stream.indirect_vreg.gather [hbm4b:s4+s3], $0x40, v0, vm0, $0xb8;
	[tilespmem:$0x1B600] =	vst v63  }
0x121: {  	v0 =	vld [tilespmem:s1+$0x40];
	_ =	sdelay $0x6  }
0x122: {  	s24 =	simm.s32 $0x16600  }
0x123: {  	[tilespmem:s24], [sflag:$0x6] =	stream.indirect_vreg.gather [hbm4b:s4+s3], $0x40, v0, vm0, $0xb8;
	[tilespmem:$0x1B600] =	vst v63  }
0x124: {  	v0 =	vld [tilespmem:s1+$0x50];
	_ =	sdelay $0x6  }
0x125: {  	s24 =	simm.s32 $0x16A00  }
0x126: {  	[tilespmem:s24], [sflag:$0x6] =	stream.indirect_vreg.gather [hbm4b:s4+s3], $0x40, v0, vm0, $0xb8;
	[tilespmem:$0x1B600] =	vst v63  }
0x127: {  	v0 =	vld [tilespmem:s1+$0x60];
	_ =	sdelay $0x6  }
0x128: {  	s24 =	simm.s32 $0x16E00  }
0x129: {  	[tilespmem:s24], [sflag:$0x6] =	stream.indirect_vreg.gather [hbm4b:s4+s3], $0x40, v0, vm0, $0xb8;
	[tilespmem:$0x1B600] =	vst v63  }
0x12a: {  	v0 =	vld [tilespmem:s1+$0x70];
	_ =	sdelay $0x6  }
0x12b: {  	s8 =	simm.s32 $0x17200;
	s24 =	simm.s32 $0x2  }
0x12c: {  	[tilespmem:s8], [sflag:$0x6] =	stream.indirect_vreg.gather [hbm4b:s4+s3], $0x40, v0, vm0, $0xb8;
	[tilespmem:$0x1B600] =	vst v63  }
0x12d: {  	_ =	swait.ge [sflag:s24], $0x2000  }
0x12e: {  	[sflag:s24] =	ssyncset.done $0x0  }
0x12f: {  	s8 =	simm.s32 $0xD680;
	[sflag:s24] =	ssyncadd.s32 $0xFFFFE000  }
0x130: {  	v0 =	vld [tilespmem:s8+$0xFFFFFF80]  }
0x131: {  	v1 =	vld [tilespmem:s9+$0xFFFFFF10];
	_ =	sdelay $0x4  }
0x132: {  	v0 =	vadd.f32 v1, v0;
	_ =	sdelay $0x1  }
0x133: {  	[tilespmem:s8+$0xFFFFFF80] =	vst v0;
	v0 =	vld [tilespmem:s8+$0xFFFFFF90]  }
0x134: {  	v1 =	vld [tilespmem:s9+$0xFFFFFF20];
	_ =	sdelay $0x4  }
0x135: {  	v0 =	vadd.f32 v1, v0;
	_ =	sdelay $0x1  }
0x136: {  	[tilespmem:s8+$0xFFFFFF90] =	vst v0;
	v0 =	vld [tilespmem:s8+$0xFFFFFFA0]  }
0x137: {  	v1 =	vld [tilespmem:s9+$0xFFFFFF30];
	_ =	sdelay $0x4  }
0x138: {  	v0 =	vadd.f32 v1, v0;
	_ =	sdelay $0x1  }
0x139: {  	[tilespmem:s8+$0xFFFFFFA0] =	vst v0;
	v0 =	vld [tilespmem:s8+$0xFFFFFFB0]  }
0x13a: {  	v1 =	vld [tilespmem:s9+$0xFFFFFF40];
	_ =	sdelay $0x4  }
0x13b: {  	v0 =	vadd.f32 v1, v0;
	_ =	sdelay $0x1  }
0x13c: {  	[tilespmem:s8+$0xFFFFFFB0] =	vst v0;
	v0 =	vld [tilespmem:s8+$0xFFFFFFC0]  }
0x13d: {  	v1 =	vld [tilespmem:s9+$0xFFFFFF50];
	_ =	sdelay $0x4  }
0x13e: {  	v0 =	vadd.f32 v1, v0;
	_ =	sdelay $0x1  }
0x13f: {  	[tilespmem:s8+$0xFFFFFFC0] =	vst v0;
	v0 =	vld [tilespmem:s8+$0xFFFFFFD0]  }
0x140: {  	v1 =	vld [tilespmem:s9+$0xFFFFFF60];
	_ =	sdelay $0x4  }
0x141: {  	v0 =	vadd.f32 v1, v0;
	_ =	sdelay $0x1  }
0x142: {  	[tilespmem:s8+$0xFFFFFFD0] =	vst v0;
	v0 =	vld [tilespmem:s8+$0xFFFFFFE0]  }
0x143: {  	v1 =	vld [tilespmem:s9+$0xFFFFFF70];
	_ =	sdelay $0x4  }
0x144: {  	v0 =	vadd.f32 v1, v0;
	_ =	sdelay $0x1  }
0x145: {  	[tilespmem:s8+$0xFFFFFFE0] =	vst v0;
	v0 =	vld [tilespmem:s8+$0xFFFFFFF0]  }
0x146: {  	v1 =	vld [tilespmem:s9+$0xFFFFFF80];
	_ =	sdelay $0x4  }
0x147: {  	v0 =	vadd.f32 v1, v0;
	_ =	sdelay $0x1  }
0x148: {  	[tilespmem:s8+$0xFFFFFFF0] =	vst v0;
	v0 =	vld [tilespmem:s8+$0x0]  }
0x149: {  	v1 =	vld [tilespmem:s9+$0xFFFFFF90];
	_ =	sdelay $0x4  }
0x14a: {  	v0 =	vadd.f32 v1, v0;
	_ =	sdelay $0x1  }
0x14b: {  	[tilespmem:s8+$0x0] =	vst v0;
	v0 =	vld [tilespmem:s8+$0x10]  }
0x14c: {  	v1 =	vld [tilespmem:s9+$0xFFFFFFA0];
	_ =	sdelay $0x4  }
0x14d: {  	v0 =	vadd.f32 v1, v0;
	_ =	sdelay $0x1  }
0x14e: {  	[tilespmem:s8+$0x10] =	vst v0;
	v0 =	vld [tilespmem:s8+$0x20]  }
0x14f: {  	v1 =	vld [tilespmem:s9+$0xFFFFFFB0];
	_ =	sdelay $0x4  }
0x150: {  	v0 =	vadd.f32 v1, v0;
	_ =	sdelay $0x1  }
0x151: {  	[tilespmem:s8+$0x20] =	vst v0;
	v0 =	vld [tilespmem:s8+$0x30]  }
0x152: {  	v1 =	vld [tilespmem:s9+$0xFFFFFFC0];
	_ =	sdelay $0x4  }
0x153: {  	v0 =	vadd.f32 v1, v0;
	_ =	sdelay $0x1  }
0x154: {  	[tilespmem:s8+$0x30] =	vst v0;
	v0 =	vld [tilespmem:s8+$0x40]  }
0x155: {  	v1 =	vld [tilespmem:s9+$0xFFFFFFD0];
	_ =	sdelay $0x4  }
0x156: {  	v0 =	vadd.f32 v1, v0;
	_ =	sdelay $0x1  }
0x157: {  	[tilespmem:s8+$0x40] =	vst v0;
	v0 =	vld [tilespmem:s8+$0x50]  }
0x158: {  	v1 =	vld [tilespmem:s9+$0xFFFFFFE0];
	_ =	sdelay $0x4  }
0x159: {  	v0 =	vadd.f32 v1, v0;
	_ =	sdelay $0x1  }
0x15a: {  	[tilespmem:s8+$0x50] =	vst v0;
	v0 =	vld [tilespmem:s8+$0x60]  }
0x15b: {  	v1 =	vld [tilespmem:s9+$0xFFFFFFF0];
	_ =	sdelay $0x4  }
0x15c: {  	v0 =	vadd.f32 v1, v0;
	_ =	sdelay $0x1  }
0x15d: {  	[tilespmem:s8+$0x60] =	vst v0;
	v0 =	vld [tilespmem:s8+$0x70]  }
0x15e: {  	v1 =	vld [tilespmem:s9+$0x0];
	_ =	sdelay $0x4  }
0x15f: {  	v0 =	vadd.f32 v1, v0  }
0x160: {  	s31 =	simm.s32 $0x0;
	s1 =	simm.s32 $0xD780;
	s24 =	sor.u32 $0x1, s2  }
.LBB2_5:
0x161: {  	v1 =	vld [tilespmem:s1+$0xFFFFFF80];
	[tilespmem:s8+$0x70] =	vst v0;
	s9 =	sadd.s32 $0x100, s9;
	s8 =	smov.u32 s1  }
0x162: {  	s31 =	sadd.s32 $0x4, s31;
	v0 =	vld [tilespmem:s9+$0xFFFFFF10]  }
0x163: {  	p1 =	slt.u32 s31, $0x7C;
	_ =	sdelay $0x3  }
0x164: {  	v0 =	vadd.f32 v0, v1;
	_ =	sdelay $0x1  }
0x165: {  	[tilespmem:s1+$0xFFFFFF80] =	vst v0;
	v0 =	vld [tilespmem:s1+$0xFFFFFF90]  }
0x166: {  	v1 =	vld [tilespmem:s9+$0xFFFFFF20];
	_ =	sdelay $0x4  }
0x167: {  	v0 =	vadd.f32 v1, v0;
	_ =	sdelay $0x1  }
0x168: {  	[tilespmem:s1+$0xFFFFFF90] =	vst v0;
	v0 =	vld [tilespmem:s1+$0xFFFFFFA0]  }
0x169: {  	v1 =	vld [tilespmem:s9+$0xFFFFFF30];
	_ =	sdelay $0x4  }
0x16a: {  	v0 =	vadd.f32 v1, v0;
	_ =	sdelay $0x1  }
0x16b: {  	[tilespmem:s1+$0xFFFFFFA0] =	vst v0;
	v0 =	vld [tilespmem:s1+$0xFFFFFFB0]  }
0x16c: {  	v1 =	vld [tilespmem:s9+$0xFFFFFF40];
	_ =	sdelay $0x4  }
0x16d: {  	v0 =	vadd.f32 v1, v0;
	_ =	sdelay $0x1  }
0x16e: {  	[tilespmem:s1+$0xFFFFFFB0] =	vst v0;
	v0 =	vld [tilespmem:s1+$0xFFFFFFC0]  }
0x16f: {  	v1 =	vld [tilespmem:s9+$0xFFFFFF50];
	_ =	sdelay $0x4  }
0x170: {  	v0 =	vadd.f32 v1, v0;
	_ =	sdelay $0x1  }
0x171: {  	[tilespmem:s1+$0xFFFFFFC0] =	vst v0;
	v0 =	vld [tilespmem:s1+$0xFFFFFFD0]  }
0x172: {  	v1 =	vld [tilespmem:s9+$0xFFFFFF60];
	_ =	sdelay $0x4  }
0x173: {  	v0 =	vadd.f32 v1, v0;
	_ =	sdelay $0x1  }
0x174: {  	[tilespmem:s1+$0xFFFFFFD0] =	vst v0;
	v0 =	vld [tilespmem:s1+$0xFFFFFFE0]  }
0x175: {  	v1 =	vld [tilespmem:s9+$0xFFFFFF70];
	_ =	sdelay $0x4  }
0x176: {  	v0 =	vadd.f32 v1, v0;
	_ =	sdelay $0x1  }
0x177: {  	[tilespmem:s1+$0xFFFFFFE0] =	vst v0;
	v0 =	vld [tilespmem:s1+$0xFFFFFFF0]  }
0x178: {  	v1 =	vld [tilespmem:s9+$0xFFFFFF80];
	_ =	sdelay $0x4  }
0x179: {  	v0 =	vadd.f32 v1, v0;
	_ =	sdelay $0x1  }
0x17a: {  	[tilespmem:s1+$0xFFFFFFF0] =	vst v0;
	v0 =	vld [tilespmem:s1+$0x0]  }
0x17b: {  	v1 =	vld [tilespmem:s9+$0xFFFFFF90];
	_ =	sdelay $0x4  }
0x17c: {  	v0 =	vadd.f32 v1, v0;
	_ =	sdelay $0x1  }
0x17d: {  	[tilespmem:s1+$0x0] =	vst v0;
	v0 =	vld [tilespmem:s1+$0x10]  }
0x17e: {  	v1 =	vld [tilespmem:s9+$0xFFFFFFA0];
	_ =	sdelay $0x4  }
0x17f: {  	v0 =	vadd.f32 v1, v0;
	_ =	sdelay $0x1  }
0x180: {  	[tilespmem:s1+$0x10] =	vst v0;
	v0 =	vld [tilespmem:s1+$0x20]  }
0x181: {  	v1 =	vld [tilespmem:s9+$0xFFFFFFB0];
	_ =	sdelay $0x4  }
0x182: {  	v0 =	vadd.f32 v1, v0;
	_ =	sdelay $0x1  }
0x183: {  	[tilespmem:s1+$0x20] =	vst v0;
	v0 =	vld [tilespmem:s1+$0x30]  }
0x184: {  	v1 =	vld [tilespmem:s9+$0xFFFFFFC0];
	_ =	sdelay $0x4  }
0x185: {  	v0 =	vadd.f32 v1, v0;
	_ =	sdelay $0x1  }
0x186: {  	[tilespmem:s1+$0x30] =	vst v0;
	v0 =	vld [tilespmem:s1+$0x40]  }
0x187: {  	v1 =	vld [tilespmem:s9+$0xFFFFFFD0];
	_ =	sdelay $0x4  }
0x188: {  	v0 =	vadd.f32 v1, v0;
	_ =	sdelay $0x1  }
0x189: {  	[tilespmem:s1+$0x40] =	vst v0;
	v0 =	vld [tilespmem:s1+$0x50]  }
0x18a: {  	v1 =	vld [tilespmem:s9+$0xFFFFFFE0];
	_ =	sdelay $0x4  }
0x18b: {  	v0 =	vadd.f32 v1, v0;
	_ =	sdelay $0x1  }
0x18c: {  	[tilespmem:s1+$0x50] =	vst v0;
	v0 =	vld [tilespmem:s1+$0x60]  }
0x18d: {  	v1 =	vld [tilespmem:s9+$0xFFFFFFF0];
	_ =	sdelay $0x4  }
0x18e: {  	v0 =	vadd.f32 v1, v0;
	_ =	sdelay $0x1  }
0x18f: {  	[tilespmem:s1+$0x60] =	vst v0;
	v0 =	vld [tilespmem:s1+$0x70]  }
0x190: {  	v1 =	vld [tilespmem:s9+$0x0];
	_ =	sdelay $0x1  }
.Ltmp1:
0x191: {  	(pc) =	sbr.rel @p1 .LBB2_5-.Ltmp1, $3  }
0x192: {  	_ =	sdelay $0x1  }
0x193: {  	v0 =	vadd.f32 v1, v0  }
0x194: {  	s1 =	sadd.s32 $0x100, s1  }
0x195: {  	s1 =	sadd.s32 s6, s24  }
0x196: {  	s1 =	sshll.u32 s1, $0xA  }
0x197: {  	s1 =	sand.u32 $0x1FFFE400, s1  }
0x198: {  	[tilespmem:s8+$0x70] =	vst v0;
	s9 =	simm.s32 $0xD600;
	s1 =	sadd.s32 s11, s1  }
0x199: {  	[hbm4b:s1+s3] =	stream.linear.scatter [tilespmem:s9], [sflag:$0xA], $0x2000, $0x38;
	[tilespmem:$0x1B600] =	vst v63  }
0x19a: {  	s1 =	simm.s32 @!p0 $0xF  }
0x19b: {  	_ =	swait.ge @!p0 [sflag:s1], $0x2000  }
0x19c: {  	s9 =	sor.u32 $0x6, s2;
	[sflag:s1] =	ssyncset.done @!p0 $0x0  }
0x19d: {  	[sflag:s1] =	ssyncadd.s32 @!p0 $0xFFFFE000;
	s1 =	sshll.u32 s9, $0x7  }
0x19e: {  	v0 =	vld [tilespmem:s1+$0x0];
	_ =	sdelay $0x6  }
0x19f: {  	s24 =	simm.s32 $0x17600  }
0x1a0: {  	[tilespmem:s24], [sflag:$0x7] =	stream.indirect_vreg.gather [hbm4b:s4+s3], $0x40, v0, vm0, $0xb8;
	[tilespmem:$0x1B600] =	vst v63  }
0x1a1: {  	v0 =	vld [tilespmem:s1+$0x10];
	_ =	sdelay $0x6  }
0x1a2: {  	s24 =	simm.s32 $0x17A00  }
0x1a3: {  	[tilespmem:s24], [sflag:$0x7] =	stream.indirect_vreg.gather [hbm4b:s4+s3], $0x40, v0, vm0, $0xb8;
	[tilespmem:$0x1B600] =	vst v63  }
0x1a4: {  	v0 =	vld [tilespmem:s1+$0x20];
	_ =	sdelay $0x6  }
0x1a5: {  	s24 =	simm.s32 $0x17E00  }
0x1a6: {  	[tilespmem:s24], [sflag:$0x7] =	stream.indirect_vreg.gather [hbm4b:s4+s3], $0x40, v0, vm0, $0xb8;
	[tilespmem:$0x1B600] =	vst v63  }
0x1a7: {  	v0 =	vld [tilespmem:s1+$0x30];
	_ =	sdelay $0x6  }
0x1a8: {  	s24 =	simm.s32 $0x18200  }
0x1a9: {  	[tilespmem:s24], [sflag:$0x7] =	stream.indirect_vreg.gather [hbm4b:s4+s3], $0x40, v0, vm0, $0xb8;
	[tilespmem:$0x1B600] =	vst v63  }
0x1aa: {  	v0 =	vld [tilespmem:s1+$0x40];
	_ =	sdelay $0x6  }
0x1ab: {  	s24 =	simm.s32 $0x18600  }
0x1ac: {  	[tilespmem:s24], [sflag:$0x7] =	stream.indirect_vreg.gather [hbm4b:s4+s3], $0x40, v0, vm0, $0xb8;
	[tilespmem:$0x1B600] =	vst v63  }
0x1ad: {  	v0 =	vld [tilespmem:s1+$0x50];
	_ =	sdelay $0x6  }
0x1ae: {  	s24 =	simm.s32 $0x18A00  }
0x1af: {  	[tilespmem:s24], [sflag:$0x7] =	stream.indirect_vreg.gather [hbm4b:s4+s3], $0x40, v0, vm0, $0xb8;
	[tilespmem:$0x1B600] =	vst v63  }
0x1b0: {  	v0 =	vld [tilespmem:s1+$0x60];
	_ =	sdelay $0x6  }
0x1b1: {  	s24 =	simm.s32 $0x18E00  }
0x1b2: {  	[tilespmem:s24], [sflag:$0x7] =	stream.indirect_vreg.gather [hbm4b:s4+s3], $0x40, v0, vm0, $0xb8;
	[tilespmem:$0x1B600] =	vst v63  }
0x1b3: {  	v0 =	vld [tilespmem:s1+$0x70];
	_ =	sdelay $0x6  }
0x1b4: {  	s8 =	simm.s32 $0x19200;
	s24 =	simm.s32 $0x3  }
0x1b5: {  	[tilespmem:s8], [sflag:$0x7] =	stream.indirect_vreg.gather [hbm4b:s4+s3], $0x40, v0, vm0, $0xb8;
	[tilespmem:$0x1B600] =	vst v63  }
0x1b6: {  	_ =	swait.ge [sflag:s24], $0x2000  }
0x1b7: {  	[sflag:s24] =	ssyncset.done $0x0  }
0x1b8: {  	s8 =	simm.s32 $0xF680;
	[sflag:s24] =	ssyncadd.s32 $0xFFFFE000  }
0x1b9: {  	v0 =	vld [tilespmem:s8+$0xFFFFFF80]  }
0x1ba: {  	v1 =	vld [tilespmem:s5+$0xFFFFFF10];
	_ =	sdelay $0x4  }
0x1bb: {  	v0 =	vadd.f32 v1, v0;
	_ =	sdelay $0x1  }
0x1bc: {  	[tilespmem:s8+$0xFFFFFF80] =	vst v0;
	v0 =	vld [tilespmem:s8+$0xFFFFFF90]  }
0x1bd: {  	v1 =	vld [tilespmem:s5+$0xFFFFFF20];
	_ =	sdelay $0x4  }
0x1be: {  	v0 =	vadd.f32 v1, v0;
	_ =	sdelay $0x1  }
0x1bf: {  	[tilespmem:s8+$0xFFFFFF90] =	vst v0;
	v0 =	vld [tilespmem:s8+$0xFFFFFFA0]  }
0x1c0: {  	v1 =	vld [tilespmem:s5+$0xFFFFFF30];
	_ =	sdelay $0x4  }
0x1c1: {  	v0 =	vadd.f32 v1, v0;
	_ =	sdelay $0x1  }
0x1c2: {  	[tilespmem:s8+$0xFFFFFFA0] =	vst v0;
	v0 =	vld [tilespmem:s8+$0xFFFFFFB0]  }
0x1c3: {  	v1 =	vld [tilespmem:s5+$0xFFFFFF40];
	_ =	sdelay $0x4  }
0x1c4: {  	v0 =	vadd.f32 v1, v0;
	_ =	sdelay $0x1  }
0x1c5: {  	[tilespmem:s8+$0xFFFFFFB0] =	vst v0;
	v0 =	vld [tilespmem:s8+$0xFFFFFFC0]  }
0x1c6: {  	v1 =	vld [tilespmem:s5+$0xFFFFFF50];
	_ =	sdelay $0x4  }
0x1c7: {  	v0 =	vadd.f32 v1, v0;
	_ =	sdelay $0x1  }
0x1c8: {  	[tilespmem:s8+$0xFFFFFFC0] =	vst v0;
	v0 =	vld [tilespmem:s8+$0xFFFFFFD0]  }
0x1c9: {  	v1 =	vld [tilespmem:s5+$0xFFFFFF60];
	_ =	sdelay $0x4  }
0x1ca: {  	v0 =	vadd.f32 v1, v0;
	_ =	sdelay $0x1  }
0x1cb: {  	[tilespmem:s8+$0xFFFFFFD0] =	vst v0;
	v0 =	vld [tilespmem:s8+$0xFFFFFFE0]  }
0x1cc: {  	v1 =	vld [tilespmem:s5+$0xFFFFFF70];
	_ =	sdelay $0x4  }
0x1cd: {  	v0 =	vadd.f32 v1, v0;
	_ =	sdelay $0x1  }
0x1ce: {  	[tilespmem:s8+$0xFFFFFFE0] =	vst v0;
	v0 =	vld [tilespmem:s8+$0xFFFFFFF0]  }
0x1cf: {  	v1 =	vld [tilespmem:s5+$0xFFFFFF80];
	_ =	sdelay $0x4  }
0x1d0: {  	v0 =	vadd.f32 v1, v0;
	_ =	sdelay $0x1  }
0x1d1: {  	[tilespmem:s8+$0xFFFFFFF0] =	vst v0;
	v0 =	vld [tilespmem:s8+$0x0]  }
0x1d2: {  	v1 =	vld [tilespmem:s5+$0xFFFFFF90];
	_ =	sdelay $0x4  }
0x1d3: {  	v0 =	vadd.f32 v1, v0;
	_ =	sdelay $0x1  }
0x1d4: {  	[tilespmem:s8+$0x0] =	vst v0;
	v0 =	vld [tilespmem:s8+$0x10]  }
0x1d5: {  	v1 =	vld [tilespmem:s5+$0xFFFFFFA0];
	_ =	sdelay $0x4  }
0x1d6: {  	v0 =	vadd.f32 v1, v0;
	_ =	sdelay $0x1  }
0x1d7: {  	[tilespmem:s8+$0x10] =	vst v0;
	v0 =	vld [tilespmem:s8+$0x20]  }
0x1d8: {  	v1 =	vld [tilespmem:s5+$0xFFFFFFB0];
	_ =	sdelay $0x4  }
0x1d9: {  	v0 =	vadd.f32 v1, v0;
	_ =	sdelay $0x1  }
0x1da: {  	[tilespmem:s8+$0x20] =	vst v0;
	v0 =	vld [tilespmem:s8+$0x30]  }
0x1db: {  	v1 =	vld [tilespmem:s5+$0xFFFFFFC0];
	_ =	sdelay $0x4  }
0x1dc: {  	v0 =	vadd.f32 v1, v0;
	_ =	sdelay $0x1  }
0x1dd: {  	[tilespmem:s8+$0x30] =	vst v0;
	v0 =	vld [tilespmem:s8+$0x40]  }
0x1de: {  	v1 =	vld [tilespmem:s5+$0xFFFFFFD0];
	_ =	sdelay $0x4  }
0x1df: {  	v0 =	vadd.f32 v1, v0;
	_ =	sdelay $0x1  }
0x1e0: {  	[tilespmem:s8+$0x40] =	vst v0;
	v0 =	vld [tilespmem:s8+$0x50]  }
0x1e1: {  	v1 =	vld [tilespmem:s5+$0xFFFFFFE0];
	_ =	sdelay $0x4  }
0x1e2: {  	v0 =	vadd.f32 v1, v0;
	_ =	sdelay $0x1  }
0x1e3: {  	[tilespmem:s8+$0x50] =	vst v0;
	v0 =	vld [tilespmem:s8+$0x60]  }
0x1e4: {  	v1 =	vld [tilespmem:s5+$0xFFFFFFF0];
	_ =	sdelay $0x4  }
0x1e5: {  	v0 =	vadd.f32 v1, v0;
	_ =	sdelay $0x1  }
0x1e6: {  	[tilespmem:s8+$0x60] =	vst v0;
	v0 =	vld [tilespmem:s8+$0x70]  }
0x1e7: {  	v1 =	vld [tilespmem:s5+$0x0];
	_ =	sdelay $0x4  }
0x1e8: {  	v0 =	vadd.f32 v1, v0  }
0x1e9: {  	s31 =	simm.s32 $0x0;
	s1 =	simm.s32 $0xF780;
	s24 =	sor.u32 $0x2, s2  }
.LBB2_7:
0x1ea: {  	v1 =	vld [tilespmem:s1+$0xFFFFFF80];
	[tilespmem:s8+$0x70] =	vst v0;
	s5 =	sadd.s32 $0x100, s5;
	s8 =	smov.u32 s1  }
0x1eb: {  	s31 =	sadd.s32 $0x4, s31;
	v0 =	vld [tilespmem:s5+$0xFFFFFF10]  }
0x1ec: {  	p1 =	slt.u32 s31, $0x7C;
	_ =	sdelay $0x3  }
0x1ed: {  	v0 =	vadd.f32 v0, v1;
	_ =	sdelay $0x1  }
0x1ee: {  	[tilespmem:s1+$0xFFFFFF80] =	vst v0;
	v0 =	vld [tilespmem:s1+$0xFFFFFF90]  }
0x1ef: {  	v1 =	vld [tilespmem:s5+$0xFFFFFF20];
	_ =	sdelay $0x4  }
0x1f0: {  	v0 =	vadd.f32 v1, v0;
	_ =	sdelay $0x1  }
0x1f1: {  	[tilespmem:s1+$0xFFFFFF90] =	vst v0;
	v0 =	vld [tilespmem:s1+$0xFFFFFFA0]  }
0x1f2: {  	v1 =	vld [tilespmem:s5+$0xFFFFFF30];
	_ =	sdelay $0x4  }
0x1f3: {  	v0 =	vadd.f32 v1, v0;
	_ =	sdelay $0x1  }
0x1f4: {  	[tilespmem:s1+$0xFFFFFFA0] =	vst v0;
	v0 =	vld [tilespmem:s1+$0xFFFFFFB0]  }
0x1f5: {  	v1 =	vld [tilespmem:s5+$0xFFFFFF40];
	_ =	sdelay $0x4  }
0x1f6: {  	v0 =	vadd.f32 v1, v0;
	_ =	sdelay $0x1  }
0x1f7: {  	[tilespmem:s1+$0xFFFFFFB0] =	vst v0;
	v0 =	vld [tilespmem:s1+$0xFFFFFFC0]  }
0x1f8: {  	v1 =	vld [tilespmem:s5+$0xFFFFFF50];
	_ =	sdelay $0x4  }
0x1f9: {  	v0 =	vadd.f32 v1, v0;
	_ =	sdelay $0x1  }
0x1fa: {  	[tilespmem:s1+$0xFFFFFFC0] =	vst v0;
	v0 =	vld [tilespmem:s1+$0xFFFFFFD0]  }
0x1fb: {  	v1 =	vld [tilespmem:s5+$0xFFFFFF60];
	_ =	sdelay $0x4  }
0x1fc: {  	v0 =	vadd.f32 v1, v0;
	_ =	sdelay $0x1  }
0x1fd: {  	[tilespmem:s1+$0xFFFFFFD0] =	vst v0;
	v0 =	vld [tilespmem:s1+$0xFFFFFFE0]  }
0x1fe: {  	v1 =	vld [tilespmem:s5+$0xFFFFFF70];
	_ =	sdelay $0x4  }
0x1ff: {  	v0 =	vadd.f32 v1, v0;
	_ =	sdelay $0x1  }
0x200: {  	[tilespmem:s1+$0xFFFFFFE0] =	vst v0;
	v0 =	vld [tilespmem:s1+$0xFFFFFFF0]  }
0x201: {  	v1 =	vld [tilespmem:s5+$0xFFFFFF80];
	_ =	sdelay $0x4  }
0x202: {  	v0 =	vadd.f32 v1, v0;
	_ =	sdelay $0x1  }
0x203: {  	[tilespmem:s1+$0xFFFFFFF0] =	vst v0;
	v0 =	vld [tilespmem:s1+$0x0]  }
0x204: {  	v1 =	vld [tilespmem:s5+$0xFFFFFF90];
	_ =	sdelay $0x4  }
0x205: {  	v0 =	vadd.f32 v1, v0;
	_ =	sdelay $0x1  }
0x206: {  	[tilespmem:s1+$0x0] =	vst v0;
	v0 =	vld [tilespmem:s1+$0x10]  }
0x207: {  	v1 =	vld [tilespmem:s5+$0xFFFFFFA0];
	_ =	sdelay $0x4  }
0x208: {  	v0 =	vadd.f32 v1, v0;
	_ =	sdelay $0x1  }
0x209: {  	[tilespmem:s1+$0x10] =	vst v0;
	v0 =	vld [tilespmem:s1+$0x20]  }
0x20a: {  	v1 =	vld [tilespmem:s5+$0xFFFFFFB0];
	_ =	sdelay $0x4  }
0x20b: {  	v0 =	vadd.f32 v1, v0;
	_ =	sdelay $0x1  }
0x20c: {  	[tilespmem:s1+$0x20] =	vst v0;
	v0 =	vld [tilespmem:s1+$0x30]  }
0x20d: {  	v1 =	vld [tilespmem:s5+$0xFFFFFFC0];
	_ =	sdelay $0x4  }
0x20e: {  	v0 =	vadd.f32 v1, v0;
	_ =	sdelay $0x1  }
0x20f: {  	[tilespmem:s1+$0x30] =	vst v0;
	v0 =	vld [tilespmem:s1+$0x40]  }
0x210: {  	v1 =	vld [tilespmem:s5+$0xFFFFFFD0];
	_ =	sdelay $0x4  }
0x211: {  	v0 =	vadd.f32 v1, v0;
	_ =	sdelay $0x1  }
0x212: {  	[tilespmem:s1+$0x40] =	vst v0;
	v0 =	vld [tilespmem:s1+$0x50]  }
0x213: {  	v1 =	vld [tilespmem:s5+$0xFFFFFFE0];
	_ =	sdelay $0x4  }
0x214: {  	v0 =	vadd.f32 v1, v0;
	_ =	sdelay $0x1  }
0x215: {  	[tilespmem:s1+$0x50] =	vst v0;
	v0 =	vld [tilespmem:s1+$0x60]  }
0x216: {  	v1 =	vld [tilespmem:s5+$0xFFFFFFF0];
	_ =	sdelay $0x4  }
0x217: {  	v0 =	vadd.f32 v1, v0;
	_ =	sdelay $0x1  }
0x218: {  	[tilespmem:s1+$0x60] =	vst v0;
	v0 =	vld [tilespmem:s1+$0x70]  }
0x219: {  	v1 =	vld [tilespmem:s5+$0x0];
	_ =	sdelay $0x1  }
.Ltmp2:
0x21a: {  	(pc) =	sbr.rel @p1 .LBB2_7-.Ltmp2, $3  }
0x21b: {  	_ =	sdelay $0x1  }
0x21c: {  	v0 =	vadd.f32 v1, v0  }
0x21d: {  	s1 =	sadd.s32 $0x100, s1  }
0x21e: {  	s1 =	sadd.s32 s6, s24  }
0x21f: {  	s1 =	sshll.u32 s1, $0xA  }
0x220: {  	s1 =	sand.u32 $0x1FFFE800, s1  }
0x221: {  	[tilespmem:s8+$0x70] =	vst v0;
	s5 =	simm.s32 $0xF600;
	s1 =	sadd.s32 s11, s1  }
0x222: {  	[hbm4b:s1+s3] =	stream.linear.scatter [tilespmem:s5], [sflag:$0xB], $0x2000, $0x38;
	[tilespmem:$0x1B600] =	vst v63  }
0x223: {  	s1 =	simm.s32 @!p0 $0x10  }
0x224: {  	_ =	swait.ge @!p0 [sflag:s1], $0x2000  }
0x225: {  	s5 =	sor.u32 $0x7, s2;
	[sflag:s1] =	ssyncset.done @!p0 $0x0  }
0x226: {  	[sflag:s1] =	ssyncadd.s32 @!p0 $0xFFFFE000;
	s1 =	sshll.u32 s5, $0x7  }
0x227: {  	v0 =	vld [tilespmem:s1+$0x0];
	_ =	sdelay $0x6  }
0x228: {  	s31 =	smov.u32 s11;
	s11 =	simm.s32 $0x19600  }
0x229: {  	[tilespmem:s11], [sflag:$0x8] =	stream.indirect_vreg.gather [hbm4b:s4+s3], $0x40, v0, vm0, $0xb8;
	[tilespmem:$0x1B600] =	vst v63  }
0x22a: {  	v0 =	vld [tilespmem:s1+$0x10];
	_ =	sdelay $0x6  }
0x22b: {  	s24 =	simm.s32 $0x19A00  }
0x22c: {  	[tilespmem:s24], [sflag:$0x8] =	stream.indirect_vreg.gather [hbm4b:s4+s3], $0x40, v0, vm0, $0xb8;
	[tilespmem:$0x1B600] =	vst v63  }
0x22d: {  	v0 =	vld [tilespmem:s1+$0x20];
	_ =	sdelay $0x6  }
0x22e: {  	s24 =	simm.s32 $0x19E00  }
0x22f: {  	[tilespmem:s24], [sflag:$0x8] =	stream.indirect_vreg.gather [hbm4b:s4+s3], $0x40, v0, vm0, $0xb8;
	[tilespmem:$0x1B600] =	vst v63  }
0x230: {  	v0 =	vld [tilespmem:s1+$0x30];
	_ =	sdelay $0x6  }
0x231: {  	s24 =	simm.s32 $0x1A200  }
0x232: {  	[tilespmem:s24], [sflag:$0x8] =	stream.indirect_vreg.gather [hbm4b:s4+s3], $0x40, v0, vm0, $0xb8;
	[tilespmem:$0x1B600] =	vst v63  }
0x233: {  	v0 =	vld [tilespmem:s1+$0x40];
	_ =	sdelay $0x6  }
0x234: {  	s24 =	simm.s32 $0x1A600  }
0x235: {  	[tilespmem:s24], [sflag:$0x8] =	stream.indirect_vreg.gather [hbm4b:s4+s3], $0x40, v0, vm0, $0xb8;
	[tilespmem:$0x1B600] =	vst v63  }
0x236: {  	v0 =	vld [tilespmem:s1+$0x50];
	_ =	sdelay $0x6  }
0x237: {  	s24 =	simm.s32 $0x1AA00  }
0x238: {  	[tilespmem:s24], [sflag:$0x8] =	stream.indirect_vreg.gather [hbm4b:s4+s3], $0x40, v0, vm0, $0xb8;
	[tilespmem:$0x1B600] =	vst v63  }
0x239: {  	v0 =	vld [tilespmem:s1+$0x60];
	_ =	sdelay $0x6  }
0x23a: {  	s24 =	simm.s32 $0x1AE00  }
0x23b: {  	[tilespmem:s24], [sflag:$0x8] =	stream.indirect_vreg.gather [hbm4b:s4+s3], $0x40, v0, vm0, $0xb8;
	[tilespmem:$0x1B600] =	vst v63  }
0x23c: {  	v0 =	vld [tilespmem:s1+$0x70];
	_ =	sdelay $0x6  }
0x23d: {  	s8 =	simm.s32 $0x1B200;
	s24 =	simm.s32 $0x4  }
0x23e: {  	[tilespmem:s8], [sflag:$0x8] =	stream.indirect_vreg.gather [hbm4b:s4+s3], $0x40, v0, vm0, $0xb8;
	[tilespmem:$0x1B600] =	vst v63  }
0x23f: {  	_ =	swait.ge [sflag:s24], $0x2000  }
0x240: {  	[sflag:s24] =	ssyncset.done $0x0  }
0x241: {  	s8 =	simm.s32 $0x11680;
	[sflag:s24] =	ssyncadd.s32 $0xFFFFE000  }
0x242: {  	v0 =	vld [tilespmem:s8+$0xFFFFFF80]  }
0x243: {  	v1 =	vld [tilespmem:s26+$0xFFFFFF10];
	_ =	sdelay $0x4  }
0x244: {  	v0 =	vadd.f32 v1, v0;
	_ =	sdelay $0x1  }
0x245: {  	[tilespmem:s8+$0xFFFFFF80] =	vst v0;
	v0 =	vld [tilespmem:s8+$0xFFFFFF90]  }
0x246: {  	v1 =	vld [tilespmem:s26+$0xFFFFFF20];
	_ =	sdelay $0x4  }
0x247: {  	v0 =	vadd.f32 v1, v0;
	_ =	sdelay $0x1  }
0x248: {  	[tilespmem:s8+$0xFFFFFF90] =	vst v0;
	v0 =	vld [tilespmem:s8+$0xFFFFFFA0]  }
0x249: {  	v1 =	vld [tilespmem:s26+$0xFFFFFF30];
	_ =	sdelay $0x4  }
0x24a: {  	v0 =	vadd.f32 v1, v0;
	_ =	sdelay $0x1  }
0x24b: {  	[tilespmem:s8+$0xFFFFFFA0] =	vst v0;
	v0 =	vld [tilespmem:s8+$0xFFFFFFB0]  }
0x24c: {  	v1 =	vld [tilespmem:s26+$0xFFFFFF40];
	_ =	sdelay $0x4  }
0x24d: {  	v0 =	vadd.f32 v1, v0;
	_ =	sdelay $0x1  }
0x24e: {  	[tilespmem:s8+$0xFFFFFFB0] =	vst v0;
	v0 =	vld [tilespmem:s8+$0xFFFFFFC0]  }
0x24f: {  	v1 =	vld [tilespmem:s26+$0xFFFFFF50];
	_ =	sdelay $0x4  }
0x250: {  	v0 =	vadd.f32 v1, v0;
	_ =	sdelay $0x1  }
0x251: {  	[tilespmem:s8+$0xFFFFFFC0] =	vst v0;
	v0 =	vld [tilespmem:s8+$0xFFFFFFD0]  }
0x252: {  	v1 =	vld [tilespmem:s26+$0xFFFFFF60];
	_ =	sdelay $0x4  }
0x253: {  	v0 =	vadd.f32 v1, v0;
	_ =	sdelay $0x1  }
0x254: {  	[tilespmem:s8+$0xFFFFFFD0] =	vst v0;
	v0 =	vld [tilespmem:s8+$0xFFFFFFE0]  }
0x255: {  	v1 =	vld [tilespmem:s26+$0xFFFFFF70];
	_ =	sdelay $0x4  }
0x256: {  	v0 =	vadd.f32 v1, v0;
	_ =	sdelay $0x1  }
0x257: {  	[tilespmem:s8+$0xFFFFFFE0] =	vst v0;
	v0 =	vld [tilespmem:s8+$0xFFFFFFF0]  }
0x258: {  	v1 =	vld [tilespmem:s26+$0xFFFFFF80];
	_ =	sdelay $0x4  }
0x259: {  	v0 =	vadd.f32 v1, v0;
	_ =	sdelay $0x1  }
0x25a: {  	[tilespmem:s8+$0xFFFFFFF0] =	vst v0;
	v0 =	vld [tilespmem:s8+$0x0]  }
0x25b: {  	v1 =	vld [tilespmem:s26+$0xFFFFFF90];
	_ =	sdelay $0x4  }
0x25c: {  	v0 =	vadd.f32 v1, v0;
	_ =	sdelay $0x1  }
0x25d: {  	[tilespmem:s8+$0x0] =	vst v0;
	v0 =	vld [tilespmem:s8+$0x10]  }
0x25e: {  	v1 =	vld [tilespmem:s26+$0xFFFFFFA0];
	_ =	sdelay $0x4  }
0x25f: {  	v0 =	vadd.f32 v1, v0;
	_ =	sdelay $0x1  }
0x260: {  	[tilespmem:s8+$0x10] =	vst v0;
	v0 =	vld [tilespmem:s8+$0x20]  }
0x261: {  	v1 =	vld [tilespmem:s26+$0xFFFFFFB0];
	_ =	sdelay $0x4  }
0x262: {  	v0 =	vadd.f32 v1, v0;
	_ =	sdelay $0x1  }
0x263: {  	[tilespmem:s8+$0x20] =	vst v0;
	v0 =	vld [tilespmem:s8+$0x30]  }
0x264: {  	v1 =	vld [tilespmem:s26+$0xFFFFFFC0];
	_ =	sdelay $0x4  }
0x265: {  	v0 =	vadd.f32 v1, v0;
	_ =	sdelay $0x1  }
0x266: {  	[tilespmem:s8+$0x30] =	vst v0;
	v0 =	vld [tilespmem:s8+$0x40]  }
0x267: {  	v1 =	vld [tilespmem:s26+$0xFFFFFFD0];
	_ =	sdelay $0x4  }
0x268: {  	v0 =	vadd.f32 v1, v0;
	_ =	sdelay $0x1  }
0x269: {  	[tilespmem:s8+$0x40] =	vst v0;
	v0 =	vld [tilespmem:s8+$0x50]  }
0x26a: {  	v1 =	vld [tilespmem:s26+$0xFFFFFFE0];
	_ =	sdelay $0x4  }
0x26b: {  	v0 =	vadd.f32 v1, v0;
	_ =	sdelay $0x1  }
0x26c: {  	[tilespmem:s8+$0x50] =	vst v0;
	v0 =	vld [tilespmem:s8+$0x60]  }
0x26d: {  	v1 =	vld [tilespmem:s26+$0xFFFFFFF0];
	_ =	sdelay $0x4  }
0x26e: {  	v0 =	vadd.f32 v1, v0;
	_ =	sdelay $0x1  }
0x26f: {  	[tilespmem:s8+$0x60] =	vst v0;
	v0 =	vld [tilespmem:s8+$0x70]  }
0x270: {  	v1 =	vld [tilespmem:s26+$0x0];
	_ =	sdelay $0x4  }
0x271: {  	v0 =	vadd.f32 v1, v0  }
0x272: {  	s2 =	sor.u32 $0x3, s2;
	s1 =	simm.s32 $0x11780;
	s24 =	simm.s32 $0x0  }
.LBB2_9:
0x273: {  	v1 =	vld [tilespmem:s1+$0xFFFFFF80];
	[tilespmem:s8+$0x70] =	vst v0;
	s26 =	sadd.s32 $0x100, s26;
	s8 =	smov.u32 s1  }
0x274: {  	s24 =	sadd.s32 $0x4, s24;
	v0 =	vld [tilespmem:s26+$0xFFFFFF10]  }
0x275: {  	p0 =	slt.u32 s24, $0x7C;
	_ =	sdelay $0x3  }
0x276: {  	v0 =	vadd.f32 v0, v1;
	_ =	sdelay $0x1  }
0x277: {  	[tilespmem:s1+$0xFFFFFF80] =	vst v0;
	v0 =	vld [tilespmem:s1+$0xFFFFFF90]  }
0x278: {  	v1 =	vld [tilespmem:s26+$0xFFFFFF20];
	_ =	sdelay $0x4  }
0x279: {  	v0 =	vadd.f32 v1, v0;
	_ =	sdelay $0x1  }
0x27a: {  	[tilespmem:s1+$0xFFFFFF90] =	vst v0;
	v0 =	vld [tilespmem:s1+$0xFFFFFFA0]  }
0x27b: {  	v1 =	vld [tilespmem:s26+$0xFFFFFF30];
	_ =	sdelay $0x4  }
0x27c: {  	v0 =	vadd.f32 v1, v0;
	_ =	sdelay $0x1  }
0x27d: {  	[tilespmem:s1+$0xFFFFFFA0] =	vst v0;
	v0 =	vld [tilespmem:s1+$0xFFFFFFB0]  }
0x27e: {  	v1 =	vld [tilespmem:s26+$0xFFFFFF40];
	_ =	sdelay $0x4  }
0x27f: {  	v0 =	vadd.f32 v1, v0;
	_ =	sdelay $0x1  }
0x280: {  	[tilespmem:s1+$0xFFFFFFB0] =	vst v0;
	v0 =	vld [tilespmem:s1+$0xFFFFFFC0]  }
0x281: {  	v1 =	vld [tilespmem:s26+$0xFFFFFF50];
	_ =	sdelay $0x4  }
0x282: {  	v0 =	vadd.f32 v1, v0;
	_ =	sdelay $0x1  }
0x283: {  	[tilespmem:s1+$0xFFFFFFC0] =	vst v0;
	v0 =	vld [tilespmem:s1+$0xFFFFFFD0]  }
0x284: {  	v1 =	vld [tilespmem:s26+$0xFFFFFF60];
	_ =	sdelay $0x4  }
0x285: {  	v0 =	vadd.f32 v1, v0;
	_ =	sdelay $0x1  }
0x286: {  	[tilespmem:s1+$0xFFFFFFD0] =	vst v0;
	v0 =	vld [tilespmem:s1+$0xFFFFFFE0]  }
0x287: {  	v1 =	vld [tilespmem:s26+$0xFFFFFF70];
	_ =	sdelay $0x4  }
0x288: {  	v0 =	vadd.f32 v1, v0;
	_ =	sdelay $0x1  }
0x289: {  	[tilespmem:s1+$0xFFFFFFE0] =	vst v0;
	v0 =	vld [tilespmem:s1+$0xFFFFFFF0]  }
0x28a: {  	v1 =	vld [tilespmem:s26+$0xFFFFFF80];
	_ =	sdelay $0x4  }
0x28b: {  	v0 =	vadd.f32 v1, v0;
	_ =	sdelay $0x1  }
0x28c: {  	[tilespmem:s1+$0xFFFFFFF0] =	vst v0;
	v0 =	vld [tilespmem:s1+$0x0]  }
0x28d: {  	v1 =	vld [tilespmem:s26+$0xFFFFFF90];
	_ =	sdelay $0x4  }
0x28e: {  	v0 =	vadd.f32 v1, v0;
	_ =	sdelay $0x1  }
0x28f: {  	[tilespmem:s1+$0x0] =	vst v0;
	v0 =	vld [tilespmem:s1+$0x10]  }
0x290: {  	v1 =	vld [tilespmem:s26+$0xFFFFFFA0];
	_ =	sdelay $0x4  }
0x291: {  	v0 =	vadd.f32 v1, v0;
	_ =	sdelay $0x1  }
0x292: {  	[tilespmem:s1+$0x10] =	vst v0;
	v0 =	vld [tilespmem:s1+$0x20]  }
0x293: {  	v1 =	vld [tilespmem:s26+$0xFFFFFFB0];
	_ =	sdelay $0x4  }
0x294: {  	v0 =	vadd.f32 v1, v0;
	_ =	sdelay $0x1  }
0x295: {  	[tilespmem:s1+$0x20] =	vst v0;
	v0 =	vld [tilespmem:s1+$0x30]  }
0x296: {  	v1 =	vld [tilespmem:s26+$0xFFFFFFC0];
	_ =	sdelay $0x4  }
0x297: {  	v0 =	vadd.f32 v1, v0;
	_ =	sdelay $0x1  }
0x298: {  	[tilespmem:s1+$0x30] =	vst v0;
	v0 =	vld [tilespmem:s1+$0x40]  }
0x299: {  	v1 =	vld [tilespmem:s26+$0xFFFFFFD0];
	_ =	sdelay $0x4  }
0x29a: {  	v0 =	vadd.f32 v1, v0;
	_ =	sdelay $0x1  }
0x29b: {  	[tilespmem:s1+$0x40] =	vst v0;
	v0 =	vld [tilespmem:s1+$0x50]  }
0x29c: {  	v1 =	vld [tilespmem:s26+$0xFFFFFFE0];
	_ =	sdelay $0x4  }
0x29d: {  	v0 =	vadd.f32 v1, v0;
	_ =	sdelay $0x1  }
0x29e: {  	[tilespmem:s1+$0x50] =	vst v0;
	v0 =	vld [tilespmem:s1+$0x60]  }
0x29f: {  	v1 =	vld [tilespmem:s26+$0xFFFFFFF0];
	_ =	sdelay $0x4  }
0x2a0: {  	v0 =	vadd.f32 v1, v0;
	_ =	sdelay $0x1  }
0x2a1: {  	[tilespmem:s1+$0x60] =	vst v0;
	v0 =	vld [tilespmem:s1+$0x70]  }
0x2a2: {  	v1 =	vld [tilespmem:s26+$0x0];
	_ =	sdelay $0x1  }
.Ltmp3:
0x2a3: {  	(pc) =	sbr.rel @p0 .LBB2_9-.Ltmp3, $3  }
0x2a4: {  	_ =	sdelay $0x1  }
0x2a5: {  	v0 =	vadd.f32 v1, v0  }
0x2a6: {  	s1 =	sadd.s32 $0x100, s1  }
0x2a7: {  	s1 =	sadd.s32 s6, s2  }
0x2a8: {  	s1 =	sshll.u32 s1, $0xA  }
0x2a9: {  	s1 =	sand.u32 $0x1FFFEC00, s1  }
0x2aa: {  	[tilespmem:s8+$0x70] =	vst v0;
	s8 =	simm.s32 $0x11600;
	s24 =	simm.s32 $0x9;
	s1 =	sadd.s32 s31, s1  }
0x2ab: {  	[hbm4b:s1+s3] =	stream.linear.scatter [tilespmem:s8], [sflag:$0xC], $0x2000, $0x38;
	[tilespmem:$0x1B600] =	vst v63  }
0x2ac: {  	_ =	swait.ge [sflag:s24], $0x2000  }
0x2ad: {  	[sflag:s24] =	ssyncset.done $0x0  }
0x2ae: {  	p0 =	seq.s32 s21, $0x18;
	[sflag:s24] =	ssyncadd.s32 $0xFFFFE000  }
0x2af: {  	v0 =	vld @!p0 [tilespmem:s18+$0x400];
	_ =	sdelay $0x6  }
0x2b0: {  	vm1 =	vmmov @!p0 $0xffff;
	s2 =	simm.s32 @!p0 $0xB600;
	s1 =	simm.s32 @!p0 $0x0  }
0x2b1: {  	[tilespmem:s2], [sflag:$0x1] =	stream.indirect_vreg.gather @!p0 [hbm4b:s4+s1], $0x40, v0, vm1, $0xb8;
	[tilespmem:$0x1B600] =	vst v63  }
0x2b2: {  	v0 =	vld @!p0 [tilespmem:s18+$0x410];
	_ =	sdelay $0x6  }
0x2b3: {  	s2 =	simm.s32 @!p0 $0xBA00  }
0x2b4: {  	[tilespmem:s2], [sflag:$0x1] =	stream.indirect_vreg.gather @!p0 [hbm4b:s4+s1], $0x40, v0, vm1, $0xb8;
	[tilespmem:$0x1B600] =	vst v63  }
0x2b5: {  	v0 =	vld @!p0 [tilespmem:s18+$0x420];
	_ =	sdelay $0x6  }
0x2b6: {  	s2 =	simm.s32 @!p0 $0xBE00  }
0x2b7: {  	[tilespmem:s2], [sflag:$0x1] =	stream.indirect_vreg.gather @!p0 [hbm4b:s4+s1], $0x40, v0, vm1, $0xb8;
	[tilespmem:$0x1B600] =	vst v63  }
0x2b8: {  	v0 =	vld @!p0 [tilespmem:s18+$0x430];
	_ =	sdelay $0x6  }
0x2b9: {  	s2 =	simm.s32 @!p0 $0xC200  }
0x2ba: {  	[tilespmem:s2], [sflag:$0x1] =	stream.indirect_vreg.gather @!p0 [hbm4b:s4+s1], $0x40, v0, vm1, $0xb8;
	[tilespmem:$0x1B600] =	vst v63  }
0x2bb: {  	v0 =	vld @!p0 [tilespmem:s18+$0x440];
	_ =	sdelay $0x6  }
0x2bc: {  	s2 =	simm.s32 @!p0 $0xC600  }
0x2bd: {  	[tilespmem:s2], [sflag:$0x1] =	stream.indirect_vreg.gather @!p0 [hbm4b:s4+s1], $0x40, v0, vm1, $0xb8;
	[tilespmem:$0x1B600] =	vst v63  }
0x2be: {  	v0 =	vld @!p0 [tilespmem:s18+$0x450];
	_ =	sdelay $0x6  }
0x2bf: {  	s2 =	simm.s32 @!p0 $0xCA00  }
0x2c0: {  	[tilespmem:s2], [sflag:$0x1] =	stream.indirect_vreg.gather @!p0 [hbm4b:s4+s1], $0x40, v0, vm1, $0xb8;
	[tilespmem:$0x1B600] =	vst v63  }
0x2c1: {  	v0 =	vld @!p0 [tilespmem:s18+$0x460];
	_ =	sdelay $0x6  }
0x2c2: {  	s2 =	simm.s32 @!p0 $0xCE00  }
0x2c3: {  	[tilespmem:s2], [sflag:$0x1] =	stream.indirect_vreg.gather @!p0 [hbm4b:s4+s1], $0x40, v0, vm1, $0xb8;
	[tilespmem:$0x1B600] =	vst v63  }
0x2c4: {  	v0 =	vld @!p0 [tilespmem:s18+$0x470];
	_ =	sdelay $0x6  }
0x2c5: {  	s26 =	simm.s32 $0x5;
	s2 =	simm.s32 @!p0 $0xD200  }
0x2c6: {  	[tilespmem:s2], [sflag:$0x1] =	stream.indirect_vreg.gather @!p0 [hbm4b:s4+s1], $0x40, v0, vm1, $0xb8;
	[tilespmem:$0x1B600] =	vst v63  }
0x2c7: {  	_ =	swait.ge [sflag:s26], $0x2000  }
0x2c8: {  	[sflag:s26] =	ssyncset.done $0x0  }
0x2c9: {  	s2 =	simm.s32 $0x13680;
	[sflag:s26] =	ssyncadd.s32 $0xFFFFE000  }
0x2ca: {  	v0 =	vld [tilespmem:s2+$0xFFFFFF80]  }
0x2cb: {  	v1 =	vld [tilespmem:s25+$0xFFFFFF10];
	_ =	sdelay $0x4  }
0x2cc: {  	v0 =	vadd.f32 v1, v0;
	_ =	sdelay $0x1  }
0x2cd: {  	[tilespmem:s2+$0xFFFFFF80] =	vst v0;
	v0 =	vld [tilespmem:s2+$0xFFFFFF90]  }
0x2ce: {  	v1 =	vld [tilespmem:s25+$0xFFFFFF20];
	_ =	sdelay $0x4  }
0x2cf: {  	v0 =	vadd.f32 v1, v0;
	_ =	sdelay $0x1  }
0x2d0: {  	[tilespmem:s2+$0xFFFFFF90] =	vst v0;
	v0 =	vld [tilespmem:s2+$0xFFFFFFA0]  }
0x2d1: {  	v1 =	vld [tilespmem:s25+$0xFFFFFF30];
	_ =	sdelay $0x4  }
0x2d2: {  	v0 =	vadd.f32 v1, v0;
	_ =	sdelay $0x1  }
0x2d3: {  	[tilespmem:s2+$0xFFFFFFA0] =	vst v0;
	v0 =	vld [tilespmem:s2+$0xFFFFFFB0]  }
0x2d4: {  	v1 =	vld [tilespmem:s25+$0xFFFFFF40];
	_ =	sdelay $0x4  }
0x2d5: {  	v0 =	vadd.f32 v1, v0;
	_ =	sdelay $0x1  }
0x2d6: {  	[tilespmem:s2+$0xFFFFFFB0] =	vst v0;
	v0 =	vld [tilespmem:s2+$0xFFFFFFC0]  }
0x2d7: {  	v1 =	vld [tilespmem:s25+$0xFFFFFF50];
	_ =	sdelay $0x4  }
0x2d8: {  	v0 =	vadd.f32 v1, v0;
	_ =	sdelay $0x1  }
0x2d9: {  	[tilespmem:s2+$0xFFFFFFC0] =	vst v0;
	v0 =	vld [tilespmem:s2+$0xFFFFFFD0]  }
0x2da: {  	v1 =	vld [tilespmem:s25+$0xFFFFFF60];
	_ =	sdelay $0x4  }
0x2db: {  	v0 =	vadd.f32 v1, v0;
	_ =	sdelay $0x1  }
0x2dc: {  	[tilespmem:s2+$0xFFFFFFD0] =	vst v0;
	v0 =	vld [tilespmem:s2+$0xFFFFFFE0]  }
0x2dd: {  	v1 =	vld [tilespmem:s25+$0xFFFFFF70];
	_ =	sdelay $0x4  }
0x2de: {  	v0 =	vadd.f32 v1, v0;
	_ =	sdelay $0x1  }
0x2df: {  	[tilespmem:s2+$0xFFFFFFE0] =	vst v0;
	v0 =	vld [tilespmem:s2+$0xFFFFFFF0]  }
0x2e0: {  	v1 =	vld [tilespmem:s25+$0xFFFFFF80];
	_ =	sdelay $0x4  }
0x2e1: {  	v0 =	vadd.f32 v1, v0;
	_ =	sdelay $0x1  }
0x2e2: {  	[tilespmem:s2+$0xFFFFFFF0] =	vst v0;
	v0 =	vld [tilespmem:s2+$0x0]  }
0x2e3: {  	v1 =	vld [tilespmem:s25+$0xFFFFFF90];
	_ =	sdelay $0x4  }
0x2e4: {  	v0 =	vadd.f32 v1, v0;
	_ =	sdelay $0x1  }
0x2e5: {  	[tilespmem:s2+$0x0] =	vst v0;
	v0 =	vld [tilespmem:s2+$0x10]  }
0x2e6: {  	v1 =	vld [tilespmem:s25+$0xFFFFFFA0];
	_ =	sdelay $0x4  }
0x2e7: {  	v0 =	vadd.f32 v1, v0;
	_ =	sdelay $0x1  }
0x2e8: {  	[tilespmem:s2+$0x10] =	vst v0;
	v0 =	vld [tilespmem:s2+$0x20]  }
0x2e9: {  	v1 =	vld [tilespmem:s25+$0xFFFFFFB0];
	_ =	sdelay $0x4  }
0x2ea: {  	v0 =	vadd.f32 v1, v0;
	_ =	sdelay $0x1  }
0x2eb: {  	[tilespmem:s2+$0x20] =	vst v0;
	v0 =	vld [tilespmem:s2+$0x30]  }
0x2ec: {  	v1 =	vld [tilespmem:s25+$0xFFFFFFC0];
	_ =	sdelay $0x4  }
0x2ed: {  	v0 =	vadd.f32 v1, v0;
	_ =	sdelay $0x1  }
0x2ee: {  	[tilespmem:s2+$0x30] =	vst v0;
	v0 =	vld [tilespmem:s2+$0x40]  }
0x2ef: {  	v1 =	vld [tilespmem:s25+$0xFFFFFFD0];
	_ =	sdelay $0x4  }
0x2f0: {  	v0 =	vadd.f32 v1, v0;
	_ =	sdelay $0x1  }
0x2f1: {  	[tilespmem:s2+$0x40] =	vst v0;
	v0 =	vld [tilespmem:s2+$0x50]  }
0x2f2: {  	v1 =	vld [tilespmem:s25+$0xFFFFFFE0];
	_ =	sdelay $0x4  }
0x2f3: {  	v0 =	vadd.f32 v1, v0;
	_ =	sdelay $0x1  }
0x2f4: {  	[tilespmem:s2+$0x50] =	vst v0;
	v0 =	vld [tilespmem:s2+$0x60]  }
0x2f5: {  	v1 =	vld [tilespmem:s25+$0xFFFFFFF0];
	_ =	sdelay $0x4  }
0x2f6: {  	v0 =	vadd.f32 v1, v0;
	_ =	sdelay $0x1  }
0x2f7: {  	[tilespmem:s2+$0x60] =	vst v0;
	v0 =	vld [tilespmem:s2+$0x70]  }
0x2f8: {  	v1 =	vld [tilespmem:s25+$0x0];
	_ =	sdelay $0x4  }
0x2f9: {  	v0 =	vadd.f32 v1, v0  }
0x2fa: {  	s8 =	simm.s32 $0x0;
	s1 =	simm.s32 $0x13780  }
.LBB2_11:
0x2fb: {  	v1 =	vld [tilespmem:s1+$0xFFFFFF80];
	[tilespmem:s2+$0x70] =	vst v0;
	s25 =	sadd.s32 $0x100, s25;
	s2 =	smov.u32 s1  }
0x2fc: {  	s8 =	sadd.s32 $0x4, s8;
	v0 =	vld [tilespmem:s25+$0xFFFFFF10]  }
0x2fd: {  	p1 =	slt.u32 s8, $0x7C;
	_ =	sdelay $0x3  }
0x2fe: {  	v0 =	vadd.f32 v0, v1;
	_ =	sdelay $0x1  }
0x2ff: {  	[tilespmem:s1+$0xFFFFFF80] =	vst v0;
	v0 =	vld [tilespmem:s1+$0xFFFFFF90]  }
0x300: {  	v1 =	vld [tilespmem:s25+$0xFFFFFF20];
	_ =	sdelay $0x4  }
0x301: {  	v0 =	vadd.f32 v1, v0;
	_ =	sdelay $0x1  }
0x302: {  	[tilespmem:s1+$0xFFFFFF90] =	vst v0;
	v0 =	vld [tilespmem:s1+$0xFFFFFFA0]  }
0x303: {  	v1 =	vld [tilespmem:s25+$0xFFFFFF30];
	_ =	sdelay $0x4  }
0x304: {  	v0 =	vadd.f32 v1, v0;
	_ =	sdelay $0x1  }
0x305: {  	[tilespmem:s1+$0xFFFFFFA0] =	vst v0;
	v0 =	vld [tilespmem:s1+$0xFFFFFFB0]  }
0x306: {  	v1 =	vld [tilespmem:s25+$0xFFFFFF40];
	_ =	sdelay $0x4  }
0x307: {  	v0 =	vadd.f32 v1, v0;
	_ =	sdelay $0x1  }
0x308: {  	[tilespmem:s1+$0xFFFFFFB0] =	vst v0;
	v0 =	vld [tilespmem:s1+$0xFFFFFFC0]  }
0x309: {  	v1 =	vld [tilespmem:s25+$0xFFFFFF50];
	_ =	sdelay $0x4  }
0x30a: {  	v0 =	vadd.f32 v1, v0;
	_ =	sdelay $0x1  }
0x30b: {  	[tilespmem:s1+$0xFFFFFFC0] =	vst v0;
	v0 =	vld [tilespmem:s1+$0xFFFFFFD0]  }
0x30c: {  	v1 =	vld [tilespmem:s25+$0xFFFFFF60];
	_ =	sdelay $0x4  }
0x30d: {  	v0 =	vadd.f32 v1, v0;
	_ =	sdelay $0x1  }
0x30e: {  	[tilespmem:s1+$0xFFFFFFD0] =	vst v0;
	v0 =	vld [tilespmem:s1+$0xFFFFFFE0]  }
0x30f: {  	v1 =	vld [tilespmem:s25+$0xFFFFFF70];
	_ =	sdelay $0x4  }
0x310: {  	v0 =	vadd.f32 v1, v0;
	_ =	sdelay $0x1  }
0x311: {  	[tilespmem:s1+$0xFFFFFFE0] =	vst v0;
	v0 =	vld [tilespmem:s1+$0xFFFFFFF0]  }
0x312: {  	v1 =	vld [tilespmem:s25+$0xFFFFFF80];
	_ =	sdelay $0x4  }
0x313: {  	v0 =	vadd.f32 v1, v0;
	_ =	sdelay $0x1  }
0x314: {  	[tilespmem:s1+$0xFFFFFFF0] =	vst v0;
	v0 =	vld [tilespmem:s1+$0x0]  }
0x315: {  	v1 =	vld [tilespmem:s25+$0xFFFFFF90];
	_ =	sdelay $0x4  }
0x316: {  	v0 =	vadd.f32 v1, v0;
	_ =	sdelay $0x1  }
0x317: {  	[tilespmem:s1+$0x0] =	vst v0;
	v0 =	vld [tilespmem:s1+$0x10]  }
0x318: {  	v1 =	vld [tilespmem:s25+$0xFFFFFFA0];
	_ =	sdelay $0x4  }
0x319: {  	v0 =	vadd.f32 v1, v0;
	_ =	sdelay $0x1  }
0x31a: {  	[tilespmem:s1+$0x10] =	vst v0;
	v0 =	vld [tilespmem:s1+$0x20]  }
0x31b: {  	v1 =	vld [tilespmem:s25+$0xFFFFFFB0];
	_ =	sdelay $0x4  }
0x31c: {  	v0 =	vadd.f32 v1, v0;
	_ =	sdelay $0x1  }
0x31d: {  	[tilespmem:s1+$0x20] =	vst v0;
	v0 =	vld [tilespmem:s1+$0x30]  }
0x31e: {  	v1 =	vld [tilespmem:s25+$0xFFFFFFC0];
	_ =	sdelay $0x4  }
0x31f: {  	v0 =	vadd.f32 v1, v0;
	_ =	sdelay $0x1  }
0x320: {  	[tilespmem:s1+$0x30] =	vst v0;
	v0 =	vld [tilespmem:s1+$0x40]  }
0x321: {  	v1 =	vld [tilespmem:s25+$0xFFFFFFD0];
	_ =	sdelay $0x4  }
0x322: {  	v0 =	vadd.f32 v1, v0;
	_ =	sdelay $0x1  }
0x323: {  	[tilespmem:s1+$0x40] =	vst v0;
	v0 =	vld [tilespmem:s1+$0x50]  }
0x324: {  	v1 =	vld [tilespmem:s25+$0xFFFFFFE0];
	_ =	sdelay $0x4  }
0x325: {  	v0 =	vadd.f32 v1, v0;
	_ =	sdelay $0x1  }
0x326: {  	[tilespmem:s1+$0x50] =	vst v0;
	v0 =	vld [tilespmem:s1+$0x60]  }
0x327: {  	v1 =	vld [tilespmem:s25+$0xFFFFFFF0];
	_ =	sdelay $0x4  }
0x328: {  	v0 =	vadd.f32 v1, v0;
	_ =	sdelay $0x1  }
0x329: {  	[tilespmem:s1+$0x60] =	vst v0;
	v0 =	vld [tilespmem:s1+$0x70]  }
0x32a: {  	v1 =	vld [tilespmem:s25+$0x0];
	_ =	sdelay $0x1  }
.Ltmp4:
0x32b: {  	(pc) =	sbr.rel @p1 .LBB2_11-.Ltmp4, $3  }
0x32c: {  	_ =	sdelay $0x1  }
0x32d: {  	v0 =	vadd.f32 v1, v0  }
0x32e: {  	s1 =	sadd.s32 $0x100, s1  }
0x32f: {  	s1 =	rddreg [dreg:$0xa]  }
0x330: {  	s1 =	sadd.s32 s6, s1  }
0x331: {  	s1 =	sshll.u32 s1, $0xA  }
0x332: {  	s1 =	sand.u32 $0x1FFFF000, s1  }
0x333: {  	[tilespmem:s2+$0x70] =	vst v0;
	s24 =	simm.s32 $0x13600;
	s25 =	simm.s32 $0xA;
	s1 =	sadd.s32 s31, s1  }
0x334: {  	[hbm4b:s1+s3] =	stream.linear.scatter [tilespmem:s24], [sflag:$0xD], $0x2000, $0x38;
	[tilespmem:$0x1B600] =	vst v63  }
0x335: {  	_ =	swait.ge [sflag:s25], $0x2000  }
0x336: {  	[sflag:s25] =	ssyncset.done $0x0  }
0x337: {  	[sflag:s25] =	ssyncadd.s32 $0xFFFFE000  }
0x338: {  	v0 =	vld @!p0 [tilespmem:s18+$0x480];
	_ =	sdelay $0x6  }
0x339: {  	s2 =	simm.s32 @!p0 $0xD600;
	s1 =	simm.s32 @!p0 $0x0  }
0x33a: {  	[tilespmem:s2], [sflag:$0x2] =	stream.indirect_vreg.gather @!p0 [hbm4b:s4+s1], $0x40, v0, vm1, $0xb8;
	[tilespmem:$0x1B600] =	vst v63  }
0x33b: {  	v0 =	vld @!p0 [tilespmem:s18+$0x490];
	_ =	sdelay $0x6  }
0x33c: {  	s2 =	simm.s32 @!p0 $0xDA00  }
0x33d: {  	[tilespmem:s2], [sflag:$0x2] =	stream.indirect_vreg.gather @!p0 [hbm4b:s4+s1], $0x40, v0, vm1, $0xb8;
	[tilespmem:$0x1B600] =	vst v63  }
0x33e: {  	v0 =	vld @!p0 [tilespmem:s18+$0x4A0];
	_ =	sdelay $0x6  }
0x33f: {  	s2 =	simm.s32 @!p0 $0xDE00  }
0x340: {  	[tilespmem:s2], [sflag:$0x2] =	stream.indirect_vreg.gather @!p0 [hbm4b:s4+s1], $0x40, v0, vm1, $0xb8;
	[tilespmem:$0x1B600] =	vst v63  }
0x341: {  	v0 =	vld @!p0 [tilespmem:s18+$0x4B0];
	_ =	sdelay $0x6  }
0x342: {  	s2 =	simm.s32 @!p0 $0xE200  }
0x343: {  	[tilespmem:s2], [sflag:$0x2] =	stream.indirect_vreg.gather @!p0 [hbm4b:s4+s1], $0x40, v0, vm1, $0xb8;
	[tilespmem:$0x1B600] =	vst v63  }
0x344: {  	v0 =	vld @!p0 [tilespmem:s18+$0x4C0];
	_ =	sdelay $0x6  }
0x345: {  	s2 =	simm.s32 @!p0 $0xE600  }
0x346: {  	[tilespmem:s2], [sflag:$0x2] =	stream.indirect_vreg.gather @!p0 [hbm4b:s4+s1], $0x40, v0, vm1, $0xb8;
	[tilespmem:$0x1B600] =	vst v63  }
0x347: {  	v0 =	vld @!p0 [tilespmem:s18+$0x4D0];
	_ =	sdelay $0x6  }
0x348: {  	s2 =	simm.s32 @!p0 $0xEA00  }
0x349: {  	[tilespmem:s2], [sflag:$0x2] =	stream.indirect_vreg.gather @!p0 [hbm4b:s4+s1], $0x40, v0, vm1, $0xb8;
	[tilespmem:$0x1B600] =	vst v63  }
0x34a: {  	v0 =	vld @!p0 [tilespmem:s18+$0x4E0];
	_ =	sdelay $0x6  }
0x34b: {  	s2 =	simm.s32 @!p0 $0xEE00  }
0x34c: {  	[tilespmem:s2], [sflag:$0x2] =	stream.indirect_vreg.gather @!p0 [hbm4b:s4+s1], $0x40, v0, vm1, $0xb8;
	[tilespmem:$0x1B600] =	vst v63  }
0x34d: {  	v0 =	vld @!p0 [tilespmem:s18+$0x4F0];
	_ =	sdelay $0x6  }
0x34e: {  	s26 =	simm.s32 $0x6;
	s2 =	simm.s32 @!p0 $0xF200  }
0x34f: {  	[tilespmem:s2], [sflag:$0x2] =	stream.indirect_vreg.gather @!p0 [hbm4b:s4+s1], $0x40, v0, vm1, $0xb8;
	[tilespmem:$0x1B600] =	vst v63  }
0x350: {  	_ =	swait.ge [sflag:s26], $0x2000  }
0x351: {  	[sflag:s26] =	ssyncset.done $0x0  }
0x352: {  	s2 =	simm.s32 $0x15680;
	[sflag:s26] =	ssyncadd.s32 $0xFFFFE000  }
0x353: {  	v0 =	vld [tilespmem:s2+$0xFFFFFF80]  }
0x354: {  	v1 =	vld [tilespmem:s7+$0xFFFFFF10];
	_ =	sdelay $0x4  }
0x355: {  	v0 =	vadd.f32 v1, v0;
	_ =	sdelay $0x1  }
0x356: {  	[tilespmem:s2+$0xFFFFFF80] =	vst v0;
	v0 =	vld [tilespmem:s2+$0xFFFFFF90]  }
0x357: {  	v1 =	vld [tilespmem:s7+$0xFFFFFF20];
	_ =	sdelay $0x4  }
0x358: {  	v0 =	vadd.f32 v1, v0;
	_ =	sdelay $0x1  }
0x359: {  	[tilespmem:s2+$0xFFFFFF90] =	vst v0;
	v0 =	vld [tilespmem:s2+$0xFFFFFFA0]  }
0x35a: {  	v1 =	vld [tilespmem:s7+$0xFFFFFF30];
	_ =	sdelay $0x4  }
0x35b: {  	v0 =	vadd.f32 v1, v0;
	_ =	sdelay $0x1  }
0x35c: {  	[tilespmem:s2+$0xFFFFFFA0] =	vst v0;
	v0 =	vld [tilespmem:s2+$0xFFFFFFB0]  }
0x35d: {  	v1 =	vld [tilespmem:s7+$0xFFFFFF40];
	_ =	sdelay $0x4  }
0x35e: {  	v0 =	vadd.f32 v1, v0;
	_ =	sdelay $0x1  }
0x35f: {  	[tilespmem:s2+$0xFFFFFFB0] =	vst v0;
	v0 =	vld [tilespmem:s2+$0xFFFFFFC0]  }
0x360: {  	v1 =	vld [tilespmem:s7+$0xFFFFFF50];
	_ =	sdelay $0x4  }
0x361: {  	v0 =	vadd.f32 v1, v0;
	_ =	sdelay $0x1  }
0x362: {  	[tilespmem:s2+$0xFFFFFFC0] =	vst v0;
	v0 =	vld [tilespmem:s2+$0xFFFFFFD0]  }
0x363: {  	v1 =	vld [tilespmem:s7+$0xFFFFFF60];
	_ =	sdelay $0x4  }
0x364: {  	v0 =	vadd.f32 v1, v0;
	_ =	sdelay $0x1  }
0x365: {  	[tilespmem:s2+$0xFFFFFFD0] =	vst v0;
	v0 =	vld [tilespmem:s2+$0xFFFFFFE0]  }
0x366: {  	v1 =	vld [tilespmem:s7+$0xFFFFFF70];
	_ =	sdelay $0x4  }
0x367: {  	v0 =	vadd.f32 v1, v0;
	_ =	sdelay $0x1  }
0x368: {  	[tilespmem:s2+$0xFFFFFFE0] =	vst v0;
	v0 =	vld [tilespmem:s2+$0xFFFFFFF0]  }
0x369: {  	v1 =	vld [tilespmem:s7+$0xFFFFFF80];
	_ =	sdelay $0x4  }
0x36a: {  	v0 =	vadd.f32 v1, v0;
	_ =	sdelay $0x1  }
0x36b: {  	[tilespmem:s2+$0xFFFFFFF0] =	vst v0;
	v0 =	vld [tilespmem:s2+$0x0]  }
0x36c: {  	v1 =	vld [tilespmem:s7+$0xFFFFFF90];
	_ =	sdelay $0x4  }
0x36d: {  	v0 =	vadd.f32 v1, v0;
	_ =	sdelay $0x1  }
0x36e: {  	[tilespmem:s2+$0x0] =	vst v0;
	v0 =	vld [tilespmem:s2+$0x10]  }
0x36f: {  	v1 =	vld [tilespmem:s7+$0xFFFFFFA0];
	_ =	sdelay $0x4  }
0x370: {  	v0 =	vadd.f32 v1, v0;
	_ =	sdelay $0x1  }
0x371: {  	[tilespmem:s2+$0x10] =	vst v0;
	v0 =	vld [tilespmem:s2+$0x20]  }
0x372: {  	v1 =	vld [tilespmem:s7+$0xFFFFFFB0];
	_ =	sdelay $0x4  }
0x373: {  	v0 =	vadd.f32 v1, v0;
	_ =	sdelay $0x1  }
0x374: {  	[tilespmem:s2+$0x20] =	vst v0;
	v0 =	vld [tilespmem:s2+$0x30]  }
0x375: {  	v1 =	vld [tilespmem:s7+$0xFFFFFFC0];
	_ =	sdelay $0x4  }
0x376: {  	v0 =	vadd.f32 v1, v0;
	_ =	sdelay $0x1  }
0x377: {  	[tilespmem:s2+$0x30] =	vst v0;
	v0 =	vld [tilespmem:s2+$0x40]  }
0x378: {  	v1 =	vld [tilespmem:s7+$0xFFFFFFD0];
	_ =	sdelay $0x4  }
0x379: {  	v0 =	vadd.f32 v1, v0;
	_ =	sdelay $0x1  }
0x37a: {  	[tilespmem:s2+$0x40] =	vst v0;
	v0 =	vld [tilespmem:s2+$0x50]  }
0x37b: {  	v1 =	vld [tilespmem:s7+$0xFFFFFFE0];
	_ =	sdelay $0x4  }
0x37c: {  	v0 =	vadd.f32 v1, v0;
	_ =	sdelay $0x1  }
0x37d: {  	[tilespmem:s2+$0x50] =	vst v0;
	v0 =	vld [tilespmem:s2+$0x60]  }
0x37e: {  	v1 =	vld [tilespmem:s7+$0xFFFFFFF0];
	_ =	sdelay $0x4  }
0x37f: {  	v0 =	vadd.f32 v1, v0;
	_ =	sdelay $0x1  }
0x380: {  	[tilespmem:s2+$0x60] =	vst v0;
	v0 =	vld [tilespmem:s2+$0x70]  }
0x381: {  	v1 =	vld [tilespmem:s7+$0x0];
	_ =	sdelay $0x4  }
0x382: {  	v0 =	vadd.f32 v1, v0  }
0x383: {  	s8 =	simm.s32 $0x0;
	s1 =	simm.s32 $0x15780  }
.LBB2_13:
0x384: {  	v1 =	vld [tilespmem:s1+$0xFFFFFF80];
	[tilespmem:s2+$0x70] =	vst v0;
	s7 =	sadd.s32 $0x100, s7;
	s2 =	smov.u32 s1  }
0x385: {  	s8 =	sadd.s32 $0x4, s8;
	v0 =	vld [tilespmem:s7+$0xFFFFFF10]  }
0x386: {  	p1 =	slt.u32 s8, $0x7C;
	_ =	sdelay $0x3  }
0x387: {  	v0 =	vadd.f32 v0, v1;
	_ =	sdelay $0x1  }
0x388: {  	[tilespmem:s1+$0xFFFFFF80] =	vst v0;
	v0 =	vld [tilespmem:s1+$0xFFFFFF90]  }
0x389: {  	v1 =	vld [tilespmem:s7+$0xFFFFFF20];
	_ =	sdelay $0x4  }
0x38a: {  	v0 =	vadd.f32 v1, v0;
	_ =	sdelay $0x1  }
0x38b: {  	[tilespmem:s1+$0xFFFFFF90] =	vst v0;
	v0 =	vld [tilespmem:s1+$0xFFFFFFA0]  }
0x38c: {  	v1 =	vld [tilespmem:s7+$0xFFFFFF30];
	_ =	sdelay $0x4  }
0x38d: {  	v0 =	vadd.f32 v1, v0;
	_ =	sdelay $0x1  }
0x38e: {  	[tilespmem:s1+$0xFFFFFFA0] =	vst v0;
	v0 =	vld [tilespmem:s1+$0xFFFFFFB0]  }
0x38f: {  	v1 =	vld [tilespmem:s7+$0xFFFFFF40];
	_ =	sdelay $0x4  }
0x390: {  	v0 =	vadd.f32 v1, v0;
	_ =	sdelay $0x1  }
0x391: {  	[tilespmem:s1+$0xFFFFFFB0] =	vst v0;
	v0 =	vld [tilespmem:s1+$0xFFFFFFC0]  }
0x392: {  	v1 =	vld [tilespmem:s7+$0xFFFFFF50];
	_ =	sdelay $0x4  }
0x393: {  	v0 =	vadd.f32 v1, v0;
	_ =	sdelay $0x1  }
0x394: {  	[tilespmem:s1+$0xFFFFFFC0] =	vst v0;
	v0 =	vld [tilespmem:s1+$0xFFFFFFD0]  }
0x395: {  	v1 =	vld [tilespmem:s7+$0xFFFFFF60];
	_ =	sdelay $0x4  }
0x396: {  	v0 =	vadd.f32 v1, v0;
	_ =	sdelay $0x1  }
0x397: {  	[tilespmem:s1+$0xFFFFFFD0] =	vst v0;
	v0 =	vld [tilespmem:s1+$0xFFFFFFE0]  }
0x398: {  	v1 =	vld [tilespmem:s7+$0xFFFFFF70];
	_ =	sdelay $0x4  }
0x399: {  	v0 =	vadd.f32 v1, v0;
	_ =	sdelay $0x1  }
0x39a: {  	[tilespmem:s1+$0xFFFFFFE0] =	vst v0;
	v0 =	vld [tilespmem:s1+$0xFFFFFFF0]  }
0x39b: {  	v1 =	vld [tilespmem:s7+$0xFFFFFF80];
	_ =	sdelay $0x4  }
0x39c: {  	v0 =	vadd.f32 v1, v0;
	_ =	sdelay $0x1  }
0x39d: {  	[tilespmem:s1+$0xFFFFFFF0] =	vst v0;
	v0 =	vld [tilespmem:s1+$0x0]  }
0x39e: {  	v1 =	vld [tilespmem:s7+$0xFFFFFF90];
	_ =	sdelay $0x4  }
0x39f: {  	v0 =	vadd.f32 v1, v0;
	_ =	sdelay $0x1  }
0x3a0: {  	[tilespmem:s1+$0x0] =	vst v0;
	v0 =	vld [tilespmem:s1+$0x10]  }
0x3a1: {  	v1 =	vld [tilespmem:s7+$0xFFFFFFA0];
	_ =	sdelay $0x4  }
0x3a2: {  	v0 =	vadd.f32 v1, v0;
	_ =	sdelay $0x1  }
0x3a3: {  	[tilespmem:s1+$0x10] =	vst v0;
	v0 =	vld [tilespmem:s1+$0x20]  }
0x3a4: {  	v1 =	vld [tilespmem:s7+$0xFFFFFFB0];
	_ =	sdelay $0x4  }
0x3a5: {  	v0 =	vadd.f32 v1, v0;
	_ =	sdelay $0x1  }
0x3a6: {  	[tilespmem:s1+$0x20] =	vst v0;
	v0 =	vld [tilespmem:s1+$0x30]  }
0x3a7: {  	v1 =	vld [tilespmem:s7+$0xFFFFFFC0];
	_ =	sdelay $0x4  }
0x3a8: {  	v0 =	vadd.f32 v1, v0;
	_ =	sdelay $0x1  }
0x3a9: {  	[tilespmem:s1+$0x30] =	vst v0;
	v0 =	vld [tilespmem:s1+$0x40]  }
0x3aa: {  	v1 =	vld [tilespmem:s7+$0xFFFFFFD0];
	_ =	sdelay $0x4  }
0x3ab: {  	v0 =	vadd.f32 v1, v0;
	_ =	sdelay $0x1  }
0x3ac: {  	[tilespmem:s1+$0x40] =	vst v0;
	v0 =	vld [tilespmem:s1+$0x50]  }
0x3ad: {  	v1 =	vld [tilespmem:s7+$0xFFFFFFE0];
	_ =	sdelay $0x4  }
0x3ae: {  	v0 =	vadd.f32 v1, v0;
	_ =	sdelay $0x1  }
0x3af: {  	[tilespmem:s1+$0x50] =	vst v0;
	v0 =	vld [tilespmem:s1+$0x60]  }
0x3b0: {  	v1 =	vld [tilespmem:s7+$0xFFFFFFF0];
	_ =	sdelay $0x4  }
0x3b1: {  	v0 =	vadd.f32 v1, v0;
	_ =	sdelay $0x1  }
0x3b2: {  	[tilespmem:s1+$0x60] =	vst v0;
	v0 =	vld [tilespmem:s1+$0x70]  }
0x3b3: {  	v1 =	vld [tilespmem:s7+$0x0];
	_ =	sdelay $0x1  }
.Ltmp5:
0x3b4: {  	(pc) =	sbr.rel @p1 .LBB2_13-.Ltmp5, $3  }
0x3b5: {  	_ =	sdelay $0x1  }
0x3b6: {  	v0 =	vadd.f32 v1, v0  }
0x3b7: {  	s1 =	sadd.s32 $0x100, s1  }
0x3b8: {  	s1 =	rddreg [dreg:$0xb]  }
0x3b9: {  	s1 =	sadd.s32 s6, s1  }
0x3ba: {  	s1 =	sshll.u32 s1, $0xA  }
0x3bb: {  	s1 =	sand.u32 $0x1FFFF400, s1  }
0x3bc: {  	[tilespmem:s2+$0x70] =	vst v0;
	s8 =	simm.s32 $0x15600;
	s25 =	simm.s32 $0xB;
	s1 =	sadd.s32 s31, s1  }
0x3bd: {  	[hbm4b:s1+s3] =	stream.linear.scatter [tilespmem:s8], [sflag:$0xE], $0x2000, $0x38;
	[tilespmem:$0x1B600] =	vst v63  }
0x3be: {  	_ =	swait.ge [sflag:s25], $0x2000  }
0x3bf: {  	[sflag:s25] =	ssyncset.done $0x0  }
0x3c0: {  	[sflag:s25] =	ssyncadd.s32 $0xFFFFE000  }
0x3c1: {  	v0 =	vld @!p0 [tilespmem:s18+$0x500];
	_ =	sdelay $0x6  }
0x3c2: {  	s2 =	simm.s32 @!p0 $0xF600;
	s1 =	simm.s32 @!p0 $0x0  }
0x3c3: {  	[tilespmem:s2], [sflag:$0x3] =	stream.indirect_vreg.gather @!p0 [hbm4b:s4+s1], $0x40, v0, vm1, $0xb8;
	[tilespmem:$0x1B600] =	vst v63  }
0x3c4: {  	v0 =	vld @!p0 [tilespmem:s18+$0x510];
	_ =	sdelay $0x6  }
0x3c5: {  	s2 =	simm.s32 @!p0 $0xFA00  }
0x3c6: {  	[tilespmem:s2], [sflag:$0x3] =	stream.indirect_vreg.gather @!p0 [hbm4b:s4+s1], $0x40, v0, vm1, $0xb8;
	[tilespmem:$0x1B600] =	vst v63  }
0x3c7: {  	v0 =	vld @!p0 [tilespmem:s18+$0x520];
	_ =	sdelay $0x6  }
0x3c8: {  	s2 =	simm.s32 @!p0 $0xFE00  }
0x3c9: {  	[tilespmem:s2], [sflag:$0x3] =	stream.indirect_vreg.gather @!p0 [hbm4b:s4+s1], $0x40, v0, vm1, $0xb8;
	[tilespmem:$0x1B600] =	vst v63  }
0x3ca: {  	v0 =	vld @!p0 [tilespmem:s18+$0x530];
	_ =	sdelay $0x6  }
0x3cb: {  	s2 =	simm.s32 @!p0 $0x10200  }
0x3cc: {  	[tilespmem:s2], [sflag:$0x3] =	stream.indirect_vreg.gather @!p0 [hbm4b:s4+s1], $0x40, v0, vm1, $0xb8;
	[tilespmem:$0x1B600] =	vst v63  }
0x3cd: {  	v0 =	vld @!p0 [tilespmem:s18+$0x540];
	_ =	sdelay $0x6  }
0x3ce: {  	s2 =	simm.s32 @!p0 $0x10600  }
0x3cf: {  	[tilespmem:s2], [sflag:$0x3] =	stream.indirect_vreg.gather @!p0 [hbm4b:s4+s1], $0x40, v0, vm1, $0xb8;
	[tilespmem:$0x1B600] =	vst v63  }
0x3d0: {  	v0 =	vld @!p0 [tilespmem:s18+$0x550];
	_ =	sdelay $0x6  }
0x3d1: {  	s2 =	simm.s32 @!p0 $0x10A00  }
0x3d2: {  	[tilespmem:s2], [sflag:$0x3] =	stream.indirect_vreg.gather @!p0 [hbm4b:s4+s1], $0x40, v0, vm1, $0xb8;
	[tilespmem:$0x1B600] =	vst v63  }
0x3d3: {  	v0 =	vld @!p0 [tilespmem:s18+$0x560];
	_ =	sdelay $0x6  }
0x3d4: {  	s2 =	simm.s32 @!p0 $0x10E00  }
0x3d5: {  	[tilespmem:s2], [sflag:$0x3] =	stream.indirect_vreg.gather @!p0 [hbm4b:s4+s1], $0x40, v0, vm1, $0xb8;
	[tilespmem:$0x1B600] =	vst v63  }
0x3d6: {  	v0 =	vld @!p0 [tilespmem:s18+$0x570];
	_ =	sdelay $0x6  }
0x3d7: {  	s26 =	simm.s32 $0x7;
	s2 =	simm.s32 @!p0 $0x11200  }
0x3d8: {  	[tilespmem:s2], [sflag:$0x3] =	stream.indirect_vreg.gather @!p0 [hbm4b:s4+s1], $0x40, v0, vm1, $0xb8;
	[tilespmem:$0x1B600] =	vst v63  }
0x3d9: {  	_ =	swait.ge [sflag:s26], $0x2000  }
0x3da: {  	[sflag:s26] =	ssyncset.done $0x0  }
0x3db: {  	s2 =	simm.s32 $0x17680;
	[sflag:s26] =	ssyncadd.s32 $0xFFFFE000  }
0x3dc: {  	v0 =	vld [tilespmem:s2+$0xFFFFFF80]  }
0x3dd: {  	v1 =	vld [tilespmem:s19+$0xFFFFFF10];
	_ =	sdelay $0x4  }
0x3de: {  	v0 =	vadd.f32 v1, v0;
	_ =	sdelay $0x1  }
0x3df: {  	[tilespmem:s2+$0xFFFFFF80] =	vst v0;
	v0 =	vld [tilespmem:s2+$0xFFFFFF90]  }
0x3e0: {  	v1 =	vld [tilespmem:s19+$0xFFFFFF20];
	_ =	sdelay $0x4  }
0x3e1: {  	v0 =	vadd.f32 v1, v0;
	_ =	sdelay $0x1  }
0x3e2: {  	[tilespmem:s2+$0xFFFFFF90] =	vst v0;
	v0 =	vld [tilespmem:s2+$0xFFFFFFA0]  }
0x3e3: {  	v1 =	vld [tilespmem:s19+$0xFFFFFF30];
	_ =	sdelay $0x4  }
0x3e4: {  	v0 =	vadd.f32 v1, v0;
	_ =	sdelay $0x1  }
0x3e5: {  	[tilespmem:s2+$0xFFFFFFA0] =	vst v0;
	v0 =	vld [tilespmem:s2+$0xFFFFFFB0]  }
0x3e6: {  	v1 =	vld [tilespmem:s19+$0xFFFFFF40];
	_ =	sdelay $0x4  }
0x3e7: {  	v0 =	vadd.f32 v1, v0;
	_ =	sdelay $0x1  }
0x3e8: {  	[tilespmem:s2+$0xFFFFFFB0] =	vst v0;
	v0 =	vld [tilespmem:s2+$0xFFFFFFC0]  }
0x3e9: {  	v1 =	vld [tilespmem:s19+$0xFFFFFF50];
	_ =	sdelay $0x4  }
0x3ea: {  	v0 =	vadd.f32 v1, v0;
	_ =	sdelay $0x1  }
0x3eb: {  	[tilespmem:s2+$0xFFFFFFC0] =	vst v0;
	v0 =	vld [tilespmem:s2+$0xFFFFFFD0]  }
0x3ec: {  	v1 =	vld [tilespmem:s19+$0xFFFFFF60];
	_ =	sdelay $0x4  }
0x3ed: {  	v0 =	vadd.f32 v1, v0;
	_ =	sdelay $0x1  }
0x3ee: {  	[tilespmem:s2+$0xFFFFFFD0] =	vst v0;
	v0 =	vld [tilespmem:s2+$0xFFFFFFE0]  }
0x3ef: {  	v1 =	vld [tilespmem:s19+$0xFFFFFF70];
	_ =	sdelay $0x4  }
0x3f0: {  	v0 =	vadd.f32 v1, v0;
	_ =	sdelay $0x1  }
0x3f1: {  	[tilespmem:s2+$0xFFFFFFE0] =	vst v0;
	v0 =	vld [tilespmem:s2+$0xFFFFFFF0]  }
0x3f2: {  	v1 =	vld [tilespmem:s19+$0xFFFFFF80];
	_ =	sdelay $0x4  }
0x3f3: {  	v0 =	vadd.f32 v1, v0;
	_ =	sdelay $0x1  }
0x3f4: {  	[tilespmem:s2+$0xFFFFFFF0] =	vst v0;
	v0 =	vld [tilespmem:s2+$0x0]  }
0x3f5: {  	v1 =	vld [tilespmem:s19+$0xFFFFFF90];
	_ =	sdelay $0x4  }
0x3f6: {  	v0 =	vadd.f32 v1, v0;
	_ =	sdelay $0x1  }
0x3f7: {  	[tilespmem:s2+$0x0] =	vst v0;
	v0 =	vld [tilespmem:s2+$0x10]  }
0x3f8: {  	v1 =	vld [tilespmem:s19+$0xFFFFFFA0];
	_ =	sdelay $0x4  }
0x3f9: {  	v0 =	vadd.f32 v1, v0;
	_ =	sdelay $0x1  }
0x3fa: {  	[tilespmem:s2+$0x10] =	vst v0;
	v0 =	vld [tilespmem:s2+$0x20]  }
0x3fb: {  	v1 =	vld [tilespmem:s19+$0xFFFFFFB0];
	_ =	sdelay $0x4  }
0x3fc: {  	v0 =	vadd.f32 v1, v0;
	_ =	sdelay $0x1  }
0x3fd: {  	[tilespmem:s2+$0x20] =	vst v0;
	v0 =	vld [tilespmem:s2+$0x30]  }
0x3fe: {  	v1 =	vld [tilespmem:s19+$0xFFFFFFC0];
	_ =	sdelay $0x4  }
0x3ff: {  	v0 =	vadd.f32 v1, v0;
	_ =	sdelay $0x1  }
0x400: {  	[tilespmem:s2+$0x30] =	vst v0;
	v0 =	vld [tilespmem:s2+$0x40]  }
0x401: {  	v1 =	vld [tilespmem:s19+$0xFFFFFFD0];
	_ =	sdelay $0x4  }
0x402: {  	v0 =	vadd.f32 v1, v0;
	_ =	sdelay $0x1  }
0x403: {  	[tilespmem:s2+$0x40] =	vst v0;
	v0 =	vld [tilespmem:s2+$0x50]  }
0x404: {  	v1 =	vld [tilespmem:s19+$0xFFFFFFE0];
	_ =	sdelay $0x4  }
0x405: {  	v0 =	vadd.f32 v1, v0;
	_ =	sdelay $0x1  }
0x406: {  	[tilespmem:s2+$0x50] =	vst v0;
	v0 =	vld [tilespmem:s2+$0x60]  }
0x407: {  	v1 =	vld [tilespmem:s19+$0xFFFFFFF0];
	_ =	sdelay $0x4  }
0x408: {  	v0 =	vadd.f32 v1, v0;
	_ =	sdelay $0x1  }
0x409: {  	[tilespmem:s2+$0x60] =	vst v0;
	v0 =	vld [tilespmem:s2+$0x70]  }
0x40a: {  	v1 =	vld [tilespmem:s19+$0x0];
	_ =	sdelay $0x4  }
0x40b: {  	v0 =	vadd.f32 v1, v0  }
0x40c: {  	s7 =	simm.s32 $0x0;
	s1 =	simm.s32 $0x17780;
	s25 =	rddreg [dreg:$0x9]  }
.LBB2_15:
0x40d: {  	v1 =	vld [tilespmem:s1+$0xFFFFFF80];
	[tilespmem:s2+$0x70] =	vst v0;
	s19 =	sadd.s32 $0x100, s19;
	s2 =	smov.u32 s1  }
0x40e: {  	s7 =	sadd.s32 $0x4, s7;
	v0 =	vld [tilespmem:s19+$0xFFFFFF10]  }
0x40f: {  	p1 =	slt.u32 s7, $0x7C;
	_ =	sdelay $0x3  }
0x410: {  	v0 =	vadd.f32 v0, v1;
	_ =	sdelay $0x1  }
0x411: {  	[tilespmem:s1+$0xFFFFFF80] =	vst v0;
	v0 =	vld [tilespmem:s1+$0xFFFFFF90]  }
0x412: {  	v1 =	vld [tilespmem:s19+$0xFFFFFF20];
	_ =	sdelay $0x4  }
0x413: {  	v0 =	vadd.f32 v1, v0;
	_ =	sdelay $0x1  }
0x414: {  	[tilespmem:s1+$0xFFFFFF90] =	vst v0;
	v0 =	vld [tilespmem:s1+$0xFFFFFFA0]  }
0x415: {  	v1 =	vld [tilespmem:s19+$0xFFFFFF30];
	_ =	sdelay $0x4  }
0x416: {  	v0 =	vadd.f32 v1, v0;
	_ =	sdelay $0x1  }
0x417: {  	[tilespmem:s1+$0xFFFFFFA0] =	vst v0;
	v0 =	vld [tilespmem:s1+$0xFFFFFFB0]  }
0x418: {  	v1 =	vld [tilespmem:s19+$0xFFFFFF40];
	_ =	sdelay $0x4  }
0x419: {  	v0 =	vadd.f32 v1, v0;
	_ =	sdelay $0x1  }
0x41a: {  	[tilespmem:s1+$0xFFFFFFB0] =	vst v0;
	v0 =	vld [tilespmem:s1+$0xFFFFFFC0]  }
0x41b: {  	v1 =	vld [tilespmem:s19+$0xFFFFFF50];
	_ =	sdelay $0x4  }
0x41c: {  	v0 =	vadd.f32 v1, v0;
	_ =	sdelay $0x1  }
0x41d: {  	[tilespmem:s1+$0xFFFFFFC0] =	vst v0;
	v0 =	vld [tilespmem:s1+$0xFFFFFFD0]  }
0x41e: {  	v1 =	vld [tilespmem:s19+$0xFFFFFF60];
	_ =	sdelay $0x4  }
0x41f: {  	v0 =	vadd.f32 v1, v0;
	_ =	sdelay $0x1  }
0x420: {  	[tilespmem:s1+$0xFFFFFFD0] =	vst v0;
	v0 =	vld [tilespmem:s1+$0xFFFFFFE0]  }
0x421: {  	v1 =	vld [tilespmem:s19+$0xFFFFFF70];
	_ =	sdelay $0x4  }
0x422: {  	v0 =	vadd.f32 v1, v0;
	_ =	sdelay $0x1  }
0x423: {  	[tilespmem:s1+$0xFFFFFFE0] =	vst v0;
	v0 =	vld [tilespmem:s1+$0xFFFFFFF0]  }
0x424: {  	v1 =	vld [tilespmem:s19+$0xFFFFFF80];
	_ =	sdelay $0x4  }
0x425: {  	v0 =	vadd.f32 v1, v0;
	_ =	sdelay $0x1  }
0x426: {  	[tilespmem:s1+$0xFFFFFFF0] =	vst v0;
	v0 =	vld [tilespmem:s1+$0x0]  }
0x427: {  	v1 =	vld [tilespmem:s19+$0xFFFFFF90];
	_ =	sdelay $0x4  }
0x428: {  	v0 =	vadd.f32 v1, v0;
	_ =	sdelay $0x1  }
0x429: {  	[tilespmem:s1+$0x0] =	vst v0;
	v0 =	vld [tilespmem:s1+$0x10]  }
0x42a: {  	v1 =	vld [tilespmem:s19+$0xFFFFFFA0];
	_ =	sdelay $0x4  }
0x42b: {  	v0 =	vadd.f32 v1, v0;
	_ =	sdelay $0x1  }
0x42c: {  	[tilespmem:s1+$0x10] =	vst v0;
	v0 =	vld [tilespmem:s1+$0x20]  }
0x42d: {  	v1 =	vld [tilespmem:s19+$0xFFFFFFB0];
	_ =	sdelay $0x4  }
0x42e: {  	v0 =	vadd.f32 v1, v0;
	_ =	sdelay $0x1  }
0x42f: {  	[tilespmem:s1+$0x20] =	vst v0;
	v0 =	vld [tilespmem:s1+$0x30]  }
0x430: {  	v1 =	vld [tilespmem:s19+$0xFFFFFFC0];
	_ =	sdelay $0x4  }
0x431: {  	v0 =	vadd.f32 v1, v0;
	_ =	sdelay $0x1  }
0x432: {  	[tilespmem:s1+$0x30] =	vst v0;
	v0 =	vld [tilespmem:s1+$0x40]  }
0x433: {  	v1 =	vld [tilespmem:s19+$0xFFFFFFD0];
	_ =	sdelay $0x4  }
0x434: {  	v0 =	vadd.f32 v1, v0;
	_ =	sdelay $0x1  }
0x435: {  	[tilespmem:s1+$0x40] =	vst v0;
	v0 =	vld [tilespmem:s1+$0x50]  }
0x436: {  	v1 =	vld [tilespmem:s19+$0xFFFFFFE0];
	_ =	sdelay $0x4  }
0x437: {  	v0 =	vadd.f32 v1, v0;
	_ =	sdelay $0x1  }
0x438: {  	[tilespmem:s1+$0x50] =	vst v0;
	v0 =	vld [tilespmem:s1+$0x60]  }
0x439: {  	v1 =	vld [tilespmem:s19+$0xFFFFFFF0];
	_ =	sdelay $0x4  }
0x43a: {  	v0 =	vadd.f32 v1, v0;
	_ =	sdelay $0x1  }
0x43b: {  	[tilespmem:s1+$0x60] =	vst v0;
	v0 =	vld [tilespmem:s1+$0x70]  }
0x43c: {  	v1 =	vld [tilespmem:s19+$0x0];
	_ =	sdelay $0x1  }
.Ltmp6:
0x43d: {  	(pc) =	sbr.rel @p1 .LBB2_15-.Ltmp6, $3  }
0x43e: {  	_ =	sdelay $0x1  }
0x43f: {  	v0 =	vadd.f32 v1, v0  }
0x440: {  	s1 =	sadd.s32 $0x100, s1  }
0x441: {  	s1 =	sadd.s32 s6, s9  }
0x442: {  	s1 =	sshll.u32 s1, $0xA  }
0x443: {  	s1 =	sand.u32 $0x1FFFF800, s1  }
0x444: {  	[tilespmem:s2+$0x70] =	vst v0;
	s9 =	simm.s32 $0x17600;
	s19 =	simm.s32 $0xC;
	s1 =	sadd.s32 s31, s1  }
0x445: {  	[hbm4b:s1+s3] =	stream.linear.scatter [tilespmem:s9], [sflag:$0xF], $0x2000, $0x38;
	[tilespmem:$0x1B600] =	vst v63  }
0x446: {  	_ =	swait.ge [sflag:s19], $0x2000  }
0x447: {  	[sflag:s19] =	ssyncset.done $0x0  }
0x448: {  	[sflag:s19] =	ssyncadd.s32 $0xFFFFE000  }
0x449: {  	v0 =	vld @!p0 [tilespmem:s18+$0x580];
	_ =	sdelay $0x6  }
0x44a: {  	s2 =	simm.s32 @!p0 $0x11600;
	s1 =	simm.s32 @!p0 $0x0  }
0x44b: {  	[tilespmem:s2], [sflag:$0x4] =	stream.indirect_vreg.gather @!p0 [hbm4b:s4+s1], $0x40, v0, vm1, $0xb8;
	[tilespmem:$0x1B600] =	vst v63  }
0x44c: {  	v0 =	vld @!p0 [tilespmem:s18+$0x590];
	_ =	sdelay $0x6  }
0x44d: {  	s2 =	simm.s32 @!p0 $0x11A00  }
0x44e: {  	[tilespmem:s2], [sflag:$0x4] =	stream.indirect_vreg.gather @!p0 [hbm4b:s4+s1], $0x40, v0, vm1, $0xb8;
	[tilespmem:$0x1B600] =	vst v63  }
0x44f: {  	v0 =	vld @!p0 [tilespmem:s18+$0x5A0];
	_ =	sdelay $0x6  }
0x450: {  	s2 =	simm.s32 @!p0 $0x11E00  }
0x451: {  	[tilespmem:s2], [sflag:$0x4] =	stream.indirect_vreg.gather @!p0 [hbm4b:s4+s1], $0x40, v0, vm1, $0xb8;
	[tilespmem:$0x1B600] =	vst v63  }
0x452: {  	v0 =	vld @!p0 [tilespmem:s18+$0x5B0];
	_ =	sdelay $0x6  }
0x453: {  	s2 =	simm.s32 @!p0 $0x12200  }
0x454: {  	[tilespmem:s2], [sflag:$0x4] =	stream.indirect_vreg.gather @!p0 [hbm4b:s4+s1], $0x40, v0, vm1, $0xb8;
	[tilespmem:$0x1B600] =	vst v63  }
0x455: {  	v0 =	vld @!p0 [tilespmem:s18+$0x5C0];
	_ =	sdelay $0x6  }
0x456: {  	s2 =	simm.s32 @!p0 $0x12600  }
0x457: {  	[tilespmem:s2], [sflag:$0x4] =	stream.indirect_vreg.gather @!p0 [hbm4b:s4+s1], $0x40, v0, vm1, $0xb8;
	[tilespmem:$0x1B600] =	vst v63  }
0x458: {  	v0 =	vld @!p0 [tilespmem:s18+$0x5D0];
	_ =	sdelay $0x6  }
0x459: {  	s2 =	simm.s32 @!p0 $0x12A00  }
0x45a: {  	[tilespmem:s2], [sflag:$0x4] =	stream.indirect_vreg.gather @!p0 [hbm4b:s4+s1], $0x40, v0, vm1, $0xb8;
	[tilespmem:$0x1B600] =	vst v63  }
0x45b: {  	v0 =	vld @!p0 [tilespmem:s18+$0x5E0];
	_ =	sdelay $0x6  }
0x45c: {  	s2 =	simm.s32 @!p0 $0x12E00  }
0x45d: {  	[tilespmem:s2], [sflag:$0x4] =	stream.indirect_vreg.gather @!p0 [hbm4b:s4+s1], $0x40, v0, vm1, $0xb8;
	[tilespmem:$0x1B600] =	vst v63  }
0x45e: {  	v0 =	vld @!p0 [tilespmem:s18+$0x5F0];
	_ =	sdelay $0x6  }
0x45f: {  	s26 =	simm.s32 $0x8;
	s2 =	simm.s32 @!p0 $0x13200  }
0x460: {  	[tilespmem:s2], [sflag:$0x4] =	stream.indirect_vreg.gather @!p0 [hbm4b:s4+s1], $0x40, v0, vm1, $0xb8;
	[tilespmem:$0x1B600] =	vst v63  }
0x461: {  	_ =	swait.ge [sflag:s26], $0x2000  }
0x462: {  	[sflag:s26] =	ssyncset.done $0x0  }
0x463: {  	s2 =	simm.s32 $0x19680;
	[sflag:s26] =	ssyncadd.s32 $0xFFFFE000  }
0x464: {  	v0 =	vld [tilespmem:s2+$0xFFFFFF80]  }
0x465: {  	v1 =	vld [tilespmem:s28+$0xFFFFFF10];
	_ =	sdelay $0x4  }
0x466: {  	v0 =	vadd.f32 v1, v0;
	_ =	sdelay $0x1  }
0x467: {  	[tilespmem:s2+$0xFFFFFF80] =	vst v0;
	v0 =	vld [tilespmem:s2+$0xFFFFFF90]  }
0x468: {  	v1 =	vld [tilespmem:s28+$0xFFFFFF20];
	_ =	sdelay $0x4  }
0x469: {  	v0 =	vadd.f32 v1, v0;
	_ =	sdelay $0x1  }
0x46a: {  	[tilespmem:s2+$0xFFFFFF90] =	vst v0;
	v0 =	vld [tilespmem:s2+$0xFFFFFFA0]  }
0x46b: {  	v1 =	vld [tilespmem:s28+$0xFFFFFF30];
	_ =	sdelay $0x4  }
0x46c: {  	v0 =	vadd.f32 v1, v0;
	_ =	sdelay $0x1  }
0x46d: {  	[tilespmem:s2+$0xFFFFFFA0] =	vst v0;
	v0 =	vld [tilespmem:s2+$0xFFFFFFB0]  }
0x46e: {  	v1 =	vld [tilespmem:s28+$0xFFFFFF40];
	_ =	sdelay $0x4  }
0x46f: {  	v0 =	vadd.f32 v1, v0;
	_ =	sdelay $0x1  }
0x470: {  	[tilespmem:s2+$0xFFFFFFB0] =	vst v0;
	v0 =	vld [tilespmem:s2+$0xFFFFFFC0]  }
0x471: {  	v1 =	vld [tilespmem:s28+$0xFFFFFF50];
	_ =	sdelay $0x4  }
0x472: {  	v0 =	vadd.f32 v1, v0;
	_ =	sdelay $0x1  }
0x473: {  	[tilespmem:s2+$0xFFFFFFC0] =	vst v0;
	v0 =	vld [tilespmem:s2+$0xFFFFFFD0]  }
0x474: {  	v1 =	vld [tilespmem:s28+$0xFFFFFF60];
	_ =	sdelay $0x4  }
0x475: {  	v0 =	vadd.f32 v1, v0;
	_ =	sdelay $0x1  }
0x476: {  	[tilespmem:s2+$0xFFFFFFD0] =	vst v0;
	v0 =	vld [tilespmem:s2+$0xFFFFFFE0]  }
0x477: {  	v1 =	vld [tilespmem:s28+$0xFFFFFF70];
	_ =	sdelay $0x4  }
0x478: {  	v0 =	vadd.f32 v1, v0;
	_ =	sdelay $0x1  }
0x479: {  	[tilespmem:s2+$0xFFFFFFE0] =	vst v0;
	v0 =	vld [tilespmem:s2+$0xFFFFFFF0]  }
0x47a: {  	v1 =	vld [tilespmem:s28+$0xFFFFFF80];
	_ =	sdelay $0x4  }
0x47b: {  	v0 =	vadd.f32 v1, v0;
	_ =	sdelay $0x1  }
0x47c: {  	[tilespmem:s2+$0xFFFFFFF0] =	vst v0;
	v0 =	vld [tilespmem:s2+$0x0]  }
0x47d: {  	v1 =	vld [tilespmem:s28+$0xFFFFFF90];
	_ =	sdelay $0x4  }
0x47e: {  	v0 =	vadd.f32 v1, v0;
	_ =	sdelay $0x1  }
0x47f: {  	[tilespmem:s2+$0x0] =	vst v0;
	v0 =	vld [tilespmem:s2+$0x10]  }
0x480: {  	v1 =	vld [tilespmem:s28+$0xFFFFFFA0];
	_ =	sdelay $0x4  }
0x481: {  	v0 =	vadd.f32 v1, v0;
	_ =	sdelay $0x1  }
0x482: {  	[tilespmem:s2+$0x10] =	vst v0;
	v0 =	vld [tilespmem:s2+$0x20]  }
0x483: {  	v1 =	vld [tilespmem:s28+$0xFFFFFFB0];
	_ =	sdelay $0x4  }
0x484: {  	v0 =	vadd.f32 v1, v0;
	_ =	sdelay $0x1  }
0x485: {  	[tilespmem:s2+$0x20] =	vst v0;
	v0 =	vld [tilespmem:s2+$0x30]  }
0x486: {  	v1 =	vld [tilespmem:s28+$0xFFFFFFC0];
	_ =	sdelay $0x4  }
0x487: {  	v0 =	vadd.f32 v1, v0;
	_ =	sdelay $0x1  }
0x488: {  	[tilespmem:s2+$0x30] =	vst v0;
	v0 =	vld [tilespmem:s2+$0x40]  }
0x489: {  	v1 =	vld [tilespmem:s28+$0xFFFFFFD0];
	_ =	sdelay $0x4  }
0x48a: {  	v0 =	vadd.f32 v1, v0;
	_ =	sdelay $0x1  }
0x48b: {  	[tilespmem:s2+$0x40] =	vst v0;
	v0 =	vld [tilespmem:s2+$0x50]  }
0x48c: {  	v1 =	vld [tilespmem:s28+$0xFFFFFFE0];
	_ =	sdelay $0x4  }
0x48d: {  	v0 =	vadd.f32 v1, v0;
	_ =	sdelay $0x1  }
0x48e: {  	[tilespmem:s2+$0x50] =	vst v0;
	v0 =	vld [tilespmem:s2+$0x60]  }
0x48f: {  	v1 =	vld [tilespmem:s28+$0xFFFFFFF0];
	_ =	sdelay $0x4  }
0x490: {  	v0 =	vadd.f32 v1, v0;
	_ =	sdelay $0x1  }
0x491: {  	[tilespmem:s2+$0x60] =	vst v0;
	v0 =	vld [tilespmem:s2+$0x70]  }
0x492: {  	v1 =	vld [tilespmem:s28+$0x0];
	_ =	sdelay $0x4  }
0x493: {  	v0 =	vadd.f32 v1, v0  }
0x494: {  	s7 =	simm.s32 $0x0;
	s1 =	simm.s32 $0x19780  }
.LBB2_17:
0x495: {  	v1 =	vld [tilespmem:s1+$0xFFFFFF80];
	[tilespmem:s2+$0x70] =	vst v0;
	s28 =	sadd.s32 $0x100, s28;
	s2 =	smov.u32 s1  }
0x496: {  	s7 =	sadd.s32 $0x4, s7;
	v0 =	vld [tilespmem:s28+$0xFFFFFF10]  }
0x497: {  	p0 =	slt.u32 s7, $0x7C;
	_ =	sdelay $0x3  }
0x498: {  	v0 =	vadd.f32 v0, v1;
	_ =	sdelay $0x1  }
0x499: {  	[tilespmem:s1+$0xFFFFFF80] =	vst v0;
	v0 =	vld [tilespmem:s1+$0xFFFFFF90]  }
0x49a: {  	v1 =	vld [tilespmem:s28+$0xFFFFFF20];
	_ =	sdelay $0x4  }
0x49b: {  	v0 =	vadd.f32 v1, v0;
	_ =	sdelay $0x1  }
0x49c: {  	[tilespmem:s1+$0xFFFFFF90] =	vst v0;
	v0 =	vld [tilespmem:s1+$0xFFFFFFA0]  }
0x49d: {  	v1 =	vld [tilespmem:s28+$0xFFFFFF30];
	_ =	sdelay $0x4  }
0x49e: {  	v0 =	vadd.f32 v1, v0;
	_ =	sdelay $0x1  }
0x49f: {  	[tilespmem:s1+$0xFFFFFFA0] =	vst v0;
	v0 =	vld [tilespmem:s1+$0xFFFFFFB0]  }
0x4a0: {  	v1 =	vld [tilespmem:s28+$0xFFFFFF40];
	_ =	sdelay $0x4  }
0x4a1: {  	v0 =	vadd.f32 v1, v0;
	_ =	sdelay $0x1  }
0x4a2: {  	[tilespmem:s1+$0xFFFFFFB0] =	vst v0;
	v0 =	vld [tilespmem:s1+$0xFFFFFFC0]  }
0x4a3: {  	v1 =	vld [tilespmem:s28+$0xFFFFFF50];
	_ =	sdelay $0x4  }
0x4a4: {  	v0 =	vadd.f32 v1, v0;
	_ =	sdelay $0x1  }
0x4a5: {  	[tilespmem:s1+$0xFFFFFFC0] =	vst v0;
	v0 =	vld [tilespmem:s1+$0xFFFFFFD0]  }
0x4a6: {  	v1 =	vld [tilespmem:s28+$0xFFFFFF60];
	_ =	sdelay $0x4  }
0x4a7: {  	v0 =	vadd.f32 v1, v0;
	_ =	sdelay $0x1  }
0x4a8: {  	[tilespmem:s1+$0xFFFFFFD0] =	vst v0;
	v0 =	vld [tilespmem:s1+$0xFFFFFFE0]  }
0x4a9: {  	v1 =	vld [tilespmem:s28+$0xFFFFFF70];
	_ =	sdelay $0x4  }
0x4aa: {  	v0 =	vadd.f32 v1, v0;
	_ =	sdelay $0x1  }
0x4ab: {  	[tilespmem:s1+$0xFFFFFFE0] =	vst v0;
	v0 =	vld [tilespmem:s1+$0xFFFFFFF0]  }
0x4ac: {  	v1 =	vld [tilespmem:s28+$0xFFFFFF80];
	_ =	sdelay $0x4  }
0x4ad: {  	v0 =	vadd.f32 v1, v0;
	_ =	sdelay $0x1  }
0x4ae: {  	[tilespmem:s1+$0xFFFFFFF0] =	vst v0;
	v0 =	vld [tilespmem:s1+$0x0]  }
0x4af: {  	v1 =	vld [tilespmem:s28+$0xFFFFFF90];
	_ =	sdelay $0x4  }
0x4b0: {  	v0 =	vadd.f32 v1, v0;
	_ =	sdelay $0x1  }
0x4b1: {  	[tilespmem:s1+$0x0] =	vst v0;
	v0 =	vld [tilespmem:s1+$0x10]  }
0x4b2: {  	v1 =	vld [tilespmem:s28+$0xFFFFFFA0];
	_ =	sdelay $0x4  }
0x4b3: {  	v0 =	vadd.f32 v1, v0;
	_ =	sdelay $0x1  }
0x4b4: {  	[tilespmem:s1+$0x10] =	vst v0;
	v0 =	vld [tilespmem:s1+$0x20]  }
0x4b5: {  	v1 =	vld [tilespmem:s28+$0xFFFFFFB0];
	_ =	sdelay $0x4  }
0x4b6: {  	v0 =	vadd.f32 v1, v0;
	_ =	sdelay $0x1  }
0x4b7: {  	[tilespmem:s1+$0x20] =	vst v0;
	v0 =	vld [tilespmem:s1+$0x30]  }
0x4b8: {  	v1 =	vld [tilespmem:s28+$0xFFFFFFC0];
	_ =	sdelay $0x4  }
0x4b9: {  	v0 =	vadd.f32 v1, v0;
	_ =	sdelay $0x1  }
0x4ba: {  	[tilespmem:s1+$0x30] =	vst v0;
	v0 =	vld [tilespmem:s1+$0x40]  }
0x4bb: {  	v1 =	vld [tilespmem:s28+$0xFFFFFFD0];
	_ =	sdelay $0x4  }
0x4bc: {  	v0 =	vadd.f32 v1, v0;
	_ =	sdelay $0x1  }
0x4bd: {  	[tilespmem:s1+$0x40] =	vst v0;
	v0 =	vld [tilespmem:s1+$0x50]  }
0x4be: {  	v1 =	vld [tilespmem:s28+$0xFFFFFFE0];
	_ =	sdelay $0x4  }
0x4bf: {  	v0 =	vadd.f32 v1, v0;
	_ =	sdelay $0x1  }
0x4c0: {  	[tilespmem:s1+$0x50] =	vst v0;
	v0 =	vld [tilespmem:s1+$0x60]  }
0x4c1: {  	v1 =	vld [tilespmem:s28+$0xFFFFFFF0];
	_ =	sdelay $0x4  }
0x4c2: {  	v0 =	vadd.f32 v1, v0;
	_ =	sdelay $0x1  }
0x4c3: {  	[tilespmem:s1+$0x60] =	vst v0;
	v0 =	vld [tilespmem:s1+$0x70]  }
0x4c4: {  	v1 =	vld [tilespmem:s28+$0x0];
	_ =	sdelay $0x1  }
.Ltmp7:
0x4c5: {  	(pc) =	sbr.rel @p0 .LBB2_17-.Ltmp7, $3  }
0x4c6: {  	_ =	sdelay $0x1  }
0x4c7: {  	v0 =	vadd.f32 v1, v0  }
0x4c8: {  	s1 =	sadd.s32 $0x100, s1  }
0x4c9: {  	s1 =	sadd.s32 s6, s5  }
0x4ca: {  	s21 =	sadd.s32 $0x1, s21;
	s7 =	rddreg [dreg:$0x7];
	s0 =	sadd.s32 $0x400, s0  }
0x4cb: {  	s28 =	rddreg [dreg:$0x8];
	s25 =	sadd.s32 $0x400, s25;
	s13 =	sadd.s32 $0x10000, s13  }
0x4cc: {  	s15 =	sadd.s32 $0x400, s15;
	s16 =	sadd.s32 $0x10000, s16;
	s17 =	sadd.s32 $0x400, s17  }
0x4cd: {  	s12 =	sadd.s32 $0x10000, s12;
	s20 =	sadd.s32 $0x400, s20;
	p0 =	sne.s32 s21, $0x19  }
.Ltmp8:
0x4ce: {  	s29 =	sadd.s32 $0x10000, s29;
	s1 =	sshll.u32 s1, $0xA;
	(pc) =	sbr.rel @p0 .LBB2_2-.Ltmp8, $4  }
0x4cf: {  	s14 =	sadd.s32 $0x400, s14;
	s23 =	sadd.s32 $0x10000, s23;
	s1 =	sand.u32 $0x1FFFFC00, s1  }
0x4d0: {  	[tilespmem:s2+$0x70] =	vst v0;
	s10 =	sadd.s32 $0x400, s10;
	s22 =	sadd.s32 $0x10000, s22;
	s1 =	sadd.s32 s31, s1  }
0x4d1: {  	[hbm4b:s1+s3] =	stream.linear.scatter [tilespmem:s11], [sflag:$0x10], $0x2000, $0x38;
	[tilespmem:$0x1B600] =	vst v63  }
0x4d2: {  	s30 =	sadd.s32 $0x400, s30;
	s7 =	sadd.s32 $0x10000, s7;
	s1 =	sadd.s32 $0x10000, s28  }
0x4d3: {  	s0 =	simm.s32 $0xD  }
0x4d4: {  	_ =	swait.ge [sflag:s0], $0x2000  }
0x4d5: {  	[sflag:s0] =	ssyncset.done $0x0  }
0x4d6: {  	s28 =	simm.s32 $0xE;
	[sflag:s0] =	ssyncadd.s32 $0xFFFFE000  }
0x4d7: {  	_ =	swait.ge [sflag:s28], $0x2000  }
0x4d8: {  	[sflag:s28] =	ssyncset.done $0x0  }
0x4d9: {  	s29 =	simm.s32 $0xF;
	[sflag:s28] =	ssyncadd.s32 $0xFFFFE000  }
0x4da: {  	_ =	swait.ge [sflag:s29], $0x2000  }
0x4db: {  	[sflag:s29] =	ssyncset.done $0x0  }
0x4dc: {  	s1 =	simm.s32 $0x10;
	[sflag:s29] =	ssyncadd.s32 $0xFFFFE000  }
0x4dd: {  	_ =	swait.ge [sflag:s1], $0x2000  }
0x4de: {  	s2 =	rddreg [dreg:$0x6]  }
0x4df: {  	s30 =	rddreg [dreg:$0x5];
	s2 =	sadd.s32 $0x1, s2  }
0x4e0: {  	p0 =	sne.s32 s2, s30  }
.Ltmp9:
0x4e1: {  	_ = 	snop;
	(pc) =	sbr.rel @p0 .LBB2_1-.Ltmp9, $3  }
0x4e2: {  	_ =	sdelay $0x1  }
0x4e3: {  	[sflag:s1] =	ssyncset.done $0x0  }
0x4e4: {  	[sflag:s1] =	ssyncadd.s32 $0xFFFFE000  }
0x4e5: {  	_ =	sfence.sel $0x180000  }
0x4e6: {  	[bflag:$0x0] =	sbarrier.arrive $0xFFFF  }
0x4e7: {  	_ =	strace $0x90000047  }
0x4e8: {  	s0 =	stileid.u32;
	[bflag:$0x2] =	sbarrier.arrive $0xFFFF  }
0x4e9: {  	p0 =	sne.s32 s0, $0x0;
	s0 =	rddreg [dreg:$0x2]  }
0x4ea: {  	s0 =	sadd.s32 @!p0 $0x100000, s0  }
0x4eb: {  	[sflag:s0] =	ssyncadd.tile.s32 @!p0 $0x1;
	_ =	shalt  }
.Lfunc_end2:
_tile_overlayer_lowered:
.L_overlay_start_2:
0x4ec: {  	(tag) =	ssettag $0x2  }
0x4ed: {  	s0 =	rddreg [dreg:$0x0];
	s2 =	stileid.u32  }
0x4ee: {  	s1 =	rddreg [dreg:$0x1];
	p0 =	sne.s32 s2, $0x0  }
0x4ef: {  	s3 =	rddreg [dreg:$0x2];
	[bflag:$0x3] =	sbarrier.arrive $0xFFFF;
	s2 =	simm.s32 @!p0 $0x1C11  }
0x4f0: {  	[timem:s3], [sflag:s2] =	dma.local @!p0 [hbm:s0], s1  }
0x4f1: {  	s0 =	simm.s32 @!p0 $0x11  }
0x4f2: {  	_ =	swait.ge @!p0 [sflag:s0], s1  }
0x4f3: {  	s1 =	ssub.s32 @!p0 $0x0, s1;
	[sflag:s0] =	ssyncset.done @!p0 $0x0  }
0x4f4: {  	[sflag:s0] =	ssyncadd.s32 @!p0 s1  }
0x4f5: {  	[bflag:$0x3] =	sbarrier.arrive $0xFFFF  }
0x4f6: {  	_ =	shalt  }

// kernel: sparse-core-data-format-call.cloned.1.call-start
scs
called_computation_lowered:
.L_overlay_start_0:
0x0: {  	s2 =	sld [smem:$0x3FD9]  }
0x1: {  	s3 =	sld [smem:$0x3FFE];
	_ =	sdelay $0x1  }
0x2: {  	s1 =	srdreg.scid  }
0x3: {  	s0 =	sand.u32 $0x1, s1  }
0x4: {  	s18 =	sshll.u32 s0, $0xA;
	s2 =	sadd.s32 s3, s2  }
0x5: {  	s2 =	sadd.s32 s2, s18  }
0x6: {  	[smem:$0x3FC5] =	sst s2  }
0x7: {  	_ = 	snop  }
0x8: {  	s2 =	sld [smem:$0x3FD0];
	(tm) =	ssettm $0x1  }
0x9: {  	s19 =	sld [smem:$0x3FFB];
	_ =	sdelay $0x3  }
0xa: {  	_ =	strace s19  }
0xb: {  	s3 =	sld [smem:$0x3FFC];
	_ =	sdelay $0x3  }
0xc: {  	_ =	strace s3  }
0xd: {  	s3 =	sld [smem:$0x3FFD];
	_ =	sdelay $0x3  }
0xe: {  	_ =	strace s3  }
0xf: {  	_ =	strace $0x8FFFFFFF  }
0x10: {  	s20 =	sld [smem:$0x3FDB];
	_ =	sdelay $0x1  }
0x11: {  	s4 =	simm.s32 $_scs_section_size  }
0x12: {  	s5 =	simm.s32 $_size__tile_overlayer_lowered;
	s6 =	simm.s32 $_tile_overlayer_lowered  }
0x13: {  	s23 =	simm.s32 $0x1BFF;
	s22 =	sshll.u32 s6, $0x1;
	s3 =	sadd.s32 s4, s20  }
0x14: {  	s7 =	simm.s32 $0x0;
	s21 =	sshll.u32 s5, $0x1;
	s5 =	sadd.s32 s22, s3  }
0x15: {  	[timem:s7], [sflag:s23] =	dma.local [hbm:s5], s21  }
0x16: {  	_ =	swait.ge [sflag:s23], s21  }
0x17: {  	s4 =	ssub.s32 $0x0, s21;
	[sflag:s23] =	ssyncset.done $0x0  }
0x18: {  	[sflag:s23] =	ssyncadd.s32 s4;
	_ =	sdelay $0x1  }
0x19: {  	s24 =	simm.s32 $0x1B8B  }
0x1a: {  	_ =	swait.ge [sflag:s24], $0x1  }
0x1b: {  	[sflag:s24] =	ssyncset.done $0x0  }
0x1c: {  	s26 =	simm.s32 $0x1B8E;
	s25 =	sld [smem:$0x3FFE];
	[sflag:s24] =	ssyncadd.s32 $0xFFFFFFFF  }
0x1d: {  	s27 =	simm.s32 $execute0_lowered;
	[smem:$0x3FD2] =	sst s26  }
0x1e: {  	s5 =	sshll.u32 s27, $0x1;
	_ =	strace $0x80000049;
	[dreg:$0x1] =	wrdreg $0xFFFFFFFF  }
0x1f: {  	s28 =	simm.s32 $_size_execute0_lowered;
	s3 =	sadd.s32 s3, s5;
	[dreg:$0x0] =	wrdreg $0x0  }
0x20: {  	s5 =	sshll.u32 s28, $0x1;
	[dreg:$0x2] =	wrdreg s3  }
0x21: {  	[dreg:$0x3] =	wrdreg s5  }
0x22: {  	[dreg:$0x4] =	wrdreg $0xC0  }
0x23: {  	_ =	task [dreg:s7], $0x5FFFF  }
0x24: {  	[dreg:$0x1] =	wrdreg $0xFFFFFFFF  }
0x25: {  	[dreg:$0x0] =	wrdreg $0x60  }
0x26: {  	[dreg:$0x2] =	wrdreg s25  }
0x27: {  	[dreg:$0x3] =	wrdreg s2  }
0x28: {  	[dreg:$0x4] =	wrdreg $0x9  }
0x29: {  	_ =	task.clear_ibuf [dreg:s7], $0x5FFFF;
	_ =	strace $0x90000049  }
0x2a: {  	s29 =	simm.s32 $0x9;
	_ =	strace $0x8000004B  }
0x2b: {  	_ =	swait.ge [sflag:s29], $0x1  }
0x2c: {  	[sflag:s29] =	ssyncadd.s32 $0xFFFFFFFF  }
0x2d: {  	_ =	strace $0x9000004B  }
0x2e: {  	_ =	sfence  }
0x2f: {  	s30 =	sld [smem:$0x0];
	_ =	sdelay $0x2  }
0x30: {  	s31 =	sshll.u32 s1, $0xD;
	s1 =	sshrl.u32 s1, $0x2  }
0x31: {  	s3 =	sand.u32 $0x4000, s31;
	s1 =	sadd.s32 s1, s30  }
0x32: {  	s0 =	sor.u32 s3, s0;
	s1 =	sshll.u32 s1, $0x11  }
0x33: {  	s0 =	sor.u32 s1, s0  }
0x34: {  	s0 =	sadd.s32 $0x8F2B, s0  }
0x35: {  	[sflag:s0] =	ssyncadd.remote.s32 $0x1  }
0x36: {  	_ =	sfence.sel $0xFFFF  }
0x37: {  	[dreg:$0x0] =	wrdreg $0xFFFFFFFF;
	(pc) =	sbr.abs _section_cstart, $3  }
0x38: {  	[dreg:$0x1] =	wrdreg $0xFFFFFFFF  }
0x39: {  	_ =	task.clear_ibuf [dreg:s7], $0x2FFFF;
	_ =	strace $0x9FFFFFFF  }
0x3a: {  	(tm) =	ssettm $0x7FFFFFFF  }
0x3b: {  	_ =	shalt  }
tec
execute0_lowered:
.L_overlay_start_1:
0x0: {  	(tag) =	ssettag $0x1  }
0x1: {  	s0 =	srdreg.scid  }
0x2: {  	s1 =	sshll.u32 s0, $0x4  }
0x3: {  	s0 =	stileid.u32;
	s1 =	sand.u32 $0x10, s1  }
0x4: {  	s1 =	sor.u32 s0, s1  }
0x5: {  	s6 =	rddreg [dreg:$0x0];
	s4 =	simm.s32 $0x1;
	s2 =	sshll.u32 s1, $0x7  }
0x6: {  	s7 =	simm.s32 $0x2;
	s12 =	simm.s32 $0x0;
	s1 =	ssub.s32 $0x1000, s2  }
0x7: {  	s8 =	simm.s32 $0x8000;
	s13 =	simm.s32 $0x0;
	s3 =	sand.u32 $0xF80, s1  }
0x8: {  	s9 =	simm.s32 $0x0;
	s5 =	sshrl.u32 s1, $0xC;
	p0 =	sne.s32 s3, $0x0  }
.Ltmp0:
0x9: {  	s1 =	rddreg [dreg:$0x2];
	s4 =	simm.s32 @!p0 $0x0;
	(pc) =	sbr.rel .LBB1_1-.Ltmp0, $4  }
0xa: {  	s11 =	simm.s32 $0x0;
	s3 =	rddreg [dreg:$0x1];
	s5 =	sadd.s32 s4, s5  }
0xb: {  	_ =	strace $0x8000004A;
	s4 =	simm.s32 $0x1;
	s5 =	smul.u32 $0xC8, s5  }
0xc: {  	s6 =	sadd.s32 $0xC00, s6;
	s10 =	smov.u32 s2;
	[sflag:s4] =	ssyncpa.u1 $0x0  }
0xd: {  	p0 =	por $0x0, $0x0;
	[sflag:s7] =	ssyncpa.u1 $0x0;
	s7 =	sor.u32 $0x1, s5  }
.LBB1_4:
0xe: {  	s16 =	sshll.u32 s13, $0x3;
	s17 =	sand.u32 $0x78, s13  }
0xf: {  	s30 =	sand.u32 $0x7E00, s13;
	s12 =	sshll.u32 s12, $0xF;
	s16 =	sand.u32 $0xC00, s16  }
0x10: {  	[tilespmem:s15+$0x810 ss:$0x81] =	vst.msk $0xffff, v2;
	s31 =	sand.u32 $0x7, s13;
	s16 =	sor.u32 s17, s16;
	s17 =	sadd.s32 s3, s30  }
0x11: {  	[tilespmem:s15+$0x1020 ss:$0x81] =	vst.msk $0xffff, v0;
	s13 =	sshll.u32 s31, $0x12;
	s12 =	sadd.s32 s12, s17;
	s16 =	sshrl.u32 s16, $0x3  }
0x12: {  	[tilespmem:s15+$0x0 ss:$0x81] =	vst.msk $0xffff, v1;
	s13 =	sor.u32 $0x400, s13;
	s12 =	sadd.s32 s16, s12  }
0x13: {  	[hbm4b:s12+s13] =	stream.strided.scatter [tilespmem:s14], [sflag:$0x2], $0x2000, s8, s13, $0x20;
	[tilespmem:$0x8080] =	vst v63  }
.LBB1_5:
0x14: {  	s14 =	sadd.s32 $0x1, s9  }
0x15: {  	s12 =	sadd.s32 $0x1000, s10;
	s16 =	smov.u32 s10;
	p2 =	sgt.s32 s14, $0xC7  }
0x16: {  	s16 =	smov.u32 @p2 s12  }
0x17: {  	s14 =	simm.s32 @p2 $0x0;
	p2 =	sgt.s32 s16, $0xFFF  }
0x18: {  	s16 =	smov.u32 @p2 s2;
	p2 =	sne.s32 s11, s7  }
.Ltmp1:
0x19: {  	p1 =	slt.u32 s11, $0x2;
	(pc) =	sbr.rel @!p2 .LBB1_6-.Ltmp1, $4  }
0x1a: {  	s15 =	simm.s32 @!p1 $0x2  }
0x1b: {  	s13 =	smov.u32 s10;
	p0 =	por !p0, !p0;
	_ =	swait.ge @!p1 [sflag:s15], $0x2000  }
0x1c: {  	s12 =	smov.u32 s9;
	[sflag:s15] =	ssyncset.done @!p1 $0x0;
	s9 =	smov.u32 s14  }
0x1d: {  	s11 =	sadd.s32 $0x1, s11;
	[sflag:s15] =	ssyncadd.s32 @!p1 $0xFFFFE000;
	s10 =	smov.u32 s16  }
.LBB1_1:
0x1e: {  	p1 =	sge.u32 s11, s5  }
0x1f: {  	s14 =	sand.u32 @!p1 $0x1FFFFFF, s9  }
0x20: {  	s15 =	smulhi.u32 @!p1 $0x147AE15, s14;
	_ =	sdelay $0x1  }
0x21: {  	s15 =	smul.u32 @!p1 $0xC8, s15  }
0x22: {  	s16 =	sxor.u32 @!p1 $0xFFFFFFFF, s11;
	s17 =	smul.u32 @!p1 $0xC80, s10  }
0x23: {  	s31 =	sadd.s32 $0xFFFFFFFF, s11;
	s16 =	sshll.u32 @!p1 s16, $0xD;
	s14 =	ssub.s32 @!p1 s14, s15  }
0x24: {  	s15 =	sand.u32 @!p1 $0x2000, s16;
	s16 =	sadd.s32 @!p1 s6, s17;
	s14 =	sshll.u32 @!p1 s14, $0x4  }
0x25: {  	s17 =	simm.s32 @!p1 $0x6400;
	s14 =	sadd.s32 @!p1 s14, s16;
	s16 =	simm.s32 @!p1 $0x40  }
0x26: {  	[tilespmem:s15], [sflag:$0x1] =	stream.strided.gather @!p1 [hbm4b:s14+s16], $0x2000, s17, s16, $0x38;
	[tilespmem:$0x8080] =	vst v63  }
0x27: {  	p1 =	sge.u32 s31, s5  }
.Ltmp2:
0x28: {  	_ = 	snop;
	(pc) =	sbr.rel @p1 .LBB1_5-.Ltmp2, $1  }
0x29: {  	_ =	sdelay $0x3  }
0x2a: {  	s14 =	simm.s32 $0x1  }
0x2b: {  	_ =	swait.ge [sflag:s4], $0x2000;
	s14 =	simm.s32 @!p0 $0x0  }
0x2c: {  	[sflag:s4] =	ssyncset.done $0x0;
	s15 =	sshll.u32 s14, $0xD  }
0x2d: {  	[sflag:s4] =	ssyncadd.s32 $0xFFFFE000;
	s18 =	sor.u32 $0x20, s15  }
0x2e: {  	s14 =	smul.u32 $0x8100, s14;
	v3 =	vld [tilespmem:s18+$0x10]  }
0x2f: {  	s30 =	sand.u32 $0x1, s11;
	v2 =	vld [tilespmem:s18+$0xFFFFFFF0]  }
0x30: {  	s15 =	smul.u32 $0x8100, s30;
	s14 =	sshrl.u32 s14, $0x2;
	v0 =	vld [tilespmem:s18+$0x0]  }
0x31: {  	v1 =	vld [tilespmem:s18+$0xFFFFFFE0];
	s16 =	sor.u32 $0x4000, s14  }
0x32: {  	s31 =	sshrl.u32 s15, $0x2;
	s15 =	sadd.s32 $0x0, s16  }
0x33: {  	s17 =	simm.s32 $0x4;
	s18 =	sadd.s32 $0x40, s18;
	s14 =	sor.u32 $0x4000, s31;
	[tilespmem:s15+$0x1830 ss:$0x81] =	vst.msk $0xffff, v3  }
.LBB1_3:
0x34: {  	v3 =	vld [tilespmem:s18+$0x10];
	p1 =	sne.s32 s17, $0x1FC;
	[tilespmem:s15+$0x810 ss:$0x81] =	vst.msk $0xffff, v2;
	s19 =	smov.u32 s17;
	s17 =	sadd.s32 $0x4, s17  }
.Ltmp3:
0x35: {  	v2 =	vld [tilespmem:s18+$0xFFFFFFF0];
	[tilespmem:s15+$0x1020 ss:$0x81] =	vst.msk $0xffff, v0;
	(pc) =	sbr.rel @p1 .LBB1_3-.Ltmp3, $4  }
0x36: {  	v0 =	vld [tilespmem:s18+$0x0];
	[tilespmem:s15+$0x0 ss:$0x81] =	vst.msk $0xffff, v1  }
0x37: {  	s15 =	sshra.s32 s19, $0x2;
	v1 =	vld [tilespmem:s18+$0xFFFFFFE0]  }
0x38: {  	s15 =	sadd.s32 s15, s16  }
0x39: {  	s18 =	sadd.s32 $0x40, s18;
	[tilespmem:s15+$0x1830 ss:$0x81] =	vst.msk $0xffff, v3  }
.Ltmp4:
0x3a: {  	_ = 	snop;
	(pc) =	sbr.rel .LBB1_4-.Ltmp4, $1  }
0x3b: {  	_ =	sdelay $0x3  }
.LBB1_6:
0x3c: {  	_ =	sfence.sel $0x180000  }
0x3d: {  	s2 =	simm.s32 $0x1;
	[bflag:$0x0] =	sbarrier.arrive $0xFFFF  }
0x3e: {  	s31 =	simm.s32 $0x2;
	[sflag:s2] =	ssyncpa.u1 $0x1  }
0x3f: {  	[sflag:s31] =	ssyncpa.u1 $0x1  }
0x40: {  	p0 =	sne.s32 s0, $0x0;
	_ =	strace $0x9000004A  }
0x41: {  	s0 =	sadd.s32 @!p0 $0x100000, s1;
	[bflag:$0x2] =	sbarrier.arrive $0xFFFF  }
0x42: {  	[sflag:s0] =	ssyncadd.tile.s32 @!p0 $0x1;
	_ =	shalt  }
.Lfunc_end1:
_tile_overlayer_lowered:
.L_overlay_start_2:
0x43: {  	(tag) =	ssettag $0x2  }
0x44: {  	s0 =	rddreg [dreg:$0x0];
	s2 =	stileid.u32  }
0x45: {  	s1 =	rddreg [dreg:$0x1];
	p0 =	sne.s32 s2, $0x0  }
0x46: {  	s3 =	rddreg [dreg:$0x2];
	[bflag:$0x3] =	sbarrier.arrive $0xFFFF;
	s2 =	simm.s32 @!p0 $0x1C01  }
0x47: {  	[timem:s3], [sflag:s2] =	dma.local @!p0 [hbm:s0], s1  }
0x48: {  	s0 =	simm.s32 @!p0 $0x1  }
0x49: {  	_ =	swait.ge @!p0 [sflag:s0], s1  }
0x4a: {  	s1 =	ssub.s32 @!p0 $0x0, s1;
	[sflag:s0] =	ssyncset.done @!p0 $0x0  }
0x4b: {  	[sflag:s0] =	ssyncadd.s32 @!p0 s1  }
0x4c: {  	[bflag:$0x3] =	sbarrier.arrive $0xFFFF  }
0x4d: {  	_ =	shalt  }

</sc_bundles>
